<compile_context>
chip_gen: v7x
topology: tpu7x:2x2x1
jax: 0.10.2.dev20260603
libtpu: 0.0.44.dev20260713+nightly
codegen_flags: <defaults>
</compile_context>

<pallas_src>
import functools

import jax
import jax.numpy as jnp
import numpy as np
from jax import lax
from jax.experimental import pallas as pl
from jax.experimental.pallas import tpu as pltpu
from jax.experimental.pallas import tpu_sc as plsc

N = 512
H = 128
HEADS = 4
DH = 32
E = 16384
NEG = 0.2
NN = N * N

NWORK = 32
EPW = E // NWORK
CH = 64
NCH = EPW // CH
ROWW = 128

EB = 1024
SCK = 32
DBK = 128

_f32 = jnp.float32


def _leaky(x):
    return jnp.where(x >= 0, x, NEG * x)


def _elu(x):
    return jnp.where(x > 0, x, jnp.exp(jnp.minimum(x, 0.0)) - 1.0)


def _sigmoid(x):
    return 1.0 / (1.0 + jnp.exp(-x))


def _dot(a, b, ca, cb):
    return lax.dot_general(a, b, (((ca,), (cb,)), ((), ())),
                           preferred_element_type=_f32)


def _k0_body(node_in, W_ne, b_ne, W_gat, Acat, nf_o, h_o, acat_o):
    nf = jnp.tanh(_dot(node_in[...], W_ne[...], 1, 0) + b_ne[...])
    h = _dot(nf, W_gat[...], 1, 0)
    nf_o[...] = nf
    h_o[...] = h
    acat_o[...] = _dot(h, Acat[...], 1, 0)


def _kenc_body(efeat, srcm, dstm, acat, wee, bee, W_gedge, Vg5, EXPD,
               eh_o, exw_o, te_o, den_o, den_s):
    b = pl.program_id(0)
    f = efeat[...]
    ef = jnp.tanh(f * wee[...] + bee[...])
    eh_o[...] = _dot(ef, W_gedge[...], 1, 0)
    aete = _dot(ef, Vg5[...], 1, 0)
    te_o[...] = aete[:, 4:5]
    iota = lax.broadcasted_iota(jnp.int32, (EB, N), 1)
    ohs = (srcm[...] == iota).astype(_f32)
    ohd = (dstm[...] == iota).astype(_f32)
    acatv = acat[...]
    al = _leaky(_dot(ohs, acatv[:, 0:4], 1, 0)
                + _dot(ohd, acatv[:, 4:8], 1, 0) + aete[:, 0:4])
    ex = jnp.exp(al)
    exw_o[...] = _dot(ex, EXPD[...], 1, 0)

    @pl.when(b == 0)
    def _():
        den_s[...] = jnp.zeros((N, HEADS), _f32)
    den_s[...] += _dot(ohd, ex, 0, 0)

    @pl.when(b == pl.num_programs(0) - 1)
    def _():
        den_o[...] = den_s[...]


def _ktd_body(te_b, src_b, dst_b, td_o, td_s):
    dc = pl.program_id(0)
    b = pl.program_id(1)
    iota_s = lax.broadcasted_iota(jnp.int32, (EB, N), 1)
    iota_d = lax.broadcasted_iota(jnp.int32, (EB, DBK), 1) + dc * DBK
    ohs = (src_b[...] == iota_s).astype(_f32)
    ohd = (dst_b[...] == iota_d).astype(_f32)

    @pl.when(b == 0)
    def _():
        td_s[...] = jnp.zeros((N, DBK), _f32)
    td_s[...] += _dot(ohs, te_b[...] * ohd, 0, 0)

    @pl.when(b == pl.num_programs(1) - 1)
    def _():
        td_o[...] = td_s[...]


def _sc_body(h_h, exw_h, src_h, dst_h, eh_h, num_o,
             hsrc_v, srcd_v, dstd_v, ehb_v, msg_v, zrow_v, num_sh, h_sh):
    c = lax.axis_index("c")
    s = lax.axis_index("s")
    base = (c * 16 + s) * EPW
    z16 = jnp.zeros((16,), _f32)

    def _zrow(i, _):
        for k in range(ROWW // 16):
            zrow_v[i, pl.ds(k * 16, 16)] = z16
        return 0
    lax.fori_loop(0, 32, _zrow, 0)

    pltpu.sync_copy(zrow_v, num_sh.at[pl.ds(s * 32, 32)])
    pltpu.sync_copy(h_h.at[pl.ds(s * 32, 32)], zrow_v)
    pltpu.sync_copy(zrow_v, h_sh.at[pl.ds(s * 32, 32)])
    plsc.subcore_barrier()

    for ci in range(NCH):
        eb = base + ci * CH
        pltpu.sync_copy(src_h.at[pl.ds(eb, CH)], srcd_v)
        pltpu.sync_copy(dst_h.at[pl.ds(eb, CH)], dstd_v)
        pltpu.sync_copy(eh_h.at[pl.ds(eb, CH)], ehb_v)
        pltpu.sync_copy(exw_h.at[pl.ds(eb, CH)], msg_v)
        pltpu.sync_copy(h_sh.at[srcd_v], hsrc_v)

        def _edg(e, _):
            for k in range(8):
                msg_v[e, pl.ds(k * 16, 16)] = msg_v[e, pl.ds(k * 16, 16)] * (
                    hsrc_v[e, pl.ds(k * 16, 16)] + ehb_v[e, pl.ds(k * 16, 16)])
            return 0
        lax.fori_loop(0, CH, _edg, 0)

        pltpu.sync_copy(msg_v, num_sh.at[dstd_v], add=True)

    plsc.subcore_barrier()
    pltpu.sync_copy(num_sh.at[pl.ds(s * 32, 32)],
                    num_o.at[c, pl.ds(s * 32, 32)])


def _kdec_body(nump, den_r, tdp, nf_r, node_in, W_ne, b_ne, W_gat, Acat,
               EXPD, Wd0, Wd2, b_dec, w_hs, w_hd, w_i, w_j, bscal,
               ph1_o, iijj_o, out1_o, nf2_o, h2_o, a2_o, adstT_o, hh_s):
    blk = pl.program_id(0)

    @pl.when(blk == 0)
    def _():
        num = nump[0] + nump[1]
        den4 = den_r[...]
        out1 = _elu(num / (_dot(den4, EXPD[...], 1, 0) + 1e-16))
        nf = nf_r[...]
        nfd = jnp.tanh(_dot(out1, Wd0[...], 1, 0) + _dot(nf, Wd2[...], 1, 0)
                       + b_dec[...])
        hh_s[0:N, 0:1] = _dot(nfd, w_hs[...], 1, 0)
        hh_s[0:N, 1:2] = _dot(nfd, w_hd[...], 1, 0)
        ii = _sigmoid(_dot(nfd, w_i[...], 1, 0) + bscal[0:1, 1:2])
        jj = _sigmoid(_dot(nfd, w_j[...], 1, 0) + bscal[0:1, 2:3])
        nin2 = jnp.concatenate([node_in[:, 0:2], ii, jj], axis=1)
        nf2 = jnp.tanh(_dot(nin2, W_ne[...], 1, 0) + b_ne[...])
        h2 = _dot(nf2, W_gat[...], 1, 0)
        a2 = _dot(h2, Acat[...], 1, 0)
        out1_o[...] = out1
        iijj_o[...] = jnp.concatenate([ii, jj], axis=1)
        nf2_o[...] = nf2
        h2_o[...] = h2
        a2_o[...] = a2
        adstT_o[...] = _dot(Acat[:, HEADS:2 * HEADS], h2, 0, 1)

    td = tdp[...]
    hdr = jnp.transpose(hh_s[pl.ds(blk * DBK, DBK), 1:2])
    ph1_o[...] = _sigmoid(td + hh_s[0:N, 0:1] + hdr + bscal[0:1, 0:1])


def _k2_body(fmA, fmB, a2b, adstT, h2b, wee, bee, aedge, w_he, W_gedge,
             phe_o, out2_o, acc_s, den_s):
    db = pl.program_id(0)
    sc = pl.program_id(1)
    s0 = sc * SCK
    d0 = db * DBK

    @pl.when(sc == 0)
    def _():
        acc_s[...] = jnp.zeros((DBK, H), _f32)
        den_s[...] = jnp.zeros((DBK, H), _f32)

    fm_c = fmA[...]
    fmT_c = fmB[...]
    ri = lax.broadcasted_iota(jnp.int32, (SCK, DBK), 0) + s0
    cj = lax.broadcasted_iota(jnp.int32, (SCK, DBK), 1) + d0
    adjc = jnp.logical_or((fm_c + fmT_c) > 0.5, ri == cj)
    adjf = adjc.astype(_f32)

    wee3 = jnp.reshape(wee[...], (1, 1, H))
    bee3 = jnp.reshape(bee[...], (1, 1, H))
    X3 = jnp.tanh(fm_c[:, :, None] * wee3 + bee3)
    phe_o[...] = jnp.sum(X3 * jnp.reshape(w_he[...], (1, 1, H)),
                         axis=-1) * adjf
    eh3 = _dot(jnp.reshape(X3, (SCK * DBK, H)), W_gedge[...], 1, 0)
    eh3 = jnp.reshape(eh3, (SCK, DBK, H))
    msg = eh3 + h2b[...][:, None, :]
    a2c = a2b[...]
    adT = adstT[...]
    aeg = aedge[...]
    exparts = []
    for hh in range(HEADS):
        aeh = jnp.sum(eh3[:, :, hh * DH:(hh + 1) * DH]
                      * jnp.reshape(aeg[hh, :], (1, 1, DH)), axis=-1)
        al = _leaky(aeh + a2c[:, hh:hh + 1] + adT[hh:hh + 1, :])
        exh = jnp.where(adjc, jnp.exp(al), 0.0)
        exparts.append(jnp.broadcast_to(exh[:, :, None], (SCK, DBK, DH)))
    exw3 = jnp.concatenate(exparts, axis=2)
    acc_s[...] += jnp.sum(exw3 * msg, axis=0)
    den_s[...] += jnp.sum(exw3, axis=0)

    @pl.when(sc == pl.num_programs(1) - 1)
    def _():
        out2_o[...] = _elu(acc_s[...] / den_s[...])


def _k3_body(phe_b, out2, out1, nf2, Wd0, Wd1, Wd2, b_dec, w_hs, w_hd, w_i,
             w_j, bscal, ph2_o, iijj2_o, hh_s):
    blk = pl.program_id(0)

    @pl.when(blk == 0)
    def _():
        nfd2 = jnp.tanh(_dot(out2[...], Wd0[...], 1, 0)
                        + _dot(out1[...], Wd1[...], 1, 0)
                        + _dot(nf2[...], Wd2[...], 1, 0) + b_dec[...])
        hh_s[0:N, 0:1] = _dot(nfd2, w_hs[...], 1, 0)
        hh_s[0:N, 1:2] = _dot(nfd2, w_hd[...], 1, 0)
        ii2 = _sigmoid(_dot(nfd2, w_i[...], 1, 0) + bscal[0:1, 1:2])
        jj2 = _sigmoid(_dot(nfd2, w_j[...], 1, 0) + bscal[0:1, 2:3])
        iijj2_o[...] = jnp.concatenate([ii2, jj2], axis=1)

    hdr = jnp.transpose(hh_s[pl.ds(blk * DBK, DBK), 1:2])
    ph2_o[...] = _sigmoid(phe_b[...] + hh_s[0:N, 0:1] + hdr + bscal[0:1, 0:1])


def _sparse_edge_pass(h, exw, src, dst, eh):
    mesh = plsc.VectorSubcoreMesh(core_axis_name="c", subcore_axis_name="s")
    sck = pl.kernel(
        _sc_body, mesh=mesh,
        out_type=[
            jax.ShapeDtypeStruct((2, N, ROWW), _f32),
        ],
        scratch_types=[
            pltpu.VMEM((CH, H), _f32),
            pltpu.VMEM((CH,), jnp.int32),
            pltpu.VMEM((CH,), jnp.int32),
            pltpu.VMEM((CH, H), _f32),
            pltpu.VMEM((CH, ROWW), _f32),
            pltpu.VMEM((32, ROWW), _f32),
            pltpu.VMEM_SHARED((N, ROWW), _f32),
            pltpu.VMEM_SHARED((N, H), _f32),
        ],
    )
    return sck(h, exw, src, dst, eh)[0]


def kernel(key_feat, pos, i0, j0, edge_feat0, edge_index, W_ne, b_ne, W_ee,
           b_ee, W_gat, W_gedge, a_src, a_dst, a_edge, W_dec, b_dec, w_hs,
           w_hd, w_he, b_h, w_i, b_i, w_j, b_j, num_execution_steps):
    f32 = _f32
    node_in = jnp.stack([key_feat, pos, i0, j0], axis=-1).astype(f32)
    efeat = edge_feat0.reshape(E, 1).astype(f32)
    src = edge_index[0].astype(jnp.int32)
    dst = edge_index[1].astype(jnp.int32)

    Wg3 = W_gedge.reshape(H, HEADS, DH)
    Vg = jnp.einsum('chk,hk->ch', Wg3, a_edge).astype(f32)
    Vg5 = jnp.concatenate(
        [Vg, w_he.reshape(H, 1).astype(f32),
         jnp.zeros((H, 3), f32)], axis=1)
    hid = np.arange(H) // DH
    sel_np = np.zeros((H, HEADS), np.float32)
    sel_np[np.arange(H), hid] = 1.0
    sel = jnp.asarray(sel_np)
    Acat = jnp.concatenate(
        [sel * a_src.reshape(H)[:, None].astype(f32),
         sel * a_dst.reshape(H)[:, None].astype(f32)], axis=1)
    EXPD = jnp.asarray(sel_np.T)
    wee = W_ee.reshape(1, H).astype(f32)
    bee = b_ee.reshape(1, H).astype(f32)
    bne = b_ne.reshape(1, H).astype(f32)
    bdec = b_dec.reshape(1, H).astype(f32)
    Wd0 = W_dec[0:H].astype(f32)
    Wd1 = W_dec[H:2 * H].astype(f32)
    Wd2 = W_dec[2 * H:3 * H].astype(f32)
    whe = w_he.reshape(H, 1).astype(f32)
    whs = w_hs.reshape(H, 1).astype(f32)
    whd = w_hd.reshape(H, 1).astype(f32)
    wi = w_i.reshape(H, 1).astype(f32)
    wj = w_j.reshape(H, 1).astype(f32)
    bscal = jnp.stack([b_h, b_i, b_j, jnp.zeros_like(b_h)]).reshape(1, 4)
    bscal = bscal.astype(f32)

    k0 = pl.pallas_call(
        _k0_body,
        out_shape=[
            jax.ShapeDtypeStruct((N, H), f32),
            jax.ShapeDtypeStruct((N, H), f32),
            jax.ShapeDtypeStruct((N, 8), f32),
        ],
    )
    nf, h, acat = k0(node_in, W_ne.astype(f32), bne, W_gat.astype(f32), Acat)

    nb = E // EB
    kenc = pl.pallas_call(
        _kenc_body,
        grid=(nb,),
        in_specs=[
            pl.BlockSpec((EB, 1), lambda b: (b, 0)),
            pl.BlockSpec((EB, 1), lambda b: (b, 0)),
            pl.BlockSpec((EB, 1), lambda b: (b, 0)),
            pl.BlockSpec((N, 8), lambda b: (0, 0)),
            pl.BlockSpec((1, H), lambda b: (0, 0)),
            pl.BlockSpec((1, H), lambda b: (0, 0)),
            pl.BlockSpec((H, H), lambda b: (0, 0)),
            pl.BlockSpec((H, 8), lambda b: (0, 0)),
            pl.BlockSpec((HEADS, H), lambda b: (0, 0)),
        ],
        out_specs=[
            pl.BlockSpec((EB, H), lambda b: (b, 0)),
            pl.BlockSpec((EB, ROWW), lambda b: (b, 0)),
            pl.BlockSpec((EB, 1), lambda b: (b, 0)),
            pl.BlockSpec((N, HEADS), lambda b: (0, 0)),
        ],
        out_shape=[
            jax.ShapeDtypeStruct((E, H), f32),
            jax.ShapeDtypeStruct((E, ROWW), f32),
            jax.ShapeDtypeStruct((E, 1), f32),
            jax.ShapeDtypeStruct((N, HEADS), f32),
        ],
        scratch_shapes=[pltpu.VMEM((N, HEADS), f32)],
    )
    eh, exw, te, den = kenc(efeat, src.reshape(E, 1), dst.reshape(E, 1),
                            acat, wee, bee, W_gedge.astype(f32), Vg5, EXPD)

    nump = _sparse_edge_pass(h, exw, src, dst, eh)

    nbk = N // DBK
    ktd = pl.pallas_call(
        _ktd_body,
        grid=(nbk, nb),
        in_specs=[
            pl.BlockSpec((EB, 1), lambda dc, b: (b, 0)),
            pl.BlockSpec((EB, 1), lambda dc, b: (b, 0)),
            pl.BlockSpec((EB, 1), lambda dc, b: (b, 0)),
        ],
        out_specs=pl.BlockSpec((N, DBK), lambda dc, b: (0, dc)),
        out_shape=jax.ShapeDtypeStruct((N, N), f32),
        scratch_shapes=[pltpu.VMEM((N, DBK), f32)],
    )
    td = ktd(te, src.reshape(E, 1), dst.reshape(E, 1))

    kdec = pl.pallas_call(
        _kdec_body,
        grid=(nbk,),
        in_specs=[
            pl.BlockSpec((2, N, ROWW), lambda b: (0, 0, 0)),
            pl.BlockSpec((N, HEADS), lambda b: (0, 0)),
            pl.BlockSpec((N, DBK), lambda b: (0, b)),
            pl.BlockSpec((N, H), lambda b: (0, 0)),
            pl.BlockSpec((N, 4), lambda b: (0, 0)),
            pl.BlockSpec((4, H), lambda b: (0, 0)),
            pl.BlockSpec((1, H), lambda b: (0, 0)),
            pl.BlockSpec((H, H), lambda b: (0, 0)),
            pl.BlockSpec((H, 8), lambda b: (0, 0)),
            pl.BlockSpec((HEADS, H), lambda b: (0, 0)),
            pl.BlockSpec((H, H), lambda b: (0, 0)),
            pl.BlockSpec((H, H), lambda b: (0, 0)),
            pl.BlockSpec((1, H), lambda b: (0, 0)),
            pl.BlockSpec((H, 1), lambda b: (0, 0)),
            pl.BlockSpec((H, 1), lambda b: (0, 0)),
            pl.BlockSpec((H, 1), lambda b: (0, 0)),
            pl.BlockSpec((H, 1), lambda b: (0, 0)),
            pl.BlockSpec((1, 4), lambda b: (0, 0)),
        ],
        out_specs=[
            pl.BlockSpec((N, DBK), lambda b: (0, b)),
            pl.BlockSpec((N, 2), lambda b: (0, 0)),
            pl.BlockSpec((N, H), lambda b: (0, 0)),
            pl.BlockSpec((N, H), lambda b: (0, 0)),
            pl.BlockSpec((N, H), lambda b: (0, 0)),
            pl.BlockSpec((N, 8), lambda b: (0, 0)),
            pl.BlockSpec((HEADS, N), lambda b: (0, 0)),
        ],
        out_shape=[
            jax.ShapeDtypeStruct((N, N), f32),
            jax.ShapeDtypeStruct((N, 2), f32),
            jax.ShapeDtypeStruct((N, H), f32),
            jax.ShapeDtypeStruct((N, H), f32),
            jax.ShapeDtypeStruct((N, H), f32),
            jax.ShapeDtypeStruct((N, 8), f32),
            jax.ShapeDtypeStruct((HEADS, N), f32),
        ],
        scratch_shapes=[pltpu.VMEM((N, 2), f32)],
    )
    ph1, iijj, out1, nf2, h2, a2, adstT = kdec(
        nump, den, td, nf, node_in, W_ne.astype(f32), bne, W_gat.astype(f32),
        Acat, EXPD, Wd0, Wd2, bdec, whs, whd, wi, wj, bscal)

    k2 = pl.pallas_call(
        _k2_body,
        grid=(nbk, N // SCK),
        in_specs=[
            pl.BlockSpec((SCK, DBK), lambda db, sc: (sc, db)),
            pl.BlockSpec((SCK, DBK), lambda db, sc: (sc, db)),
            pl.BlockSpec((SCK, 8), lambda db, sc: (sc, 0)),
            pl.BlockSpec((HEADS, DBK), lambda db, sc: (0, db)),
            pl.BlockSpec((SCK, H), lambda db, sc: (sc, 0)),
            pl.BlockSpec((1, H), lambda db, sc: (0, 0)),
            pl.BlockSpec((1, H), lambda db, sc: (0, 0)),
            pl.BlockSpec((HEADS, DH), lambda db, sc: (0, 0)),
            pl.BlockSpec((H, 1), lambda db, sc: (0, 0)),
            pl.BlockSpec((H, H), lambda db, sc: (0, 0)),
        ],
        out_specs=[
            pl.BlockSpec((SCK, DBK), lambda db, sc: (sc, db)),
            pl.BlockSpec((DBK, H), lambda db, sc: (db, 0)),
        ],
        out_shape=[
            jax.ShapeDtypeStruct((N, N), f32),
            jax.ShapeDtypeStruct((N, H), f32),
        ],
        scratch_shapes=[
            pltpu.VMEM((DBK, H), f32),
            pltpu.VMEM((DBK, H), f32),
        ],
    )
    phe, out2 = k2(ph1, jnp.transpose(ph1), a2, adstT, h2, wee, bee,
                   a_edge.astype(f32), whe, W_gedge.astype(f32))

    k3 = pl.pallas_call(
        _k3_body,
        grid=(nbk,),
        in_specs=[
            pl.BlockSpec((N, DBK), lambda b: (0, b)),
            pl.BlockSpec((N, H), lambda b: (0, 0)),
            pl.BlockSpec((N, H), lambda b: (0, 0)),
            pl.BlockSpec((N, H), lambda b: (0, 0)),
            pl.BlockSpec((H, H), lambda b: (0, 0)),
            pl.BlockSpec((H, H), lambda b: (0, 0)),
            pl.BlockSpec((H, H), lambda b: (0, 0)),
            pl.BlockSpec((1, H), lambda b: (0, 0)),
            pl.BlockSpec((H, 1), lambda b: (0, 0)),
            pl.BlockSpec((H, 1), lambda b: (0, 0)),
            pl.BlockSpec((H, 1), lambda b: (0, 0)),
            pl.BlockSpec((H, 1), lambda b: (0, 0)),
            pl.BlockSpec((1, 4), lambda b: (0, 0)),
        ],
        out_specs=[
            pl.BlockSpec((N, DBK), lambda b: (0, b)),
            pl.BlockSpec((N, 2), lambda b: (0, 0)),
        ],
        out_shape=[
            jax.ShapeDtypeStruct((N, N), f32),
            jax.ShapeDtypeStruct((N, 2), f32),
        ],
        scratch_shapes=[pltpu.VMEM((N, 2), f32)],
    )
    ph2, iijj2 = k3(phe, out2, out1, nf2, Wd0, Wd1, Wd2, bdec, whs, whd,
                    wi, wj, bscal)

    return (ph1[None], iijj[:, 0], iijj[:, 1],
            ph2[None], iijj2[:, 0], iijj2[:, 1])

# --- scband reference (transcript-rebuilt; emitter-appended) ---
"""Pipeline reference for scband-sorting-model-25065429139616 (READ-ONLY COPY).

The authoritative reference and input builder live on the scoring server;
editing this copy changes nothing except your own understanding.
"""

import jax, jax.numpy as jnp
import numpy as np

N = 512
H = 128
HEADS = 4
DH = H // HEADS
E = 16384
NEG_SLOPE = 0.2


def setup_inputs():
    root = jax.random.key(0)
    ks = jax.random.split(root, 30)
    inp = {}
    inp["key_feat"] = jax.random.normal(ks[0], (N,), jnp.float32)
    inp["pos"] = jax.random.uniform(ks[1], (N,), jnp.float32)
    inp["i0"] = jax.random.normal(ks[2], (N,), jnp.float32)
    inp["j0"] = jax.random.normal(ks[3], (N,), jnp.float32)
    inp["edge_feat0"] = jax.random.normal(ks[4], (E, 1), jnp.float32)
    inp["edge_index"] = jax.random.randint(ks[5], (2, E), 0, N, dtype=jnp.int32)
    s = 0.1
    inp["W_ne"] = jax.random.normal(ks[6], (4, H)) * 0.5
    inp["b_ne"] = jnp.zeros((H,))
    inp["W_ee"] = jax.random.normal(ks[7], (1, H)) * 0.5
    inp["b_ee"] = jnp.zeros((H,))
    inp["W_gat"] = jax.random.normal(ks[8], (H, H)) * (1.0 / np.sqrt(H))
    inp["W_gedge"] = jax.random.normal(ks[9], (H, H)) * (1.0 / np.sqrt(H))
    inp["a_src"] = jax.random.normal(ks[10], (HEADS, DH)) * s
    inp["a_dst"] = jax.random.normal(ks[11], (HEADS, DH)) * s
    inp["a_edge"] = jax.random.normal(ks[12], (HEADS, DH)) * s
    inp["W_dec"] = jax.random.normal(ks[13], (3 * H, H)) * (1.0 / np.sqrt(3 * H))
    inp["b_dec"] = jnp.zeros((H,))
    inp["w_hs"] = jax.random.normal(ks[14], (H,)) * s
    inp["w_hd"] = jax.random.normal(ks[15], (H,)) * s
    inp["w_he"] = jax.random.normal(ks[16], (H,)) * s
    inp["b_h"] = jnp.zeros(())
    inp["w_i"] = jax.random.normal(ks[17], (H,)) * s
    inp["b_i"] = jnp.zeros(())
    inp["w_j"] = jax.random.normal(ks[18], (H,)) * s
    inp["b_j"] = jnp.zeros(())
    inp["num_execution_steps"] = 2
    return inp


def _encode(key_feat, pos, i, j, edge_in, W_ne, b_ne, W_ee, b_ee):
    node_in = jnp.stack([key_feat, pos, i, j], axis=-1)
    nf = jnp.tanh(node_in @ W_ne + b_ne)
    ef = jnp.tanh(edge_in @ W_ee + b_ee)
    return nf, ef


def _gat_sparse(x, edge_index, edge_attr, W_gat, W_gedge, a_src, a_dst, a_edge):
    n = x.shape[0]
    h = (x @ W_gat).reshape(n, HEADS, DH)
    eh = (edge_attr @ W_gedge).reshape(-1, HEADS, DH)
    src = edge_index[0]
    dst = edge_index[1]
    asrc = jnp.einsum('nhd,hd->nh', h, a_src)
    adst = jnp.einsum('nhd,hd->nh', h, a_dst)
    ae = jnp.einsum('ehd,hd->eh', eh, a_edge)
    alpha = jax.nn.leaky_relu(asrc[src] + adst[dst] + ae, NEG_SLOPE)
    m = jax.ops.segment_max(alpha, dst, num_segments=n)
    ex = jnp.exp(alpha - m[dst])
    den = jax.ops.segment_sum(ex, dst, num_segments=n)
    w = ex / (den[dst] + 1e-16)
    msg = w[:, :, None] * (h[src] + eh)
    out = jax.ops.segment_sum(msg, dst, num_segments=n)
    return jax.nn.elu(out.reshape(n, H))


def _gat_dense(x, edge_attr_dense, adj_mask, W_gat, W_gedge, a_src, a_dst, a_edge):
    n = x.shape[0]
    h = (x @ W_gat).reshape(n, HEADS, DH)
    eh = (edge_attr_dense @ W_gedge).reshape(n, n, HEADS, DH)
    asrc = jnp.einsum('nhd,hd->nh', h, a_src)
    adst = jnp.einsum('nhd,hd->nh', h, a_dst)
    ae = jnp.einsum('sdhk,hk->sdh', eh, a_edge)
    alpha = jax.nn.leaky_relu(asrc[:, None, :] + adst[None, :, :] + ae, NEG_SLOPE)
    alpha = jnp.where(adj_mask[:, :, None], alpha, -1e9)
    w = jax.nn.softmax(alpha, axis=0)
    out = jnp.einsum('sdh,shk->dhk', w, h) + jnp.einsum('sdh,sdhk->dhk', w, eh)
    return jax.nn.elu(out.reshape(n, H))


def _decode(h_t, edge_dense, W_dec, b_dec, w_hs, w_hd, w_he, b_h, w_i, b_i, w_j, b_j):
    nf = jnp.tanh(h_t @ W_dec + b_dec)
    ph = edge_dense @ w_he + (nf @ w_hs)[:, None] + (nf @ w_hd)[None, :] + b_h
    return ph[None], nf @ w_i + b_i, nf @ w_j + b_j


def reference(key_feat, pos, i0, j0, edge_feat0, edge_index, W_ne, b_ne, W_ee, b_ee, W_gat, W_gedge, a_src, a_dst, a_edge, W_dec, b_dec, w_hs, w_hd, w_he, b_h, w_i, b_i, w_j, b_j, num_execution_steps):
    nf, ef = _encode(key_feat, pos, i0, j0, edge_feat0, W_ne, b_ne, W_ee, b_ee)
    out = _gat_sparse(nf, edge_index, ef, W_gat, W_gedge, a_src, a_dst, a_edge)
    prev = jnp.zeros_like(out)
    h_t = jnp.concatenate([out, prev, nf], axis=-1)
    prev = out
    edge_dense = jnp.zeros((N, N, H)).at[edge_index[0], edge_index[1]].add(ef)
    ph_l, il, jl = _decode(h_t, edge_dense, W_dec, b_dec, w_hs, w_hd, w_he, b_h, w_i, b_i, w_j, b_j)
    ph = jax.nn.sigmoid(ph_l)
    ii = jax.nn.sigmoid(il)
    jj = jax.nn.sigmoid(jl)
    results = [(ph, ii, jj)]
    steps = jnp.maximum(1, jnp.asarray(num_execution_steps, jnp.int32) - 1)
    eye = jnp.eye(N, dtype=bool)

    def _step(_, carry):
        ph, ii, jj, prev = carry
        fm = ph[0]
        adj_i = jnp.logical_or((fm + fm.T) > 0.5, eye)
        nf, ef_d = _encode(key_feat, pos, ii, jj, fm[:, :, None], W_ne, b_ne, W_ee, b_ee)
        ef_d = ef_d * adj_i[:, :, None]
        out = _gat_dense(nf, ef_d, adj_i, W_gat, W_gedge, a_src, a_dst, a_edge)
        h_t = jnp.concatenate([out, prev, nf], axis=-1)
        ph_l, il, jl = _decode(h_t, ef_d, W_dec, b_dec, w_hs, w_hd, w_he, b_h, w_i, b_i, w_j, b_j)
        return jax.nn.sigmoid(ph_l), jax.nn.sigmoid(il), jax.nn.sigmoid(jl), out

    ph, ii, jj, prev = jax.lax.fori_loop(0, steps, _step, (ph, ii, jj, prev))
    results.append((ph, ii, jj))
    flat = []
    for r in results:
        flat.extend(r)
    return tuple(flat)

if __name__ == "__main__":
    import jax
    _d = setup_inputs()
    print(jax.jit(kernel)(*tuple(_d.values())))

</pallas_src>

<mosaic_0001>
#map = affine_map<(d0, d1) -> (0, 0)>
#map1 = affine_map<(d0, d1) -> (0)>
#map2 = affine_map<(d0, d1) -> (0, 0, 0)>
module attributes {stable_mosaic.version = 14 : i64} {
  func.func @_sc_body(%arg0: i32, %arg1: i32, %arg2: memref<512x128xf32, #tpu.memory_space<hbm>>, %arg3: memref<16384x128xf32, #tpu.memory_space<hbm>>, %arg4: memref<16384xi32, #tpu.memory_space<hbm>>, %arg5: memref<16384xi32, #tpu.memory_space<hbm>>, %arg6: memref<16384x128xf32, #tpu.memory_space<hbm>>, %arg7: memref<2x512x128xf32, #tpu.memory_space<hbm>>, %arg8: memref<64x128xf32, #tpu.memory_space<vmem>>, %arg9: memref<64xi32, #tpu.memory_space<vmem>>, %arg10: memref<64xi32, #tpu.memory_space<vmem>>, %arg11: memref<64x128xf32, #tpu.memory_space<vmem>>, %arg12: memref<64x128xf32, #tpu.memory_space<vmem>>, %arg13: memref<32x128xf32, #tpu.memory_space<vmem>>, %arg14: memref<512x128xf32, #tpu.memory_space<vmem_shared>>, %arg15: memref<512x128xf32, #tpu.memory_space<vmem_shared>>) attributes {dimension_semantics = [#tpu.dimension_semantics<core_parallel>, #tpu.dimension_semantics<subcore_parallel>], iteration_bounds = array<i64: 2, 16>, scalar_prefetch = 0 : i64, scratch_operands = 8 : i64, tpu.core_type = #tpu.core_type<sc_vector_subcore>, window_params = [{transform_indices = #map}, {transform_indices = #map}, {transform_indices = #map1}, {transform_indices = #map1}, {transform_indices = #map}, {transform_indices = #map2}]} {
    %mul3A = arith.constant 16 : i32
    %mul3A_0 = arith.muli %arg0, %mul3A : i32
    %add3A = arith.addi %mul3A_0, %arg1 : i32
    %mul3A_1 = arith.constant 512 : i32
    %mul3A_2 = arith.muli %add3A, %mul3A_1 : i32
    %broadcast_in_dim3A = arith.constant 0.000000e+00 : f32
    %broadcast_in_dim3A_3 = vector.broadcast %broadcast_in_dim3A : f32 to vector<16xf32>
    %scan3A = arith.constant 0 : i32
    %scan3A_4 = arith.constant 0 : i32
    %scan3A_5 = arith.constant 32 : i32
    %scan3A_6 = arith.addi %scan3A_4, %scan3A_5 : i32
    %scan3A_7 = arith.constant 1 : i32
    %scan3A_8 = scf.for %scan3A_93 = %scan3A_4 to %scan3A_6 step %scan3A_7 iter_args(%scan3A_94 = %scan3A) -> (i32)  : i32 {
      %swap3A = arith.index_cast %scan3A_93 : i32 to index
      %swap3A_95 = arith.constant 0 : index
      %swap3A_96 = tpu.vector_load %arg13[%swap3A, %swap3A_95] {strides = array<i32>} : memref<32x128xf32, #tpu.memory_space<vmem>>, vector<1x16xf32>,
      %swap3A_97 = vector.shape_cast %swap3A_96 : vector<1x16xf32> to vector<16xf32>
      %swap3A_98 = vector.shape_cast %broadcast_in_dim3A_3 : vector<16xf32> to vector<1x16xf32>
      tpu.vector_store %arg13[%swap3A, %swap3A_95], %swap3A_98 {strides = array<i32>} : memref<32x128xf32, #tpu.memory_space<vmem>>, vector<1x16xf32>,
      %swap3A_99 = arith.index_cast %scan3A_93 : i32 to index
      %swap3A_100 = arith.constant 16 : index
      %swap3A_101 = tpu.vector_load %arg13[%swap3A_99, %swap3A_100] {strides = array<i32>} : memref<32x128xf32, #tpu.memory_space<vmem>>, vector<1x16xf32>,
      %swap3A_102 = vector.shape_cast %swap3A_101 : vector<1x16xf32> to vector<16xf32>
      %swap3A_103 = vector.shape_cast %broadcast_in_dim3A_3 : vector<16xf32> to vector<1x16xf32>
      tpu.vector_store %arg13[%swap3A_99, %swap3A_100], %swap3A_103 {strides = array<i32>} : memref<32x128xf32, #tpu.memory_space<vmem>>, vector<1x16xf32>,
      %swap3A_104 = arith.index_cast %scan3A_93 : i32 to index
      %swap3A_105 = arith.constant 32 : index
      %swap3A_106 = tpu.vector_load %arg13[%swap3A_104, %swap3A_105] {strides = array<i32>} : memref<32x128xf32, #tpu.memory_space<vmem>>, vector<1x16xf32>,
      %swap3A_107 = vector.shape_cast %swap3A_106 : vector<1x16xf32> to vector<16xf32>
      %swap3A_108 = vector.shape_cast %broadcast_in_dim3A_3 : vector<16xf32> to vector<1x16xf32>
      tpu.vector_store %arg13[%swap3A_104, %swap3A_105], %swap3A_108 {strides = array<i32>} : memref<32x128xf32, #tpu.memory_space<vmem>>, vector<1x16xf32>,
      %swap3A_109 = arith.index_cast %scan3A_93 : i32 to index
      %swap3A_110 = arith.constant 48 : index
      %swap3A_111 = tpu.vector_load %arg13[%swap3A_109, %swap3A_110] {strides = array<i32>} : memref<32x128xf32, #tpu.memory_space<vmem>>, vector<1x16xf32>,
      %swap3A_112 = vector.shape_cast %swap3A_111 : vector<1x16xf32> to vector<16xf32>
      %swap3A_113 = vector.shape_cast %broadcast_in_dim3A_3 : vector<16xf32> to vector<1x16xf32>
      tpu.vector_store %arg13[%swap3A_109, %swap3A_110], %swap3A_113 {strides = array<i32>} : memref<32x128xf32, #tpu.memory_space<vmem>>, vector<1x16xf32>,
      %swap3A_114 = arith.index_cast %scan3A_93 : i32 to index
      %swap3A_115 = arith.constant 64 : index
      %swap3A_116 = tpu.vector_load %arg13[%swap3A_114, %swap3A_115] {strides = array<i32>} : memref<32x128xf32, #tpu.memory_space<vmem>>, vector<1x16xf32>,
      %swap3A_117 = vector.shape_cast %swap3A_116 : vector<1x16xf32> to vector<16xf32>
      %swap3A_118 = vector.shape_cast %broadcast_in_dim3A_3 : vector<16xf32> to vector<1x16xf32>
      tpu.vector_store %arg13[%swap3A_114, %swap3A_115], %swap3A_118 {strides = array<i32>} : memref<32x128xf32, #tpu.memory_space<vmem>>, vector<1x16xf32>,
      %swap3A_119 = arith.index_cast %scan3A_93 : i32 to index
      %swap3A_120 = arith.constant 80 : index
      %swap3A_121 = tpu.vector_load %arg13[%swap3A_119, %swap3A_120] {strides = array<i32>} : memref<32x128xf32, #tpu.memory_space<vmem>>, vector<1x16xf32>,
      %swap3A_122 = vector.shape_cast %swap3A_121 : vector<1x16xf32> to vector<16xf32>
      %swap3A_123 = vector.shape_cast %broadcast_in_dim3A_3 : vector<16xf32> to vector<1x16xf32>
      tpu.vector_store %arg13[%swap3A_119, %swap3A_120], %swap3A_123 {strides = array<i32>} : memref<32x128xf32, #tpu.memory_space<vmem>>, vector<1x16xf32>,
      %swap3A_124 = arith.index_cast %scan3A_93 : i32 to index
      %swap3A_125 = arith.constant 96 : index
      %swap3A_126 = tpu.vector_load %arg13[%swap3A_124, %swap3A_125] {strides = array<i32>} : memref<32x128xf32, #tpu.memory_space<vmem>>, vector<1x16xf32>,
      %swap3A_127 = vector.shape_cast %swap3A_126 : vector<1x16xf32> to vector<16xf32>
      %swap3A_128 = vector.shape_cast %broadcast_in_dim3A_3 : vector<16xf32> to vector<1x16xf32>
      tpu.vector_store %arg13[%swap3A_124, %swap3A_125], %swap3A_128 {strides = array<i32>} : memref<32x128xf32, #tpu.memory_space<vmem>>, vector<1x16xf32>,
      %swap3A_129 = arith.index_cast %scan3A_93 : i32 to index
      %swap3A_130 = arith.constant 112 : index
      %swap3A_131 = tpu.vector_load %arg13[%swap3A_129, %swap3A_130] {strides = array<i32>} : memref<32x128xf32, #tpu.memory_space<vmem>>, vector<1x16xf32>,
      %swap3A_132 = vector.shape_cast %swap3A_131 : vector<1x16xf32> to vector<16xf32>
      %swap3A_133 = vector.shape_cast %broadcast_in_dim3A_3 : vector<16xf32> to vector<1x16xf32>
      tpu.vector_store %arg13[%swap3A_129, %swap3A_130], %swap3A_133 {strides = array<i32>} : memref<32x128xf32, #tpu.memory_space<vmem>>, vector<1x16xf32>,
      %scan3A_134 = arith.constant 0 : i32
      scf.yield %scan3A_134 : i32
    }
    %scan3A_9 = arith.constant 32 : i32
    %mul3A_10 = arith.constant 32 : i32
    %mul3A_11 = arith.muli %arg1, %mul3A_10 : i32
    "tpu.region"() ({
      %run_scoped3A = tpu.sem_alloc : memref<!tpu.dma_semaphore, #tpu.memory_space<semaphore_mem>>
      %dma_start3A = arith.constant 0 : i32
      %dma_start3A_93 = tpu.memref_slice %arg14[%mul3A_11, %dma_start3A] : memref<512x128xf32, #tpu.memory_space<vmem_shared>> -> memref<32x128xf32, #tpu.memory_space<vmem_shared>>
      %dma_start3A_94 = arith.constant 0 : i32
      %dma_start3A_95 = tpu.memref_slice %arg14[%mul3A_11, %dma_start3A_94] : memref<512x128xf32, #tpu.memory_space<vmem_shared>> -> memref<32x128xf32, #tpu.memory_space<vmem_shared>>
      tpu.enqueue_dma source(%arg13 : memref<32x128xf32, #tpu.memory_space<vmem>>) target(%dma_start3A_95 : memref<32x128xf32, #tpu.memory_space<vmem_shared>>) target_semaphore(%run_scoped3A : memref<!tpu.dma_semaphore, #tpu.memory_space<semaphore_mem>>)
      %dma_wait3A = arith.constant 0 : i32
      %dma_wait3A_96 = tpu.memref_slice %arg14[%mul3A_11, %dma_wait3A] : memref<512x128xf32, #tpu.memory_space<vmem_shared>> -> memref<32x128xf32, #tpu.memory_space<vmem_shared>>
      %dma_wait3A_97 = arith.constant 0 : i32
      %dma_wait3A_98 = tpu.memref_slice %arg14[%mul3A_11, %dma_wait3A_97] : memref<512x128xf32, #tpu.memory_space<vmem_shared>> -> memref<32x128xf32, #tpu.memory_space<vmem_shared>>
      tpu.wait_dma2 semaphore(%run_scoped3A : memref<!tpu.dma_semaphore, #tpu.memory_space<semaphore_mem>>) src(%arg13 : memref<32x128xf32, #tpu.memory_space<vmem>>) dst(%dma_wait3A_98 : memref<32x128xf32, #tpu.memory_space<vmem_shared>>)
      tpu.yield
    }) : () -> ()
    %mul3A_12 = arith.constant 32 : i32
    %mul3A_13 = arith.muli %arg1, %mul3A_12 : i32
    "tpu.region"() ({
      %run_scoped3A = tpu.sem_alloc : memref<!tpu.dma_semaphore, #tpu.memory_space<semaphore_mem>>
      %dma_start3A = arith.constant 0 : i32
      %dma_start3A_93 = tpu.memref_slice %arg2[%mul3A_13, %dma_start3A] : memref<512x128xf32, #tpu.memory_space<hbm>> -> memref<32x128xf32, #tpu.memory_space<hbm>>
      %dma_start3A_94 = arith.constant 0 : i32
      %dma_start3A_95 = tpu.memref_slice %arg2[%mul3A_13, %dma_start3A_94] : memref<512x128xf32, #tpu.memory_space<hbm>> -> memref<32x128xf32, #tpu.memory_space<hbm>>
      tpu.enqueue_dma source(%dma_start3A_95 : memref<32x128xf32, #tpu.memory_space<hbm>>) target(%arg13 : memref<32x128xf32, #tpu.memory_space<vmem>>) target_semaphore(%run_scoped3A : memref<!tpu.dma_semaphore, #tpu.memory_space<semaphore_mem>>)
      %dma_wait3A = arith.constant 0 : i32
      %dma_wait3A_96 = tpu.memref_slice %arg2[%mul3A_13, %dma_wait3A] : memref<512x128xf32, #tpu.memory_space<hbm>> -> memref<32x128xf32, #tpu.memory_space<hbm>>
      %dma_wait3A_97 = arith.constant 0 : i32
      %dma_wait3A_98 = tpu.memref_slice %arg2[%mul3A_13, %dma_wait3A_97] : memref<512x128xf32, #tpu.memory_space<hbm>> -> memref<32x128xf32, #tpu.memory_space<hbm>>
      tpu.wait_dma2 semaphore(%run_scoped3A : memref<!tpu.dma_semaphore, #tpu.memory_space<semaphore_mem>>) src(%dma_wait3A_98 : memref<32x128xf32, #tpu.memory_space<hbm>>) dst(%arg13 : memref<32x128xf32, #tpu.memory_space<vmem>>)
      tpu.yield
    }) : () -> ()
    %mul3A_14 = arith.constant 32 : i32
    %mul3A_15 = arith.muli %arg1, %mul3A_14 : i32
    "tpu.region"() ({
      %run_scoped3A = tpu.sem_alloc : memref<!tpu.dma_semaphore, #tpu.memory_space<semaphore_mem>>
      %dma_start3A = arith.constant 0 : i32
      %dma_start3A_93 = tpu.memref_slice %arg15[%mul3A_15, %dma_start3A] : memref<512x128xf32, #tpu.memory_space<vmem_shared>> -> memref<32x128xf32, #tpu.memory_space<vmem_shared>>
      %dma_start3A_94 = arith.constant 0 : i32
      %dma_start3A_95 = tpu.memref_slice %arg15[%mul3A_15, %dma_start3A_94] : memref<512x128xf32, #tpu.memory_space<vmem_shared>> -> memref<32x128xf32, #tpu.memory_space<vmem_shared>>
      tpu.enqueue_dma source(%arg13 : memref<32x128xf32, #tpu.memory_space<vmem>>) target(%dma_start3A_95 : memref<32x128xf32, #tpu.memory_space<vmem_shared>>) target_semaphore(%run_scoped3A : memref<!tpu.dma_semaphore, #tpu.memory_space<semaphore_mem>>)
      %dma_wait3A = arith.constant 0 : i32
      %dma_wait3A_96 = tpu.memref_slice %arg15[%mul3A_15, %dma_wait3A] : memref<512x128xf32, #tpu.memory_space<vmem_shared>> -> memref<32x128xf32, #tpu.memory_space<vmem_shared>>
      %dma_wait3A_97 = arith.constant 0 : i32
      %dma_wait3A_98 = tpu.memref_slice %arg15[%mul3A_15, %dma_wait3A_97] : memref<512x128xf32, #tpu.memory_space<vmem_shared>> -> memref<32x128xf32, #tpu.memory_space<vmem_shared>>
      tpu.wait_dma2 semaphore(%run_scoped3A : memref<!tpu.dma_semaphore, #tpu.memory_space<semaphore_mem>>) src(%arg13 : memref<32x128xf32, #tpu.memory_space<vmem>>) dst(%dma_wait3A_98 : memref<32x128xf32, #tpu.memory_space<vmem_shared>>)
      tpu.yield
    }) : () -> ()
    %barrier3A = arith.constant 0 : index
    tpu.barrier barrier_id(%barrier3A)
    %add3A_16 = arith.constant 0 : i32
    %add3A_17 = arith.addi %mul3A_2, %add3A_16 : i32
    "tpu.region"() ({
      %run_scoped3A = tpu.sem_alloc : memref<!tpu.dma_semaphore, #tpu.memory_space<semaphore_mem>>
      %dma_start3A = tpu.memref_slice %arg4[%add3A_17] : memref<16384xi32, #tpu.memory_space<hbm>> -> memref<64xi32, #tpu.memory_space<hbm>>
      %dma_start3A_93 = tpu.memref_slice %arg4[%add3A_17] : memref<16384xi32, #tpu.memory_space<hbm>> -> memref<64xi32, #tpu.memory_space<hbm>>
      tpu.enqueue_dma source(%dma_start3A_93 : memref<64xi32, #tpu.memory_space<hbm>>) target(%arg9 : memref<64xi32, #tpu.memory_space<vmem>>) target_semaphore(%run_scoped3A : memref<!tpu.dma_semaphore, #tpu.memory_space<semaphore_mem>>)
      %dma_wait3A = tpu.memref_slice %arg4[%add3A_17] : memref<16384xi32, #tpu.memory_space<hbm>> -> memref<64xi32, #tpu.memory_space<hbm>>
      %dma_wait3A_94 = tpu.memref_slice %arg4[%add3A_17] : memref<16384xi32, #tpu.memory_space<hbm>> -> memref<64xi32, #tpu.memory_space<hbm>>
      tpu.wait_dma2 semaphore(%run_scoped3A : memref<!tpu.dma_semaphore, #tpu.memory_space<semaphore_mem>>) src(%dma_wait3A_94 : memref<64xi32, #tpu.memory_space<hbm>>) dst(%arg9 : memref<64xi32, #tpu.memory_space<vmem>>)
      tpu.yield
    }) : () -> ()
    "tpu.region"() ({
      %run_scoped3A = tpu.sem_alloc : memref<!tpu.dma_semaphore, #tpu.memory_space<semaphore_mem>>
      %dma_start3A = tpu.memref_slice %arg5[%add3A_17] : memref<16384xi32, #tpu.memory_space<hbm>> -> memref<64xi32, #tpu.memory_space<hbm>>
      %dma_start3A_93 = tpu.memref_slice %arg5[%add3A_17] : memref<16384xi32, #tpu.memory_space<hbm>> -> memref<64xi32, #tpu.memory_space<hbm>>
      tpu.enqueue_dma source(%dma_start3A_93 : memref<64xi32, #tpu.memory_space<hbm>>) target(%arg10 : memref<64xi32, #tpu.memory_space<vmem>>) target_semaphore(%run_scoped3A : memref<!tpu.dma_semaphore, #tpu.memory_space<semaphore_mem>>)
      %dma_wait3A = tpu.memref_slice %arg5[%add3A_17] : memref<16384xi32, #tpu.memory_space<hbm>> -> memref<64xi32, #tpu.memory_space<hbm>>
      %dma_wait3A_94 = tpu.memref_slice %arg5[%add3A_17] : memref<16384xi32, #tpu.memory_space<hbm>> -> memref<64xi32, #tpu.memory_space<hbm>>
      tpu.wait_dma2 semaphore(%run_scoped3A : memref<!tpu.dma_semaphore, #tpu.memory_space<semaphore_mem>>) src(%dma_wait3A_94 : memref<64xi32, #tpu.memory_space<hbm>>) dst(%arg10 : memref<64xi32, #tpu.memory_space<vmem>>)
      tpu.yield
    }) : () -> ()
    "tpu.region"() ({
      %run_scoped3A = tpu.sem_alloc : memref<!tpu.dma_semaphore, #tpu.memory_space<semaphore_mem>>
      %dma_start3A = arith.constant 0 : i32
      %dma_start3A_93 = tpu.memref_slice %arg6[%add3A_17, %dma_start3A] : memref<16384x128xf32, #tpu.memory_space<hbm>> -> memref<64x128xf32, #tpu.memory_space<hbm>>
      %dma_start3A_94 = arith.constant 0 : i32
      %dma_start3A_95 = tpu.memref_slice %arg6[%add3A_17, %dma_start3A_94] : memref<16384x128xf32, #tpu.memory_space<hbm>> -> memref<64x128xf32, #tpu.memory_space<hbm>>
      tpu.enqueue_dma source(%dma_start3A_95 : memref<64x128xf32, #tpu.memory_space<hbm>>) target(%arg11 : memref<64x128xf32, #tpu.memory_space<vmem>>) target_semaphore(%run_scoped3A : memref<!tpu.dma_semaphore, #tpu.memory_space<semaphore_mem>>)
      %dma_wait3A = arith.constant 0 : i32
      %dma_wait3A_96 = tpu.memref_slice %arg6[%add3A_17, %dma_wait3A] : memref<16384x128xf32, #tpu.memory_space<hbm>> -> memref<64x128xf32, #tpu.memory_space<hbm>>
      %dma_wait3A_97 = arith.constant 0 : i32
      %dma_wait3A_98 = tpu.memref_slice %arg6[%add3A_17, %dma_wait3A_97] : memref<16384x128xf32, #tpu.memory_space<hbm>> -> memref<64x128xf32, #tpu.memory_space<hbm>>
      tpu.wait_dma2 semaphore(%run_scoped3A : memref<!tpu.dma_semaphore, #tpu.memory_space<semaphore_mem>>) src(%dma_wait3A_98 : memref<64x128xf32, #tpu.memory_space<hbm>>) dst(%arg11 : memref<64x128xf32, #tpu.memory_space<vmem>>)
      tpu.yield
    }) : () -> ()
    "tpu.region"() ({
      %run_scoped3A = tpu.sem_alloc : memref<!tpu.dma_semaphore, #tpu.memory_space<semaphore_mem>>
      %dma_start3A = arith.constant 0 : i32
      %dma_start3A_93 = tpu.memref_slice %arg3[%add3A_17, %dma_start3A] : memref<16384x128xf32, #tpu.memory_space<hbm>> -> memref<64x128xf32, #tpu.memory_space<hbm>>
      %dma_start3A_94 = arith.constant 0 : i32
      %dma_start3A_95 = tpu.memref_slice %arg3[%add3A_17, %dma_start3A_94] : memref<16384x128xf32, #tpu.memory_space<hbm>> -> memref<64x128xf32, #tpu.memory_space<hbm>>
      tpu.enqueue_dma source(%dma_start3A_95 : memref<64x128xf32, #tpu.memory_space<hbm>>) target(%arg12 : memref<64x128xf32, #tpu.memory_space<vmem>>) target_semaphore(%run_scoped3A : memref<!tpu.dma_semaphore, #tpu.memory_space<semaphore_mem>>)
      %dma_wait3A = arith.constant 0 : i32
      %dma_wait3A_96 = tpu.memref_slice %arg3[%add3A_17, %dma_wait3A] : memref<16384x128xf32, #tpu.memory_space<hbm>> -> memref<64x128xf32, #tpu.memory_space<hbm>>
      %dma_wait3A_97 = arith.constant 0 : i32
      %dma_wait3A_98 = tpu.memref_slice %arg3[%add3A_17, %dma_wait3A_97] : memref<16384x128xf32, #tpu.memory_space<hbm>> -> memref<64x128xf32, #tpu.memory_space<hbm>>
      tpu.wait_dma2 semaphore(%run_scoped3A : memref<!tpu.dma_semaphore, #tpu.memory_space<semaphore_mem>>) src(%dma_wait3A_98 : memref<64x128xf32, #tpu.memory_space<hbm>>) dst(%arg12 : memref<64x128xf32, #tpu.memory_space<vmem>>)
      tpu.yield
    }) : () -> ()
    "tpu.region"() ({
      %run_scoped3A = tpu.sem_alloc : memref<!tpu.dma_semaphore, #tpu.memory_space<semaphore_mem>>
      %dma_start3A = arith.constant 0 : i32
      %dma_start3A_93 = arith.constant 0 : i32
      %dma_start3A_94 = tpu.memref_slice %arg15[%dma_start3A, %dma_start3A_93] : memref<512x128xf32, #tpu.memory_space<vmem_shared>> -> memref<512x128xf32, #tpu.memory_space<vmem_shared>>
      tpu.enqueue_indirect_dma source(%dma_start3A_94 : memref<512x128xf32, #tpu.memory_space<vmem_shared>>) target(%arg8 : memref<64x128xf32, #tpu.memory_space<vmem>>) offsets(%arg9 : memref<64xi32, #tpu.memory_space<vmem>>) semaphore(%run_scoped3A : memref<!tpu.dma_semaphore, #tpu.memory_space<semaphore_mem>>)
      %dma_wait3A = arith.constant 0 : i32
      %dma_wait3A_95 = arith.constant 0 : i32
      %dma_wait3A_96 = tpu.memref_slice %arg15[%dma_wait3A, %dma_wait3A_95] : memref<512x128xf32, #tpu.memory_space<vmem_shared>> -> memref<512x128xf32, #tpu.memory_space<vmem_shared>>
      tpu.wait_indirect_dma semaphore(%run_scoped3A : memref<!tpu.dma_semaphore, #tpu.memory_space<semaphore_mem>>) src(%dma_wait3A_96 : memref<512x128xf32, #tpu.memory_space<vmem_shared>>) dst(%arg8 : memref<64x128xf32, #tpu.memory_space<vmem>>)
      tpu.yield
    }) : () -> ()
    %scan3A_18 = arith.constant 0 : i32
    %scan3A_19 = arith.constant 0 : i32
    %scan3A_20 = arith.constant 64 : i32
    %scan3A_21 = arith.addi %scan3A_19, %scan3A_20 : i32
    %scan3A_22 = arith.constant 1 : i32
    %scan3A_23 = scf.for %scan3A_93 = %scan3A_19 to %scan3A_21 step %scan3A_22 iter_args(%scan3A_94 = %scan3A_18) -> (i32)  : i32 {
      %get3A = arith.index_cast %scan3A_93 : i32 to index
      %get3A_95 = arith.constant 0 : index
      %get3A_96 = tpu.vector_load %arg12[%get3A, %get3A_95] {strides = array<i32>} : memref<64x128xf32, #tpu.memory_space<vmem>>, vector<1x16xf32>,
      %get3A_97 = vector.shape_cast %get3A_96 : vector<1x16xf32> to vector<16xf32>
      %get3A_98 = arith.index_cast %scan3A_93 : i32 to index
      %get3A_99 = arith.constant 0 : index
      %get3A_100 = tpu.vector_load %arg8[%get3A_98, %get3A_99] {strides = array<i32>} : memref<64x128xf32, #tpu.memory_space<vmem>>, vector<1x16xf32>,
      %get3A_101 = vector.shape_cast %get3A_100 : vector<1x16xf32> to vector<16xf32>
      %get3A_102 = arith.index_cast %scan3A_93 : i32 to index
      %get3A_103 = arith.constant 0 : index
      %get3A_104 = tpu.vector_load %arg11[%get3A_102, %get3A_103] {strides = array<i32>} : memref<64x128xf32, #tpu.memory_space<vmem>>, vector<1x16xf32>,
      %get3A_105 = vector.shape_cast %get3A_104 : vector<1x16xf32> to vector<16xf32>
      %add3A_106 = arith.addf %get3A_101, %get3A_105 : vector<16xf32>
      %mul3A_107 = arith.mulf %get3A_97, %add3A_106 : vector<16xf32>
      %swap3A = arith.index_cast %scan3A_93 : i32 to index
      %swap3A_108 = arith.constant 0 : index
      %swap3A_109 = tpu.vector_load %arg12[%swap3A, %swap3A_108] {strides = array<i32>} : memref<64x128xf32, #tpu.memory_space<vmem>>, vector<1x16xf32>,
      %swap3A_110 = vector.shape_cast %swap3A_109 : vector<1x16xf32> to vector<16xf32>
      %swap3A_111 = vector.shape_cast %mul3A_107 : vector<16xf32> to vector<1x16xf32>
      tpu.vector_store %arg12[%swap3A, %swap3A_108], %swap3A_111 {strides = array<i32>} : memref<64x128xf32, #tpu.memory_space<vmem>>, vector<1x16xf32>,
      %get3A_112 = arith.index_cast %scan3A_93 : i32 to index
      %get3A_113 = arith.constant 16 : index
      %get3A_114 = tpu.vector_load %arg12[%get3A_112, %get3A_113] {strides = array<i32>} : memref<64x128xf32, #tpu.memory_space<vmem>>, vector<1x16xf32>,
      %get3A_115 = vector.shape_cast %get3A_114 : vector<1x16xf32> to vector<16xf32>
      %get3A_116 = arith.index_cast %scan3A_93 : i32 to index
      %get3A_117 = arith.constant 16 : index
      %get3A_118 = tpu.vector_load %arg8[%get3A_116, %get3A_117] {strides = array<i32>} : memref<64x128xf32, #tpu.memory_space<vmem>>, vector<1x16xf32>,
      %get3A_119 = vector.shape_cast %get3A_118 : vector<1x16xf32> to vector<16xf32>
      %get3A_120 = arith.index_cast %scan3A_93 : i32 to index
      %get3A_121 = arith.constant 16 : index
      %get3A_122 = tpu.vector_load %arg11[%get3A_120, %get3A_121] {strides = array<i32>} : memref<64x128xf32, #tpu.memory_space<vmem>>, vector<1x16xf32>,
      %get3A_123 = vector.shape_cast %get3A_122 : vector<1x16xf32> to vector<16xf32>
      %add3A_124 = arith.addf %get3A_119, %get3A_123 : vector<16xf32>
      %mul3A_125 = arith.mulf %get3A_115, %add3A_124 : vector<16xf32>
      %swap3A_126 = arith.index_cast %scan3A_93 : i32 to index
      %swap3A_127 = arith.constant 16 : index
      %swap3A_128 = tpu.vector_load %arg12[%swap3A_126, %swap3A_127] {strides = array<i32>} : memref<64x128xf32, #tpu.memory_space<vmem>>, vector<1x16xf32>,
      %swap3A_129 = vector.shape_cast %swap3A_128 : vector<1x16xf32> to vector<16xf32>
      %swap3A_130 = vector.shape_cast %mul3A_125 : vector<16xf32> to vector<1x16xf32>
      tpu.vector_store %arg12[%swap3A_126, %swap3A_127], %swap3A_130 {strides = array<i32>} : memref<64x128xf32, #tpu.memory_space<vmem>>, vector<1x16xf32>,
      %get3A_131 = arith.index_cast %scan3A_93 : i32 to index
      %get3A_132 = arith.constant 32 : index
      %get3A_133 = tpu.vector_load %arg12[%get3A_131, %get3A_132] {strides = array<i32>} : memref<64x128xf32, #tpu.memory_space<vmem>>, vector<1x16xf32>,
      %get3A_134 = vector.shape_cast %get3A_133 : vector<1x16xf32> to vector<16xf32>
      %get3A_135 = arith.index_cast %scan3A_93 : i32 to index
      %get3A_136 = arith.constant 32 : index
      %get3A_137 = tpu.vector_load %arg8[%get3A_135, %get3A_136] {strides = array<i32>} : memref<64x128xf32, #tpu.memory_space<vmem>>, vector<1x16xf32>,
      %get3A_138 = vector.shape_cast %get3A_137 : vector<1x16xf32> to vector<16xf32>
      %get3A_139 = arith.index_cast %scan3A_93 : i32 to index
      %get3A_140 = arith.constant 32 : index
      %get3A_141 = tpu.vector_load %arg11[%get3A_139, %get3A_140] {strides = array<i32>} : memref<64x128xf32, #tpu.memory_space<vmem>>, vector<1x16xf32>,
      %get3A_142 = vector.shape_cast %get3A_141 : vector<1x16xf32> to vector<16xf32>
      %add3A_143 = arith.addf %get3A_138, %get3A_142 : vector<16xf32>
      %mul3A_144 = arith.mulf %get3A_134, %add3A_143 : vector<16xf32>
      %swap3A_145 = arith.index_cast %scan3A_93 : i32 to index
      %swap3A_146 = arith.constant 32 : index
      %swap3A_147 = tpu.vector_load %arg12[%swap3A_145, %swap3A_146] {strides = array<i32>} : memref<64x128xf32, #tpu.memory_space<vmem>>, vector<1x16xf32>,
      %swap3A_148 = vector.shape_cast %swap3A_147 : vector<1x16xf32> to vector<16xf32>
      %swap3A_149 = vector.shape_cast %mul3A_144 : vector<16xf32> to vector<1x16xf32>
      tpu.vector_store %arg12[%swap3A_145, %swap3A_146], %swap3A_149 {strides = array<i32>} : memref<64x128xf32, #tpu.memory_space<vmem>>, vector<1x16xf32>,
      %get3A_150 = arith.index_cast %scan3A_93 : i32 to index
      %get3A_151 = arith.constant 48 : index
      %get3A_152 = tpu.vector_load %arg12[%get3A_150, %get3A_151] {strides = array<i32>} : memref<64x128xf32, #tpu.memory_space<vmem>>, vector<1x16xf32>,
      %get3A_153 = vector.shape_cast %get3A_152 : vector<1x16xf32> to vector<16xf32>
      %get3A_154 = arith.index_cast %scan3A_93 : i32 to index
      %get3A_155 = arith.constant 48 : index
      %get3A_156 = tpu.vector_load %arg8[%get3A_154, %get3A_155] {strides = array<i32>} : memref<64x128xf32, #tpu.memory_space<vmem>>, vector<1x16xf32>,
      %get3A_157 = vector.shape_cast %get3A_156 : vector<1x16xf32> to vector<16xf32>
      %get3A_158 = arith.index_cast %scan3A_93 : i32 to index
      %get3A_159 = arith.constant 48 : index
      %get3A_160 = tpu.vector_load %arg11[%get3A_158, %get3A_159] {strides = array<i32>} : memref<64x128xf32, #tpu.memory_space<vmem>>, vector<1x16xf32>,
      %get3A_161 = vector.shape_cast %get3A_160 : vector<1x16xf32> to vector<16xf32>
      %add3A_162 = arith.addf %get3A_157, %get3A_161 : vector<16xf32>
      %mul3A_163 = arith.mulf %get3A_153, %add3A_162 : vector<16xf32>
      %swap3A_164 = arith.index_cast %scan3A_93 : i32 to index
      %swap3A_165 = arith.constant 48 : index
      %swap3A_166 = tpu.vector_load %arg12[%swap3A_164, %swap3A_165] {strides = array<i32>} : memref<64x128xf32, #tpu.memory_space<vmem>>, vector<1x16xf32>,
      %swap3A_167 = vector.shape_cast %swap3A_166 : vector<1x16xf32> to vector<16xf32>
      %swap3A_168 = vector.shape_cast %mul3A_163 : vector<16xf32> to vector<1x16xf32>
      tpu.vector_store %arg12[%swap3A_164, %swap3A_165], %swap3A_168 {strides = array<i32>} : memref<64x128xf32, #tpu.memory_space<vmem>>, vector<1x16xf32>,
      %get3A_169 = arith.index_cast %scan3A_93 : i32 to index
      %get3A_170 = arith.constant 64 : index
      %get3A_171 = tpu.vector_load %arg12[%get3A_169, %get3A_170] {strides = array<i32>} : memref<64x128xf32, #tpu.memory_space<vmem>>, vector<1x16xf32>,
      %get3A_172 = vector.shape_cast %get3A_171 : vector<1x16xf32> to vector<16xf32>
      %get3A_173 = arith.index_cast %scan3A_93 : i32 to index
      %get3A_174 = arith.constant 64 : index
      %get3A_175 = tpu.vector_load %arg8[%get3A_173, %get3A_174] {strides = array<i32>} : memref<64x128xf32, #tpu.memory_space<vmem>>, vector<1x16xf32>,
      %get3A_176 = vector.shape_cast %get3A_175 : vector<1x16xf32> to vector<16xf32>
      %get3A_177 = arith.index_cast %scan3A_93 : i32 to index
      %get3A_178 = arith.constant 64 : index
      %get3A_179 = tpu.vector_load %arg11[%get3A_177, %get3A_178] {strides = array<i32>} : memref<64x128xf32, #tpu.memory_space<vmem>>, vector<1x16xf32>,
      %get3A_180 = vector.shape_cast %get3A_179 : vector<1x16xf32> to vector<16xf32>
      %add3A_181 = arith.addf %get3A_176, %get3A_180 : vector<16xf32>
      %mul3A_182 = arith.mulf %get3A_172, %add3A_181 : vector<16xf32>
      %swap3A_183 = arith.index_cast %scan3A_93 : i32 to index
      %swap3A_184 = arith.constant 64 : index
      %swap3A_185 = tpu.vector_load %arg12[%swap3A_183, %swap3A_184] {strides = array<i32>} : memref<64x128xf32, #tpu.memory_space<vmem>>, vector<1x16xf32>,
      %swap3A_186 = vector.shape_cast %swap3A_185 : vector<1x16xf32> to vector<16xf32>
      %swap3A_187 = vector.shape_cast %mul3A_182 : vector<16xf32> to vector<1x16xf32>
      tpu.vector_store %arg12[%swap3A_183, %swap3A_184], %swap3A_187 {strides = array<i32>} : memref<64x128xf32, #tpu.memory_space<vmem>>, vector<1x16xf32>,
      %get3A_188 = arith.index_cast %scan3A_93 : i32 to index
      %get3A_189 = arith.constant 80 : index
      %get3A_190 = tpu.vector_load %arg12[%get3A_188, %get3A_189] {strides = array<i32>} : memref<64x128xf32, #tpu.memory_space<vmem>>, vector<1x16xf32>,
      %get3A_191 = vector.shape_cast %get3A_190 : vector<1x16xf32> to vector<16xf32>
      %get3A_192 = arith.index_cast %scan3A_93 : i32 to index
      %get3A_193 = arith.constant 80 : index
      %get3A_194 = tpu.vector_load %arg8[%get3A_192, %get3A_193] {strides = array<i32>} : memref<64x128xf32, #tpu.memory_space<vmem>>, vector<1x16xf32>,
      %get3A_195 = vector.shape_cast %get3A_194 : vector<1x16xf32> to vector<16xf32>
      %get3A_196 = arith.index_cast %scan3A_93 : i32 to index
      %get3A_197 = arith.constant 80 : index
      %get3A_198 = tpu.vector_load %arg11[%get3A_196, %get3A_197] {strides = array<i32>} : memref<64x128xf32, #tpu.memory_space<vmem>>, vector<1x16xf32>,
      %get3A_199 = vector.shape_cast %get3A_198 : vector<1x16xf32> to vector<16xf32>
      %add3A_200 = arith.addf %get3A_195, %get3A_199 : vector<16xf32>
      %mul3A_201 = arith.mulf %get3A_191, %add3A_200 : vector<16xf32>
      %swap3A_202 = arith.index_cast %scan3A_93 : i32 to index
      %swap3A_203 = arith.constant 80 : index
      %swap3A_204 = tpu.vector_load %arg12[%swap3A_202, %swap3A_203] {strides = array<i32>} : memref<64x128xf32, #tpu.memory_space<vmem>>, vector<1x16xf32>,
      %swap3A_205 = vector.shape_cast %swap3A_204 : vector<1x16xf32> to vector<16xf32>
      %swap3A_206 = vector.shape_cast %mul3A_201 : vector<16xf32> to vector<1x16xf32>
      tpu.vector_store %arg12[%swap3A_202, %swap3A_203], %swap3A_206 {strides = array<i32>} : memref<64x128xf32, #tpu.memory_space<vmem>>, vector<1x16xf32>,
      %get3A_207 = arith.index_cast %scan3A_93 : i32 to index
      %get3A_208 = arith.constant 96 : index
      %get3A_209 = tpu.vector_load %arg12[%get3A_207, %get3A_208] {strides = array<i32>} : memref<64x128xf32, #tpu.memory_space<vmem>>, vector<1x16xf32>,
      %get3A_210 = vector.shape_cast %get3A_209 : vector<1x16xf32> to vector<16xf32>
      %get3A_211 = arith.index_cast %scan3A_93 : i32 to index
      %get3A_212 = arith.constant 96 : index
      %get3A_213 = tpu.vector_load %arg8[%get3A_211, %get3A_212] {strides = array<i32>} : memref<64x128xf32, #tpu.memory_space<vmem>>, vector<1x16xf32>,
      %get3A_214 = vector.shape_cast %get3A_213 : vector<1x16xf32> to vector<16xf32>
      %get3A_215 = arith.index_cast %scan3A_93 : i32 to index
      %get3A_216 = arith.constant 96 : index
      %get3A_217 = tpu.vector_load %arg11[%get3A_215, %get3A_216] {strides = array<i32>} : memref<64x128xf32, #tpu.memory_space<vmem>>, vector<1x16xf32>,
      %get3A_218 = vector.shape_cast %get3A_217 : vector<1x16xf32> to vector<16xf32>
      %add3A_219 = arith.addf %get3A_214, %get3A_218 : vector<16xf32>
      %mul3A_220 = arith.mulf %get3A_210, %add3A_219 : vector<16xf32>
      %swap3A_221 = arith.index_cast %scan3A_93 : i32 to index
      %swap3A_222 = arith.constant 96 : index
      %swap3A_223 = tpu.vector_load %arg12[%swap3A_221, %swap3A_222] {strides = array<i32>} : memref<64x128xf32, #tpu.memory_space<vmem>>, vector<1x16xf32>,
      %swap3A_224 = vector.shape_cast %swap3A_223 : vector<1x16xf32> to vector<16xf32>
      %swap3A_225 = vector.shape_cast %mul3A_220 : vector<16xf32> to vector<1x16xf32>
      tpu.vector_store %arg12[%swap3A_221, %swap3A_222], %swap3A_225 {strides = array<i32>} : memref<64x128xf32, #tpu.memory_space<vmem>>, vector<1x16xf32>,
      %get3A_226 = arith.index_cast %scan3A_93 : i32 to index
      %get3A_227 = arith.constant 112 : index
      %get3A_228 = tpu.vector_load %arg12[%get3A_226, %get3A_227] {strides = array<i32>} : memref<64x128xf32, #tpu.memory_space<vmem>>, vector<1x16xf32>,
      %get3A_229 = vector.shape_cast %get3A_228 : vector<1x16xf32> to vector<16xf32>
      %get3A_230 = arith.index_cast %scan3A_93 : i32 to index
      %get3A_231 = arith.constant 112 : index
      %get3A_232 = tpu.vector_load %arg8[%get3A_230, %get3A_231] {strides = array<i32>} : memref<64x128xf32, #tpu.memory_space<vmem>>, vector<1x16xf32>,
      %get3A_233 = vector.shape_cast %get3A_232 : vector<1x16xf32> to vector<16xf32>
      %get3A_234 = arith.index_cast %scan3A_93 : i32 to index
      %get3A_235 = arith.constant 112 : index
      %get3A_236 = tpu.vector_load %arg11[%get3A_234, %get3A_235] {strides = array<i32>} : memref<64x128xf32, #tpu.memory_space<vmem>>, vector<1x16xf32>,
      %get3A_237 = vector.shape_cast %get3A_236 : vector<1x16xf32> to vector<16xf32>
      %add3A_238 = arith.addf %get3A_233, %get3A_237 : vector<16xf32>
      %mul3A_239 = arith.mulf %get3A_229, %add3A_238 : vector<16xf32>
      %swap3A_240 = arith.index_cast %scan3A_93 : i32 to index
      %swap3A_241 = arith.constant 112 : index
      %swap3A_242 = tpu.vector_load %arg12[%swap3A_240, %swap3A_241] {strides = array<i32>} : memref<64x128xf32, #tpu.memory_space<vmem>>, vector<1x16xf32>,
      %swap3A_243 = vector.shape_cast %swap3A_242 : vector<1x16xf32> to vector<16xf32>
      %swap3A_244 = vector.shape_cast %mul3A_239 : vector<16xf32> to vector<1x16xf32>
      tpu.vector_store %arg12[%swap3A_240, %swap3A_241], %swap3A_244 {strides = array<i32>} : memref<64x128xf32, #tpu.memory_space<vmem>>, vector<1x16xf32>,
      %scan3A_245 = arith.constant 0 : i32
      scf.yield %scan3A_245 : i32
    }
    %scan3A_24 = arith.constant 64 : i32
    "tpu.region"() ({
      %run_scoped3A = tpu.sem_alloc : memref<!tpu.dma_semaphore, #tpu.memory_space<semaphore_mem>>
      %dma_start3A = arith.constant 0 : i32
      %dma_start3A_93 = arith.constant 0 : i32
      %dma_start3A_94 = tpu.memref_slice %arg14[%dma_start3A, %dma_start3A_93] : memref<512x128xf32, #tpu.memory_space<vmem_shared>> -> memref<512x128xf32, #tpu.memory_space<vmem_shared>>
      tpu.enqueue_indirect_dma source(%arg12 : memref<64x128xf32, #tpu.memory_space<vmem>>) target(%dma_start3A_94 : memref<512x128xf32, #tpu.memory_space<vmem_shared>>) offsets(%arg10 : memref<64xi32, #tpu.memory_space<vmem>>) semaphore(%run_scoped3A : memref<!tpu.dma_semaphore, #tpu.memory_space<semaphore_mem>>) {add = true}
      %dma_wait3A = arith.constant 0 : i32
      %dma_wait3A_95 = arith.constant 0 : i32
      %dma_wait3A_96 = tpu.memref_slice %arg14[%dma_wait3A, %dma_wait3A_95] : memref<512x128xf32, #tpu.memory_space<vmem_shared>> -> memref<512x128xf32, #tpu.memory_space<vmem_shared>>
      tpu.wait_indirect_dma semaphore(%run_scoped3A : memref<!tpu.dma_semaphore, #tpu.memory_space<semaphore_mem>>) src(%arg12 : memref<64x128xf32, #tpu.memory_space<vmem>>) dst(%dma_wait3A_96 : memref<512x128xf32, #tpu.memory_space<vmem_shared>>)
      tpu.yield
    }) : () -> ()
    %add3A_25 = arith.constant 64 : i32
    %add3A_26 = arith.addi %mul3A_2, %add3A_25 : i32
    "tpu.region"() ({
      %run_scoped3A = tpu.sem_alloc : memref<!tpu.dma_semaphore, #tpu.memory_space<semaphore_mem>>
      %dma_start3A = tpu.memref_slice %arg4[%add3A_26] : memref<16384xi32, #tpu.memory_space<hbm>> -> memref<64xi32, #tpu.memory_space<hbm>>
      %dma_start3A_93 = tpu.memref_slice %arg4[%add3A_26] : memref<16384xi32, #tpu.memory_space<hbm>> -> memref<64xi32, #tpu.memory_space<hbm>>
      tpu.enqueue_dma source(%dma_start3A_93 : memref<64xi32, #tpu.memory_space<hbm>>) target(%arg9 : memref<64xi32, #tpu.memory_space<vmem>>) target_semaphore(%run_scoped3A : memref<!tpu.dma_semaphore, #tpu.memory_space<semaphore_mem>>)
      %dma_wait3A = tpu.memref_slice %arg4[%add3A_26] : memref<16384xi32, #tpu.memory_space<hbm>> -> memref<64xi32, #tpu.memory_space<hbm>>
      %dma_wait3A_94 = tpu.memref_slice %arg4[%add3A_26] : memref<16384xi32, #tpu.memory_space<hbm>> -> memref<64xi32, #tpu.memory_space<hbm>>
      tpu.wait_dma2 semaphore(%run_scoped3A : memref<!tpu.dma_semaphore, #tpu.memory_space<semaphore_mem>>) src(%dma_wait3A_94 : memref<64xi32, #tpu.memory_space<hbm>>) dst(%arg9 : memref<64xi32, #tpu.memory_space<vmem>>)
      tpu.yield
    }) : () -> ()
    "tpu.region"() ({
      %run_scoped3A = tpu.sem_alloc : memref<!tpu.dma_semaphore, #tpu.memory_space<semaphore_mem>>
      %dma_start3A = tpu.memref_slice %arg5[%add3A_26] : memref<16384xi32, #tpu.memory_space<hbm>> -> memref<64xi32, #tpu.memory_space<hbm>>
      %dma_start3A_93 = tpu.memref_slice %arg5[%add3A_26] : memref<16384xi32, #tpu.memory_space<hbm>> -> memref<64xi32, #tpu.memory_space<hbm>>
      tpu.enqueue_dma source(%dma_start3A_93 : memref<64xi32, #tpu.memory_space<hbm>>) target(%arg10 : memref<64xi32, #tpu.memory_space<vmem>>) target_semaphore(%run_scoped3A : memref<!tpu.dma_semaphore, #tpu.memory_space<semaphore_mem>>)
      %dma_wait3A = tpu.memref_slice %arg5[%add3A_26] : memref<16384xi32, #tpu.memory_space<hbm>> -> memref<64xi32, #tpu.memory_space<hbm>>
      %dma_wait3A_94 = tpu.memref_slice %arg5[%add3A_26] : memref<16384xi32, #tpu.memory_space<hbm>> -> memref<64xi32, #tpu.memory_space<hbm>>
      tpu.wait_dma2 semaphore(%run_scoped3A : memref<!tpu.dma_semaphore, #tpu.memory_space<semaphore_mem>>) src(%dma_wait3A_94 : memref<64xi32, #tpu.memory_space<hbm>>) dst(%arg10 : memref<64xi32, #tpu.memory_space<vmem>>)
      tpu.yield
    }) : () -> ()
    "tpu.region"() ({
      %run_scoped3A = tpu.sem_alloc : memref<!tpu.dma_semaphore, #tpu.memory_space<semaphore_mem>>
      %dma_start3A = arith.constant 0 : i32
      %dma_start3A_93 = tpu.memref_slice %arg6[%add3A_26, %dma_start3A] : memref<16384x128xf32, #tpu.memory_space<hbm>> -> memref<64x128xf32, #tpu.memory_space<hbm>>
      %dma_start3A_94 = arith.constant 0 : i32
      %dma_start3A_95 = tpu.memref_slice %arg6[%add3A_26, %dma_start3A_94] : memref<16384x128xf32, #tpu.memory_space<hbm>> -> memref<64x128xf32, #tpu.memory_space<hbm>>
      tpu.enqueue_dma source(%dma_start3A_95 : memref<64x128xf32, #tpu.memory_space<hbm>>) target(%arg11 : memref<64x128xf32, #tpu.memory_space<vmem>>) target_semaphore(%run_scoped3A : memref<!tpu.dma_semaphore, #tpu.memory_space<semaphore_mem>>)
      %dma_wait3A = arith.constant 0 : i32
      %dma_wait3A_96 = tpu.memref_slice %arg6[%add3A_26, %dma_wait3A] : memref<16384x128xf32, #tpu.memory_space<hbm>> -> memref<64x128xf32, #tpu.memory_space<hbm>>
      %dma_wait3A_97 = arith.constant 0 : i32
      %dma_wait3A_98 = tpu.memref_slice %arg6[%add3A_26, %dma_wait3A_97] : memref<16384x128xf32, #tpu.memory_space<hbm>> -> memref<64x128xf32, #tpu.memory_space<hbm>>
      tpu.wait_dma2 semaphore(%run_scoped3A : memref<!tpu.dma_semaphore, #tpu.memory_space<semaphore_mem>>) src(%dma_wait3A_98 : memref<64x128xf32, #tpu.memory_space<hbm>>) dst(%arg11 : memref<64x128xf32, #tpu.memory_space<vmem>>)
      tpu.yield
    }) : () -> ()
    "tpu.region"() ({
      %run_scoped3A = tpu.sem_alloc : memref<!tpu.dma_semaphore, #tpu.memory_space<semaphore_mem>>
      %dma_start3A = arith.constant 0 : i32
      %dma_start3A_93 = tpu.memref_slice %arg3[%add3A_26, %dma_start3A] : memref<16384x128xf32, #tpu.memory_space<hbm>> -> memref<64x128xf32, #tpu.memory_space<hbm>>
      %dma_start3A_94 = arith.constant 0 : i32
      %dma_start3A_95 = tpu.memref_slice %arg3[%add3A_26, %dma_start3A_94] : memref<16384x128xf32, #tpu.memory_space<hbm>> -> memref<64x128xf32, #tpu.memory_space<hbm>>
      tpu.enqueue_dma source(%dma_start3A_95 : memref<64x128xf32, #tpu.memory_space<hbm>>) target(%arg12 : memref<64x128xf32, #tpu.memory_space<vmem>>) target_semaphore(%run_scoped3A : memref<!tpu.dma_semaphore, #tpu.memory_space<semaphore_mem>>)
      %dma_wait3A = arith.constant 0 : i32
      %dma_wait3A_96 = tpu.memref_slice %arg3[%add3A_26, %dma_wait3A] : memref<16384x128xf32, #tpu.memory_space<hbm>> -> memref<64x128xf32, #tpu.memory_space<hbm>>
      %dma_wait3A_97 = arith.constant 0 : i32
      %dma_wait3A_98 = tpu.memref_slice %arg3[%add3A_26, %dma_wait3A_97] : memref<16384x128xf32, #tpu.memory_space<hbm>> -> memref<64x128xf32, #tpu.memory_space<hbm>>
      tpu.wait_dma2 semaphore(%run_scoped3A : memref<!tpu.dma_semaphore, #tpu.memory_space<semaphore_mem>>) src(%dma_wait3A_98 : memref<64x128xf32, #tpu.memory_space<hbm>>) dst(%arg12 : memref<64x128xf32, #tpu.memory_space<vmem>>)
      tpu.yield
    }) : () -> ()
    "tpu.region"() ({
      %run_scoped3A = tpu.sem_alloc : memref<!tpu.dma_semaphore, #tpu.memory_space<semaphore_mem>>
      %dma_start3A = arith.constant 0 : i32
      %dma_start3A_93 = arith.constant 0 : i32
      %dma_start3A_94 = tpu.memref_slice %arg15[%dma_start3A, %dma_start3A_93] : memref<512x128xf32, #tpu.memory_space<vmem_shared>> -> memref<512x128xf32, #tpu.memory_space<vmem_shared>>
      tpu.enqueue_indirect_dma source(%dma_start3A_94 : memref<512x128xf32, #tpu.memory_space<vmem_shared>>) target(%arg8 : memref<64x128xf32, #tpu.memory_space<vmem>>) offsets(%arg9 : memref<64xi32, #tpu.memory_space<vmem>>) semaphore(%run_scoped3A : memref<!tpu.dma_semaphore, #tpu.memory_space<semaphore_mem>>)
      %dma_wait3A = arith.constant 0 : i32
      %dma_wait3A_95 = arith.constant 0 : i32
      %dma_wait3A_96 = tpu.memref_slice %arg15[%dma_wait3A, %dma_wait3A_95] : memref<512x128xf32, #tpu.memory_space<vmem_shared>> -> memref<512x128xf32, #tpu.memory_space<vmem_shared>>
      tpu.wait_indirect_dma semaphore(%run_scoped3A : memref<!tpu.dma_semaphore, #tpu.memory_space<semaphore_mem>>) src(%dma_wait3A_96 : memref<512x128xf32, #tpu.memory_space<vmem_shared>>) dst(%arg8 : memref<64x128xf32, #tpu.memory_space<vmem>>)
      tpu.yield
    }) : () -> ()
    %scan3A_27 = arith.constant 0 : i32
    %scan3A_28 = arith.constant 0 : i32
    %scan3A_29 = arith.constant 64 : i32
    %scan3A_30 = arith.addi %scan3A_28, %scan3A_29 : i32
    %scan3A_31 = arith.constant 1 : i32
    %scan3A_32 = scf.for %scan3A_93 = %scan3A_28 to %scan3A_30 step %scan3A_31 iter_args(%scan3A_94 = %scan3A_27) -> (i32)  : i32 {
      %get3A = arith.index_cast %scan3A_93 : i32 to index
      %get3A_95 = arith.constant 0 : index
      %get3A_96 = tpu.vector_load %arg12[%get3A, %get3A_95] {strides = array<i32>} : memref<64x128xf32, #tpu.memory_space<vmem>>, vector<1x16xf32>,
      %get3A_97 = vector.shape_cast %get3A_96 : vector<1x16xf32> to vector<16xf32>
      %get3A_98 = arith.index_cast %scan3A_93 : i32 to index
      %get3A_99 = arith.constant 0 : index
      %get3A_100 = tpu.vector_load %arg8[%get3A_98, %get3A_99] {strides = array<i32>} : memref<64x128xf32, #tpu.memory_space<vmem>>, vector<1x16xf32>,
      %get3A_101 = vector.shape_cast %get3A_100 : vector<1x16xf32> to vector<16xf32>
      %get3A_102 = arith.index_cast %scan3A_93 : i32 to index
      %get3A_103 = arith.constant 0 : index
      %get3A_104 = tpu.vector_load %arg11[%get3A_102, %get3A_103] {strides = array<i32>} : memref<64x128xf32, #tpu.memory_space<vmem>>, vector<1x16xf32>,
      %get3A_105 = vector.shape_cast %get3A_104 : vector<1x16xf32> to vector<16xf32>
      %add3A_106 = arith.addf %get3A_101, %get3A_105 : vector<16xf32>
      %mul3A_107 = arith.mulf %get3A_97, %add3A_106 : vector<16xf32>
      %swap3A = arith.index_cast %scan3A_93 : i32 to index
      %swap3A_108 = arith.constant 0 : index
      %swap3A_109 = tpu.vector_load %arg12[%swap3A, %swap3A_108] {strides = array<i32>} : memref<64x128xf32, #tpu.memory_space<vmem>>, vector<1x16xf32>,
      %swap3A_110 = vector.shape_cast %swap3A_109 : vector<1x16xf32> to vector<16xf32>
      %swap3A_111 = vector.shape_cast %mul3A_107 : vector<16xf32> to vector<1x16xf32>
      tpu.vector_store %arg12[%swap3A, %swap3A_108], %swap3A_111 {strides = array<i32>} : memref<64x128xf32, #tpu.memory_space<vmem>>, vector<1x16xf32>,
      %get3A_112 = arith.index_cast %scan3A_93 : i32 to index
      %get3A_113 = arith.constant 16 : index
      %get3A_114 = tpu.vector_load %arg12[%get3A_112, %get3A_113] {strides = array<i32>} : memref<64x128xf32, #tpu.memory_space<vmem>>, vector<1x16xf32>,
      %get3A_115 = vector.shape_cast %get3A_114 : vector<1x16xf32> to vector<16xf32>
      %get3A_116 = arith.index_cast %scan3A_93 : i32 to index
      %get3A_117 = arith.constant 16 : index
      %get3A_118 = tpu.vector_load %arg8[%get3A_116, %get3A_117] {strides = array<i32>} : memref<64x128xf32, #tpu.memory_space<vmem>>, vector<1x16xf32>,
      %get3A_119 = vector.shape_cast %get3A_118 : vector<1x16xf32> to vector<16xf32>
      %get3A_120 = arith.index_cast %scan3A_93 : i32 to index
      %get3A_121 = arith.constant 16 : index
      %get3A_122 = tpu.vector_load %arg11[%get3A_120, %get3A_121] {strides = array<i32>} : memref<64x128xf32, #tpu.memory_space<vmem>>, vector<1x16xf32>,
      %get3A_123 = vector.shape_cast %get3A_122 : vector<1x16xf32> to vector<16xf32>
      %add3A_124 = arith.addf %get3A_119, %get3A_123 : vector<16xf32>
      %mul3A_125 = arith.mulf %get3A_115, %add3A_124 : vector<16xf32>
      %swap3A_126 = arith.index_cast %scan3A_93 : i32 to index
      %swap3A_127 = arith.constant 16 : index
      %swap3A_128 = tpu.vector_load %arg12[%swap3A_126, %swap3A_127] {strides = array<i32>} : memref<64x128xf32, #tpu.memory_space<vmem>>, vector<1x16xf32>,
      %swap3A_129 = vector.shape_cast %swap3A_128 : vector<1x16xf32> to vector<16xf32>
      %swap3A_130 = vector.shape_cast %mul3A_125 : vector<16xf32> to vector<1x16xf32>
      tpu.vector_store %arg12[%swap3A_126, %swap3A_127], %swap3A_130 {strides = array<i32>} : memref<64x128xf32, #tpu.memory_space<vmem>>, vector<1x16xf32>,
      %get3A_131 = arith.index_cast %scan3A_93 : i32 to index
      %get3A_132 = arith.constant 32 : index
      %get3A_133 = tpu.vector_load %arg12[%get3A_131, %get3A_132] {strides = array<i32>} : memref<64x128xf32, #tpu.memory_space<vmem>>, vector<1x16xf32>,
      %get3A_134 = vector.shape_cast %get3A_133 : vector<1x16xf32> to vector<16xf32>
      %get3A_135 = arith.index_cast %scan3A_93 : i32 to index
      %get3A_136 = arith.constant 32 : index
      %get3A_137 = tpu.vector_load %arg8[%get3A_135, %get3A_136] {strides = array<i32>} : memref<64x128xf32, #tpu.memory_space<vmem>>, vector<1x16xf32>,
      %get3A_138 = vector.shape_cast %get3A_137 : vector<1x16xf32> to vector<16xf32>
      %get3A_139 = arith.index_cast %scan3A_93 : i32 to index
      %get3A_140 = arith.constant 32 : index
      %get3A_141 = tpu.vector_load %arg11[%get3A_139, %get3A_140] {strides = array<i32>} : memref<64x128xf32, #tpu.memory_space<vmem>>, vector<1x16xf32>,
      %get3A_142 = vector.shape_cast %get3A_141 : vector<1x16xf32> to vector<16xf32>
      %add3A_143 = arith.addf %get3A_138, %get3A_142 : vector<16xf32>
      %mul3A_144 = arith.mulf %get3A_134, %add3A_143 : vector<16xf32>
      %swap3A_145 = arith.index_cast %scan3A_93 : i32 to index
      %swap3A_146 = arith.constant 32 : index
      %swap3A_147 = tpu.vector_load %arg12[%swap3A_145, %swap3A_146] {strides = array<i32>} : memref<64x128xf32, #tpu.memory_space<vmem>>, vector<1x16xf32>,
      %swap3A_148 = vector.shape_cast %swap3A_147 : vector<1x16xf32> to vector<16xf32>
      %swap3A_149 = vector.shape_cast %mul3A_144 : vector<16xf32> to vector<1x16xf32>
      tpu.vector_store %arg12[%swap3A_145, %swap3A_146], %swap3A_149 {strides = array<i32>} : memref<64x128xf32, #tpu.memory_space<vmem>>, vector<1x16xf32>,
      %get3A_150 = arith.index_cast %scan3A_93 : i32 to index
      %get3A_151 = arith.constant 48 : index
      %get3A_152 = tpu.vector_load %arg12[%get3A_150, %get3A_151] {strides = array<i32>} : memref<64x128xf32, #tpu.memory_space<vmem>>, vector<1x16xf32>,
      %get3A_153 = vector.shape_cast %get3A_152 : vector<1x16xf32> to vector<16xf32>
      %get3A_154 = arith.index_cast %scan3A_93 : i32 to index
      %get3A_155 = arith.constant 48 : index
      %get3A_156 = tpu.vector_load %arg8[%get3A_154, %get3A_155] {strides = array<i32>} : memref<64x128xf32, #tpu.memory_space<vmem>>, vector<1x16xf32>,
      %get3A_157 = vector.shape_cast %get3A_156 : vector<1x16xf32> to vector<16xf32>
      %get3A_158 = arith.index_cast %scan3A_93 : i32 to index
      %get3A_159 = arith.constant 48 : index
      %get3A_160 = tpu.vector_load %arg11[%get3A_158, %get3A_159] {strides = array<i32>} : memref<64x128xf32, #tpu.memory_space<vmem>>, vector<1x16xf32>,
      %get3A_161 = vector.shape_cast %get3A_160 : vector<1x16xf32> to vector<16xf32>
      %add3A_162 = arith.addf %get3A_157, %get3A_161 : vector<16xf32>
      %mul3A_163 = arith.mulf %get3A_153, %add3A_162 : vector<16xf32>
      %swap3A_164 = arith.index_cast %scan3A_93 : i32 to index
      %swap3A_165 = arith.constant 48 : index
      %swap3A_166 = tpu.vector_load %arg12[%swap3A_164, %swap3A_165] {strides = array<i32>} : memref<64x128xf32, #tpu.memory_space<vmem>>, vector<1x16xf32>,
      %swap3A_167 = vector.shape_cast %swap3A_166 : vector<1x16xf32> to vector<16xf32>
      %swap3A_168 = vector.shape_cast %mul3A_163 : vector<16xf32> to vector<1x16xf32>
      tpu.vector_store %arg12[%swap3A_164, %swap3A_165], %swap3A_168 {strides = array<i32>} : memref<64x128xf32, #tpu.memory_space<vmem>>, vector<1x16xf32>,
      %get3A_169 = arith.index_cast %scan3A_93 : i32 to index
      %get3A_170 = arith.constant 64 : index
      %get3A_171 = tpu.vector_load %arg12[%get3A_169, %get3A_170] {strides = array<i32>} : memref<64x128xf32, #tpu.memory_space<vmem>>, vector<1x16xf32>,
      %get3A_172 = vector.shape_cast %get3A_171 : vector<1x16xf32> to vector<16xf32>
      %get3A_173 = arith.index_cast %scan3A_93 : i32 to index
      %get3A_174 = arith.constant 64 : index
      %get3A_175 = tpu.vector_load %arg8[%get3A_173, %get3A_174] {strides = array<i32>} : memref<64x128xf32, #tpu.memory_space<vmem>>, vector<1x16xf32>,
      %get3A_176 = vector.shape_cast %get3A_175 : vector<1x16xf32> to vector<16xf32>
      %get3A_177 = arith.index_cast %scan3A_93 : i32 to index
      %get3A_178 = arith.constant 64 : index
      %get3A_179 = tpu.vector_load %arg11[%get3A_177, %get3A_178] {strides = array<i32>} : memref<64x128xf32, #tpu.memory_space<vmem>>, vector<1x16xf32>,
      %get3A_180 = vector.shape_cast %get3A_179 : vector<1x16xf32> to vector<16xf32>
      %add3A_181 = arith.addf %get3A_176, %get3A_180 : vector<16xf32>
      %mul3A_182 = arith.mulf %get3A_172, %add3A_181 : vector<16xf32>
      %swap3A_183 = arith.index_cast %scan3A_93 : i32 to index
      %swap3A_184 = arith.constant 64 : index
      %swap3A_185 = tpu.vector_load %arg12[%swap3A_183, %swap3A_184] {strides = array<i32>} : memref<64x128xf32, #tpu.memory_space<vmem>>, vector<1x16xf32>,
      %swap3A_186 = vector.shape_cast %swap3A_185 : vector<1x16xf32> to vector<16xf32>
      %swap3A_187 = vector.shape_cast %mul3A_182 : vector<16xf32> to vector<1x16xf32>
      tpu.vector_store %arg12[%swap3A_183, %swap3A_184], %swap3A_187 {strides = array<i32>} : memref<64x128xf32, #tpu.memory_space<vmem>>, vector<1x16xf32>,
      %get3A_188 = arith.index_cast %scan3A_93 : i32 to index
      %get3A_189 = arith.constant 80 : index
      %get3A_190 = tpu.vector_load %arg12[%get3A_188, %get3A_189] {strides = array<i32>} : memref<64x128xf32, #tpu.memory_space<vmem>>, vector<1x16xf32>,
      %get3A_191 = vector.shape_cast %get3A_190 : vector<1x16xf32> to vector<16xf32>
      %get3A_192 = arith.index_cast %scan3A_93 : i32 to index
      %get3A_193 = arith.constant 80 : index
      %get3A_194 = tpu.vector_load %arg8[%get3A_192, %get3A_193] {strides = array<i32>} : memref<64x128xf32, #tpu.memory_space<vmem>>, vector<1x16xf32>,
      %get3A_195 = vector.shape_cast %get3A_194 : vector<1x16xf32> to vector<16xf32>
      %get3A_196 = arith.index_cast %scan3A_93 : i32 to index
      %get3A_197 = arith.constant 80 : index
      %get3A_198 = tpu.vector_load %arg11[%get3A_196, %get3A_197] {strides = array<i32>} : memref<64x128xf32, #tpu.memory_space<vmem>>, vector<1x16xf32>,
      %get3A_199 = vector.shape_cast %get3A_198 : vector<1x16xf32> to vector<16xf32>
      %add3A_200 = arith.addf %get3A_195, %get3A_199 : vector<16xf32>
      %mul3A_201 = arith.mulf %get3A_191, %add3A_200 : vector<16xf32>
      %swap3A_202 = arith.index_cast %scan3A_93 : i32 to index
      %swap3A_203 = arith.constant 80 : index
      %swap3A_204 = tpu.vector_load %arg12[%swap3A_202, %swap3A_203] {strides = array<i32>} : memref<64x128xf32, #tpu.memory_space<vmem>>, vector<1x16xf32>,
      %swap3A_205 = vector.shape_cast %swap3A_204 : vector<1x16xf32> to vector<16xf32>
      %swap3A_206 = vector.shape_cast %mul3A_201 : vector<16xf32> to vector<1x16xf32>
      tpu.vector_store %arg12[%swap3A_202, %swap3A_203], %swap3A_206 {strides = array<i32>} : memref<64x128xf32, #tpu.memory_space<vmem>>, vector<1x16xf32>,
      %get3A_207 = arith.index_cast %scan3A_93 : i32 to index
      %get3A_208 = arith.constant 96 : index
      %get3A_209 = tpu.vector_load %arg12[%get3A_207, %get3A_208] {strides = array<i32>} : memref<64x128xf32, #tpu.memory_space<vmem>>, vector<1x16xf32>,
      %get3A_210 = vector.shape_cast %get3A_209 : vector<1x16xf32> to vector<16xf32>
      %get3A_211 = arith.index_cast %scan3A_93 : i32 to index
      %get3A_212 = arith.constant 96 : index
      %get3A_213 = tpu.vector_load %arg8[%get3A_211, %get3A_212] {strides = array<i32>} : memref<64x128xf32, #tpu.memory_space<vmem>>, vector<1x16xf32>,
      %get3A_214 = vector.shape_cast %get3A_213 : vector<1x16xf32> to vector<16xf32>
      %get3A_215 = arith.index_cast %scan3A_93 : i32 to index
      %get3A_216 = arith.constant 96 : index
      %get3A_217 = tpu.vector_load %arg11[%get3A_215, %get3A_216] {strides = array<i32>} : memref<64x128xf32, #tpu.memory_space<vmem>>, vector<1x16xf32>,
      %get3A_218 = vector.shape_cast %get3A_217 : vector<1x16xf32> to vector<16xf32>
      %add3A_219 = arith.addf %get3A_214, %get3A_218 : vector<16xf32>
      %mul3A_220 = arith.mulf %get3A_210, %add3A_219 : vector<16xf32>
      %swap3A_221 = arith.index_cast %scan3A_93 : i32 to index
      %swap3A_222 = arith.constant 96 : index
      %swap3A_223 = tpu.vector_load %arg12[%swap3A_221, %swap3A_222] {strides = array<i32>} : memref<64x128xf32, #tpu.memory_space<vmem>>, vector<1x16xf32>,
      %swap3A_224 = vector.shape_cast %swap3A_223 : vector<1x16xf32> to vector<16xf32>
      %swap3A_225 = vector.shape_cast %mul3A_220 : vector<16xf32> to vector<1x16xf32>
      tpu.vector_store %arg12[%swap3A_221, %swap3A_222], %swap3A_225 {strides = array<i32>} : memref<64x128xf32, #tpu.memory_space<vmem>>, vector<1x16xf32>,
      %get3A_226 = arith.index_cast %scan3A_93 : i32 to index
      %get3A_227 = arith.constant 112 : index
      %get3A_228 = tpu.vector_load %arg12[%get3A_226, %get3A_227] {strides = array<i32>} : memref<64x128xf32, #tpu.memory_space<vmem>>, vector<1x16xf32>,
      %get3A_229 = vector.shape_cast %get3A_228 : vector<1x16xf32> to vector<16xf32>
      %get3A_230 = arith.index_cast %scan3A_93 : i32 to index
      %get3A_231 = arith.constant 112 : index
      %get3A_232 = tpu.vector_load %arg8[%get3A_230, %get3A_231] {strides = array<i32>} : memref<64x128xf32, #tpu.memory_space<vmem>>, vector<1x16xf32>,
      %get3A_233 = vector.shape_cast %get3A_232 : vector<1x16xf32> to vector<16xf32>
      %get3A_234 = arith.index_cast %scan3A_93 : i32 to index
      %get3A_235 = arith.constant 112 : index
      %get3A_236 = tpu.vector_load %arg11[%get3A_234, %get3A_235] {strides = array<i32>} : memref<64x128xf32, #tpu.memory_space<vmem>>, vector<1x16xf32>,
      %get3A_237 = vector.shape_cast %get3A_236 : vector<1x16xf32> to vector<16xf32>
      %add3A_238 = arith.addf %get3A_233, %get3A_237 : vector<16xf32>
      %mul3A_239 = arith.mulf %get3A_229, %add3A_238 : vector<16xf32>
      %swap3A_240 = arith.index_cast %scan3A_93 : i32 to index
      %swap3A_241 = arith.constant 112 : index
      %swap3A_242 = tpu.vector_load %arg12[%swap3A_240, %swap3A_241] {strides = array<i32>} : memref<64x128xf32, #tpu.memory_space<vmem>>, vector<1x16xf32>,
      %swap3A_243 = vector.shape_cast %swap3A_242 : vector<1x16xf32> to vector<16xf32>
      %swap3A_244 = vector.shape_cast %mul3A_239 : vector<16xf32> to vector<1x16xf32>
      tpu.vector_store %arg12[%swap3A_240, %swap3A_241], %swap3A_244 {strides = array<i32>} : memref<64x128xf32, #tpu.memory_space<vmem>>, vector<1x16xf32>,
      %scan3A_245 = arith.constant 0 : i32
      scf.yield %scan3A_245 : i32
    }
    %scan3A_33 = arith.constant 64 : i32
    "tpu.region"() ({
      %run_scoped3A = tpu.sem_alloc : memref<!tpu.dma_semaphore, #tpu.memory_space<semaphore_mem>>
      %dma_start3A = arith.constant 0 : i32
      %dma_start3A_93 = arith.constant 0 : i32
      %dma_start3A_94 = tpu.memref_slice %arg14[%dma_start3A, %dma_start3A_93] : memref<512x128xf32, #tpu.memory_space<vmem_shared>> -> memref<512x128xf32, #tpu.memory_space<vmem_shared>>
      tpu.enqueue_indirect_dma source(%arg12 : memref<64x128xf32, #tpu.memory_space<vmem>>) target(%dma_start3A_94 : memref<512x128xf32, #tpu.memory_space<vmem_shared>>) offsets(%arg10 : memref<64xi32, #tpu.memory_space<vmem>>) semaphore(%run_scoped3A : memref<!tpu.dma_semaphore, #tpu.memory_space<semaphore_mem>>) {add = true}
      %dma_wait3A = arith.constant 0 : i32
      %dma_wait3A_95 = arith.constant 0 : i32
      %dma_wait3A_96 = tpu.memref_slice %arg14[%dma_wait3A, %dma_wait3A_95] : memref<512x128xf32, #tpu.memory_space<vmem_shared>> -> memref<512x128xf32, #tpu.memory_space<vmem_shared>>
      tpu.wait_indirect_dma semaphore(%run_scoped3A : memref<!tpu.dma_semaphore, #tpu.memory_space<semaphore_mem>>) src(%arg12 : memref<64x128xf32, #tpu.memory_space<vmem>>) dst(%dma_wait3A_96 : memref<512x128xf32, #tpu.memory_space<vmem_shared>>)
      tpu.yield
    }) : () -> ()
    %add3A_34 = arith.constant 128 : i32
    %add3A_35 = arith.addi %mul3A_2, %add3A_34 : i32
    "tpu.region"() ({
      %run_scoped3A = tpu.sem_alloc : memref<!tpu.dma_semaphore, #tpu.memory_space<semaphore_mem>>
      %dma_start3A = tpu.memref_slice %arg4[%add3A_35] : memref<16384xi32, #tpu.memory_space<hbm>> -> memref<64xi32, #tpu.memory_space<hbm>>
      %dma_start3A_93 = tpu.memref_slice %arg4[%add3A_35] : memref<16384xi32, #tpu.memory_space<hbm>> -> memref<64xi32, #tpu.memory_space<hbm>>
      tpu.enqueue_dma source(%dma_start3A_93 : memref<64xi32, #tpu.memory_space<hbm>>) target(%arg9 : memref<64xi32, #tpu.memory_space<vmem>>) target_semaphore(%run_scoped3A : memref<!tpu.dma_semaphore, #tpu.memory_space<semaphore_mem>>)
      %dma_wait3A = tpu.memref_slice %arg4[%add3A_35] : memref<16384xi32, #tpu.memory_space<hbm>> -> memref<64xi32, #tpu.memory_space<hbm>>
      %dma_wait3A_94 = tpu.memref_slice %arg4[%add3A_35] : memref<16384xi32, #tpu.memory_space<hbm>> -> memref<64xi32, #tpu.memory_space<hbm>>
      tpu.wait_dma2 semaphore(%run_scoped3A : memref<!tpu.dma_semaphore, #tpu.memory_space<semaphore_mem>>) src(%dma_wait3A_94 : memref<64xi32, #tpu.memory_space<hbm>>) dst(%arg9 : memref<64xi32, #tpu.memory_space<vmem>>)
      tpu.yield
    }) : () -> ()
    "tpu.region"() ({
      %run_scoped3A = tpu.sem_alloc : memref<!tpu.dma_semaphore, #tpu.memory_space<semaphore_mem>>
      %dma_start3A = tpu.memref_slice %arg5[%add3A_35] : memref<16384xi32, #tpu.memory_space<hbm>> -> memref<64xi32, #tpu.memory_space<hbm>>
      %dma_start3A_93 = tpu.memref_slice %arg5[%add3A_35] : memref<16384xi32, #tpu.memory_space<hbm>> -> memref<64xi32, #tpu.memory_space<hbm>>
      tpu.enqueue_dma source(%dma_start3A_93 : memref<64xi32, #tpu.memory_space<hbm>>) target(%arg10 : memref<64xi32, #tpu.memory_space<vmem>>) target_semaphore(%run_scoped3A : memref<!tpu.dma_semaphore, #tpu.memory_space<semaphore_mem>>)
      %dma_wait3A = tpu.memref_slice %arg5[%add3A_35] : memref<16384xi32, #tpu.memory_space<hbm>> -> memref<64xi32, #tpu.memory_space<hbm>>
      %dma_wait3A_94 = tpu.memref_slice %arg5[%add3A_35] : memref<16384xi32, #tpu.memory_space<hbm>> -> memref<64xi32, #tpu.memory_space<hbm>>
      tpu.wait_dma2 semaphore(%run_scoped3A : memref<!tpu.dma_semaphore, #tpu.memory_space<semaphore_mem>>) src(%dma_wait3A_94 : memref<64xi32, #tpu.memory_space<hbm>>) dst(%arg10 : memref<64xi32, #tpu.memory_space<vmem>>)
      tpu.yield
    }) : () -> ()
    "tpu.region"() ({
      %run_scoped3A = tpu.sem_alloc : memref<!tpu.dma_semaphore, #tpu.memory_space<semaphore_mem>>
      %dma_start3A = arith.constant 0 : i32
      %dma_start3A_93 = tpu.memref_slice %arg6[%add3A_35, %dma_start3A] : memref<16384x128xf32, #tpu.memory_space<hbm>> -> memref<64x128xf32, #tpu.memory_space<hbm>>
      %dma_start3A_94 = arith.constant 0 : i32
      %dma_start3A_95 = tpu.memref_slice %arg6[%add3A_35, %dma_start3A_94] : memref<16384x128xf32, #tpu.memory_space<hbm>> -> memref<64x128xf32, #tpu.memory_space<hbm>>
      tpu.enqueue_dma source(%dma_start3A_95 : memref<64x128xf32, #tpu.memory_space<hbm>>) target(%arg11 : memref<64x128xf32, #tpu.memory_space<vmem>>) target_semaphore(%run_scoped3A : memref<!tpu.dma_semaphore, #tpu.memory_space<semaphore_mem>>)
      %dma_wait3A = arith.constant 0 : i32
      %dma_wait3A_96 = tpu.memref_slice %arg6[%add3A_35, %dma_wait3A] : memref<16384x128xf32, #tpu.memory_space<hbm>> -> memref<64x128xf32, #tpu.memory_space<hbm>>
      %dma_wait3A_97 = arith.constant 0 : i32
      %dma_wait3A_98 = tpu.memref_slice %arg6[%add3A_35, %dma_wait3A_97] : memref<16384x128xf32, #tpu.memory_space<hbm>> -> memref<64x128xf32, #tpu.memory_space<hbm>>
      tpu.wait_dma2 semaphore(%run_scoped3A : memref<!tpu.dma_semaphore, #tpu.memory_space<semaphore_mem>>) src(%dma_wait3A_98 : memref<64x128xf32, #tpu.memory_space<hbm>>) dst(%arg11 : memref<64x128xf32, #tpu.memory_space<vmem>>)
      tpu.yield
    }) : () -> ()
    "tpu.region"() ({
      %run_scoped3A = tpu.sem_alloc : memref<!tpu.dma_semaphore, #tpu.memory_space<semaphore_mem>>
      %dma_start3A = arith.constant 0 : i32
      %dma_start3A_93 = tpu.memref_slice %arg3[%add3A_35, %dma_start3A] : memref<16384x128xf32, #tpu.memory_space<hbm>> -> memref<64x128xf32, #tpu.memory_space<hbm>>
      %dma_start3A_94 = arith.constant 0 : i32
      %dma_start3A_95 = tpu.memref_slice %arg3[%add3A_35, %dma_start3A_94] : memref<16384x128xf32, #tpu.memory_space<hbm>> -> memref<64x128xf32, #tpu.memory_space<hbm>>
      tpu.enqueue_dma source(%dma_start3A_95 : memref<64x128xf32, #tpu.memory_space<hbm>>) target(%arg12 : memref<64x128xf32, #tpu.memory_space<vmem>>) target_semaphore(%run_scoped3A : memref<!tpu.dma_semaphore, #tpu.memory_space<semaphore_mem>>)
      %dma_wait3A = arith.constant 0 : i32
      %dma_wait3A_96 = tpu.memref_slice %arg3[%add3A_35, %dma_wait3A] : memref<16384x128xf32, #tpu.memory_space<hbm>> -> memref<64x128xf32, #tpu.memory_space<hbm>>
      %dma_wait3A_97 = arith.constant 0 : i32
      %dma_wait3A_98 = tpu.memref_slice %arg3[%add3A_35, %dma_wait3A_97] : memref<16384x128xf32, #tpu.memory_space<hbm>> -> memref<64x128xf32, #tpu.memory_space<hbm>>
      tpu.wait_dma2 semaphore(%run_scoped3A : memref<!tpu.dma_semaphore, #tpu.memory_space<semaphore_mem>>) src(%dma_wait3A_98 : memref<64x128xf32, #tpu.memory_space<hbm>>) dst(%arg12 : memref<64x128xf32, #tpu.memory_space<vmem>>)
      tpu.yield
    }) : () -> ()
    "tpu.region"() ({
      %run_scoped3A = tpu.sem_alloc : memref<!tpu.dma_semaphore, #tpu.memory_space<semaphore_mem>>
      %dma_start3A = arith.constant 0 : i32
      %dma_start3A_93 = arith.constant 0 : i32
      %dma_start3A_94 = tpu.memref_slice %arg15[%dma_start3A, %dma_start3A_93] : memref<512x128xf32, #tpu.memory_space<vmem_shared>> -> memref<512x128xf32, #tpu.memory_space<vmem_shared>>
      tpu.enqueue_indirect_dma source(%dma_start3A_94 : memref<512x128xf32, #tpu.memory_space<vmem_shared>>) target(%arg8 : memref<64x128xf32, #tpu.memory_space<vmem>>) offsets(%arg9 : memref<64xi32, #tpu.memory_space<vmem>>) semaphore(%run_scoped3A : memref<!tpu.dma_semaphore, #tpu.memory_space<semaphore_mem>>)
      %dma_wait3A = arith.constant 0 : i32
      %dma_wait3A_95 = arith.constant 0 : i32
      %dma_wait3A_96 = tpu.memref_slice %arg15[%dma_wait3A, %dma_wait3A_95] : memref<512x128xf32, #tpu.memory_space<vmem_shared>> -> memref<512x128xf32, #tpu.memory_space<vmem_shared>>
      tpu.wait_indirect_dma semaphore(%run_scoped3A : memref<!tpu.dma_semaphore, #tpu.memory_space<semaphore_mem>>) src(%dma_wait3A_96 : memref<512x128xf32, #tpu.memory_space<vmem_shared>>) dst(%arg8 : memref<64x128xf32, #tpu.memory_space<vmem>>)
      tpu.yield
    }) : () -> ()
    %scan3A_36 = arith.constant 0 : i32
    %scan3A_37 = arith.constant 0 : i32
    %scan3A_38 = arith.constant 64 : i32
    %scan3A_39 = arith.addi %scan3A_37, %scan3A_38 : i32
    %scan3A_40 = arith.constant 1 : i32
    %scan3A_41 = scf.for %scan3A_93 = %scan3A_37 to %scan3A_39 step %scan3A_40 iter_args(%scan3A_94 = %scan3A_36) -> (i32)  : i32 {
      %get3A = arith.index_cast %scan3A_93 : i32 to index
      %get3A_95 = arith.constant 0 : index
      %get3A_96 = tpu.vector_load %arg12[%get3A, %get3A_95] {strides = array<i32>} : memref<64x128xf32, #tpu.memory_space<vmem>>, vector<1x16xf32>,
      %get3A_97 = vector.shape_cast %get3A_96 : vector<1x16xf32> to vector<16xf32>
      %get3A_98 = arith.index_cast %scan3A_93 : i32 to index
      %get3A_99 = arith.constant 0 : index
      %get3A_100 = tpu.vector_load %arg8[%get3A_98, %get3A_99] {strides = array<i32>} : memref<64x128xf32, #tpu.memory_space<vmem>>, vector<1x16xf32>,
      %get3A_101 = vector.shape_cast %get3A_100 : vector<1x16xf32> to vector<16xf32>
      %get3A_102 = arith.index_cast %scan3A_93 : i32 to index
      %get3A_103 = arith.constant 0 : index
      %get3A_104 = tpu.vector_load %arg11[%get3A_102, %get3A_103] {strides = array<i32>} : memref<64x128xf32, #tpu.memory_space<vmem>>, vector<1x16xf32>,
      %get3A_105 = vector.shape_cast %get3A_104 : vector<1x16xf32> to vector<16xf32>
      %add3A_106 = arith.addf %get3A_101, %get3A_105 : vector<16xf32>
      %mul3A_107 = arith.mulf %get3A_97, %add3A_106 : vector<16xf32>
      %swap3A = arith.index_cast %scan3A_93 : i32 to index
      %swap3A_108 = arith.constant 0 : index
      %swap3A_109 = tpu.vector_load %arg12[%swap3A, %swap3A_108] {strides = array<i32>} : memref<64x128xf32, #tpu.memory_space<vmem>>, vector<1x16xf32>,
      %swap3A_110 = vector.shape_cast %swap3A_109 : vector<1x16xf32> to vector<16xf32>
      %swap3A_111 = vector.shape_cast %mul3A_107 : vector<16xf32> to vector<1x16xf32>
      tpu.vector_store %arg12[%swap3A, %swap3A_108], %swap3A_111 {strides = array<i32>} : memref<64x128xf32, #tpu.memory_space<vmem>>, vector<1x16xf32>,
      %get3A_112 = arith.index_cast %scan3A_93 : i32 to index
      %get3A_113 = arith.constant 16 : index
      %get3A_114 = tpu.vector_load %arg12[%get3A_112, %get3A_113] {strides = array<i32>} : memref<64x128xf32, #tpu.memory_space<vmem>>, vector<1x16xf32>,
      %get3A_115 = vector.shape_cast %get3A_114 : vector<1x16xf32> to vector<16xf32>
      %get3A_116 = arith.index_cast %scan3A_93 : i32 to index
      %get3A_117 = arith.constant 16 : index
      %get3A_118 = tpu.vector_load %arg8[%get3A_116, %get3A_117] {strides = array<i32>} : memref<64x128xf32, #tpu.memory_space<vmem>>, vector<1x16xf32>,
      %get3A_119 = vector.shape_cast %get3A_118 : vector<1x16xf32> to vector<16xf32>
      %get3A_120 = arith.index_cast %scan3A_93 : i32 to index
      %get3A_121 = arith.constant 16 : index
      %get3A_122 = tpu.vector_load %arg11[%get3A_120, %get3A_121] {strides = array<i32>} : memref<64x128xf32, #tpu.memory_space<vmem>>, vector<1x16xf32>,
      %get3A_123 = vector.shape_cast %get3A_122 : vector<1x16xf32> to vector<16xf32>
      %add3A_124 = arith.addf %get3A_119, %get3A_123 : vector<16xf32>
      %mul3A_125 = arith.mulf %get3A_115, %add3A_124 : vector<16xf32>
      %swap3A_126 = arith.index_cast %scan3A_93 : i32 to index
      %swap3A_127 = arith.constant 16 : index
      %swap3A_128 = tpu.vector_load %arg12[%swap3A_126, %swap3A_127] {strides = array<i32>} : memref<64x128xf32, #tpu.memory_space<vmem>>, vector<1x16xf32>,
      %swap3A_129 = vector.shape_cast %swap3A_128 : vector<1x16xf32> to vector<16xf32>
      %swap3A_130 = vector.shape_cast %mul3A_125 : vector<16xf32> to vector<1x16xf32>
      tpu.vector_store %arg12[%swap3A_126, %swap3A_127], %swap3A_130 {strides = array<i32>} : memref<64x128xf32, #tpu.memory_space<vmem>>, vector<1x16xf32>,
      %get3A_131 = arith.index_cast %scan3A_93 : i32 to index
      %get3A_132 = arith.constant 32 : index
      %get3A_133 = tpu.vector_load %arg12[%get3A_131, %get3A_132] {strides = array<i32>} : memref<64x128xf32, #tpu.memory_space<vmem>>, vector<1x16xf32>,
      %get3A_134 = vector.shape_cast %get3A_133 : vector<1x16xf32> to vector<16xf32>
      %get3A_135 = arith.index_cast %scan3A_93 : i32 to index
      %get3A_136 = arith.constant 32 : index
      %get3A_137 = tpu.vector_load %arg8[%get3A_135, %get3A_136] {strides = array<i32>} : memref<64x128xf32, #tpu.memory_space<vmem>>, vector<1x16xf32>,
      %get3A_138 = vector.shape_cast %get3A_137 : vector<1x16xf32> to vector<16xf32>
      %get3A_139 = arith.index_cast %scan3A_93 : i32 to index
      %get3A_140 = arith.constant 32 : index
      %get3A_141 = tpu.vector_load %arg11[%get3A_139, %get3A_140] {strides = array<i32>} : memref<64x128xf32, #tpu.memory_space<vmem>>, vector<1x16xf32>,
      %get3A_142 = vector.shape_cast %get3A_141 : vector<1x16xf32> to vector<16xf32>
      %add3A_143 = arith.addf %get3A_138, %get3A_142 : vector<16xf32>
      %mul3A_144 = arith.mulf %get3A_134, %add3A_143 : vector<16xf32>
      %swap3A_145 = arith.index_cast %scan3A_93 : i32 to index
      %swap3A_146 = arith.constant 32 : index
      %swap3A_147 = tpu.vector_load %arg12[%swap3A_145, %swap3A_146] {strides = array<i32>} : memref<64x128xf32, #tpu.memory_space<vmem>>, vector<1x16xf32>,
      %swap3A_148 = vector.shape_cast %swap3A_147 : vector<1x16xf32> to vector<16xf32>
      %swap3A_149 = vector.shape_cast %mul3A_144 : vector<16xf32> to vector<1x16xf32>
      tpu.vector_store %arg12[%swap3A_145, %swap3A_146], %swap3A_149 {strides = array<i32>} : memref<64x128xf32, #tpu.memory_space<vmem>>, vector<1x16xf32>,
      %get3A_150 = arith.index_cast %scan3A_93 : i32 to index
      %get3A_151 = arith.constant 48 : index
      %get3A_152 = tpu.vector_load %arg12[%get3A_150, %get3A_151] {strides = array<i32>} : memref<64x128xf32, #tpu.memory_space<vmem>>, vector<1x16xf32>,
      %get3A_153 = vector.shape_cast %get3A_152 : vector<1x16xf32> to vector<16xf32>
      %get3A_154 = arith.index_cast %scan3A_93 : i32 to index
      %get3A_155 = arith.constant 48 : index
      %get3A_156 = tpu.vector_load %arg8[%get3A_154, %get3A_155] {strides = array<i32>} : memref<64x128xf32, #tpu.memory_space<vmem>>, vector<1x16xf32>,
      %get3A_157 = vector.shape_cast %get3A_156 : vector<1x16xf32> to vector<16xf32>
      %get3A_158 = arith.index_cast %scan3A_93 : i32 to index
      %get3A_159 = arith.constant 48 : index
      %get3A_160 = tpu.vector_load %arg11[%get3A_158, %get3A_159] {strides = array<i32>} : memref<64x128xf32, #tpu.memory_space<vmem>>, vector<1x16xf32>,
      %get3A_161 = vector.shape_cast %get3A_160 : vector<1x16xf32> to vector<16xf32>
      %add3A_162 = arith.addf %get3A_157, %get3A_161 : vector<16xf32>
      %mul3A_163 = arith.mulf %get3A_153, %add3A_162 : vector<16xf32>
      %swap3A_164 = arith.index_cast %scan3A_93 : i32 to index
      %swap3A_165 = arith.constant 48 : index
      %swap3A_166 = tpu.vector_load %arg12[%swap3A_164, %swap3A_165] {strides = array<i32>} : memref<64x128xf32, #tpu.memory_space<vmem>>, vector<1x16xf32>,
      %swap3A_167 = vector.shape_cast %swap3A_166 : vector<1x16xf32> to vector<16xf32>
      %swap3A_168 = vector.shape_cast %mul3A_163 : vector<16xf32> to vector<1x16xf32>
      tpu.vector_store %arg12[%swap3A_164, %swap3A_165], %swap3A_168 {strides = array<i32>} : memref<64x128xf32, #tpu.memory_space<vmem>>, vector<1x16xf32>,
      %get3A_169 = arith.index_cast %scan3A_93 : i32 to index
      %get3A_170 = arith.constant 64 : index
      %get3A_171 = tpu.vector_load %arg12[%get3A_169, %get3A_170] {strides = array<i32>} : memref<64x128xf32, #tpu.memory_space<vmem>>, vector<1x16xf32>,
      %get3A_172 = vector.shape_cast %get3A_171 : vector<1x16xf32> to vector<16xf32>
      %get3A_173 = arith.index_cast %scan3A_93 : i32 to index
      %get3A_174 = arith.constant 64 : index
      %get3A_175 = tpu.vector_load %arg8[%get3A_173, %get3A_174] {strides = array<i32>} : memref<64x128xf32, #tpu.memory_space<vmem>>, vector<1x16xf32>,
      %get3A_176 = vector.shape_cast %get3A_175 : vector<1x16xf32> to vector<16xf32>
      %get3A_177 = arith.index_cast %scan3A_93 : i32 to index
      %get3A_178 = arith.constant 64 : index
      %get3A_179 = tpu.vector_load %arg11[%get3A_177, %get3A_178] {strides = array<i32>} : memref<64x128xf32, #tpu.memory_space<vmem>>, vector<1x16xf32>,
      %get3A_180 = vector.shape_cast %get3A_179 : vector<1x16xf32> to vector<16xf32>
      %add3A_181 = arith.addf %get3A_176, %get3A_180 : vector<16xf32>
      %mul3A_182 = arith.mulf %get3A_172, %add3A_181 : vector<16xf32>
      %swap3A_183 = arith.index_cast %scan3A_93 : i32 to index
      %swap3A_184 = arith.constant 64 : index
      %swap3A_185 = tpu.vector_load %arg12[%swap3A_183, %swap3A_184] {strides = array<i32>} : memref<64x128xf32, #tpu.memory_space<vmem>>, vector<1x16xf32>,
      %swap3A_186 = vector.shape_cast %swap3A_185 : vector<1x16xf32> to vector<16xf32>
      %swap3A_187 = vector.shape_cast %mul3A_182 : vector<16xf32> to vector<1x16xf32>
      tpu.vector_store %arg12[%swap3A_183, %swap3A_184], %swap3A_187 {strides = array<i32>} : memref<64x128xf32, #tpu.memory_space<vmem>>, vector<1x16xf32>,
      %get3A_188 = arith.index_cast %scan3A_93 : i32 to index
      %get3A_189 = arith.constant 80 : index
      %get3A_190 = tpu.vector_load %arg12[%get3A_188, %get3A_189] {strides = array<i32>} : memref<64x128xf32, #tpu.memory_space<vmem>>, vector<1x16xf32>,
      %get3A_191 = vector.shape_cast %get3A_190 : vector<1x16xf32> to vector<16xf32>
      %get3A_192 = arith.index_cast %scan3A_93 : i32 to index
      %get3A_193 = arith.constant 80 : index
      %get3A_194 = tpu.vector_load %arg8[%get3A_192, %get3A_193] {strides = array<i32>} : memref<64x128xf32, #tpu.memory_space<vmem>>, vector<1x16xf32>,
      %get3A_195 = vector.shape_cast %get3A_194 : vector<1x16xf32> to vector<16xf32>
      %get3A_196 = arith.index_cast %scan3A_93 : i32 to index
      %get3A_197 = arith.constant 80 : index
      %get3A_198 = tpu.vector_load %arg11[%get3A_196, %get3A_197] {strides = array<i32>} : memref<64x128xf32, #tpu.memory_space<vmem>>, vector<1x16xf32>,
      %get3A_199 = vector.shape_cast %get3A_198 : vector<1x16xf32> to vector<16xf32>
      %add3A_200 = arith.addf %get3A_195, %get3A_199 : vector<16xf32>
      %mul3A_201 = arith.mulf %get3A_191, %add3A_200 : vector<16xf32>
      %swap3A_202 = arith.index_cast %scan3A_93 : i32 to index
      %swap3A_203 = arith.constant 80 : index
      %swap3A_204 = tpu.vector_load %arg12[%swap3A_202, %swap3A_203] {strides = array<i32>} : memref<64x128xf32, #tpu.memory_space<vmem>>, vector<1x16xf32>,
      %swap3A_205 = vector.shape_cast %swap3A_204 : vector<1x16xf32> to vector<16xf32>
      %swap3A_206 = vector.shape_cast %mul3A_201 : vector<16xf32> to vector<1x16xf32>
      tpu.vector_store %arg12[%swap3A_202, %swap3A_203], %swap3A_206 {strides = array<i32>} : memref<64x128xf32, #tpu.memory_space<vmem>>, vector<1x16xf32>,
      %get3A_207 = arith.index_cast %scan3A_93 : i32 to index
      %get3A_208 = arith.constant 96 : index
      %get3A_209 = tpu.vector_load %arg12[%get3A_207, %get3A_208] {strides = array<i32>} : memref<64x128xf32, #tpu.memory_space<vmem>>, vector<1x16xf32>,
      %get3A_210 = vector.shape_cast %get3A_209 : vector<1x16xf32> to vector<16xf32>
      %get3A_211 = arith.index_cast %scan3A_93 : i32 to index
      %get3A_212 = arith.constant 96 : index
      %get3A_213 = tpu.vector_load %arg8[%get3A_211, %get3A_212] {strides = array<i32>} : memref<64x128xf32, #tpu.memory_space<vmem>>, vector<1x16xf32>,
      %get3A_214 = vector.shape_cast %get3A_213 : vector<1x16xf32> to vector<16xf32>
      %get3A_215 = arith.index_cast %scan3A_93 : i32 to index
      %get3A_216 = arith.constant 96 : index
      %get3A_217 = tpu.vector_load %arg11[%get3A_215, %get3A_216] {strides = array<i32>} : memref<64x128xf32, #tpu.memory_space<vmem>>, vector<1x16xf32>,
      %get3A_218 = vector.shape_cast %get3A_217 : vector<1x16xf32> to vector<16xf32>
      %add3A_219 = arith.addf %get3A_214, %get3A_218 : vector<16xf32>
      %mul3A_220 = arith.mulf %get3A_210, %add3A_219 : vector<16xf32>
      %swap3A_221 = arith.index_cast %scan3A_93 : i32 to index
      %swap3A_222 = arith.constant 96 : index
      %swap3A_223 = tpu.vector_load %arg12[%swap3A_221, %swap3A_222] {strides = array<i32>} : memref<64x128xf32, #tpu.memory_space<vmem>>, vector<1x16xf32>,
      %swap3A_224 = vector.shape_cast %swap3A_223 : vector<1x16xf32> to vector<16xf32>
      %swap3A_225 = vector.shape_cast %mul3A_220 : vector<16xf32> to vector<1x16xf32>
      tpu.vector_store %arg12[%swap3A_221, %swap3A_222], %swap3A_225 {strides = array<i32>} : memref<64x128xf32, #tpu.memory_space<vmem>>, vector<1x16xf32>,
      %get3A_226 = arith.index_cast %scan3A_93 : i32 to index
      %get3A_227 = arith.constant 112 : index
      %get3A_228 = tpu.vector_load %arg12[%get3A_226, %get3A_227] {strides = array<i32>} : memref<64x128xf32, #tpu.memory_space<vmem>>, vector<1x16xf32>,
      %get3A_229 = vector.shape_cast %get3A_228 : vector<1x16xf32> to vector<16xf32>
      %get3A_230 = arith.index_cast %scan3A_93 : i32 to index
      %get3A_231 = arith.constant 112 : index
      %get3A_232 = tpu.vector_load %arg8[%get3A_230, %get3A_231] {strides = array<i32>} : memref<64x128xf32, #tpu.memory_space<vmem>>, vector<1x16xf32>,
      %get3A_233 = vector.shape_cast %get3A_232 : vector<1x16xf32> to vector<16xf32>
      %get3A_234 = arith.index_cast %scan3A_93 : i32 to index
      %get3A_235 = arith.constant 112 : index
      %get3A_236 = tpu.vector_load %arg11[%get3A_234, %get3A_235] {strides = array<i32>} : memref<64x128xf32, #tpu.memory_space<vmem>>, vector<1x16xf32>,
      %get3A_237 = vector.shape_cast %get3A_236 : vector<1x16xf32> to vector<16xf32>
      %add3A_238 = arith.addf %get3A_233, %get3A_237 : vector<16xf32>
      %mul3A_239 = arith.mulf %get3A_229, %add3A_238 : vector<16xf32>
      %swap3A_240 = arith.index_cast %scan3A_93 : i32 to index
      %swap3A_241 = arith.constant 112 : index
      %swap3A_242 = tpu.vector_load %arg12[%swap3A_240, %swap3A_241] {strides = array<i32>} : memref<64x128xf32, #tpu.memory_space<vmem>>, vector<1x16xf32>,
      %swap3A_243 = vector.shape_cast %swap3A_242 : vector<1x16xf32> to vector<16xf32>
      %swap3A_244 = vector.shape_cast %mul3A_239 : vector<16xf32> to vector<1x16xf32>
      tpu.vector_store %arg12[%swap3A_240, %swap3A_241], %swap3A_244 {strides = array<i32>} : memref<64x128xf32, #tpu.memory_space<vmem>>, vector<1x16xf32>,
      %scan3A_245 = arith.constant 0 : i32
      scf.yield %scan3A_245 : i32
    }
    %scan3A_42 = arith.constant 64 : i32
    "tpu.region"() ({
      %run_scoped3A = tpu.sem_alloc : memref<!tpu.dma_semaphore, #tpu.memory_space<semaphore_mem>>
      %dma_start3A = arith.constant 0 : i32
      %dma_start3A_93 = arith.constant 0 : i32
      %dma_start3A_94 = tpu.memref_slice %arg14[%dma_start3A, %dma_start3A_93] : memref<512x128xf32, #tpu.memory_space<vmem_shared>> -> memref<512x128xf32, #tpu.memory_space<vmem_shared>>
      tpu.enqueue_indirect_dma source(%arg12 : memref<64x128xf32, #tpu.memory_space<vmem>>) target(%dma_start3A_94 : memref<512x128xf32, #tpu.memory_space<vmem_shared>>) offsets(%arg10 : memref<64xi32, #tpu.memory_space<vmem>>) semaphore(%run_scoped3A : memref<!tpu.dma_semaphore, #tpu.memory_space<semaphore_mem>>) {add = true}
      %dma_wait3A = arith.constant 0 : i32
      %dma_wait3A_95 = arith.constant 0 : i32
      %dma_wait3A_96 = tpu.memref_slice %arg14[%dma_wait3A, %dma_wait3A_95] : memref<512x128xf32, #tpu.memory_space<vmem_shared>> -> memref<512x128xf32, #tpu.memory_space<vmem_shared>>
      tpu.wait_indirect_dma semaphore(%run_scoped3A : memref<!tpu.dma_semaphore, #tpu.memory_space<semaphore_mem>>) src(%arg12 : memref<64x128xf32, #tpu.memory_space<vmem>>) dst(%dma_wait3A_96 : memref<512x128xf32, #tpu.memory_space<vmem_shared>>)
      tpu.yield
    }) : () -> ()
    %add3A_43 = arith.constant 192 : i32
    %add3A_44 = arith.addi %mul3A_2, %add3A_43 : i32
    "tpu.region"() ({
      %run_scoped3A = tpu.sem_alloc : memref<!tpu.dma_semaphore, #tpu.memory_space<semaphore_mem>>
      %dma_start3A = tpu.memref_slice %arg4[%add3A_44] : memref<16384xi32, #tpu.memory_space<hbm>> -> memref<64xi32, #tpu.memory_space<hbm>>
      %dma_start3A_93 = tpu.memref_slice %arg4[%add3A_44] : memref<16384xi32, #tpu.memory_space<hbm>> -> memref<64xi32, #tpu.memory_space<hbm>>
      tpu.enqueue_dma source(%dma_start3A_93 : memref<64xi32, #tpu.memory_space<hbm>>) target(%arg9 : memref<64xi32, #tpu.memory_space<vmem>>) target_semaphore(%run_scoped3A : memref<!tpu.dma_semaphore, #tpu.memory_space<semaphore_mem>>)
      %dma_wait3A = tpu.memref_slice %arg4[%add3A_44] : memref<16384xi32, #tpu.memory_space<hbm>> -> memref<64xi32, #tpu.memory_space<hbm>>
      %dma_wait3A_94 = tpu.memref_slice %arg4[%add3A_44] : memref<16384xi32, #tpu.memory_space<hbm>> -> memref<64xi32, #tpu.memory_space<hbm>>
      tpu.wait_dma2 semaphore(%run_scoped3A : memref<!tpu.dma_semaphore, #tpu.memory_space<semaphore_mem>>) src(%dma_wait3A_94 : memref<64xi32, #tpu.memory_space<hbm>>) dst(%arg9 : memref<64xi32, #tpu.memory_space<vmem>>)
      tpu.yield
    }) : () -> ()
    "tpu.region"() ({
      %run_scoped3A = tpu.sem_alloc : memref<!tpu.dma_semaphore, #tpu.memory_space<semaphore_mem>>
      %dma_start3A = tpu.memref_slice %arg5[%add3A_44] : memref<16384xi32, #tpu.memory_space<hbm>> -> memref<64xi32, #tpu.memory_space<hbm>>
      %dma_start3A_93 = tpu.memref_slice %arg5[%add3A_44] : memref<16384xi32, #tpu.memory_space<hbm>> -> memref<64xi32, #tpu.memory_space<hbm>>
      tpu.enqueue_dma source(%dma_start3A_93 : memref<64xi32, #tpu.memory_space<hbm>>) target(%arg10 : memref<64xi32, #tpu.memory_space<vmem>>) target_semaphore(%run_scoped3A : memref<!tpu.dma_semaphore, #tpu.memory_space<semaphore_mem>>)
      %dma_wait3A = tpu.memref_slice %arg5[%add3A_44] : memref<16384xi32, #tpu.memory_space<hbm>> -> memref<64xi32, #tpu.memory_space<hbm>>
      %dma_wait3A_94 = tpu.memref_slice %arg5[%add3A_44] : memref<16384xi32, #tpu.memory_space<hbm>> -> memref<64xi32, #tpu.memory_space<hbm>>
      tpu.wait_dma2 semaphore(%run_scoped3A : memref<!tpu.dma_semaphore, #tpu.memory_space<semaphore_mem>>) src(%dma_wait3A_94 : memref<64xi32, #tpu.memory_space<hbm>>) dst(%arg10 : memref<64xi32, #tpu.memory_space<vmem>>)
      tpu.yield
    }) : () -> ()
    "tpu.region"() ({
      %run_scoped3A = tpu.sem_alloc : memref<!tpu.dma_semaphore, #tpu.memory_space<semaphore_mem>>
      %dma_start3A = arith.constant 0 : i32
      %dma_start3A_93 = tpu.memref_slice %arg6[%add3A_44, %dma_start3A] : memref<16384x128xf32, #tpu.memory_space<hbm>> -> memref<64x128xf32, #tpu.memory_space<hbm>>
      %dma_start3A_94 = arith.constant 0 : i32
      %dma_start3A_95 = tpu.memref_slice %arg6[%add3A_44, %dma_start3A_94] : memref<16384x128xf32, #tpu.memory_space<hbm>> -> memref<64x128xf32, #tpu.memory_space<hbm>>
      tpu.enqueue_dma source(%dma_start3A_95 : memref<64x128xf32, #tpu.memory_space<hbm>>) target(%arg11 : memref<64x128xf32, #tpu.memory_space<vmem>>) target_semaphore(%run_scoped3A : memref<!tpu.dma_semaphore, #tpu.memory_space<semaphore_mem>>)
      %dma_wait3A = arith.constant 0 : i32
      %dma_wait3A_96 = tpu.memref_slice %arg6[%add3A_44, %dma_wait3A] : memref<16384x128xf32, #tpu.memory_space<hbm>> -> memref<64x128xf32, #tpu.memory_space<hbm>>
      %dma_wait3A_97 = arith.constant 0 : i32
      %dma_wait3A_98 = tpu.memref_slice %arg6[%add3A_44, %dma_wait3A_97] : memref<16384x128xf32, #tpu.memory_space<hbm>> -> memref<64x128xf32, #tpu.memory_space<hbm>>
      tpu.wait_dma2 semaphore(%run_scoped3A : memref<!tpu.dma_semaphore, #tpu.memory_space<semaphore_mem>>) src(%dma_wait3A_98 : memref<64x128xf32, #tpu.memory_space<hbm>>) dst(%arg11 : memref<64x128xf32, #tpu.memory_space<vmem>>)
      tpu.yield
    }) : () -> ()
    "tpu.region"() ({
      %run_scoped3A = tpu.sem_alloc : memref<!tpu.dma_semaphore, #tpu.memory_space<semaphore_mem>>
      %dma_start3A = arith.constant 0 : i32
      %dma_start3A_93 = tpu.memref_slice %arg3[%add3A_44, %dma_start3A] : memref<16384x128xf32, #tpu.memory_space<hbm>> -> memref<64x128xf32, #tpu.memory_space<hbm>>
      %dma_start3A_94 = arith.constant 0 : i32
      %dma_start3A_95 = tpu.memref_slice %arg3[%add3A_44, %dma_start3A_94] : memref<16384x128xf32, #tpu.memory_space<hbm>> -> memref<64x128xf32, #tpu.memory_space<hbm>>
      tpu.enqueue_dma source(%dma_start3A_95 : memref<64x128xf32, #tpu.memory_space<hbm>>) target(%arg12 : memref<64x128xf32, #tpu.memory_space<vmem>>) target_semaphore(%run_scoped3A : memref<!tpu.dma_semaphore, #tpu.memory_space<semaphore_mem>>)
      %dma_wait3A = arith.constant 0 : i32
      %dma_wait3A_96 = tpu.memref_slice %arg3[%add3A_44, %dma_wait3A] : memref<16384x128xf32, #tpu.memory_space<hbm>> -> memref<64x128xf32, #tpu.memory_space<hbm>>
      %dma_wait3A_97 = arith.constant 0 : i32
      %dma_wait3A_98 = tpu.memref_slice %arg3[%add3A_44, %dma_wait3A_97] : memref<16384x128xf32, #tpu.memory_space<hbm>> -> memref<64x128xf32, #tpu.memory_space<hbm>>
      tpu.wait_dma2 semaphore(%run_scoped3A : memref<!tpu.dma_semaphore, #tpu.memory_space<semaphore_mem>>) src(%dma_wait3A_98 : memref<64x128xf32, #tpu.memory_space<hbm>>) dst(%arg12 : memref<64x128xf32, #tpu.memory_space<vmem>>)
      tpu.yield
    }) : () -> ()
    "tpu.region"() ({
      %run_scoped3A = tpu.sem_alloc : memref<!tpu.dma_semaphore, #tpu.memory_space<semaphore_mem>>
      %dma_start3A = arith.constant 0 : i32
      %dma_start3A_93 = arith.constant 0 : i32
      %dma_start3A_94 = tpu.memref_slice %arg15[%dma_start3A, %dma_start3A_93] : memref<512x128xf32, #tpu.memory_space<vmem_shared>> -> memref<512x128xf32, #tpu.memory_space<vmem_shared>>
      tpu.enqueue_indirect_dma source(%dma_start3A_94 : memref<512x128xf32, #tpu.memory_space<vmem_shared>>) target(%arg8 : memref<64x128xf32, #tpu.memory_space<vmem>>) offsets(%arg9 : memref<64xi32, #tpu.memory_space<vmem>>) semaphore(%run_scoped3A : memref<!tpu.dma_semaphore, #tpu.memory_space<semaphore_mem>>)
      %dma_wait3A = arith.constant 0 : i32
      %dma_wait3A_95 = arith.constant 0 : i32
      %dma_wait3A_96 = tpu.memref_slice %arg15[%dma_wait3A, %dma_wait3A_95] : memref<512x128xf32, #tpu.memory_space<vmem_shared>> -> memref<512x128xf32, #tpu.memory_space<vmem_shared>>
      tpu.wait_indirect_dma semaphore(%run_scoped3A : memref<!tpu.dma_semaphore, #tpu.memory_space<semaphore_mem>>) src(%dma_wait3A_96 : memref<512x128xf32, #tpu.memory_space<vmem_shared>>) dst(%arg8 : memref<64x128xf32, #tpu.memory_space<vmem>>)
      tpu.yield
    }) : () -> ()
    %scan3A_45 = arith.constant 0 : i32
    %scan3A_46 = arith.constant 0 : i32
    %scan3A_47 = arith.constant 64 : i32
    %scan3A_48 = arith.addi %scan3A_46, %scan3A_47 : i32
    %scan3A_49 = arith.constant 1 : i32
    %scan3A_50 = scf.for %scan3A_93 = %scan3A_46 to %scan3A_48 step %scan3A_49 iter_args(%scan3A_94 = %scan3A_45) -> (i32)  : i32 {
      %get3A = arith.index_cast %scan3A_93 : i32 to index
      %get3A_95 = arith.constant 0 : index
      %get3A_96 = tpu.vector_load %arg12[%get3A, %get3A_95] {strides = array<i32>} : memref<64x128xf32, #tpu.memory_space<vmem>>, vector<1x16xf32>,
      %get3A_97 = vector.shape_cast %get3A_96 : vector<1x16xf32> to vector<16xf32>
      %get3A_98 = arith.index_cast %scan3A_93 : i32 to index
      %get3A_99 = arith.constant 0 : index
      %get3A_100 = tpu.vector_load %arg8[%get3A_98, %get3A_99] {strides = array<i32>} : memref<64x128xf32, #tpu.memory_space<vmem>>, vector<1x16xf32>,
      %get3A_101 = vector.shape_cast %get3A_100 : vector<1x16xf32> to vector<16xf32>
      %get3A_102 = arith.index_cast %scan3A_93 : i32 to index
      %get3A_103 = arith.constant 0 : index
      %get3A_104 = tpu.vector_load %arg11[%get3A_102, %get3A_103] {strides = array<i32>} : memref<64x128xf32, #tpu.memory_space<vmem>>, vector<1x16xf32>,
      %get3A_105 = vector.shape_cast %get3A_104 : vector<1x16xf32> to vector<16xf32>
      %add3A_106 = arith.addf %get3A_101, %get3A_105 : vector<16xf32>
      %mul3A_107 = arith.mulf %get3A_97, %add3A_106 : vector<16xf32>
      %swap3A = arith.index_cast %scan3A_93 : i32 to index
      %swap3A_108 = arith.constant 0 : index
      %swap3A_109 = tpu.vector_load %arg12[%swap3A, %swap3A_108] {strides = array<i32>} : memref<64x128xf32, #tpu.memory_space<vmem>>, vector<1x16xf32>,
      %swap3A_110 = vector.shape_cast %swap3A_109 : vector<1x16xf32> to vector<16xf32>
      %swap3A_111 = vector.shape_cast %mul3A_107 : vector<16xf32> to vector<1x16xf32>
      tpu.vector_store %arg12[%swap3A, %swap3A_108], %swap3A_111 {strides = array<i32>} : memref<64x128xf32, #tpu.memory_space<vmem>>, vector<1x16xf32>,
      %get3A_112 = arith.index_cast %scan3A_93 : i32 to index
      %get3A_113 = arith.constant 16 : index
      %get3A_114 = tpu.vector_load %arg12[%get3A_112, %get3A_113] {strides = array<i32>} : memref<64x128xf32, #tpu.memory_space<vmem>>, vector<1x16xf32>,
      %get3A_115 = vector.shape_cast %get3A_114 : vector<1x16xf32> to vector<16xf32>
      %get3A_116 = arith.index_cast %scan3A_93 : i32 to index
      %get3A_117 = arith.constant 16 : index
      %get3A_118 = tpu.vector_load %arg8[%get3A_116, %get3A_117] {strides = array<i32>} : memref<64x128xf32, #tpu.memory_space<vmem>>, vector<1x16xf32>,
      %get3A_119 = vector.shape_cast %get3A_118 : vector<1x16xf32> to vector<16xf32>
      %get3A_120 = arith.index_cast %scan3A_93 : i32 to index
      %get3A_121 = arith.constant 16 : index
      %get3A_122 = tpu.vector_load %arg11[%get3A_120, %get3A_121] {strides = array<i32>} : memref<64x128xf32, #tpu.memory_space<vmem>>, vector<1x16xf32>,
      %get3A_123 = vector.shape_cast %get3A_122 : vector<1x16xf32> to vector<16xf32>
      %add3A_124 = arith.addf %get3A_119, %get3A_123 : vector<16xf32>
      %mul3A_125 = arith.mulf %get3A_115, %add3A_124 : vector<16xf32>
      %swap3A_126 = arith.index_cast %scan3A_93 : i32 to index
      %swap3A_127 = arith.constant 16 : index
      %swap3A_128 = tpu.vector_load %arg12[%swap3A_126, %swap3A_127] {strides = array<i32>} : memref<64x128xf32, #tpu.memory_space<vmem>>, vector<1x16xf32>,
      %swap3A_129 = vector.shape_cast %swap3A_128 : vector<1x16xf32> to vector<16xf32>
      %swap3A_130 = vector.shape_cast %mul3A_125 : vector<16xf32> to vector<1x16xf32>
      tpu.vector_store %arg12[%swap3A_126, %swap3A_127], %swap3A_130 {strides = array<i32>} : memref<64x128xf32, #tpu.memory_space<vmem>>, vector<1x16xf32>,
      %get3A_131 = arith.index_cast %scan3A_93 : i32 to index
      %get3A_132 = arith.constant 32 : index
      %get3A_133 = tpu.vector_load %arg12[%get3A_131, %get3A_132] {strides = array<i32>} : memref<64x128xf32, #tpu.memory_space<vmem>>, vector<1x16xf32>,
      %get3A_134 = vector.shape_cast %get3A_133 : vector<1x16xf32> to vector<16xf32>
      %get3A_135 = arith.index_cast %scan3A_93 : i32 to index
      %get3A_136 = arith.constant 32 : index
      %get3A_137 = tpu.vector_load %arg8[%get3A_135, %get3A_136] {strides = array<i32>} : memref<64x128xf32, #tpu.memory_space<vmem>>, vector<1x16xf32>,
      %get3A_138 = vector.shape_cast %get3A_137 : vector<1x16xf32> to vector<16xf32>
      %get3A_139 = arith.index_cast %scan3A_93 : i32 to index
      %get3A_140 = arith.constant 32 : index
      %get3A_141 = tpu.vector_load %arg11[%get3A_139, %get3A_140] {strides = array<i32>} : memref<64x128xf32, #tpu.memory_space<vmem>>, vector<1x16xf32>,
      %get3A_142 = vector.shape_cast %get3A_141 : vector<1x16xf32> to vector<16xf32>
      %add3A_143 = arith.addf %get3A_138, %get3A_142 : vector<16xf32>
      %mul3A_144 = arith.mulf %get3A_134, %add3A_143 : vector<16xf32>
      %swap3A_145 = arith.index_cast %scan3A_93 : i32 to index
      %swap3A_146 = arith.constant 32 : index
      %swap3A_147 = tpu.vector_load %arg12[%swap3A_145, %swap3A_146] {strides = array<i32>} : memref<64x128xf32, #tpu.memory_space<vmem>>, vector<1x16xf32>,
      %swap3A_148 = vector.shape_cast %swap3A_147 : vector<1x16xf32> to vector<16xf32>
      %swap3A_149 = vector.shape_cast %mul3A_144 : vector<16xf32> to vector<1x16xf32>
      tpu.vector_store %arg12[%swap3A_145, %swap3A_146], %swap3A_149 {strides = array<i32>} : memref<64x128xf32, #tpu.memory_space<vmem>>, vector<1x16xf32>,
      %get3A_150 = arith.index_cast %scan3A_93 : i32 to index
      %get3A_151 = arith.constant 48 : index
      %get3A_152 = tpu.vector_load %arg12[%get3A_150, %get3A_151] {strides = array<i32>} : memref<64x128xf32, #tpu.memory_space<vmem>>, vector<1x16xf32>,
      %get3A_153 = vector.shape_cast %get3A_152 : vector<1x16xf32> to vector<16xf32>
      %get3A_154 = arith.index_cast %scan3A_93 : i32 to index
      %get3A_155 = arith.constant 48 : index
      %get3A_156 = tpu.vector_load %arg8[%get3A_154, %get3A_155] {strides = array<i32>} : memref<64x128xf32, #tpu.memory_space<vmem>>, vector<1x16xf32>,
      %get3A_157 = vector.shape_cast %get3A_156 : vector<1x16xf32> to vector<16xf32>
      %get3A_158 = arith.index_cast %scan3A_93 : i32 to index
      %get3A_159 = arith.constant 48 : index
      %get3A_160 = tpu.vector_load %arg11[%get3A_158, %get3A_159] {strides = array<i32>} : memref<64x128xf32, #tpu.memory_space<vmem>>, vector<1x16xf32>,
      %get3A_161 = vector.shape_cast %get3A_160 : vector<1x16xf32> to vector<16xf32>
      %add3A_162 = arith.addf %get3A_157, %get3A_161 : vector<16xf32>
      %mul3A_163 = arith.mulf %get3A_153, %add3A_162 : vector<16xf32>
      %swap3A_164 = arith.index_cast %scan3A_93 : i32 to index
      %swap3A_165 = arith.constant 48 : index
      %swap3A_166 = tpu.vector_load %arg12[%swap3A_164, %swap3A_165] {strides = array<i32>} : memref<64x128xf32, #tpu.memory_space<vmem>>, vector<1x16xf32>,
      %swap3A_167 = vector.shape_cast %swap3A_166 : vector<1x16xf32> to vector<16xf32>
      %swap3A_168 = vector.shape_cast %mul3A_163 : vector<16xf32> to vector<1x16xf32>
      tpu.vector_store %arg12[%swap3A_164, %swap3A_165], %swap3A_168 {strides = array<i32>} : memref<64x128xf32, #tpu.memory_space<vmem>>, vector<1x16xf32>,
      %get3A_169 = arith.index_cast %scan3A_93 : i32 to index
      %get3A_170 = arith.constant 64 : index
      %get3A_171 = tpu.vector_load %arg12[%get3A_169, %get3A_170] {strides = array<i32>} : memref<64x128xf32, #tpu.memory_space<vmem>>, vector<1x16xf32>,
      %get3A_172 = vector.shape_cast %get3A_171 : vector<1x16xf32> to vector<16xf32>
      %get3A_173 = arith.index_cast %scan3A_93 : i32 to index
      %get3A_174 = arith.constant 64 : index
      %get3A_175 = tpu.vector_load %arg8[%get3A_173, %get3A_174] {strides = array<i32>} : memref<64x128xf32, #tpu.memory_space<vmem>>, vector<1x16xf32>,
      %get3A_176 = vector.shape_cast %get3A_175 : vector<1x16xf32> to vector<16xf32>
      %get3A_177 = arith.index_cast %scan3A_93 : i32 to index
      %get3A_178 = arith.constant 64 : index
      %get3A_179 = tpu.vector_load %arg11[%get3A_177, %get3A_178] {strides = array<i32>} : memref<64x128xf32, #tpu.memory_space<vmem>>, vector<1x16xf32>,
      %get3A_180 = vector.shape_cast %get3A_179 : vector<1x16xf32> to vector<16xf32>
      %add3A_181 = arith.addf %get3A_176, %get3A_180 : vector<16xf32>
      %mul3A_182 = arith.mulf %get3A_172, %add3A_181 : vector<16xf32>
      %swap3A_183 = arith.index_cast %scan3A_93 : i32 to index
      %swap3A_184 = arith.constant 64 : index
      %swap3A_185 = tpu.vector_load %arg12[%swap3A_183, %swap3A_184] {strides = array<i32>} : memref<64x128xf32, #tpu.memory_space<vmem>>, vector<1x16xf32>,
      %swap3A_186 = vector.shape_cast %swap3A_185 : vector<1x16xf32> to vector<16xf32>
      %swap3A_187 = vector.shape_cast %mul3A_182 : vector<16xf32> to vector<1x16xf32>
      tpu.vector_store %arg12[%swap3A_183, %swap3A_184], %swap3A_187 {strides = array<i32>} : memref<64x128xf32, #tpu.memory_space<vmem>>, vector<1x16xf32>,
      %get3A_188 = arith.index_cast %scan3A_93 : i32 to index
      %get3A_189 = arith.constant 80 : index
      %get3A_190 = tpu.vector_load %arg12[%get3A_188, %get3A_189] {strides = array<i32>} : memref<64x128xf32, #tpu.memory_space<vmem>>, vector<1x16xf32>,
      %get3A_191 = vector.shape_cast %get3A_190 : vector<1x16xf32> to vector<16xf32>
      %get3A_192 = arith.index_cast %scan3A_93 : i32 to index
      %get3A_193 = arith.constant 80 : index
      %get3A_194 = tpu.vector_load %arg8[%get3A_192, %get3A_193] {strides = array<i32>} : memref<64x128xf32, #tpu.memory_space<vmem>>, vector<1x16xf32>,
      %get3A_195 = vector.shape_cast %get3A_194 : vector<1x16xf32> to vector<16xf32>
      %get3A_196 = arith.index_cast %scan3A_93 : i32 to index
      %get3A_197 = arith.constant 80 : index
      %get3A_198 = tpu.vector_load %arg11[%get3A_196, %get3A_197] {strides = array<i32>} : memref<64x128xf32, #tpu.memory_space<vmem>>, vector<1x16xf32>,
      %get3A_199 = vector.shape_cast %get3A_198 : vector<1x16xf32> to vector<16xf32>
      %add3A_200 = arith.addf %get3A_195, %get3A_199 : vector<16xf32>
      %mul3A_201 = arith.mulf %get3A_191, %add3A_200 : vector<16xf32>
      %swap3A_202 = arith.index_cast %scan3A_93 : i32 to index
      %swap3A_203 = arith.constant 80 : index
      %swap3A_204 = tpu.vector_load %arg12[%swap3A_202, %swap3A_203] {strides = array<i32>} : memref<64x128xf32, #tpu.memory_space<vmem>>, vector<1x16xf32>,
      %swap3A_205 = vector.shape_cast %swap3A_204 : vector<1x16xf32> to vector<16xf32>
      %swap3A_206 = vector.shape_cast %mul3A_201 : vector<16xf32> to vector<1x16xf32>
      tpu.vector_store %arg12[%swap3A_202, %swap3A_203], %swap3A_206 {strides = array<i32>} : memref<64x128xf32, #tpu.memory_space<vmem>>, vector<1x16xf32>,
      %get3A_207 = arith.index_cast %scan3A_93 : i32 to index
      %get3A_208 = arith.constant 96 : index
      %get3A_209 = tpu.vector_load %arg12[%get3A_207, %get3A_208] {strides = array<i32>} : memref<64x128xf32, #tpu.memory_space<vmem>>, vector<1x16xf32>,
      %get3A_210 = vector.shape_cast %get3A_209 : vector<1x16xf32> to vector<16xf32>
      %get3A_211 = arith.index_cast %scan3A_93 : i32 to index
      %get3A_212 = arith.constant 96 : index
      %get3A_213 = tpu.vector_load %arg8[%get3A_211, %get3A_212] {strides = array<i32>} : memref<64x128xf32, #tpu.memory_space<vmem>>, vector<1x16xf32>,
      %get3A_214 = vector.shape_cast %get3A_213 : vector<1x16xf32> to vector<16xf32>
      %get3A_215 = arith.index_cast %scan3A_93 : i32 to index
      %get3A_216 = arith.constant 96 : index
      %get3A_217 = tpu.vector_load %arg11[%get3A_215, %get3A_216] {strides = array<i32>} : memref<64x128xf32, #tpu.memory_space<vmem>>, vector<1x16xf32>,
      %get3A_218 = vector.shape_cast %get3A_217 : vector<1x16xf32> to vector<16xf32>
      %add3A_219 = arith.addf %get3A_214, %get3A_218 : vector<16xf32>
      %mul3A_220 = arith.mulf %get3A_210, %add3A_219 : vector<16xf32>
      %swap3A_221 = arith.index_cast %scan3A_93 : i32 to index
      %swap3A_222 = arith.constant 96 : index
      %swap3A_223 = tpu.vector_load %arg12[%swap3A_221, %swap3A_222] {strides = array<i32>} : memref<64x128xf32, #tpu.memory_space<vmem>>, vector<1x16xf32>,
      %swap3A_224 = vector.shape_cast %swap3A_223 : vector<1x16xf32> to vector<16xf32>
      %swap3A_225 = vector.shape_cast %mul3A_220 : vector<16xf32> to vector<1x16xf32>
      tpu.vector_store %arg12[%swap3A_221, %swap3A_222], %swap3A_225 {strides = array<i32>} : memref<64x128xf32, #tpu.memory_space<vmem>>, vector<1x16xf32>,
      %get3A_226 = arith.index_cast %scan3A_93 : i32 to index
      %get3A_227 = arith.constant 112 : index
      %get3A_228 = tpu.vector_load %arg12[%get3A_226, %get3A_227] {strides = array<i32>} : memref<64x128xf32, #tpu.memory_space<vmem>>, vector<1x16xf32>,
      %get3A_229 = vector.shape_cast %get3A_228 : vector<1x16xf32> to vector<16xf32>
      %get3A_230 = arith.index_cast %scan3A_93 : i32 to index
      %get3A_231 = arith.constant 112 : index
      %get3A_232 = tpu.vector_load %arg8[%get3A_230, %get3A_231] {strides = array<i32>} : memref<64x128xf32, #tpu.memory_space<vmem>>, vector<1x16xf32>,
      %get3A_233 = vector.shape_cast %get3A_232 : vector<1x16xf32> to vector<16xf32>
      %get3A_234 = arith.index_cast %scan3A_93 : i32 to index
      %get3A_235 = arith.constant 112 : index
      %get3A_236 = tpu.vector_load %arg11[%get3A_234, %get3A_235] {strides = array<i32>} : memref<64x128xf32, #tpu.memory_space<vmem>>, vector<1x16xf32>,
      %get3A_237 = vector.shape_cast %get3A_236 : vector<1x16xf32> to vector<16xf32>
      %add3A_238 = arith.addf %get3A_233, %get3A_237 : vector<16xf32>
      %mul3A_239 = arith.mulf %get3A_229, %add3A_238 : vector<16xf32>
      %swap3A_240 = arith.index_cast %scan3A_93 : i32 to index
      %swap3A_241 = arith.constant 112 : index
      %swap3A_242 = tpu.vector_load %arg12[%swap3A_240, %swap3A_241] {strides = array<i32>} : memref<64x128xf32, #tpu.memory_space<vmem>>, vector<1x16xf32>,
      %swap3A_243 = vector.shape_cast %swap3A_242 : vector<1x16xf32> to vector<16xf32>
      %swap3A_244 = vector.shape_cast %mul3A_239 : vector<16xf32> to vector<1x16xf32>
      tpu.vector_store %arg12[%swap3A_240, %swap3A_241], %swap3A_244 {strides = array<i32>} : memref<64x128xf32, #tpu.memory_space<vmem>>, vector<1x16xf32>,
      %scan3A_245 = arith.constant 0 : i32
      scf.yield %scan3A_245 : i32
    }
    %scan3A_51 = arith.constant 64 : i32
    "tpu.region"() ({
      %run_scoped3A = tpu.sem_alloc : memref<!tpu.dma_semaphore, #tpu.memory_space<semaphore_mem>>
      %dma_start3A = arith.constant 0 : i32
      %dma_start3A_93 = arith.constant 0 : i32
      %dma_start3A_94 = tpu.memref_slice %arg14[%dma_start3A, %dma_start3A_93] : memref<512x128xf32, #tpu.memory_space<vmem_shared>> -> memref<512x128xf32, #tpu.memory_space<vmem_shared>>
      tpu.enqueue_indirect_dma source(%arg12 : memref<64x128xf32, #tpu.memory_space<vmem>>) target(%dma_start3A_94 : memref<512x128xf32, #tpu.memory_space<vmem_shared>>) offsets(%arg10 : memref<64xi32, #tpu.memory_space<vmem>>) semaphore(%run_scoped3A : memref<!tpu.dma_semaphore, #tpu.memory_space<semaphore_mem>>) {add = true}
      %dma_wait3A = arith.constant 0 : i32
      %dma_wait3A_95 = arith.constant 0 : i32
      %dma_wait3A_96 = tpu.memref_slice %arg14[%dma_wait3A, %dma_wait3A_95] : memref<512x128xf32, #tpu.memory_space<vmem_shared>> -> memref<512x128xf32, #tpu.memory_space<vmem_shared>>
      tpu.wait_indirect_dma semaphore(%run_scoped3A : memref<!tpu.dma_semaphore, #tpu.memory_space<semaphore_mem>>) src(%arg12 : memref<64x128xf32, #tpu.memory_space<vmem>>) dst(%dma_wait3A_96 : memref<512x128xf32, #tpu.memory_space<vmem_shared>>)
      tpu.yield
    }) : () -> ()
    %add3A_52 = arith.constant 256 : i32
    %add3A_53 = arith.addi %mul3A_2, %add3A_52 : i32
    "tpu.region"() ({
      %run_scoped3A = tpu.sem_alloc : memref<!tpu.dma_semaphore, #tpu.memory_space<semaphore_mem>>
      %dma_start3A = tpu.memref_slice %arg4[%add3A_53] : memref<16384xi32, #tpu.memory_space<hbm>> -> memref<64xi32, #tpu.memory_space<hbm>>
      %dma_start3A_93 = tpu.memref_slice %arg4[%add3A_53] : memref<16384xi32, #tpu.memory_space<hbm>> -> memref<64xi32, #tpu.memory_space<hbm>>
      tpu.enqueue_dma source(%dma_start3A_93 : memref<64xi32, #tpu.memory_space<hbm>>) target(%arg9 : memref<64xi32, #tpu.memory_space<vmem>>) target_semaphore(%run_scoped3A : memref<!tpu.dma_semaphore, #tpu.memory_space<semaphore_mem>>)
      %dma_wait3A = tpu.memref_slice %arg4[%add3A_53] : memref<16384xi32, #tpu.memory_space<hbm>> -> memref<64xi32, #tpu.memory_space<hbm>>
      %dma_wait3A_94 = tpu.memref_slice %arg4[%add3A_53] : memref<16384xi32, #tpu.memory_space<hbm>> -> memref<64xi32, #tpu.memory_space<hbm>>
      tpu.wait_dma2 semaphore(%run_scoped3A : memref<!tpu.dma_semaphore, #tpu.memory_space<semaphore_mem>>) src(%dma_wait3A_94 : memref<64xi32, #tpu.memory_space<hbm>>) dst(%arg9 : memref<64xi32, #tpu.memory_space<vmem>>)
      tpu.yield
    }) : () -> ()
    "tpu.region"() ({
      %run_scoped3A = tpu.sem_alloc : memref<!tpu.dma_semaphore, #tpu.memory_space<semaphore_mem>>
      %dma_start3A = tpu.memref_slice %arg5[%add3A_53] : memref<16384xi32, #tpu.memory_space<hbm>> -> memref<64xi32, #tpu.memory_space<hbm>>
      %dma_start3A_93 = tpu.memref_slice %arg5[%add3A_53] : memref<16384xi32, #tpu.memory_space<hbm>> -> memref<64xi32, #tpu.memory_space<hbm>>
      tpu.enqueue_dma source(%dma_start3A_93 : memref<64xi32, #tpu.memory_space<hbm>>) target(%arg10 : memref<64xi32, #tpu.memory_space<vmem>>) target_semaphore(%run_scoped3A : memref<!tpu.dma_semaphore, #tpu.memory_space<semaphore_mem>>)
      %dma_wait3A = tpu.memref_slice %arg5[%add3A_53] : memref<16384xi32, #tpu.memory_space<hbm>> -> memref<64xi32, #tpu.memory_space<hbm>>
      %dma_wait3A_94 = tpu.memref_slice %arg5[%add3A_53] : memref<16384xi32, #tpu.memory_space<hbm>> -> memref<64xi32, #tpu.memory_space<hbm>>
      tpu.wait_dma2 semaphore(%run_scoped3A : memref<!tpu.dma_semaphore, #tpu.memory_space<semaphore_mem>>) src(%dma_wait3A_94 : memref<64xi32, #tpu.memory_space<hbm>>) dst(%arg10 : memref<64xi32, #tpu.memory_space<vmem>>)
      tpu.yield
    }) : () -> ()
    "tpu.region"() ({
      %run_scoped3A = tpu.sem_alloc : memref<!tpu.dma_semaphore, #tpu.memory_space<semaphore_mem>>
      %dma_start3A = arith.constant 0 : i32
      %dma_start3A_93 = tpu.memref_slice %arg6[%add3A_53, %dma_start3A] : memref<16384x128xf32, #tpu.memory_space<hbm>> -> memref<64x128xf32, #tpu.memory_space<hbm>>
      %dma_start3A_94 = arith.constant 0 : i32
      %dma_start3A_95 = tpu.memref_slice %arg6[%add3A_53, %dma_start3A_94] : memref<16384x128xf32, #tpu.memory_space<hbm>> -> memref<64x128xf32, #tpu.memory_space<hbm>>
      tpu.enqueue_dma source(%dma_start3A_95 : memref<64x128xf32, #tpu.memory_space<hbm>>) target(%arg11 : memref<64x128xf32, #tpu.memory_space<vmem>>) target_semaphore(%run_scoped3A : memref<!tpu.dma_semaphore, #tpu.memory_space<semaphore_mem>>)
      %dma_wait3A = arith.constant 0 : i32
      %dma_wait3A_96 = tpu.memref_slice %arg6[%add3A_53, %dma_wait3A] : memref<16384x128xf32, #tpu.memory_space<hbm>> -> memref<64x128xf32, #tpu.memory_space<hbm>>
      %dma_wait3A_97 = arith.constant 0 : i32
      %dma_wait3A_98 = tpu.memref_slice %arg6[%add3A_53, %dma_wait3A_97] : memref<16384x128xf32, #tpu.memory_space<hbm>> -> memref<64x128xf32, #tpu.memory_space<hbm>>
      tpu.wait_dma2 semaphore(%run_scoped3A : memref<!tpu.dma_semaphore, #tpu.memory_space<semaphore_mem>>) src(%dma_wait3A_98 : memref<64x128xf32, #tpu.memory_space<hbm>>) dst(%arg11 : memref<64x128xf32, #tpu.memory_space<vmem>>)
      tpu.yield
    }) : () -> ()
    "tpu.region"() ({
      %run_scoped3A = tpu.sem_alloc : memref<!tpu.dma_semaphore, #tpu.memory_space<semaphore_mem>>
      %dma_start3A = arith.constant 0 : i32
      %dma_start3A_93 = tpu.memref_slice %arg3[%add3A_53, %dma_start3A] : memref<16384x128xf32, #tpu.memory_space<hbm>> -> memref<64x128xf32, #tpu.memory_space<hbm>>
      %dma_start3A_94 = arith.constant 0 : i32
      %dma_start3A_95 = tpu.memref_slice %arg3[%add3A_53, %dma_start3A_94] : memref<16384x128xf32, #tpu.memory_space<hbm>> -> memref<64x128xf32, #tpu.memory_space<hbm>>
      tpu.enqueue_dma source(%dma_start3A_95 : memref<64x128xf32, #tpu.memory_space<hbm>>) target(%arg12 : memref<64x128xf32, #tpu.memory_space<vmem>>) target_semaphore(%run_scoped3A : memref<!tpu.dma_semaphore, #tpu.memory_space<semaphore_mem>>)
      %dma_wait3A = arith.constant 0 : i32
      %dma_wait3A_96 = tpu.memref_slice %arg3[%add3A_53, %dma_wait3A] : memref<16384x128xf32, #tpu.memory_space<hbm>> -> memref<64x128xf32, #tpu.memory_space<hbm>>
      %dma_wait3A_97 = arith.constant 0 : i32
      %dma_wait3A_98 = tpu.memref_slice %arg3[%add3A_53, %dma_wait3A_97] : memref<16384x128xf32, #tpu.memory_space<hbm>> -> memref<64x128xf32, #tpu.memory_space<hbm>>
      tpu.wait_dma2 semaphore(%run_scoped3A : memref<!tpu.dma_semaphore, #tpu.memory_space<semaphore_mem>>) src(%dma_wait3A_98 : memref<64x128xf32, #tpu.memory_space<hbm>>) dst(%arg12 : memref<64x128xf32, #tpu.memory_space<vmem>>)
      tpu.yield
    }) : () -> ()
    "tpu.region"() ({
      %run_scoped3A = tpu.sem_alloc : memref<!tpu.dma_semaphore, #tpu.memory_space<semaphore_mem>>
      %dma_start3A = arith.constant 0 : i32
      %dma_start3A_93 = arith.constant 0 : i32
      %dma_start3A_94 = tpu.memref_slice %arg15[%dma_start3A, %dma_start3A_93] : memref<512x128xf32, #tpu.memory_space<vmem_shared>> -> memref<512x128xf32, #tpu.memory_space<vmem_shared>>
      tpu.enqueue_indirect_dma source(%dma_start3A_94 : memref<512x128xf32, #tpu.memory_space<vmem_shared>>) target(%arg8 : memref<64x128xf32, #tpu.memory_space<vmem>>) offsets(%arg9 : memref<64xi32, #tpu.memory_space<vmem>>) semaphore(%run_scoped3A : memref<!tpu.dma_semaphore, #tpu.memory_space<semaphore_mem>>)
      %dma_wait3A = arith.constant 0 : i32
      %dma_wait3A_95 = arith.constant 0 : i32
      %dma_wait3A_96 = tpu.memref_slice %arg15[%dma_wait3A, %dma_wait3A_95] : memref<512x128xf32, #tpu.memory_space<vmem_shared>> -> memref<512x128xf32, #tpu.memory_space<vmem_shared>>
      tpu.wait_indirect_dma semaphore(%run_scoped3A : memref<!tpu.dma_semaphore, #tpu.memory_space<semaphore_mem>>) src(%dma_wait3A_96 : memref<512x128xf32, #tpu.memory_space<vmem_shared>>) dst(%arg8 : memref<64x128xf32, #tpu.memory_space<vmem>>)
      tpu.yield
    }) : () -> ()
    %scan3A_54 = arith.constant 0 : i32
    %scan3A_55 = arith.constant 0 : i32
    %scan3A_56 = arith.constant 64 : i32
    %scan3A_57 = arith.addi %scan3A_55, %scan3A_56 : i32
    %scan3A_58 = arith.constant 1 : i32
    %scan3A_59 = scf.for %scan3A_93 = %scan3A_55 to %scan3A_57 step %scan3A_58 iter_args(%scan3A_94 = %scan3A_54) -> (i32)  : i32 {
      %get3A = arith.index_cast %scan3A_93 : i32 to index
      %get3A_95 = arith.constant 0 : index
      %get3A_96 = tpu.vector_load %arg12[%get3A, %get3A_95] {strides = array<i32>} : memref<64x128xf32, #tpu.memory_space<vmem>>, vector<1x16xf32>,
      %get3A_97 = vector.shape_cast %get3A_96 : vector<1x16xf32> to vector<16xf32>
      %get3A_98 = arith.index_cast %scan3A_93 : i32 to index
      %get3A_99 = arith.constant 0 : index
      %get3A_100 = tpu.vector_load %arg8[%get3A_98, %get3A_99] {strides = array<i32>} : memref<64x128xf32, #tpu.memory_space<vmem>>, vector<1x16xf32>,
      %get3A_101 = vector.shape_cast %get3A_100 : vector<1x16xf32> to vector<16xf32>
      %get3A_102 = arith.index_cast %scan3A_93 : i32 to index
      %get3A_103 = arith.constant 0 : index
      %get3A_104 = tpu.vector_load %arg11[%get3A_102, %get3A_103] {strides = array<i32>} : memref<64x128xf32, #tpu.memory_space<vmem>>, vector<1x16xf32>,
      %get3A_105 = vector.shape_cast %get3A_104 : vector<1x16xf32> to vector<16xf32>
      %add3A_106 = arith.addf %get3A_101, %get3A_105 : vector<16xf32>
      %mul3A_107 = arith.mulf %get3A_97, %add3A_106 : vector<16xf32>
      %swap3A = arith.index_cast %scan3A_93 : i32 to index
      %swap3A_108 = arith.constant 0 : index
      %swap3A_109 = tpu.vector_load %arg12[%swap3A, %swap3A_108] {strides = array<i32>} : memref<64x128xf32, #tpu.memory_space<vmem>>, vector<1x16xf32>,
      %swap3A_110 = vector.shape_cast %swap3A_109 : vector<1x16xf32> to vector<16xf32>
      %swap3A_111 = vector.shape_cast %mul3A_107 : vector<16xf32> to vector<1x16xf32>
      tpu.vector_store %arg12[%swap3A, %swap3A_108], %swap3A_111 {strides = array<i32>} : memref<64x128xf32, #tpu.memory_space<vmem>>, vector<1x16xf32>,
      %get3A_112 = arith.index_cast %scan3A_93 : i32 to index
      %get3A_113 = arith.constant 16 : index
      %get3A_114 = tpu.vector_load %arg12[%get3A_112, %get3A_113] {strides = array<i32>} : memref<64x128xf32, #tpu.memory_space<vmem>>, vector<1x16xf32>,
      %get3A_115 = vector.shape_cast %get3A_114 : vector<1x16xf32> to vector<16xf32>
      %get3A_116 = arith.index_cast %scan3A_93 : i32 to index
      %get3A_117 = arith.constant 16 : index
      %get3A_118 = tpu.vector_load %arg8[%get3A_116, %get3A_117] {strides = array<i32>} : memref<64x128xf32, #tpu.memory_space<vmem>>, vector<1x16xf32>,
      %get3A_119 = vector.shape_cast %get3A_118 : vector<1x16xf32> to vector<16xf32>
      %get3A_120 = arith.index_cast %scan3A_93 : i32 to index
      %get3A_121 = arith.constant 16 : index
      %get3A_122 = tpu.vector_load %arg11[%get3A_120, %get3A_121] {strides = array<i32>} : memref<64x128xf32, #tpu.memory_space<vmem>>, vector<1x16xf32>,
      %get3A_123 = vector.shape_cast %get3A_122 : vector<1x16xf32> to vector<16xf32>
      %add3A_124 = arith.addf %get3A_119, %get3A_123 : vector<16xf32>
      %mul3A_125 = arith.mulf %get3A_115, %add3A_124 : vector<16xf32>
      %swap3A_126 = arith.index_cast %scan3A_93 : i32 to index
      %swap3A_127 = arith.constant 16 : index
      %swap3A_128 = tpu.vector_load %arg12[%swap3A_126, %swap3A_127] {strides = array<i32>} : memref<64x128xf32, #tpu.memory_space<vmem>>, vector<1x16xf32>,
      %swap3A_129 = vector.shape_cast %swap3A_128 : vector<1x16xf32> to vector<16xf32>
      %swap3A_130 = vector.shape_cast %mul3A_125 : vector<16xf32> to vector<1x16xf32>
      tpu.vector_store %arg12[%swap3A_126, %swap3A_127], %swap3A_130 {strides = array<i32>} : memref<64x128xf32, #tpu.memory_space<vmem>>, vector<1x16xf32>,
      %get3A_131 = arith.index_cast %scan3A_93 : i32 to index
      %get3A_132 = arith.constant 32 : index
      %get3A_133 = tpu.vector_load %arg12[%get3A_131, %get3A_132] {strides = array<i32>} : memref<64x128xf32, #tpu.memory_space<vmem>>, vector<1x16xf32>,
      %get3A_134 = vector.shape_cast %get3A_133 : vector<1x16xf32> to vector<16xf32>
      %get3A_135 = arith.index_cast %scan3A_93 : i32 to index
      %get3A_136 = arith.constant 32 : index
      %get3A_137 = tpu.vector_load %arg8[%get3A_135, %get3A_136] {strides = array<i32>} : memref<64x128xf32, #tpu.memory_space<vmem>>, vector<1x16xf32>,
      %get3A_138 = vector.shape_cast %get3A_137 : vector<1x16xf32> to vector<16xf32>
      %get3A_139 = arith.index_cast %scan3A_93 : i32 to index
      %get3A_140 = arith.constant 32 : index
      %get3A_141 = tpu.vector_load %arg11[%get3A_139, %get3A_140] {strides = array<i32>} : memref<64x128xf32, #tpu.memory_space<vmem>>, vector<1x16xf32>,
      %get3A_142 = vector.shape_cast %get3A_141 : vector<1x16xf32> to vector<16xf32>
      %add3A_143 = arith.addf %get3A_138, %get3A_142 : vector<16xf32>
      %mul3A_144 = arith.mulf %get3A_134, %add3A_143 : vector<16xf32>
      %swap3A_145 = arith.index_cast %scan3A_93 : i32 to index
      %swap3A_146 = arith.constant 32 : index
      %swap3A_147 = tpu.vector_load %arg12[%swap3A_145, %swap3A_146] {strides = array<i32>} : memref<64x128xf32, #tpu.memory_space<vmem>>, vector<1x16xf32>,
      %swap3A_148 = vector.shape_cast %swap3A_147 : vector<1x16xf32> to vector<16xf32>
      %swap3A_149 = vector.shape_cast %mul3A_144 : vector<16xf32> to vector<1x16xf32>
      tpu.vector_store %arg12[%swap3A_145, %swap3A_146], %swap3A_149 {strides = array<i32>} : memref<64x128xf32, #tpu.memory_space<vmem>>, vector<1x16xf32>,
      %get3A_150 = arith.index_cast %scan3A_93 : i32 to index
      %get3A_151 = arith.constant 48 : index
      %get3A_152 = tpu.vector_load %arg12[%get3A_150, %get3A_151] {strides = array<i32>} : memref<64x128xf32, #tpu.memory_space<vmem>>, vector<1x16xf32>,
      %get3A_153 = vector.shape_cast %get3A_152 : vector<1x16xf32> to vector<16xf32>
      %get3A_154 = arith.index_cast %scan3A_93 : i32 to index
      %get3A_155 = arith.constant 48 : index
      %get3A_156 = tpu.vector_load %arg8[%get3A_154, %get3A_155] {strides = array<i32>} : memref<64x128xf32, #tpu.memory_space<vmem>>, vector<1x16xf32>,
      %get3A_157 = vector.shape_cast %get3A_156 : vector<1x16xf32> to vector<16xf32>
      %get3A_158 = arith.index_cast %scan3A_93 : i32 to index
      %get3A_159 = arith.constant 48 : index
      %get3A_160 = tpu.vector_load %arg11[%get3A_158, %get3A_159] {strides = array<i32>} : memref<64x128xf32, #tpu.memory_space<vmem>>, vector<1x16xf32>,
      %get3A_161 = vector.shape_cast %get3A_160 : vector<1x16xf32> to vector<16xf32>
      %add3A_162 = arith.addf %get3A_157, %get3A_161 : vector<16xf32>
      %mul3A_163 = arith.mulf %get3A_153, %add3A_162 : vector<16xf32>
      %swap3A_164 = arith.index_cast %scan3A_93 : i32 to index
      %swap3A_165 = arith.constant 48 : index
      %swap3A_166 = tpu.vector_load %arg12[%swap3A_164, %swap3A_165] {strides = array<i32>} : memref<64x128xf32, #tpu.memory_space<vmem>>, vector<1x16xf32>,
      %swap3A_167 = vector.shape_cast %swap3A_166 : vector<1x16xf32> to vector<16xf32>
      %swap3A_168 = vector.shape_cast %mul3A_163 : vector<16xf32> to vector<1x16xf32>
      tpu.vector_store %arg12[%swap3A_164, %swap3A_165], %swap3A_168 {strides = array<i32>} : memref<64x128xf32, #tpu.memory_space<vmem>>, vector<1x16xf32>,
      %get3A_169 = arith.index_cast %scan3A_93 : i32 to index
      %get3A_170 = arith.constant 64 : index
      %get3A_171 = tpu.vector_load %arg12[%get3A_169, %get3A_170] {strides = array<i32>} : memref<64x128xf32, #tpu.memory_space<vmem>>, vector<1x16xf32>,
      %get3A_172 = vector.shape_cast %get3A_171 : vector<1x16xf32> to vector<16xf32>
      %get3A_173 = arith.index_cast %scan3A_93 : i32 to index
      %get3A_174 = arith.constant 64 : index
      %get3A_175 = tpu.vector_load %arg8[%get3A_173, %get3A_174] {strides = array<i32>} : memref<64x128xf32, #tpu.memory_space<vmem>>, vector<1x16xf32>,
      %get3A_176 = vector.shape_cast %get3A_175 : vector<1x16xf32> to vector<16xf32>
      %get3A_177 = arith.index_cast %scan3A_93 : i32 to index
      %get3A_178 = arith.constant 64 : index
      %get3A_179 = tpu.vector_load %arg11[%get3A_177, %get3A_178] {strides = array<i32>} : memref<64x128xf32, #tpu.memory_space<vmem>>, vector<1x16xf32>,
      %get3A_180 = vector.shape_cast %get3A_179 : vector<1x16xf32> to vector<16xf32>
      %add3A_181 = arith.addf %get3A_176, %get3A_180 : vector<16xf32>
      %mul3A_182 = arith.mulf %get3A_172, %add3A_181 : vector<16xf32>
      %swap3A_183 = arith.index_cast %scan3A_93 : i32 to index
      %swap3A_184 = arith.constant 64 : index
      %swap3A_185 = tpu.vector_load %arg12[%swap3A_183, %swap3A_184] {strides = array<i32>} : memref<64x128xf32, #tpu.memory_space<vmem>>, vector<1x16xf32>,
      %swap3A_186 = vector.shape_cast %swap3A_185 : vector<1x16xf32> to vector<16xf32>
      %swap3A_187 = vector.shape_cast %mul3A_182 : vector<16xf32> to vector<1x16xf32>
      tpu.vector_store %arg12[%swap3A_183, %swap3A_184], %swap3A_187 {strides = array<i32>} : memref<64x128xf32, #tpu.memory_space<vmem>>, vector<1x16xf32>,
      %get3A_188 = arith.index_cast %scan3A_93 : i32 to index
      %get3A_189 = arith.constant 80 : index
      %get3A_190 = tpu.vector_load %arg12[%get3A_188, %get3A_189] {strides = array<i32>} : memref<64x128xf32, #tpu.memory_space<vmem>>, vector<1x16xf32>,
      %get3A_191 = vector.shape_cast %get3A_190 : vector<1x16xf32> to vector<16xf32>
      %get3A_192 = arith.index_cast %scan3A_93 : i32 to index
      %get3A_193 = arith.constant 80 : index
      %get3A_194 = tpu.vector_load %arg8[%get3A_192, %get3A_193] {strides = array<i32>} : memref<64x128xf32, #tpu.memory_space<vmem>>, vector<1x16xf32>,
      %get3A_195 = vector.shape_cast %get3A_194 : vector<1x16xf32> to vector<16xf32>
      %get3A_196 = arith.index_cast %scan3A_93 : i32 to index
      %get3A_197 = arith.constant 80 : index
      %get3A_198 = tpu.vector_load %arg11[%get3A_196, %get3A_197] {strides = array<i32>} : memref<64x128xf32, #tpu.memory_space<vmem>>, vector<1x16xf32>,
      %get3A_199 = vector.shape_cast %get3A_198 : vector<1x16xf32> to vector<16xf32>
      %add3A_200 = arith.addf %get3A_195, %get3A_199 : vector<16xf32>
      %mul3A_201 = arith.mulf %get3A_191, %add3A_200 : vector<16xf32>
      %swap3A_202 = arith.index_cast %scan3A_93 : i32 to index
      %swap3A_203 = arith.constant 80 : index
      %swap3A_204 = tpu.vector_load %arg12[%swap3A_202, %swap3A_203] {strides = array<i32>} : memref<64x128xf32, #tpu.memory_space<vmem>>, vector<1x16xf32>,
      %swap3A_205 = vector.shape_cast %swap3A_204 : vector<1x16xf32> to vector<16xf32>
      %swap3A_206 = vector.shape_cast %mul3A_201 : vector<16xf32> to vector<1x16xf32>
      tpu.vector_store %arg12[%swap3A_202, %swap3A_203], %swap3A_206 {strides = array<i32>} : memref<64x128xf32, #tpu.memory_space<vmem>>, vector<1x16xf32>,
      %get3A_207 = arith.index_cast %scan3A_93 : i32 to index
      %get3A_208 = arith.constant 96 : index
      %get3A_209 = tpu.vector_load %arg12[%get3A_207, %get3A_208] {strides = array<i32>} : memref<64x128xf32, #tpu.memory_space<vmem>>, vector<1x16xf32>,
      %get3A_210 = vector.shape_cast %get3A_209 : vector<1x16xf32> to vector<16xf32>
      %get3A_211 = arith.index_cast %scan3A_93 : i32 to index
      %get3A_212 = arith.constant 96 : index
      %get3A_213 = tpu.vector_load %arg8[%get3A_211, %get3A_212] {strides = array<i32>} : memref<64x128xf32, #tpu.memory_space<vmem>>, vector<1x16xf32>,
      %get3A_214 = vector.shape_cast %get3A_213 : vector<1x16xf32> to vector<16xf32>
      %get3A_215 = arith.index_cast %scan3A_93 : i32 to index
      %get3A_216 = arith.constant 96 : index
      %get3A_217 = tpu.vector_load %arg11[%get3A_215, %get3A_216] {strides = array<i32>} : memref<64x128xf32, #tpu.memory_space<vmem>>, vector<1x16xf32>,
      %get3A_218 = vector.shape_cast %get3A_217 : vector<1x16xf32> to vector<16xf32>
      %add3A_219 = arith.addf %get3A_214, %get3A_218 : vector<16xf32>
      %mul3A_220 = arith.mulf %get3A_210, %add3A_219 : vector<16xf32>
      %swap3A_221 = arith.index_cast %scan3A_93 : i32 to index
      %swap3A_222 = arith.constant 96 : index
      %swap3A_223 = tpu.vector_load %arg12[%swap3A_221, %swap3A_222] {strides = array<i32>} : memref<64x128xf32, #tpu.memory_space<vmem>>, vector<1x16xf32>,
      %swap3A_224 = vector.shape_cast %swap3A_223 : vector<1x16xf32> to vector<16xf32>
      %swap3A_225 = vector.shape_cast %mul3A_220 : vector<16xf32> to vector<1x16xf32>
      tpu.vector_store %arg12[%swap3A_221, %swap3A_222], %swap3A_225 {strides = array<i32>} : memref<64x128xf32, #tpu.memory_space<vmem>>, vector<1x16xf32>,
      %get3A_226 = arith.index_cast %scan3A_93 : i32 to index
      %get3A_227 = arith.constant 112 : index
      %get3A_228 = tpu.vector_load %arg12[%get3A_226, %get3A_227] {strides = array<i32>} : memref<64x128xf32, #tpu.memory_space<vmem>>, vector<1x16xf32>,
      %get3A_229 = vector.shape_cast %get3A_228 : vector<1x16xf32> to vector<16xf32>
      %get3A_230 = arith.index_cast %scan3A_93 : i32 to index
      %get3A_231 = arith.constant 112 : index
      %get3A_232 = tpu.vector_load %arg8[%get3A_230, %get3A_231] {strides = array<i32>} : memref<64x128xf32, #tpu.memory_space<vmem>>, vector<1x16xf32>,
      %get3A_233 = vector.shape_cast %get3A_232 : vector<1x16xf32> to vector<16xf32>
      %get3A_234 = arith.index_cast %scan3A_93 : i32 to index
      %get3A_235 = arith.constant 112 : index
      %get3A_236 = tpu.vector_load %arg11[%get3A_234, %get3A_235] {strides = array<i32>} : memref<64x128xf32, #tpu.memory_space<vmem>>, vector<1x16xf32>,
      %get3A_237 = vector.shape_cast %get3A_236 : vector<1x16xf32> to vector<16xf32>
      %add3A_238 = arith.addf %get3A_233, %get3A_237 : vector<16xf32>
      %mul3A_239 = arith.mulf %get3A_229, %add3A_238 : vector<16xf32>
      %swap3A_240 = arith.index_cast %scan3A_93 : i32 to index
      %swap3A_241 = arith.constant 112 : index
      %swap3A_242 = tpu.vector_load %arg12[%swap3A_240, %swap3A_241] {strides = array<i32>} : memref<64x128xf32, #tpu.memory_space<vmem>>, vector<1x16xf32>,
      %swap3A_243 = vector.shape_cast %swap3A_242 : vector<1x16xf32> to vector<16xf32>
      %swap3A_244 = vector.shape_cast %mul3A_239 : vector<16xf32> to vector<1x16xf32>
      tpu.vector_store %arg12[%swap3A_240, %swap3A_241], %swap3A_244 {strides = array<i32>} : memref<64x128xf32, #tpu.memory_space<vmem>>, vector<1x16xf32>,
      %scan3A_245 = arith.constant 0 : i32
      scf.yield %scan3A_245 : i32
    }
    %scan3A_60 = arith.constant 64 : i32
    "tpu.region"() ({
      %run_scoped3A = tpu.sem_alloc : memref<!tpu.dma_semaphore, #tpu.memory_space<semaphore_mem>>
      %dma_start3A = arith.constant 0 : i32
      %dma_start3A_93 = arith.constant 0 : i32
      %dma_start3A_94 = tpu.memref_slice %arg14[%dma_start3A, %dma_start3A_93] : memref<512x128xf32, #tpu.memory_space<vmem_shared>> -> memref<512x128xf32, #tpu.memory_space<vmem_shared>>
      tpu.enqueue_indirect_dma source(%arg12 : memref<64x128xf32, #tpu.memory_space<vmem>>) target(%dma_start3A_94 : memref<512x128xf32, #tpu.memory_space<vmem_shared>>) offsets(%arg10 : memref<64xi32, #tpu.memory_space<vmem>>) semaphore(%run_scoped3A : memref<!tpu.dma_semaphore, #tpu.memory_space<semaphore_mem>>) {add = true}
      %dma_wait3A = arith.constant 0 : i32
      %dma_wait3A_95 = arith.constant 0 : i32
      %dma_wait3A_96 = tpu.memref_slice %arg14[%dma_wait3A, %dma_wait3A_95] : memref<512x128xf32, #tpu.memory_space<vmem_shared>> -> memref<512x128xf32, #tpu.memory_space<vmem_shared>>
      tpu.wait_indirect_dma semaphore(%run_scoped3A : memref<!tpu.dma_semaphore, #tpu.memory_space<semaphore_mem>>) src(%arg12 : memref<64x128xf32, #tpu.memory_space<vmem>>) dst(%dma_wait3A_96 : memref<512x128xf32, #tpu.memory_space<vmem_shared>>)
      tpu.yield
    }) : () -> ()
    %add3A_61 = arith.constant 320 : i32
    %add3A_62 = arith.addi %mul3A_2, %add3A_61 : i32
    "tpu.region"() ({
      %run_scoped3A = tpu.sem_alloc : memref<!tpu.dma_semaphore, #tpu.memory_space<semaphore_mem>>
      %dma_start3A = tpu.memref_slice %arg4[%add3A_62] : memref<16384xi32, #tpu.memory_space<hbm>> -> memref<64xi32, #tpu.memory_space<hbm>>
      %dma_start3A_93 = tpu.memref_slice %arg4[%add3A_62] : memref<16384xi32, #tpu.memory_space<hbm>> -> memref<64xi32, #tpu.memory_space<hbm>>
      tpu.enqueue_dma source(%dma_start3A_93 : memref<64xi32, #tpu.memory_space<hbm>>) target(%arg9 : memref<64xi32, #tpu.memory_space<vmem>>) target_semaphore(%run_scoped3A : memref<!tpu.dma_semaphore, #tpu.memory_space<semaphore_mem>>)
      %dma_wait3A = tpu.memref_slice %arg4[%add3A_62] : memref<16384xi32, #tpu.memory_space<hbm>> -> memref<64xi32, #tpu.memory_space<hbm>>
      %dma_wait3A_94 = tpu.memref_slice %arg4[%add3A_62] : memref<16384xi32, #tpu.memory_space<hbm>> -> memref<64xi32, #tpu.memory_space<hbm>>
      tpu.wait_dma2 semaphore(%run_scoped3A : memref<!tpu.dma_semaphore, #tpu.memory_space<semaphore_mem>>) src(%dma_wait3A_94 : memref<64xi32, #tpu.memory_space<hbm>>) dst(%arg9 : memref<64xi32, #tpu.memory_space<vmem>>)
      tpu.yield
    }) : () -> ()
    "tpu.region"() ({
      %run_scoped3A = tpu.sem_alloc : memref<!tpu.dma_semaphore, #tpu.memory_space<semaphore_mem>>
      %dma_start3A = tpu.memref_slice %arg5[%add3A_62] : memref<16384xi32, #tpu.memory_space<hbm>> -> memref<64xi32, #tpu.memory_space<hbm>>
      %dma_start3A_93 = tpu.memref_slice %arg5[%add3A_62] : memref<16384xi32, #tpu.memory_space<hbm>> -> memref<64xi32, #tpu.memory_space<hbm>>
      tpu.enqueue_dma source(%dma_start3A_93 : memref<64xi32, #tpu.memory_space<hbm>>) target(%arg10 : memref<64xi32, #tpu.memory_space<vmem>>) target_semaphore(%run_scoped3A : memref<!tpu.dma_semaphore, #tpu.memory_space<semaphore_mem>>)
      %dma_wait3A = tpu.memref_slice %arg5[%add3A_62] : memref<16384xi32, #tpu.memory_space<hbm>> -> memref<64xi32, #tpu.memory_space<hbm>>
      %dma_wait3A_94 = tpu.memref_slice %arg5[%add3A_62] : memref<16384xi32, #tpu.memory_space<hbm>> -> memref<64xi32, #tpu.memory_space<hbm>>
      tpu.wait_dma2 semaphore(%run_scoped3A : memref<!tpu.dma_semaphore, #tpu.memory_space<semaphore_mem>>) src(%dma_wait3A_94 : memref<64xi32, #tpu.memory_space<hbm>>) dst(%arg10 : memref<64xi32, #tpu.memory_space<vmem>>)
      tpu.yield
    }) : () -> ()
    "tpu.region"() ({
      %run_scoped3A = tpu.sem_alloc : memref<!tpu.dma_semaphore, #tpu.memory_space<semaphore_mem>>
      %dma_start3A = arith.constant 0 : i32
      %dma_start3A_93 = tpu.memref_slice %arg6[%add3A_62, %dma_start3A] : memref<16384x128xf32, #tpu.memory_space<hbm>> -> memref<64x128xf32, #tpu.memory_space<hbm>>
      %dma_start3A_94 = arith.constant 0 : i32
      %dma_start3A_95 = tpu.memref_slice %arg6[%add3A_62, %dma_start3A_94] : memref<16384x128xf32, #tpu.memory_space<hbm>> -> memref<64x128xf32, #tpu.memory_space<hbm>>
      tpu.enqueue_dma source(%dma_start3A_95 : memref<64x128xf32, #tpu.memory_space<hbm>>) target(%arg11 : memref<64x128xf32, #tpu.memory_space<vmem>>) target_semaphore(%run_scoped3A : memref<!tpu.dma_semaphore, #tpu.memory_space<semaphore_mem>>)
      %dma_wait3A = arith.constant 0 : i32
      %dma_wait3A_96 = tpu.memref_slice %arg6[%add3A_62, %dma_wait3A] : memref<16384x128xf32, #tpu.memory_space<hbm>> -> memref<64x128xf32, #tpu.memory_space<hbm>>
      %dma_wait3A_97 = arith.constant 0 : i32
      %dma_wait3A_98 = tpu.memref_slice %arg6[%add3A_62, %dma_wait3A_97] : memref<16384x128xf32, #tpu.memory_space<hbm>> -> memref<64x128xf32, #tpu.memory_space<hbm>>
      tpu.wait_dma2 semaphore(%run_scoped3A : memref<!tpu.dma_semaphore, #tpu.memory_space<semaphore_mem>>) src(%dma_wait3A_98 : memref<64x128xf32, #tpu.memory_space<hbm>>) dst(%arg11 : memref<64x128xf32, #tpu.memory_space<vmem>>)
      tpu.yield
    }) : () -> ()
    "tpu.region"() ({
      %run_scoped3A = tpu.sem_alloc : memref<!tpu.dma_semaphore, #tpu.memory_space<semaphore_mem>>
      %dma_start3A = arith.constant 0 : i32
      %dma_start3A_93 = tpu.memref_slice %arg3[%add3A_62, %dma_start3A] : memref<16384x128xf32, #tpu.memory_space<hbm>> -> memref<64x128xf32, #tpu.memory_space<hbm>>
      %dma_start3A_94 = arith.constant 0 : i32
      %dma_start3A_95 = tpu.memref_slice %arg3[%add3A_62, %dma_start3A_94] : memref<16384x128xf32, #tpu.memory_space<hbm>> -> memref<64x128xf32, #tpu.memory_space<hbm>>
      tpu.enqueue_dma source(%dma_start3A_95 : memref<64x128xf32, #tpu.memory_space<hbm>>) target(%arg12 : memref<64x128xf32, #tpu.memory_space<vmem>>) target_semaphore(%run_scoped3A : memref<!tpu.dma_semaphore, #tpu.memory_space<semaphore_mem>>)
      %dma_wait3A = arith.constant 0 : i32
      %dma_wait3A_96 = tpu.memref_slice %arg3[%add3A_62, %dma_wait3A] : memref<16384x128xf32, #tpu.memory_space<hbm>> -> memref<64x128xf32, #tpu.memory_space<hbm>>
      %dma_wait3A_97 = arith.constant 0 : i32
      %dma_wait3A_98 = tpu.memref_slice %arg3[%add3A_62, %dma_wait3A_97] : memref<16384x128xf32, #tpu.memory_space<hbm>> -> memref<64x128xf32, #tpu.memory_space<hbm>>
      tpu.wait_dma2 semaphore(%run_scoped3A : memref<!tpu.dma_semaphore, #tpu.memory_space<semaphore_mem>>) src(%dma_wait3A_98 : memref<64x128xf32, #tpu.memory_space<hbm>>) dst(%arg12 : memref<64x128xf32, #tpu.memory_space<vmem>>)
      tpu.yield
    }) : () -> ()
    "tpu.region"() ({
      %run_scoped3A = tpu.sem_alloc : memref<!tpu.dma_semaphore, #tpu.memory_space<semaphore_mem>>
      %dma_start3A = arith.constant 0 : i32
      %dma_start3A_93 = arith.constant 0 : i32
      %dma_start3A_94 = tpu.memref_slice %arg15[%dma_start3A, %dma_start3A_93] : memref<512x128xf32, #tpu.memory_space<vmem_shared>> -> memref<512x128xf32, #tpu.memory_space<vmem_shared>>
      tpu.enqueue_indirect_dma source(%dma_start3A_94 : memref<512x128xf32, #tpu.memory_space<vmem_shared>>) target(%arg8 : memref<64x128xf32, #tpu.memory_space<vmem>>) offsets(%arg9 : memref<64xi32, #tpu.memory_space<vmem>>) semaphore(%run_scoped3A : memref<!tpu.dma_semaphore, #tpu.memory_space<semaphore_mem>>)
      %dma_wait3A = arith.constant 0 : i32
      %dma_wait3A_95 = arith.constant 0 : i32
      %dma_wait3A_96 = tpu.memref_slice %arg15[%dma_wait3A, %dma_wait3A_95] : memref<512x128xf32, #tpu.memory_space<vmem_shared>> -> memref<512x128xf32, #tpu.memory_space<vmem_shared>>
      tpu.wait_indirect_dma semaphore(%run_scoped3A : memref<!tpu.dma_semaphore, #tpu.memory_space<semaphore_mem>>) src(%dma_wait3A_96 : memref<512x128xf32, #tpu.memory_space<vmem_shared>>) dst(%arg8 : memref<64x128xf32, #tpu.memory_space<vmem>>)
      tpu.yield
    }) : () -> ()
    %scan3A_63 = arith.constant 0 : i32
    %scan3A_64 = arith.constant 0 : i32
    %scan3A_65 = arith.constant 64 : i32
    %scan3A_66 = arith.addi %scan3A_64, %scan3A_65 : i32
    %scan3A_67 = arith.constant 1 : i32
    %scan3A_68 = scf.for %scan3A_93 = %scan3A_64 to %scan3A_66 step %scan3A_67 iter_args(%scan3A_94 = %scan3A_63) -> (i32)  : i32 {
      %get3A = arith.index_cast %scan3A_93 : i32 to index
      %get3A_95 = arith.constant 0 : index
      %get3A_96 = tpu.vector_load %arg12[%get3A, %get3A_95] {strides = array<i32>} : memref<64x128xf32, #tpu.memory_space<vmem>>, vector<1x16xf32>,
      %get3A_97 = vector.shape_cast %get3A_96 : vector<1x16xf32> to vector<16xf32>
      %get3A_98 = arith.index_cast %scan3A_93 : i32 to index
      %get3A_99 = arith.constant 0 : index
      %get3A_100 = tpu.vector_load %arg8[%get3A_98, %get3A_99] {strides = array<i32>} : memref<64x128xf32, #tpu.memory_space<vmem>>, vector<1x16xf32>,
      %get3A_101 = vector.shape_cast %get3A_100 : vector<1x16xf32> to vector<16xf32>
      %get3A_102 = arith.index_cast %scan3A_93 : i32 to index
      %get3A_103 = arith.constant 0 : index
      %get3A_104 = tpu.vector_load %arg11[%get3A_102, %get3A_103] {strides = array<i32>} : memref<64x128xf32, #tpu.memory_space<vmem>>, vector<1x16xf32>,
      %get3A_105 = vector.shape_cast %get3A_104 : vector<1x16xf32> to vector<16xf32>
      %add3A_106 = arith.addf %get3A_101, %get3A_105 : vector<16xf32>
      %mul3A_107 = arith.mulf %get3A_97, %add3A_106 : vector<16xf32>
      %swap3A = arith.index_cast %scan3A_93 : i32 to index
      %swap3A_108 = arith.constant 0 : index
      %swap3A_109 = tpu.vector_load %arg12[%swap3A, %swap3A_108] {strides = array<i32>} : memref<64x128xf32, #tpu.memory_space<vmem>>, vector<1x16xf32>,
      %swap3A_110 = vector.shape_cast %swap3A_109 : vector<1x16xf32> to vector<16xf32>
      %swap3A_111 = vector.shape_cast %mul3A_107 : vector<16xf32> to vector<1x16xf32>
      tpu.vector_store %arg12[%swap3A, %swap3A_108], %swap3A_111 {strides = array<i32>} : memref<64x128xf32, #tpu.memory_space<vmem>>, vector<1x16xf32>,
      %get3A_112 = arith.index_cast %scan3A_93 : i32 to index
      %get3A_113 = arith.constant 16 : index
      %get3A_114 = tpu.vector_load %arg12[%get3A_112, %get3A_113] {strides = array<i32>} : memref<64x128xf32, #tpu.memory_space<vmem>>, vector<1x16xf32>,
      %get3A_115 = vector.shape_cast %get3A_114 : vector<1x16xf32> to vector<16xf32>
      %get3A_116 = arith.index_cast %scan3A_93 : i32 to index
      %get3A_117 = arith.constant 16 : index
      %get3A_118 = tpu.vector_load %arg8[%get3A_116, %get3A_117] {strides = array<i32>} : memref<64x128xf32, #tpu.memory_space<vmem>>, vector<1x16xf32>,
      %get3A_119 = vector.shape_cast %get3A_118 : vector<1x16xf32> to vector<16xf32>
      %get3A_120 = arith.index_cast %scan3A_93 : i32 to index
      %get3A_121 = arith.constant 16 : index
      %get3A_122 = tpu.vector_load %arg11[%get3A_120, %get3A_121] {strides = array<i32>} : memref<64x128xf32, #tpu.memory_space<vmem>>, vector<1x16xf32>,
      %get3A_123 = vector.shape_cast %get3A_122 : vector<1x16xf32> to vector<16xf32>
      %add3A_124 = arith.addf %get3A_119, %get3A_123 : vector<16xf32>
      %mul3A_125 = arith.mulf %get3A_115, %add3A_124 : vector<16xf32>
      %swap3A_126 = arith.index_cast %scan3A_93 : i32 to index
      %swap3A_127 = arith.constant 16 : index
      %swap3A_128 = tpu.vector_load %arg12[%swap3A_126, %swap3A_127] {strides = array<i32>} : memref<64x128xf32, #tpu.memory_space<vmem>>, vector<1x16xf32>,
      %swap3A_129 = vector.shape_cast %swap3A_128 : vector<1x16xf32> to vector<16xf32>
      %swap3A_130 = vector.shape_cast %mul3A_125 : vector<16xf32> to vector<1x16xf32>
      tpu.vector_store %arg12[%swap3A_126, %swap3A_127], %swap3A_130 {strides = array<i32>} : memref<64x128xf32, #tpu.memory_space<vmem>>, vector<1x16xf32>,
      %get3A_131 = arith.index_cast %scan3A_93 : i32 to index
      %get3A_132 = arith.constant 32 : index
      %get3A_133 = tpu.vector_load %arg12[%get3A_131, %get3A_132] {strides = array<i32>} : memref<64x128xf32, #tpu.memory_space<vmem>>, vector<1x16xf32>,
      %get3A_134 = vector.shape_cast %get3A_133 : vector<1x16xf32> to vector<16xf32>
      %get3A_135 = arith.index_cast %scan3A_93 : i32 to index
      %get3A_136 = arith.constant 32 : index
      %get3A_137 = tpu.vector_load %arg8[%get3A_135, %get3A_136] {strides = array<i32>} : memref<64x128xf32, #tpu.memory_space<vmem>>, vector<1x16xf32>,
      %get3A_138 = vector.shape_cast %get3A_137 : vector<1x16xf32> to vector<16xf32>
      %get3A_139 = arith.index_cast %scan3A_93 : i32 to index
      %get3A_140 = arith.constant 32 : index
      %get3A_141 = tpu.vector_load %arg11[%get3A_139, %get3A_140] {strides = array<i32>} : memref<64x128xf32, #tpu.memory_space<vmem>>, vector<1x16xf32>,
      %get3A_142 = vector.shape_cast %get3A_141 : vector<1x16xf32> to vector<16xf32>
      %add3A_143 = arith.addf %get3A_138, %get3A_142 : vector<16xf32>
      %mul3A_144 = arith.mulf %get3A_134, %add3A_143 : vector<16xf32>
      %swap3A_145 = arith.index_cast %scan3A_93 : i32 to index
      %swap3A_146 = arith.constant 32 : index
      %swap3A_147 = tpu.vector_load %arg12[%swap3A_145, %swap3A_146] {strides = array<i32>} : memref<64x128xf32, #tpu.memory_space<vmem>>, vector<1x16xf32>,
      %swap3A_148 = vector.shape_cast %swap3A_147 : vector<1x16xf32> to vector<16xf32>
      %swap3A_149 = vector.shape_cast %mul3A_144 : vector<16xf32> to vector<1x16xf32>
      tpu.vector_store %arg12[%swap3A_145, %swap3A_146], %swap3A_149 {strides = array<i32>} : memref<64x128xf32, #tpu.memory_space<vmem>>, vector<1x16xf32>,
      %get3A_150 = arith.index_cast %scan3A_93 : i32 to index
      %get3A_151 = arith.constant 48 : index
      %get3A_152 = tpu.vector_load %arg12[%get3A_150, %get3A_151] {strides = array<i32>} : memref<64x128xf32, #tpu.memory_space<vmem>>, vector<1x16xf32>,
      %get3A_153 = vector.shape_cast %get3A_152 : vector<1x16xf32> to vector<16xf32>
      %get3A_154 = arith.index_cast %scan3A_93 : i32 to index
      %get3A_155 = arith.constant 48 : index
      %get3A_156 = tpu.vector_load %arg8[%get3A_154, %get3A_155] {strides = array<i32>} : memref<64x128xf32, #tpu.memory_space<vmem>>, vector<1x16xf32>,
      %get3A_157 = vector.shape_cast %get3A_156 : vector<1x16xf32> to vector<16xf32>
      %get3A_158 = arith.index_cast %scan3A_93 : i32 to index
      %get3A_159 = arith.constant 48 : index
      %get3A_160 = tpu.vector_load %arg11[%get3A_158, %get3A_159] {strides = array<i32>} : memref<64x128xf32, #tpu.memory_space<vmem>>, vector<1x16xf32>,
      %get3A_161 = vector.shape_cast %get3A_160 : vector<1x16xf32> to vector<16xf32>
      %add3A_162 = arith.addf %get3A_157, %get3A_161 : vector<16xf32>
      %mul3A_163 = arith.mulf %get3A_153, %add3A_162 : vector<16xf32>
      %swap3A_164 = arith.index_cast %scan3A_93 : i32 to index
      %swap3A_165 = arith.constant 48 : index
      %swap3A_166 = tpu.vector_load %arg12[%swap3A_164, %swap3A_165] {strides = array<i32>} : memref<64x128xf32, #tpu.memory_space<vmem>>, vector<1x16xf32>,
      %swap3A_167 = vector.shape_cast %swap3A_166 : vector<1x16xf32> to vector<16xf32>
      %swap3A_168 = vector.shape_cast %mul3A_163 : vector<16xf32> to vector<1x16xf32>
      tpu.vector_store %arg12[%swap3A_164, %swap3A_165], %swap3A_168 {strides = array<i32>} : memref<64x128xf32, #tpu.memory_space<vmem>>, vector<1x16xf32>,
      %get3A_169 = arith.index_cast %scan3A_93 : i32 to index
      %get3A_170 = arith.constant 64 : index
      %get3A_171 = tpu.vector_load %arg12[%get3A_169, %get3A_170] {strides = array<i32>} : memref<64x128xf32, #tpu.memory_space<vmem>>, vector<1x16xf32>,
      %get3A_172 = vector.shape_cast %get3A_171 : vector<1x16xf32> to vector<16xf32>
      %get3A_173 = arith.index_cast %scan3A_93 : i32 to index
      %get3A_174 = arith.constant 64 : index
      %get3A_175 = tpu.vector_load %arg8[%get3A_173, %get3A_174] {strides = array<i32>} : memref<64x128xf32, #tpu.memory_space<vmem>>, vector<1x16xf32>,
      %get3A_176 = vector.shape_cast %get3A_175 : vector<1x16xf32> to vector<16xf32>
      %get3A_177 = arith.index_cast %scan3A_93 : i32 to index
      %get3A_178 = arith.constant 64 : index
      %get3A_179 = tpu.vector_load %arg11[%get3A_177, %get3A_178] {strides = array<i32>} : memref<64x128xf32, #tpu.memory_space<vmem>>, vector<1x16xf32>,
      %get3A_180 = vector.shape_cast %get3A_179 : vector<1x16xf32> to vector<16xf32>
      %add3A_181 = arith.addf %get3A_176, %get3A_180 : vector<16xf32>
      %mul3A_182 = arith.mulf %get3A_172, %add3A_181 : vector<16xf32>
      %swap3A_183 = arith.index_cast %scan3A_93 : i32 to index
      %swap3A_184 = arith.constant 64 : index
      %swap3A_185 = tpu.vector_load %arg12[%swap3A_183, %swap3A_184] {strides = array<i32>} : memref<64x128xf32, #tpu.memory_space<vmem>>, vector<1x16xf32>,
      %swap3A_186 = vector.shape_cast %swap3A_185 : vector<1x16xf32> to vector<16xf32>
      %swap3A_187 = vector.shape_cast %mul3A_182 : vector<16xf32> to vector<1x16xf32>
      tpu.vector_store %arg12[%swap3A_183, %swap3A_184], %swap3A_187 {strides = array<i32>} : memref<64x128xf32, #tpu.memory_space<vmem>>, vector<1x16xf32>,
      %get3A_188 = arith.index_cast %scan3A_93 : i32 to index
      %get3A_189 = arith.constant 80 : index
      %get3A_190 = tpu.vector_load %arg12[%get3A_188, %get3A_189] {strides = array<i32>} : memref<64x128xf32, #tpu.memory_space<vmem>>, vector<1x16xf32>,
      %get3A_191 = vector.shape_cast %get3A_190 : vector<1x16xf32> to vector<16xf32>
      %get3A_192 = arith.index_cast %scan3A_93 : i32 to index
      %get3A_193 = arith.constant 80 : index
      %get3A_194 = tpu.vector_load %arg8[%get3A_192, %get3A_193] {strides = array<i32>} : memref<64x128xf32, #tpu.memory_space<vmem>>, vector<1x16xf32>,
      %get3A_195 = vector.shape_cast %get3A_194 : vector<1x16xf32> to vector<16xf32>
      %get3A_196 = arith.index_cast %scan3A_93 : i32 to index
      %get3A_197 = arith.constant 80 : index
      %get3A_198 = tpu.vector_load %arg11[%get3A_196, %get3A_197] {strides = array<i32>} : memref<64x128xf32, #tpu.memory_space<vmem>>, vector<1x16xf32>,
      %get3A_199 = vector.shape_cast %get3A_198 : vector<1x16xf32> to vector<16xf32>
      %add3A_200 = arith.addf %get3A_195, %get3A_199 : vector<16xf32>
      %mul3A_201 = arith.mulf %get3A_191, %add3A_200 : vector<16xf32>
      %swap3A_202 = arith.index_cast %scan3A_93 : i32 to index
      %swap3A_203 = arith.constant 80 : index
      %swap3A_204 = tpu.vector_load %arg12[%swap3A_202, %swap3A_203] {strides = array<i32>} : memref<64x128xf32, #tpu.memory_space<vmem>>, vector<1x16xf32>,
      %swap3A_205 = vector.shape_cast %swap3A_204 : vector<1x16xf32> to vector<16xf32>
      %swap3A_206 = vector.shape_cast %mul3A_201 : vector<16xf32> to vector<1x16xf32>
      tpu.vector_store %arg12[%swap3A_202, %swap3A_203], %swap3A_206 {strides = array<i32>} : memref<64x128xf32, #tpu.memory_space<vmem>>, vector<1x16xf32>,
      %get3A_207 = arith.index_cast %scan3A_93 : i32 to index
      %get3A_208 = arith.constant 96 : index
      %get3A_209 = tpu.vector_load %arg12[%get3A_207, %get3A_208] {strides = array<i32>} : memref<64x128xf32, #tpu.memory_space<vmem>>, vector<1x16xf32>,
      %get3A_210 = vector.shape_cast %get3A_209 : vector<1x16xf32> to vector<16xf32>
      %get3A_211 = arith.index_cast %scan3A_93 : i32 to index
      %get3A_212 = arith.constant 96 : index
      %get3A_213 = tpu.vector_load %arg8[%get3A_211, %get3A_212] {strides = array<i32>} : memref<64x128xf32, #tpu.memory_space<vmem>>, vector<1x16xf32>,
      %get3A_214 = vector.shape_cast %get3A_213 : vector<1x16xf32> to vector<16xf32>
      %get3A_215 = arith.index_cast %scan3A_93 : i32 to index
      %get3A_216 = arith.constant 96 : index
      %get3A_217 = tpu.vector_load %arg11[%get3A_215, %get3A_216] {strides = array<i32>} : memref<64x128xf32, #tpu.memory_space<vmem>>, vector<1x16xf32>,
      %get3A_218 = vector.shape_cast %get3A_217 : vector<1x16xf32> to vector<16xf32>
      %add3A_219 = arith.addf %get3A_214, %get3A_218 : vector<16xf32>
      %mul3A_220 = arith.mulf %get3A_210, %add3A_219 : vector<16xf32>
      %swap3A_221 = arith.index_cast %scan3A_93 : i32 to index
      %swap3A_222 = arith.constant 96 : index
      %swap3A_223 = tpu.vector_load %arg12[%swap3A_221, %swap3A_222] {strides = array<i32>} : memref<64x128xf32, #tpu.memory_space<vmem>>, vector<1x16xf32>,
      %swap3A_224 = vector.shape_cast %swap3A_223 : vector<1x16xf32> to vector<16xf32>
      %swap3A_225 = vector.shape_cast %mul3A_220 : vector<16xf32> to vector<1x16xf32>
      tpu.vector_store %arg12[%swap3A_221, %swap3A_222], %swap3A_225 {strides = array<i32>} : memref<64x128xf32, #tpu.memory_space<vmem>>, vector<1x16xf32>,
      %get3A_226 = arith.index_cast %scan3A_93 : i32 to index
      %get3A_227 = arith.constant 112 : index
      %get3A_228 = tpu.vector_load %arg12[%get3A_226, %get3A_227] {strides = array<i32>} : memref<64x128xf32, #tpu.memory_space<vmem>>, vector<1x16xf32>,
      %get3A_229 = vector.shape_cast %get3A_228 : vector<1x16xf32> to vector<16xf32>
      %get3A_230 = arith.index_cast %scan3A_93 : i32 to index
      %get3A_231 = arith.constant 112 : index
      %get3A_232 = tpu.vector_load %arg8[%get3A_230, %get3A_231] {strides = array<i32>} : memref<64x128xf32, #tpu.memory_space<vmem>>, vector<1x16xf32>,
      %get3A_233 = vector.shape_cast %get3A_232 : vector<1x16xf32> to vector<16xf32>
      %get3A_234 = arith.index_cast %scan3A_93 : i32 to index
      %get3A_235 = arith.constant 112 : index
      %get3A_236 = tpu.vector_load %arg11[%get3A_234, %get3A_235] {strides = array<i32>} : memref<64x128xf32, #tpu.memory_space<vmem>>, vector<1x16xf32>,
      %get3A_237 = vector.shape_cast %get3A_236 : vector<1x16xf32> to vector<16xf32>
      %add3A_238 = arith.addf %get3A_233, %get3A_237 : vector<16xf32>
      %mul3A_239 = arith.mulf %get3A_229, %add3A_238 : vector<16xf32>
      %swap3A_240 = arith.index_cast %scan3A_93 : i32 to index
      %swap3A_241 = arith.constant 112 : index
      %swap3A_242 = tpu.vector_load %arg12[%swap3A_240, %swap3A_241] {strides = array<i32>} : memref<64x128xf32, #tpu.memory_space<vmem>>, vector<1x16xf32>,
      %swap3A_243 = vector.shape_cast %swap3A_242 : vector<1x16xf32> to vector<16xf32>
      %swap3A_244 = vector.shape_cast %mul3A_239 : vector<16xf32> to vector<1x16xf32>
      tpu.vector_store %arg12[%swap3A_240, %swap3A_241], %swap3A_244 {strides = array<i32>} : memref<64x128xf32, #tpu.memory_space<vmem>>, vector<1x16xf32>,
      %scan3A_245 = arith.constant 0 : i32
      scf.yield %scan3A_245 : i32
    }
    %scan3A_69 = arith.constant 64 : i32
    "tpu.region"() ({
      %run_scoped3A = tpu.sem_alloc : memref<!tpu.dma_semaphore, #tpu.memory_space<semaphore_mem>>
      %dma_start3A = arith.constant 0 : i32
      %dma_start3A_93 = arith.constant 0 : i32
      %dma_start3A_94 = tpu.memref_slice %arg14[%dma_start3A, %dma_start3A_93] : memref<512x128xf32, #tpu.memory_space<vmem_shared>> -> memref<512x128xf32, #tpu.memory_space<vmem_shared>>
      tpu.enqueue_indirect_dma source(%arg12 : memref<64x128xf32, #tpu.memory_space<vmem>>) target(%dma_start3A_94 : memref<512x128xf32, #tpu.memory_space<vmem_shared>>) offsets(%arg10 : memref<64xi32, #tpu.memory_space<vmem>>) semaphore(%run_scoped3A : memref<!tpu.dma_semaphore, #tpu.memory_space<semaphore_mem>>) {add = true}
      %dma_wait3A = arith.constant 0 : i32
      %dma_wait3A_95 = arith.constant 0 : i32
      %dma_wait3A_96 = tpu.memref_slice %arg14[%dma_wait3A, %dma_wait3A_95] : memref<512x128xf32, #tpu.memory_space<vmem_shared>> -> memref<512x128xf32, #tpu.memory_space<vmem_shared>>
      tpu.wait_indirect_dma semaphore(%run_scoped3A : memref<!tpu.dma_semaphore, #tpu.memory_space<semaphore_mem>>) src(%arg12 : memref<64x128xf32, #tpu.memory_space<vmem>>) dst(%dma_wait3A_96 : memref<512x128xf32, #tpu.memory_space<vmem_shared>>)
      tpu.yield
    }) : () -> ()
    %add3A_70 = arith.constant 384 : i32
    %add3A_71 = arith.addi %mul3A_2, %add3A_70 : i32
    "tpu.region"() ({
      %run_scoped3A = tpu.sem_alloc : memref<!tpu.dma_semaphore, #tpu.memory_space<semaphore_mem>>
      %dma_start3A = tpu.memref_slice %arg4[%add3A_71] : memref<16384xi32, #tpu.memory_space<hbm>> -> memref<64xi32, #tpu.memory_space<hbm>>
      %dma_start3A_93 = tpu.memref_slice %arg4[%add3A_71] : memref<16384xi32, #tpu.memory_space<hbm>> -> memref<64xi32, #tpu.memory_space<hbm>>
      tpu.enqueue_dma source(%dma_start3A_93 : memref<64xi32, #tpu.memory_space<hbm>>) target(%arg9 : memref<64xi32, #tpu.memory_space<vmem>>) target_semaphore(%run_scoped3A : memref<!tpu.dma_semaphore, #tpu.memory_space<semaphore_mem>>)
      %dma_wait3A = tpu.memref_slice %arg4[%add3A_71] : memref<16384xi32, #tpu.memory_space<hbm>> -> memref<64xi32, #tpu.memory_space<hbm>>
      %dma_wait3A_94 = tpu.memref_slice %arg4[%add3A_71] : memref<16384xi32, #tpu.memory_space<hbm>> -> memref<64xi32, #tpu.memory_space<hbm>>
      tpu.wait_dma2 semaphore(%run_scoped3A : memref<!tpu.dma_semaphore, #tpu.memory_space<semaphore_mem>>) src(%dma_wait3A_94 : memref<64xi32, #tpu.memory_space<hbm>>) dst(%arg9 : memref<64xi32, #tpu.memory_space<vmem>>)
      tpu.yield
    }) : () -> ()
    "tpu.region"() ({
      %run_scoped3A = tpu.sem_alloc : memref<!tpu.dma_semaphore, #tpu.memory_space<semaphore_mem>>
      %dma_start3A = tpu.memref_slice %arg5[%add3A_71] : memref<16384xi32, #tpu.memory_space<hbm>> -> memref<64xi32, #tpu.memory_space<hbm>>
      %dma_start3A_93 = tpu.memref_slice %arg5[%add3A_71] : memref<16384xi32, #tpu.memory_space<hbm>> -> memref<64xi32, #tpu.memory_space<hbm>>
      tpu.enqueue_dma source(%dma_start3A_93 : memref<64xi32, #tpu.memory_space<hbm>>) target(%arg10 : memref<64xi32, #tpu.memory_space<vmem>>) target_semaphore(%run_scoped3A : memref<!tpu.dma_semaphore, #tpu.memory_space<semaphore_mem>>)
      %dma_wait3A = tpu.memref_slice %arg5[%add3A_71] : memref<16384xi32, #tpu.memory_space<hbm>> -> memref<64xi32, #tpu.memory_space<hbm>>
      %dma_wait3A_94 = tpu.memref_slice %arg5[%add3A_71] : memref<16384xi32, #tpu.memory_space<hbm>> -> memref<64xi32, #tpu.memory_space<hbm>>
      tpu.wait_dma2 semaphore(%run_scoped3A : memref<!tpu.dma_semaphore, #tpu.memory_space<semaphore_mem>>) src(%dma_wait3A_94 : memref<64xi32, #tpu.memory_space<hbm>>) dst(%arg10 : memref<64xi32, #tpu.memory_space<vmem>>)
      tpu.yield
    }) : () -> ()
    "tpu.region"() ({
      %run_scoped3A = tpu.sem_alloc : memref<!tpu.dma_semaphore, #tpu.memory_space<semaphore_mem>>
      %dma_start3A = arith.constant 0 : i32
      %dma_start3A_93 = tpu.memref_slice %arg6[%add3A_71, %dma_start3A] : memref<16384x128xf32, #tpu.memory_space<hbm>> -> memref<64x128xf32, #tpu.memory_space<hbm>>
      %dma_start3A_94 = arith.constant 0 : i32
      %dma_start3A_95 = tpu.memref_slice %arg6[%add3A_71, %dma_start3A_94] : memref<16384x128xf32, #tpu.memory_space<hbm>> -> memref<64x128xf32, #tpu.memory_space<hbm>>
      tpu.enqueue_dma source(%dma_start3A_95 : memref<64x128xf32, #tpu.memory_space<hbm>>) target(%arg11 : memref<64x128xf32, #tpu.memory_space<vmem>>) target_semaphore(%run_scoped3A : memref<!tpu.dma_semaphore, #tpu.memory_space<semaphore_mem>>)
      %dma_wait3A = arith.constant 0 : i32
      %dma_wait3A_96 = tpu.memref_slice %arg6[%add3A_71, %dma_wait3A] : memref<16384x128xf32, #tpu.memory_space<hbm>> -> memref<64x128xf32, #tpu.memory_space<hbm>>
      %dma_wait3A_97 = arith.constant 0 : i32
      %dma_wait3A_98 = tpu.memref_slice %arg6[%add3A_71, %dma_wait3A_97] : memref<16384x128xf32, #tpu.memory_space<hbm>> -> memref<64x128xf32, #tpu.memory_space<hbm>>
      tpu.wait_dma2 semaphore(%run_scoped3A : memref<!tpu.dma_semaphore, #tpu.memory_space<semaphore_mem>>) src(%dma_wait3A_98 : memref<64x128xf32, #tpu.memory_space<hbm>>) dst(%arg11 : memref<64x128xf32, #tpu.memory_space<vmem>>)
      tpu.yield
    }) : () -> ()
    "tpu.region"() ({
      %run_scoped3A = tpu.sem_alloc : memref<!tpu.dma_semaphore, #tpu.memory_space<semaphore_mem>>
      %dma_start3A = arith.constant 0 : i32
      %dma_start3A_93 = tpu.memref_slice %arg3[%add3A_71, %dma_start3A] : memref<16384x128xf32, #tpu.memory_space<hbm>> -> memref<64x128xf32, #tpu.memory_space<hbm>>
      %dma_start3A_94 = arith.constant 0 : i32
      %dma_start3A_95 = tpu.memref_slice %arg3[%add3A_71, %dma_start3A_94] : memref<16384x128xf32, #tpu.memory_space<hbm>> -> memref<64x128xf32, #tpu.memory_space<hbm>>
      tpu.enqueue_dma source(%dma_start3A_95 : memref<64x128xf32, #tpu.memory_space<hbm>>) target(%arg12 : memref<64x128xf32, #tpu.memory_space<vmem>>) target_semaphore(%run_scoped3A : memref<!tpu.dma_semaphore, #tpu.memory_space<semaphore_mem>>)
      %dma_wait3A = arith.constant 0 : i32
      %dma_wait3A_96 = tpu.memref_slice %arg3[%add3A_71, %dma_wait3A] : memref<16384x128xf32, #tpu.memory_space<hbm>> -> memref<64x128xf32, #tpu.memory_space<hbm>>
      %dma_wait3A_97 = arith.constant 0 : i32
      %dma_wait3A_98 = tpu.memref_slice %arg3[%add3A_71, %dma_wait3A_97] : memref<16384x128xf32, #tpu.memory_space<hbm>> -> memref<64x128xf32, #tpu.memory_space<hbm>>
      tpu.wait_dma2 semaphore(%run_scoped3A : memref<!tpu.dma_semaphore, #tpu.memory_space<semaphore_mem>>) src(%dma_wait3A_98 : memref<64x128xf32, #tpu.memory_space<hbm>>) dst(%arg12 : memref<64x128xf32, #tpu.memory_space<vmem>>)
      tpu.yield
    }) : () -> ()
    "tpu.region"() ({
      %run_scoped3A = tpu.sem_alloc : memref<!tpu.dma_semaphore, #tpu.memory_space<semaphore_mem>>
      %dma_start3A = arith.constant 0 : i32
      %dma_start3A_93 = arith.constant 0 : i32
      %dma_start3A_94 = tpu.memref_slice %arg15[%dma_start3A, %dma_start3A_93] : memref<512x128xf32, #tpu.memory_space<vmem_shared>> -> memref<512x128xf32, #tpu.memory_space<vmem_shared>>
      tpu.enqueue_indirect_dma source(%dma_start3A_94 : memref<512x128xf32, #tpu.memory_space<vmem_shared>>) target(%arg8 : memref<64x128xf32, #tpu.memory_space<vmem>>) offsets(%arg9 : memref<64xi32, #tpu.memory_space<vmem>>) semaphore(%run_scoped3A : memref<!tpu.dma_semaphore, #tpu.memory_space<semaphore_mem>>)
      %dma_wait3A = arith.constant 0 : i32
      %dma_wait3A_95 = arith.constant 0 : i32
      %dma_wait3A_96 = tpu.memref_slice %arg15[%dma_wait3A, %dma_wait3A_95] : memref<512x128xf32, #tpu.memory_space<vmem_shared>> -> memref<512x128xf32, #tpu.memory_space<vmem_shared>>
      tpu.wait_indirect_dma semaphore(%run_scoped3A : memref<!tpu.dma_semaphore, #tpu.memory_space<semaphore_mem>>) src(%dma_wait3A_96 : memref<512x128xf32, #tpu.memory_space<vmem_shared>>) dst(%arg8 : memref<64x128xf32, #tpu.memory_space<vmem>>)
      tpu.yield
    }) : () -> ()
    %scan3A_72 = arith.constant 0 : i32
    %scan3A_73 = arith.constant 0 : i32
    %scan3A_74 = arith.constant 64 : i32
    %scan3A_75 = arith.addi %scan3A_73, %scan3A_74 : i32
    %scan3A_76 = arith.constant 1 : i32
    %scan3A_77 = scf.for %scan3A_93 = %scan3A_73 to %scan3A_75 step %scan3A_76 iter_args(%scan3A_94 = %scan3A_72) -> (i32)  : i32 {
      %get3A = arith.index_cast %scan3A_93 : i32 to index
      %get3A_95 = arith.constant 0 : index
      %get3A_96 = tpu.vector_load %arg12[%get3A, %get3A_95] {strides = array<i32>} : memref<64x128xf32, #tpu.memory_space<vmem>>, vector<1x16xf32>,
      %get3A_97 = vector.shape_cast %get3A_96 : vector<1x16xf32> to vector<16xf32>
      %get3A_98 = arith.index_cast %scan3A_93 : i32 to index
      %get3A_99 = arith.constant 0 : index
      %get3A_100 = tpu.vector_load %arg8[%get3A_98, %get3A_99] {strides = array<i32>} : memref<64x128xf32, #tpu.memory_space<vmem>>, vector<1x16xf32>,
      %get3A_101 = vector.shape_cast %get3A_100 : vector<1x16xf32> to vector<16xf32>
      %get3A_102 = arith.index_cast %scan3A_93 : i32 to index
      %get3A_103 = arith.constant 0 : index
      %get3A_104 = tpu.vector_load %arg11[%get3A_102, %get3A_103] {strides = array<i32>} : memref<64x128xf32, #tpu.memory_space<vmem>>, vector<1x16xf32>,
      %get3A_105 = vector.shape_cast %get3A_104 : vector<1x16xf32> to vector<16xf32>
      %add3A_106 = arith.addf %get3A_101, %get3A_105 : vector<16xf32>
      %mul3A_107 = arith.mulf %get3A_97, %add3A_106 : vector<16xf32>
      %swap3A = arith.index_cast %scan3A_93 : i32 to index
      %swap3A_108 = arith.constant 0 : index
      %swap3A_109 = tpu.vector_load %arg12[%swap3A, %swap3A_108] {strides = array<i32>} : memref<64x128xf32, #tpu.memory_space<vmem>>, vector<1x16xf32>,
      %swap3A_110 = vector.shape_cast %swap3A_109 : vector<1x16xf32> to vector<16xf32>
      %swap3A_111 = vector.shape_cast %mul3A_107 : vector<16xf32> to vector<1x16xf32>
      tpu.vector_store %arg12[%swap3A, %swap3A_108], %swap3A_111 {strides = array<i32>} : memref<64x128xf32, #tpu.memory_space<vmem>>, vector<1x16xf32>,
      %get3A_112 = arith.index_cast %scan3A_93 : i32 to index
      %get3A_113 = arith.constant 16 : index
      %get3A_114 = tpu.vector_load %arg12[%get3A_112, %get3A_113] {strides = array<i32>} : memref<64x128xf32, #tpu.memory_space<vmem>>, vector<1x16xf32>,
      %get3A_115 = vector.shape_cast %get3A_114 : vector<1x16xf32> to vector<16xf32>
      %get3A_116 = arith.index_cast %scan3A_93 : i32 to index
      %get3A_117 = arith.constant 16 : index
      %get3A_118 = tpu.vector_load %arg8[%get3A_116, %get3A_117] {strides = array<i32>} : memref<64x128xf32, #tpu.memory_space<vmem>>, vector<1x16xf32>,
      %get3A_119 = vector.shape_cast %get3A_118 : vector<1x16xf32> to vector<16xf32>
      %get3A_120 = arith.index_cast %scan3A_93 : i32 to index
      %get3A_121 = arith.constant 16 : index
      %get3A_122 = tpu.vector_load %arg11[%get3A_120, %get3A_121] {strides = array<i32>} : memref<64x128xf32, #tpu.memory_space<vmem>>, vector<1x16xf32>,
      %get3A_123 = vector.shape_cast %get3A_122 : vector<1x16xf32> to vector<16xf32>
      %add3A_124 = arith.addf %get3A_119, %get3A_123 : vector<16xf32>
      %mul3A_125 = arith.mulf %get3A_115, %add3A_124 : vector<16xf32>
      %swap3A_126 = arith.index_cast %scan3A_93 : i32 to index
      %swap3A_127 = arith.constant 16 : index
      %swap3A_128 = tpu.vector_load %arg12[%swap3A_126, %swap3A_127] {strides = array<i32>} : memref<64x128xf32, #tpu.memory_space<vmem>>, vector<1x16xf32>,
      %swap3A_129 = vector.shape_cast %swap3A_128 : vector<1x16xf32> to vector<16xf32>
      %swap3A_130 = vector.shape_cast %mul3A_125 : vector<16xf32> to vector<1x16xf32>
      tpu.vector_store %arg12[%swap3A_126, %swap3A_127], %swap3A_130 {strides = array<i32>} : memref<64x128xf32, #tpu.memory_space<vmem>>, vector<1x16xf32>,
      %get3A_131 = arith.index_cast %scan3A_93 : i32 to index
      %get3A_132 = arith.constant 32 : index
      %get3A_133 = tpu.vector_load %arg12[%get3A_131, %get3A_132] {strides = array<i32>} : memref<64x128xf32, #tpu.memory_space<vmem>>, vector<1x16xf32>,
      %get3A_134 = vector.shape_cast %get3A_133 : vector<1x16xf32> to vector<16xf32>
      %get3A_135 = arith.index_cast %scan3A_93 : i32 to index
      %get3A_136 = arith.constant 32 : index
      %get3A_137 = tpu.vector_load %arg8[%get3A_135, %get3A_136] {strides = array<i32>} : memref<64x128xf32, #tpu.memory_space<vmem>>, vector<1x16xf32>,
      %get3A_138 = vector.shape_cast %get3A_137 : vector<1x16xf32> to vector<16xf32>
      %get3A_139 = arith.index_cast %scan3A_93 : i32 to index
      %get3A_140 = arith.constant 32 : index
      %get3A_141 = tpu.vector_load %arg11[%get3A_139, %get3A_140] {strides = array<i32>} : memref<64x128xf32, #tpu.memory_space<vmem>>, vector<1x16xf32>,
      %get3A_142 = vector.shape_cast %get3A_141 : vector<1x16xf32> to vector<16xf32>
      %add3A_143 = arith.addf %get3A_138, %get3A_142 : vector<16xf32>
      %mul3A_144 = arith.mulf %get3A_134, %add3A_143 : vector<16xf32>
      %swap3A_145 = arith.index_cast %scan3A_93 : i32 to index
      %swap3A_146 = arith.constant 32 : index
      %swap3A_147 = tpu.vector_load %arg12[%swap3A_145, %swap3A_146] {strides = array<i32>} : memref<64x128xf32, #tpu.memory_space<vmem>>, vector<1x16xf32>,
      %swap3A_148 = vector.shape_cast %swap3A_147 : vector<1x16xf32> to vector<16xf32>
      %swap3A_149 = vector.shape_cast %mul3A_144 : vector<16xf32> to vector<1x16xf32>
      tpu.vector_store %arg12[%swap3A_145, %swap3A_146], %swap3A_149 {strides = array<i32>} : memref<64x128xf32, #tpu.memory_space<vmem>>, vector<1x16xf32>,
      %get3A_150 = arith.index_cast %scan3A_93 : i32 to index
      %get3A_151 = arith.constant 48 : index
      %get3A_152 = tpu.vector_load %arg12[%get3A_150, %get3A_151] {strides = array<i32>} : memref<64x128xf32, #tpu.memory_space<vmem>>, vector<1x16xf32>,
      %get3A_153 = vector.shape_cast %get3A_152 : vector<1x16xf32> to vector<16xf32>
      %get3A_154 = arith.index_cast %scan3A_93 : i32 to index
      %get3A_155 = arith.constant 48 : index
      %get3A_156 = tpu.vector_load %arg8[%get3A_154, %get3A_155] {strides = array<i32>} : memref<64x128xf32, #tpu.memory_space<vmem>>, vector<1x16xf32>,
      %get3A_157 = vector.shape_cast %get3A_156 : vector<1x16xf32> to vector<16xf32>
      %get3A_158 = arith.index_cast %scan3A_93 : i32 to index
      %get3A_159 = arith.constant 48 : index
      %get3A_160 = tpu.vector_load %arg11[%get3A_158, %get3A_159] {strides = array<i32>} : memref<64x128xf32, #tpu.memory_space<vmem>>, vector<1x16xf32>,
      %get3A_161 = vector.shape_cast %get3A_160 : vector<1x16xf32> to vector<16xf32>
      %add3A_162 = arith.addf %get3A_157, %get3A_161 : vector<16xf32>
      %mul3A_163 = arith.mulf %get3A_153, %add3A_162 : vector<16xf32>
      %swap3A_164 = arith.index_cast %scan3A_93 : i32 to index
      %swap3A_165 = arith.constant 48 : index
      %swap3A_166 = tpu.vector_load %arg12[%swap3A_164, %swap3A_165] {strides = array<i32>} : memref<64x128xf32, #tpu.memory_space<vmem>>, vector<1x16xf32>,
      %swap3A_167 = vector.shape_cast %swap3A_166 : vector<1x16xf32> to vector<16xf32>
      %swap3A_168 = vector.shape_cast %mul3A_163 : vector<16xf32> to vector<1x16xf32>
      tpu.vector_store %arg12[%swap3A_164, %swap3A_165], %swap3A_168 {strides = array<i32>} : memref<64x128xf32, #tpu.memory_space<vmem>>, vector<1x16xf32>,
      %get3A_169 = arith.index_cast %scan3A_93 : i32 to index
      %get3A_170 = arith.constant 64 : index
      %get3A_171 = tpu.vector_load %arg12[%get3A_169, %get3A_170] {strides = array<i32>} : memref<64x128xf32, #tpu.memory_space<vmem>>, vector<1x16xf32>,
      %get3A_172 = vector.shape_cast %get3A_171 : vector<1x16xf32> to vector<16xf32>
      %get3A_173 = arith.index_cast %scan3A_93 : i32 to index
      %get3A_174 = arith.constant 64 : index
      %get3A_175 = tpu.vector_load %arg8[%get3A_173, %get3A_174] {strides = array<i32>} : memref<64x128xf32, #tpu.memory_space<vmem>>, vector<1x16xf32>,
      %get3A_176 = vector.shape_cast %get3A_175 : vector<1x16xf32> to vector<16xf32>
      %get3A_177 = arith.index_cast %scan3A_93 : i32 to index
      %get3A_178 = arith.constant 64 : index
      %get3A_179 = tpu.vector_load %arg11[%get3A_177, %get3A_178] {strides = array<i32>} : memref<64x128xf32, #tpu.memory_space<vmem>>, vector<1x16xf32>,
      %get3A_180 = vector.shape_cast %get3A_179 : vector<1x16xf32> to vector<16xf32>
      %add3A_181 = arith.addf %get3A_176, %get3A_180 : vector<16xf32>
      %mul3A_182 = arith.mulf %get3A_172, %add3A_181 : vector<16xf32>
      %swap3A_183 = arith.index_cast %scan3A_93 : i32 to index
      %swap3A_184 = arith.constant 64 : index
      %swap3A_185 = tpu.vector_load %arg12[%swap3A_183, %swap3A_184] {strides = array<i32>} : memref<64x128xf32, #tpu.memory_space<vmem>>, vector<1x16xf32>,
      %swap3A_186 = vector.shape_cast %swap3A_185 : vector<1x16xf32> to vector<16xf32>
      %swap3A_187 = vector.shape_cast %mul3A_182 : vector<16xf32> to vector<1x16xf32>
      tpu.vector_store %arg12[%swap3A_183, %swap3A_184], %swap3A_187 {strides = array<i32>} : memref<64x128xf32, #tpu.memory_space<vmem>>, vector<1x16xf32>,
      %get3A_188 = arith.index_cast %scan3A_93 : i32 to index
      %get3A_189 = arith.constant 80 : index
      %get3A_190 = tpu.vector_load %arg12[%get3A_188, %get3A_189] {strides = array<i32>} : memref<64x128xf32, #tpu.memory_space<vmem>>, vector<1x16xf32>,
      %get3A_191 = vector.shape_cast %get3A_190 : vector<1x16xf32> to vector<16xf32>
      %get3A_192 = arith.index_cast %scan3A_93 : i32 to index
      %get3A_193 = arith.constant 80 : index
      %get3A_194 = tpu.vector_load %arg8[%get3A_192, %get3A_193] {strides = array<i32>} : memref<64x128xf32, #tpu.memory_space<vmem>>, vector<1x16xf32>,
      %get3A_195 = vector.shape_cast %get3A_194 : vector<1x16xf32> to vector<16xf32>
      %get3A_196 = arith.index_cast %scan3A_93 : i32 to index
      %get3A_197 = arith.constant 80 : index
      %get3A_198 = tpu.vector_load %arg11[%get3A_196, %get3A_197] {strides = array<i32>} : memref<64x128xf32, #tpu.memory_space<vmem>>, vector<1x16xf32>,
      %get3A_199 = vector.shape_cast %get3A_198 : vector<1x16xf32> to vector<16xf32>
      %add3A_200 = arith.addf %get3A_195, %get3A_199 : vector<16xf32>
      %mul3A_201 = arith.mulf %get3A_191, %add3A_200 : vector<16xf32>
      %swap3A_202 = arith.index_cast %scan3A_93 : i32 to index
      %swap3A_203 = arith.constant 80 : index
      %swap3A_204 = tpu.vector_load %arg12[%swap3A_202, %swap3A_203] {strides = array<i32>} : memref<64x128xf32, #tpu.memory_space<vmem>>, vector<1x16xf32>,
      %swap3A_205 = vector.shape_cast %swap3A_204 : vector<1x16xf32> to vector<16xf32>
      %swap3A_206 = vector.shape_cast %mul3A_201 : vector<16xf32> to vector<1x16xf32>
      tpu.vector_store %arg12[%swap3A_202, %swap3A_203], %swap3A_206 {strides = array<i32>} : memref<64x128xf32, #tpu.memory_space<vmem>>, vector<1x16xf32>,
      %get3A_207 = arith.index_cast %scan3A_93 : i32 to index
      %get3A_208 = arith.constant 96 : index
      %get3A_209 = tpu.vector_load %arg12[%get3A_207, %get3A_208] {strides = array<i32>} : memref<64x128xf32, #tpu.memory_space<vmem>>, vector<1x16xf32>,
      %get3A_210 = vector.shape_cast %get3A_209 : vector<1x16xf32> to vector<16xf32>
      %get3A_211 = arith.index_cast %scan3A_93 : i32 to index
      %get3A_212 = arith.constant 96 : index
      %get3A_213 = tpu.vector_load %arg8[%get3A_211, %get3A_212] {strides = array<i32>} : memref<64x128xf32, #tpu.memory_space<vmem>>, vector<1x16xf32>,
      %get3A_214 = vector.shape_cast %get3A_213 : vector<1x16xf32> to vector<16xf32>
      %get3A_215 = arith.index_cast %scan3A_93 : i32 to index
      %get3A_216 = arith.constant 96 : index
      %get3A_217 = tpu.vector_load %arg11[%get3A_215, %get3A_216] {strides = array<i32>} : memref<64x128xf32, #tpu.memory_space<vmem>>, vector<1x16xf32>,
      %get3A_218 = vector.shape_cast %get3A_217 : vector<1x16xf32> to vector<16xf32>
      %add3A_219 = arith.addf %get3A_214, %get3A_218 : vector<16xf32>
      %mul3A_220 = arith.mulf %get3A_210, %add3A_219 : vector<16xf32>
      %swap3A_221 = arith.index_cast %scan3A_93 : i32 to index
      %swap3A_222 = arith.constant 96 : index
      %swap3A_223 = tpu.vector_load %arg12[%swap3A_221, %swap3A_222] {strides = array<i32>} : memref<64x128xf32, #tpu.memory_space<vmem>>, vector<1x16xf32>,
      %swap3A_224 = vector.shape_cast %swap3A_223 : vector<1x16xf32> to vector<16xf32>
      %swap3A_225 = vector.shape_cast %mul3A_220 : vector<16xf32> to vector<1x16xf32>
      tpu.vector_store %arg12[%swap3A_221, %swap3A_222], %swap3A_225 {strides = array<i32>} : memref<64x128xf32, #tpu.memory_space<vmem>>, vector<1x16xf32>,
      %get3A_226 = arith.index_cast %scan3A_93 : i32 to index
      %get3A_227 = arith.constant 112 : index
      %get3A_228 = tpu.vector_load %arg12[%get3A_226, %get3A_227] {strides = array<i32>} : memref<64x128xf32, #tpu.memory_space<vmem>>, vector<1x16xf32>,
      %get3A_229 = vector.shape_cast %get3A_228 : vector<1x16xf32> to vector<16xf32>
      %get3A_230 = arith.index_cast %scan3A_93 : i32 to index
      %get3A_231 = arith.constant 112 : index
      %get3A_232 = tpu.vector_load %arg8[%get3A_230, %get3A_231] {strides = array<i32>} : memref<64x128xf32, #tpu.memory_space<vmem>>, vector<1x16xf32>,
      %get3A_233 = vector.shape_cast %get3A_232 : vector<1x16xf32> to vector<16xf32>
      %get3A_234 = arith.index_cast %scan3A_93 : i32 to index
      %get3A_235 = arith.constant 112 : index
      %get3A_236 = tpu.vector_load %arg11[%get3A_234, %get3A_235] {strides = array<i32>} : memref<64x128xf32, #tpu.memory_space<vmem>>, vector<1x16xf32>,
      %get3A_237 = vector.shape_cast %get3A_236 : vector<1x16xf32> to vector<16xf32>
      %add3A_238 = arith.addf %get3A_233, %get3A_237 : vector<16xf32>
      %mul3A_239 = arith.mulf %get3A_229, %add3A_238 : vector<16xf32>
      %swap3A_240 = arith.index_cast %scan3A_93 : i32 to index
      %swap3A_241 = arith.constant 112 : index
      %swap3A_242 = tpu.vector_load %arg12[%swap3A_240, %swap3A_241] {strides = array<i32>} : memref<64x128xf32, #tpu.memory_space<vmem>>, vector<1x16xf32>,
      %swap3A_243 = vector.shape_cast %swap3A_242 : vector<1x16xf32> to vector<16xf32>
      %swap3A_244 = vector.shape_cast %mul3A_239 : vector<16xf32> to vector<1x16xf32>
      tpu.vector_store %arg12[%swap3A_240, %swap3A_241], %swap3A_244 {strides = array<i32>} : memref<64x128xf32, #tpu.memory_space<vmem>>, vector<1x16xf32>,
      %scan3A_245 = arith.constant 0 : i32
      scf.yield %scan3A_245 : i32
    }
    %scan3A_78 = arith.constant 64 : i32
    "tpu.region"() ({
      %run_scoped3A = tpu.sem_alloc : memref<!tpu.dma_semaphore, #tpu.memory_space<semaphore_mem>>
      %dma_start3A = arith.constant 0 : i32
      %dma_start3A_93 = arith.constant 0 : i32
      %dma_start3A_94 = tpu.memref_slice %arg14[%dma_start3A, %dma_start3A_93] : memref<512x128xf32, #tpu.memory_space<vmem_shared>> -> memref<512x128xf32, #tpu.memory_space<vmem_shared>>
      tpu.enqueue_indirect_dma source(%arg12 : memref<64x128xf32, #tpu.memory_space<vmem>>) target(%dma_start3A_94 : memref<512x128xf32, #tpu.memory_space<vmem_shared>>) offsets(%arg10 : memref<64xi32, #tpu.memory_space<vmem>>) semaphore(%run_scoped3A : memref<!tpu.dma_semaphore, #tpu.memory_space<semaphore_mem>>) {add = true}
      %dma_wait3A = arith.constant 0 : i32
      %dma_wait3A_95 = arith.constant 0 : i32
      %dma_wait3A_96 = tpu.memref_slice %arg14[%dma_wait3A, %dma_wait3A_95] : memref<512x128xf32, #tpu.memory_space<vmem_shared>> -> memref<512x128xf32, #tpu.memory_space<vmem_shared>>
      tpu.wait_indirect_dma semaphore(%run_scoped3A : memref<!tpu.dma_semaphore, #tpu.memory_space<semaphore_mem>>) src(%arg12 : memref<64x128xf32, #tpu.memory_space<vmem>>) dst(%dma_wait3A_96 : memref<512x128xf32, #tpu.memory_space<vmem_shared>>)
      tpu.yield
    }) : () -> ()
    %add3A_79 = arith.constant 448 : i32
    %add3A_80 = arith.addi %mul3A_2, %add3A_79 : i32
    "tpu.region"() ({
      %run_scoped3A = tpu.sem_alloc : memref<!tpu.dma_semaphore, #tpu.memory_space<semaphore_mem>>
      %dma_start3A = tpu.memref_slice %arg4[%add3A_80] : memref<16384xi32, #tpu.memory_space<hbm>> -> memref<64xi32, #tpu.memory_space<hbm>>
      %dma_start3A_93 = tpu.memref_slice %arg4[%add3A_80] : memref<16384xi32, #tpu.memory_space<hbm>> -> memref<64xi32, #tpu.memory_space<hbm>>
      tpu.enqueue_dma source(%dma_start3A_93 : memref<64xi32, #tpu.memory_space<hbm>>) target(%arg9 : memref<64xi32, #tpu.memory_space<vmem>>) target_semaphore(%run_scoped3A : memref<!tpu.dma_semaphore, #tpu.memory_space<semaphore_mem>>)
      %dma_wait3A = tpu.memref_slice %arg4[%add3A_80] : memref<16384xi32, #tpu.memory_space<hbm>> -> memref<64xi32, #tpu.memory_space<hbm>>
      %dma_wait3A_94 = tpu.memref_slice %arg4[%add3A_80] : memref<16384xi32, #tpu.memory_space<hbm>> -> memref<64xi32, #tpu.memory_space<hbm>>
      tpu.wait_dma2 semaphore(%run_scoped3A : memref<!tpu.dma_semaphore, #tpu.memory_space<semaphore_mem>>) src(%dma_wait3A_94 : memref<64xi32, #tpu.memory_space<hbm>>) dst(%arg9 : memref<64xi32, #tpu.memory_space<vmem>>)
      tpu.yield
    }) : () -> ()
    "tpu.region"() ({
      %run_scoped3A = tpu.sem_alloc : memref<!tpu.dma_semaphore, #tpu.memory_space<semaphore_mem>>
      %dma_start3A = tpu.memref_slice %arg5[%add3A_80] : memref<16384xi32, #tpu.memory_space<hbm>> -> memref<64xi32, #tpu.memory_space<hbm>>
      %dma_start3A_93 = tpu.memref_slice %arg5[%add3A_80] : memref<16384xi32, #tpu.memory_space<hbm>> -> memref<64xi32, #tpu.memory_space<hbm>>
      tpu.enqueue_dma source(%dma_start3A_93 : memref<64xi32, #tpu.memory_space<hbm>>) target(%arg10 : memref<64xi32, #tpu.memory_space<vmem>>) target_semaphore(%run_scoped3A : memref<!tpu.dma_semaphore, #tpu.memory_space<semaphore_mem>>)
      %dma_wait3A = tpu.memref_slice %arg5[%add3A_80] : memref<16384xi32, #tpu.memory_space<hbm>> -> memref<64xi32, #tpu.memory_space<hbm>>
      %dma_wait3A_94 = tpu.memref_slice %arg5[%add3A_80] : memref<16384xi32, #tpu.memory_space<hbm>> -> memref<64xi32, #tpu.memory_space<hbm>>
      tpu.wait_dma2 semaphore(%run_scoped3A : memref<!tpu.dma_semaphore, #tpu.memory_space<semaphore_mem>>) src(%dma_wait3A_94 : memref<64xi32, #tpu.memory_space<hbm>>) dst(%arg10 : memref<64xi32, #tpu.memory_space<vmem>>)
      tpu.yield
    }) : () -> ()
    "tpu.region"() ({
      %run_scoped3A = tpu.sem_alloc : memref<!tpu.dma_semaphore, #tpu.memory_space<semaphore_mem>>
      %dma_start3A = arith.constant 0 : i32
      %dma_start3A_93 = tpu.memref_slice %arg6[%add3A_80, %dma_start3A] : memref<16384x128xf32, #tpu.memory_space<hbm>> -> memref<64x128xf32, #tpu.memory_space<hbm>>
      %dma_start3A_94 = arith.constant 0 : i32
      %dma_start3A_95 = tpu.memref_slice %arg6[%add3A_80, %dma_start3A_94] : memref<16384x128xf32, #tpu.memory_space<hbm>> -> memref<64x128xf32, #tpu.memory_space<hbm>>
      tpu.enqueue_dma source(%dma_start3A_95 : memref<64x128xf32, #tpu.memory_space<hbm>>) target(%arg11 : memref<64x128xf32, #tpu.memory_space<vmem>>) target_semaphore(%run_scoped3A : memref<!tpu.dma_semaphore, #tpu.memory_space<semaphore_mem>>)
      %dma_wait3A = arith.constant 0 : i32
      %dma_wait3A_96 = tpu.memref_slice %arg6[%add3A_80, %dma_wait3A] : memref<16384x128xf32, #tpu.memory_space<hbm>> -> memref<64x128xf32, #tpu.memory_space<hbm>>
      %dma_wait3A_97 = arith.constant 0 : i32
      %dma_wait3A_98 = tpu.memref_slice %arg6[%add3A_80, %dma_wait3A_97] : memref<16384x128xf32, #tpu.memory_space<hbm>> -> memref<64x128xf32, #tpu.memory_space<hbm>>
      tpu.wait_dma2 semaphore(%run_scoped3A : memref<!tpu.dma_semaphore, #tpu.memory_space<semaphore_mem>>) src(%dma_wait3A_98 : memref<64x128xf32, #tpu.memory_space<hbm>>) dst(%arg11 : memref<64x128xf32, #tpu.memory_space<vmem>>)
      tpu.yield
    }) : () -> ()
    "tpu.region"() ({
      %run_scoped3A = tpu.sem_alloc : memref<!tpu.dma_semaphore, #tpu.memory_space<semaphore_mem>>
      %dma_start3A = arith.constant 0 : i32
      %dma_start3A_93 = tpu.memref_slice %arg3[%add3A_80, %dma_start3A] : memref<16384x128xf32, #tpu.memory_space<hbm>> -> memref<64x128xf32, #tpu.memory_space<hbm>>
      %dma_start3A_94 = arith.constant 0 : i32
      %dma_start3A_95 = tpu.memref_slice %arg3[%add3A_80, %dma_start3A_94] : memref<16384x128xf32, #tpu.memory_space<hbm>> -> memref<64x128xf32, #tpu.memory_space<hbm>>
      tpu.enqueue_dma source(%dma_start3A_95 : memref<64x128xf32, #tpu.memory_space<hbm>>) target(%arg12 : memref<64x128xf32, #tpu.memory_space<vmem>>) target_semaphore(%run_scoped3A : memref<!tpu.dma_semaphore, #tpu.memory_space<semaphore_mem>>)
      %dma_wait3A = arith.constant 0 : i32
      %dma_wait3A_96 = tpu.memref_slice %arg3[%add3A_80, %dma_wait3A] : memref<16384x128xf32, #tpu.memory_space<hbm>> -> memref<64x128xf32, #tpu.memory_space<hbm>>
      %dma_wait3A_97 = arith.constant 0 : i32
      %dma_wait3A_98 = tpu.memref_slice %arg3[%add3A_80, %dma_wait3A_97] : memref<16384x128xf32, #tpu.memory_space<hbm>> -> memref<64x128xf32, #tpu.memory_space<hbm>>
      tpu.wait_dma2 semaphore(%run_scoped3A : memref<!tpu.dma_semaphore, #tpu.memory_space<semaphore_mem>>) src(%dma_wait3A_98 : memref<64x128xf32, #tpu.memory_space<hbm>>) dst(%arg12 : memref<64x128xf32, #tpu.memory_space<vmem>>)
      tpu.yield
    }) : () -> ()
    "tpu.region"() ({
      %run_scoped3A = tpu.sem_alloc : memref<!tpu.dma_semaphore, #tpu.memory_space<semaphore_mem>>
      %dma_start3A = arith.constant 0 : i32
      %dma_start3A_93 = arith.constant 0 : i32
      %dma_start3A_94 = tpu.memref_slice %arg15[%dma_start3A, %dma_start3A_93] : memref<512x128xf32, #tpu.memory_space<vmem_shared>> -> memref<512x128xf32, #tpu.memory_space<vmem_shared>>
      tpu.enqueue_indirect_dma source(%dma_start3A_94 : memref<512x128xf32, #tpu.memory_space<vmem_shared>>) target(%arg8 : memref<64x128xf32, #tpu.memory_space<vmem>>) offsets(%arg9 : memref<64xi32, #tpu.memory_space<vmem>>) semaphore(%run_scoped3A : memref<!tpu.dma_semaphore, #tpu.memory_space<semaphore_mem>>)
      %dma_wait3A = arith.constant 0 : i32
      %dma_wait3A_95 = arith.constant 0 : i32
      %dma_wait3A_96 = tpu.memref_slice %arg15[%dma_wait3A, %dma_wait3A_95] : memref<512x128xf32, #tpu.memory_space<vmem_shared>> -> memref<512x128xf32, #tpu.memory_space<vmem_shared>>
      tpu.wait_indirect_dma semaphore(%run_scoped3A : memref<!tpu.dma_semaphore, #tpu.memory_space<semaphore_mem>>) src(%dma_wait3A_96 : memref<512x128xf32, #tpu.memory_space<vmem_shared>>) dst(%arg8 : memref<64x128xf32, #tpu.memory_space<vmem>>)
      tpu.yield
    }) : () -> ()
    %scan3A_81 = arith.constant 0 : i32
    %scan3A_82 = arith.constant 0 : i32
    %scan3A_83 = arith.constant 64 : i32
    %scan3A_84 = arith.addi %scan3A_82, %scan3A_83 : i32
    %scan3A_85 = arith.constant 1 : i32
    %scan3A_86 = scf.for %scan3A_93 = %scan3A_82 to %scan3A_84 step %scan3A_85 iter_args(%scan3A_94 = %scan3A_81) -> (i32)  : i32 {
      %get3A = arith.index_cast %scan3A_93 : i32 to index
      %get3A_95 = arith.constant 0 : index
      %get3A_96 = tpu.vector_load %arg12[%get3A, %get3A_95] {strides = array<i32>} : memref<64x128xf32, #tpu.memory_space<vmem>>, vector<1x16xf32>,
      %get3A_97 = vector.shape_cast %get3A_96 : vector<1x16xf32> to vector<16xf32>
      %get3A_98 = arith.index_cast %scan3A_93 : i32 to index
      %get3A_99 = arith.constant 0 : index
      %get3A_100 = tpu.vector_load %arg8[%get3A_98, %get3A_99] {strides = array<i32>} : memref<64x128xf32, #tpu.memory_space<vmem>>, vector<1x16xf32>,
      %get3A_101 = vector.shape_cast %get3A_100 : vector<1x16xf32> to vector<16xf32>
      %get3A_102 = arith.index_cast %scan3A_93 : i32 to index
      %get3A_103 = arith.constant 0 : index
      %get3A_104 = tpu.vector_load %arg11[%get3A_102, %get3A_103] {strides = array<i32>} : memref<64x128xf32, #tpu.memory_space<vmem>>, vector<1x16xf32>,
      %get3A_105 = vector.shape_cast %get3A_104 : vector<1x16xf32> to vector<16xf32>
      %add3A_106 = arith.addf %get3A_101, %get3A_105 : vector<16xf32>
      %mul3A_107 = arith.mulf %get3A_97, %add3A_106 : vector<16xf32>
      %swap3A = arith.index_cast %scan3A_93 : i32 to index
      %swap3A_108 = arith.constant 0 : index
      %swap3A_109 = tpu.vector_load %arg12[%swap3A, %swap3A_108] {strides = array<i32>} : memref<64x128xf32, #tpu.memory_space<vmem>>, vector<1x16xf32>,
      %swap3A_110 = vector.shape_cast %swap3A_109 : vector<1x16xf32> to vector<16xf32>
      %swap3A_111 = vector.shape_cast %mul3A_107 : vector<16xf32> to vector<1x16xf32>
      tpu.vector_store %arg12[%swap3A, %swap3A_108], %swap3A_111 {strides = array<i32>} : memref<64x128xf32, #tpu.memory_space<vmem>>, vector<1x16xf32>,
      %get3A_112 = arith.index_cast %scan3A_93 : i32 to index
      %get3A_113 = arith.constant 16 : index
      %get3A_114 = tpu.vector_load %arg12[%get3A_112, %get3A_113] {strides = array<i32>} : memref<64x128xf32, #tpu.memory_space<vmem>>, vector<1x16xf32>,
      %get3A_115 = vector.shape_cast %get3A_114 : vector<1x16xf32> to vector<16xf32>
      %get3A_116 = arith.index_cast %scan3A_93 : i32 to index
      %get3A_117 = arith.constant 16 : index
      %get3A_118 = tpu.vector_load %arg8[%get3A_116, %get3A_117] {strides = array<i32>} : memref<64x128xf32, #tpu.memory_space<vmem>>, vector<1x16xf32>,
      %get3A_119 = vector.shape_cast %get3A_118 : vector<1x16xf32> to vector<16xf32>
      %get3A_120 = arith.index_cast %scan3A_93 : i32 to index
      %get3A_121 = arith.constant 16 : index
      %get3A_122 = tpu.vector_load %arg11[%get3A_120, %get3A_121] {strides = array<i32>} : memref<64x128xf32, #tpu.memory_space<vmem>>, vector<1x16xf32>,
      %get3A_123 = vector.shape_cast %get3A_122 : vector<1x16xf32> to vector<16xf32>
      %add3A_124 = arith.addf %get3A_119, %get3A_123 : vector<16xf32>
      %mul3A_125 = arith.mulf %get3A_115, %add3A_124 : vector<16xf32>
      %swap3A_126 = arith.index_cast %scan3A_93 : i32 to index
      %swap3A_127 = arith.constant 16 : index
      %swap3A_128 = tpu.vector_load %arg12[%swap3A_126, %swap3A_127] {strides = array<i32>} : memref<64x128xf32, #tpu.memory_space<vmem>>, vector<1x16xf32>,
      %swap3A_129 = vector.shape_cast %swap3A_128 : vector<1x16xf32> to vector<16xf32>
      %swap3A_130 = vector.shape_cast %mul3A_125 : vector<16xf32> to vector<1x16xf32>
      tpu.vector_store %arg12[%swap3A_126, %swap3A_127], %swap3A_130 {strides = array<i32>} : memref<64x128xf32, #tpu.memory_space<vmem>>, vector<1x16xf32>,
      %get3A_131 = arith.index_cast %scan3A_93 : i32 to index
      %get3A_132 = arith.constant 32 : index
      %get3A_133 = tpu.vector_load %arg12[%get3A_131, %get3A_132] {strides = array<i32>} : memref<64x128xf32, #tpu.memory_space<vmem>>, vector<1x16xf32>,
      %get3A_134 = vector.shape_cast %get3A_133 : vector<1x16xf32> to vector<16xf32>
      %get3A_135 = arith.index_cast %scan3A_93 : i32 to index
      %get3A_136 = arith.constant 32 : index
      %get3A_137 = tpu.vector_load %arg8[%get3A_135, %get3A_136] {strides = array<i32>} : memref<64x128xf32, #tpu.memory_space<vmem>>, vector<1x16xf32>,
      %get3A_138 = vector.shape_cast %get3A_137 : vector<1x16xf32> to vector<16xf32>
      %get3A_139 = arith.index_cast %scan3A_93 : i32 to index
      %get3A_140 = arith.constant 32 : index
      %get3A_141 = tpu.vector_load %arg11[%get3A_139, %get3A_140] {strides = array<i32>} : memref<64x128xf32, #tpu.memory_space<vmem>>, vector<1x16xf32>,
      %get3A_142 = vector.shape_cast %get3A_141 : vector<1x16xf32> to vector<16xf32>
      %add3A_143 = arith.addf %get3A_138, %get3A_142 : vector<16xf32>
      %mul3A_144 = arith.mulf %get3A_134, %add3A_143 : vector<16xf32>
      %swap3A_145 = arith.index_cast %scan3A_93 : i32 to index
      %swap3A_146 = arith.constant 32 : index
      %swap3A_147 = tpu.vector_load %arg12[%swap3A_145, %swap3A_146] {strides = array<i32>} : memref<64x128xf32, #tpu.memory_space<vmem>>, vector<1x16xf32>,
      %swap3A_148 = vector.shape_cast %swap3A_147 : vector<1x16xf32> to vector<16xf32>
      %swap3A_149 = vector.shape_cast %mul3A_144 : vector<16xf32> to vector<1x16xf32>
      tpu.vector_store %arg12[%swap3A_145, %swap3A_146], %swap3A_149 {strides = array<i32>} : memref<64x128xf32, #tpu.memory_space<vmem>>, vector<1x16xf32>,
      %get3A_150 = arith.index_cast %scan3A_93 : i32 to index
      %get3A_151 = arith.constant 48 : index
      %get3A_152 = tpu.vector_load %arg12[%get3A_150, %get3A_151] {strides = array<i32>} : memref<64x128xf32, #tpu.memory_space<vmem>>, vector<1x16xf32>,
      %get3A_153 = vector.shape_cast %get3A_152 : vector<1x16xf32> to vector<16xf32>
      %get3A_154 = arith.index_cast %scan3A_93 : i32 to index
      %get3A_155 = arith.constant 48 : index
      %get3A_156 = tpu.vector_load %arg8[%get3A_154, %get3A_155] {strides = array<i32>} : memref<64x128xf32, #tpu.memory_space<vmem>>, vector<1x16xf32>,
      %get3A_157 = vector.shape_cast %get3A_156 : vector<1x16xf32> to vector<16xf32>
      %get3A_158 = arith.index_cast %scan3A_93 : i32 to index
      %get3A_159 = arith.constant 48 : index
      %get3A_160 = tpu.vector_load %arg11[%get3A_158, %get3A_159] {strides = array<i32>} : memref<64x128xf32, #tpu.memory_space<vmem>>, vector<1x16xf32>,
      %get3A_161 = vector.shape_cast %get3A_160 : vector<1x16xf32> to vector<16xf32>
      %add3A_162 = arith.addf %get3A_157, %get3A_161 : vector<16xf32>
      %mul3A_163 = arith.mulf %get3A_153, %add3A_162 : vector<16xf32>
      %swap3A_164 = arith.index_cast %scan3A_93 : i32 to index
      %swap3A_165 = arith.constant 48 : index
      %swap3A_166 = tpu.vector_load %arg12[%swap3A_164, %swap3A_165] {strides = array<i32>} : memref<64x128xf32, #tpu.memory_space<vmem>>, vector<1x16xf32>,
      %swap3A_167 = vector.shape_cast %swap3A_166 : vector<1x16xf32> to vector<16xf32>
      %swap3A_168 = vector.shape_cast %mul3A_163 : vector<16xf32> to vector<1x16xf32>
      tpu.vector_store %arg12[%swap3A_164, %swap3A_165], %swap3A_168 {strides = array<i32>} : memref<64x128xf32, #tpu.memory_space<vmem>>, vector<1x16xf32>,
      %get3A_169 = arith.index_cast %scan3A_93 : i32 to index
      %get3A_170 = arith.constant 64 : index
      %get3A_171 = tpu.vector_load %arg12[%get3A_169, %get3A_170] {strides = array<i32>} : memref<64x128xf32, #tpu.memory_space<vmem>>, vector<1x16xf32>,
      %get3A_172 = vector.shape_cast %get3A_171 : vector<1x16xf32> to vector<16xf32>
      %get3A_173 = arith.index_cast %scan3A_93 : i32 to index
      %get3A_174 = arith.constant 64 : index
      %get3A_175 = tpu.vector_load %arg8[%get3A_173, %get3A_174] {strides = array<i32>} : memref<64x128xf32, #tpu.memory_space<vmem>>, vector<1x16xf32>,
      %get3A_176 = vector.shape_cast %get3A_175 : vector<1x16xf32> to vector<16xf32>
      %get3A_177 = arith.index_cast %scan3A_93 : i32 to index
      %get3A_178 = arith.constant 64 : index
      %get3A_179 = tpu.vector_load %arg11[%get3A_177, %get3A_178] {strides = array<i32>} : memref<64x128xf32, #tpu.memory_space<vmem>>, vector<1x16xf32>,
      %get3A_180 = vector.shape_cast %get3A_179 : vector<1x16xf32> to vector<16xf32>
      %add3A_181 = arith.addf %get3A_176, %get3A_180 : vector<16xf32>
      %mul3A_182 = arith.mulf %get3A_172, %add3A_181 : vector<16xf32>
      %swap3A_183 = arith.index_cast %scan3A_93 : i32 to index
      %swap3A_184 = arith.constant 64 : index
      %swap3A_185 = tpu.vector_load %arg12[%swap3A_183, %swap3A_184] {strides = array<i32>} : memref<64x128xf32, #tpu.memory_space<vmem>>, vector<1x16xf32>,
      %swap3A_186 = vector.shape_cast %swap3A_185 : vector<1x16xf32> to vector<16xf32>
      %swap3A_187 = vector.shape_cast %mul3A_182 : vector<16xf32> to vector<1x16xf32>
      tpu.vector_store %arg12[%swap3A_183, %swap3A_184], %swap3A_187 {strides = array<i32>} : memref<64x128xf32, #tpu.memory_space<vmem>>, vector<1x16xf32>,
      %get3A_188 = arith.index_cast %scan3A_93 : i32 to index
      %get3A_189 = arith.constant 80 : index
      %get3A_190 = tpu.vector_load %arg12[%get3A_188, %get3A_189] {strides = array<i32>} : memref<64x128xf32, #tpu.memory_space<vmem>>, vector<1x16xf32>,
      %get3A_191 = vector.shape_cast %get3A_190 : vector<1x16xf32> to vector<16xf32>
      %get3A_192 = arith.index_cast %scan3A_93 : i32 to index
      %get3A_193 = arith.constant 80 : index
      %get3A_194 = tpu.vector_load %arg8[%get3A_192, %get3A_193] {strides = array<i32>} : memref<64x128xf32, #tpu.memory_space<vmem>>, vector<1x16xf32>,
      %get3A_195 = vector.shape_cast %get3A_194 : vector<1x16xf32> to vector<16xf32>
      %get3A_196 = arith.index_cast %scan3A_93 : i32 to index
      %get3A_197 = arith.constant 80 : index
      %get3A_198 = tpu.vector_load %arg11[%get3A_196, %get3A_197] {strides = array<i32>} : memref<64x128xf32, #tpu.memory_space<vmem>>, vector<1x16xf32>,
      %get3A_199 = vector.shape_cast %get3A_198 : vector<1x16xf32> to vector<16xf32>
      %add3A_200 = arith.addf %get3A_195, %get3A_199 : vector<16xf32>
      %mul3A_201 = arith.mulf %get3A_191, %add3A_200 : vector<16xf32>
      %swap3A_202 = arith.index_cast %scan3A_93 : i32 to index
      %swap3A_203 = arith.constant 80 : index
      %swap3A_204 = tpu.vector_load %arg12[%swap3A_202, %swap3A_203] {strides = array<i32>} : memref<64x128xf32, #tpu.memory_space<vmem>>, vector<1x16xf32>,
      %swap3A_205 = vector.shape_cast %swap3A_204 : vector<1x16xf32> to vector<16xf32>
      %swap3A_206 = vector.shape_cast %mul3A_201 : vector<16xf32> to vector<1x16xf32>
      tpu.vector_store %arg12[%swap3A_202, %swap3A_203], %swap3A_206 {strides = array<i32>} : memref<64x128xf32, #tpu.memory_space<vmem>>, vector<1x16xf32>,
      %get3A_207 = arith.index_cast %scan3A_93 : i32 to index
      %get3A_208 = arith.constant 96 : index
      %get3A_209 = tpu.vector_load %arg12[%get3A_207, %get3A_208] {strides = array<i32>} : memref<64x128xf32, #tpu.memory_space<vmem>>, vector<1x16xf32>,
      %get3A_210 = vector.shape_cast %get3A_209 : vector<1x16xf32> to vector<16xf32>
      %get3A_211 = arith.index_cast %scan3A_93 : i32 to index
      %get3A_212 = arith.constant 96 : index
      %get3A_213 = tpu.vector_load %arg8[%get3A_211, %get3A_212] {strides = array<i32>} : memref<64x128xf32, #tpu.memory_space<vmem>>, vector<1x16xf32>,
      %get3A_214 = vector.shape_cast %get3A_213 : vector<1x16xf32> to vector<16xf32>
      %get3A_215 = arith.index_cast %scan3A_93 : i32 to index
      %get3A_216 = arith.constant 96 : index
      %get3A_217 = tpu.vector_load %arg11[%get3A_215, %get3A_216] {strides = array<i32>} : memref<64x128xf32, #tpu.memory_space<vmem>>, vector<1x16xf32>,
      %get3A_218 = vector.shape_cast %get3A_217 : vector<1x16xf32> to vector<16xf32>
      %add3A_219 = arith.addf %get3A_214, %get3A_218 : vector<16xf32>
      %mul3A_220 = arith.mulf %get3A_210, %add3A_219 : vector<16xf32>
      %swap3A_221 = arith.index_cast %scan3A_93 : i32 to index
      %swap3A_222 = arith.constant 96 : index
      %swap3A_223 = tpu.vector_load %arg12[%swap3A_221, %swap3A_222] {strides = array<i32>} : memref<64x128xf32, #tpu.memory_space<vmem>>, vector<1x16xf32>,
      %swap3A_224 = vector.shape_cast %swap3A_223 : vector<1x16xf32> to vector<16xf32>
      %swap3A_225 = vector.shape_cast %mul3A_220 : vector<16xf32> to vector<1x16xf32>
      tpu.vector_store %arg12[%swap3A_221, %swap3A_222], %swap3A_225 {strides = array<i32>} : memref<64x128xf32, #tpu.memory_space<vmem>>, vector<1x16xf32>,
      %get3A_226 = arith.index_cast %scan3A_93 : i32 to index
      %get3A_227 = arith.constant 112 : index
      %get3A_228 = tpu.vector_load %arg12[%get3A_226, %get3A_227] {strides = array<i32>} : memref<64x128xf32, #tpu.memory_space<vmem>>, vector<1x16xf32>,
      %get3A_229 = vector.shape_cast %get3A_228 : vector<1x16xf32> to vector<16xf32>
      %get3A_230 = arith.index_cast %scan3A_93 : i32 to index
      %get3A_231 = arith.constant 112 : index
      %get3A_232 = tpu.vector_load %arg8[%get3A_230, %get3A_231] {strides = array<i32>} : memref<64x128xf32, #tpu.memory_space<vmem>>, vector<1x16xf32>,
      %get3A_233 = vector.shape_cast %get3A_232 : vector<1x16xf32> to vector<16xf32>
      %get3A_234 = arith.index_cast %scan3A_93 : i32 to index
      %get3A_235 = arith.constant 112 : index
      %get3A_236 = tpu.vector_load %arg11[%get3A_234, %get3A_235] {strides = array<i32>} : memref<64x128xf32, #tpu.memory_space<vmem>>, vector<1x16xf32>,
      %get3A_237 = vector.shape_cast %get3A_236 : vector<1x16xf32> to vector<16xf32>
      %add3A_238 = arith.addf %get3A_233, %get3A_237 : vector<16xf32>
      %mul3A_239 = arith.mulf %get3A_229, %add3A_238 : vector<16xf32>
      %swap3A_240 = arith.index_cast %scan3A_93 : i32 to index
      %swap3A_241 = arith.constant 112 : index
      %swap3A_242 = tpu.vector_load %arg12[%swap3A_240, %swap3A_241] {strides = array<i32>} : memref<64x128xf32, #tpu.memory_space<vmem>>, vector<1x16xf32>,
      %swap3A_243 = vector.shape_cast %swap3A_242 : vector<1x16xf32> to vector<16xf32>
      %swap3A_244 = vector.shape_cast %mul3A_239 : vector<16xf32> to vector<1x16xf32>
      tpu.vector_store %arg12[%swap3A_240, %swap3A_241], %swap3A_244 {strides = array<i32>} : memref<64x128xf32, #tpu.memory_space<vmem>>, vector<1x16xf32>,
      %scan3A_245 = arith.constant 0 : i32
      scf.yield %scan3A_245 : i32
    }
    %scan3A_87 = arith.constant 64 : i32
    "tpu.region"() ({
      %run_scoped3A = tpu.sem_alloc : memref<!tpu.dma_semaphore, #tpu.memory_space<semaphore_mem>>
      %dma_start3A = arith.constant 0 : i32
      %dma_start3A_93 = arith.constant 0 : i32
      %dma_start3A_94 = tpu.memref_slice %arg14[%dma_start3A, %dma_start3A_93] : memref<512x128xf32, #tpu.memory_space<vmem_shared>> -> memref<512x128xf32, #tpu.memory_space<vmem_shared>>
      tpu.enqueue_indirect_dma source(%arg12 : memref<64x128xf32, #tpu.memory_space<vmem>>) target(%dma_start3A_94 : memref<512x128xf32, #tpu.memory_space<vmem_shared>>) offsets(%arg10 : memref<64xi32, #tpu.memory_space<vmem>>) semaphore(%run_scoped3A : memref<!tpu.dma_semaphore, #tpu.memory_space<semaphore_mem>>) {add = true}
      %dma_wait3A = arith.constant 0 : i32
      %dma_wait3A_95 = arith.constant 0 : i32
      %dma_wait3A_96 = tpu.memref_slice %arg14[%dma_wait3A, %dma_wait3A_95] : memref<512x128xf32, #tpu.memory_space<vmem_shared>> -> memref<512x128xf32, #tpu.memory_space<vmem_shared>>
      tpu.wait_indirect_dma semaphore(%run_scoped3A : memref<!tpu.dma_semaphore, #tpu.memory_space<semaphore_mem>>) src(%arg12 : memref<64x128xf32, #tpu.memory_space<vmem>>) dst(%dma_wait3A_96 : memref<512x128xf32, #tpu.memory_space<vmem_shared>>)
      tpu.yield
    }) : () -> ()
    %barrier3A_88 = arith.constant 0 : index
    tpu.barrier barrier_id(%barrier3A_88)
    %mul3A_89 = arith.constant 32 : i32
    %mul3A_90 = arith.muli %arg1, %mul3A_89 : i32
    %mul3A_91 = arith.constant 32 : i32
    %mul3A_92 = arith.muli %arg1, %mul3A_91 : i32
    "tpu.region"() ({
      %run_scoped3A = tpu.sem_alloc : memref<!tpu.dma_semaphore, #tpu.memory_space<semaphore_mem>>
      %dma_start3A = arith.constant 0 : i32
      %dma_start3A_93 = tpu.memref_slice %arg7[%arg0, %mul3A_92, %dma_start3A] : memref<2x512x128xf32, #tpu.memory_space<hbm>> -> memref<1x32x128xf32, #tpu.memory_space<hbm>>
      %dma_start3A_94 = tpu.memref_squeeze %dma_start3A_93 : memref<1x32x128xf32, #tpu.memory_space<hbm>> -> memref<32x128xf32, #tpu.memory_space<hbm>>
      %dma_start3A_95 = arith.constant 0 : i32
      %dma_start3A_96 = tpu.memref_slice %arg14[%mul3A_90, %dma_start3A_95] : memref<512x128xf32, #tpu.memory_space<vmem_shared>> -> memref<32x128xf32, #tpu.memory_space<vmem_shared>>
      tpu.enqueue_dma source(%dma_start3A_96 : memref<32x128xf32, #tpu.memory_space<vmem_shared>>) target(%dma_start3A_94 : memref<32x128xf32, #tpu.memory_space<hbm>>) target_semaphore(%run_scoped3A : memref<!tpu.dma_semaphore, #tpu.memory_space<semaphore_mem>>)
      %dma_wait3A = arith.constant 0 : i32
      %dma_wait3A_97 = tpu.memref_slice %arg7[%arg0, %mul3A_92, %dma_wait3A] : memref<2x512x128xf32, #tpu.memory_space<hbm>> -> memref<1x32x128xf32, #tpu.memory_space<hbm>>
      %dma_wait3A_98 = tpu.memref_squeeze %dma_wait3A_97 : memref<1x32x128xf32, #tpu.memory_space<hbm>> -> memref<32x128xf32, #tpu.memory_space<hbm>>
      %dma_wait3A_99 = arith.constant 0 : i32
      %dma_wait3A_100 = tpu.memref_slice %arg14[%mul3A_90, %dma_wait3A_99] : memref<512x128xf32, #tpu.memory_space<vmem_shared>> -> memref<32x128xf32, #tpu.memory_space<vmem_shared>>
      tpu.wait_dma2 semaphore(%run_scoped3A : memref<!tpu.dma_semaphore, #tpu.memory_space<semaphore_mem>>) src(%dma_wait3A_100 : memref<32x128xf32, #tpu.memory_space<vmem_shared>>) dst(%dma_wait3A_98 : memref<32x128xf32, #tpu.memory_space<hbm>>)
      tpu.yield
    }) : () -> ()
    return
  }
}

module attributes {stable_mosaic.version = 14 : i64} {
  func.func @_k0_body(%arg0: memref<512x4xf32, #tpu.memory_space<vmem>>, %arg1: memref<4x128xf32, #tpu.memory_space<vmem>>, %arg2: memref<1x128xf32, #tpu.memory_space<vmem>>, %arg3: memref<128x128xf32, #tpu.memory_space<vmem>>, %arg4: memref<128x8xf32, #tpu.memory_space<vmem>>, %arg5: memref<512x128xf32, #tpu.memory_space<vmem>>, %arg6: memref<512x128xf32, #tpu.memory_space<vmem>>, %arg7: memref<512x8xf32, #tpu.memory_space<vmem>>) attributes {dimension_semantics = [], scalar_prefetch = 0 : i64, scratch_operands = 0 : i64, tpu.core_type = #tpu.core_type<tc>} {
    %get3A = arith.constant 0 : index
    %get3A_0 = arith.constant 0 : index
    %get3A_1 = vector.load %arg0[%get3A, %get3A_0] : memref<512x4xf32, #tpu.memory_space<vmem>>, vector<512x4xf32>
    %get3A_2 = arith.constant 0 : index
    %get3A_3 = arith.constant 0 : index
    %get3A_4 = vector.load %arg1[%get3A_2, %get3A_3] : memref<4x128xf32, #tpu.memory_space<vmem>>, vector<4x128xf32>
    %dot_general3A = arith.constant dense<0.000000e+00> : vector<512x128xf32>
    %dot_general3A_5 = tpu.matmul %get3A_1, %get3A_4, %dot_general3A {dimension_numbers = #tpu.dot_dimension_numbers<[1], [0], [0], [1], [0, 0, 1, 1], [], []>, transpose_lhs_hint = false} : vector<512x4xf32>, vector<4x128xf32>, vector<512x128xf32> -> vector<512x128xf32>
    %get3A_6 = arith.constant 0 : index
    %get3A_7 = arith.constant 0 : index
    %get3A_8 = vector.load %arg2[%get3A_6, %get3A_7] : memref<1x128xf32, #tpu.memory_space<vmem>>, vector<1x128xf32>
    %add3A = vector.broadcast %get3A_8 : vector<1x128xf32> to vector<512x128xf32>
    %add3A_9 = arith.addf %dot_general3A_5, %add3A : vector<512x128xf32>
    %tanh3A = math.tanh %add3A_9 : vector<512x128xf32>
    %get3A_10 = arith.constant 0 : index
    %get3A_11 = arith.constant 0 : index
    %get3A_12 = vector.load %arg3[%get3A_10, %get3A_11] : memref<128x128xf32, #tpu.memory_space<vmem>>, vector<128x128xf32>
    %dot_general3A_13 = arith.constant dense<0.000000e+00> : vector<512x128xf32>
    %dot_general3A_14 = tpu.matmul %tanh3A, %get3A_12, %dot_general3A_13 {dimension_numbers = #tpu.dot_dimension_numbers<[1], [0], [0], [1], [0, 0, 1, 1], [], []>, transpose_lhs_hint = false} : vector<512x128xf32>, vector<128x128xf32>, vector<512x128xf32> -> vector<512x128xf32>
    %swap3A = arith.constant 0 : index
    %swap3A_15 = arith.constant 0 : index
    %swap3A_16 = vector.load %arg5[%swap3A, %swap3A_15] : memref<512x128xf32, #tpu.memory_space<vmem>>, vector<512x128xf32>
    tpu.vector_store %arg5[%swap3A, %swap3A_15], %tanh3A {strides = array<i32>} : memref<512x128xf32, #tpu.memory_space<vmem>>, vector<512x128xf32>,
    %swap3A_17 = arith.constant 0 : index
    %swap3A_18 = arith.constant 0 : index
    %swap3A_19 = vector.load %arg6[%swap3A_17, %swap3A_18] : memref<512x128xf32, #tpu.memory_space<vmem>>, vector<512x128xf32>
    tpu.vector_store %arg6[%swap3A_17, %swap3A_18], %dot_general3A_14 {strides = array<i32>} : memref<512x128xf32, #tpu.memory_space<vmem>>, vector<512x128xf32>,
    %get3A_20 = arith.constant 0 : index
    %get3A_21 = arith.constant 0 : index
    %get3A_22 = vector.load %arg4[%get3A_20, %get3A_21] : memref<128x8xf32, #tpu.memory_space<vmem>>, vector<128x8xf32>
    %dot_general3A_23 = arith.constant dense<0.000000e+00> : vector<512x8xf32>
    %dot_general3A_24 = tpu.matmul %dot_general3A_14, %get3A_22, %dot_general3A_23 {dimension_numbers = #tpu.dot_dimension_numbers<[1], [0], [0], [1], [0, 0, 1, 1], [], []>, transpose_lhs_hint = false} : vector<512x128xf32>, vector<128x8xf32>, vector<512x8xf32> -> vector<512x8xf32>
    %swap3A_25 = arith.constant 0 : index
    %swap3A_26 = arith.constant 0 : index
    %swap3A_27 = vector.load %arg7[%swap3A_25, %swap3A_26] : memref<512x8xf32, #tpu.memory_space<vmem>>, vector<512x8xf32>
    tpu.vector_store %arg7[%swap3A_25, %swap3A_26], %dot_general3A_24 {strides = array<i32>} : memref<512x8xf32, #tpu.memory_space<vmem>>, vector<512x8xf32>,
    return
  }
}

module attributes {stable_mosaic.version = 14 : i64} {
  func.func @_kenc_body(%arg0: i32, %arg1: memref<1024x1xf32, #tpu.memory_space<vmem>>, %arg2: memref<1024x1xi32, #tpu.memory_space<vmem>>, %arg3: memref<1024x1xi32, #tpu.memory_space<vmem>>, %arg4: memref<512x8xf32, #tpu.memory_space<vmem>>, %arg5: memref<1x128xf32, #tpu.memory_space<vmem>>, %arg6: memref<1x128xf32, #tpu.memory_space<vmem>>, %arg7: memref<128x128xf32, #tpu.memory_space<vmem>>, %arg8: memref<128x8xf32, #tpu.memory_space<vmem>>, %arg9: memref<4x128xf32, #tpu.memory_space<vmem>>, %arg10: memref<1024x128xf32, #tpu.memory_space<vmem>>, %arg11: memref<1024x128xf32, #tpu.memory_space<vmem>>, %arg12: memref<1024x1xf32, #tpu.memory_space<vmem>>, %arg13: memref<512x4xf32, #tpu.memory_space<vmem>>, %arg14: memref<512x4xf32, #tpu.memory_space<vmem>>) attributes {dimension_semantics = [#tpu.dimension_semantics<arbitrary>], iteration_bounds = array<i64: 16>, scalar_prefetch = 0 : i64, scratch_operands = 1 : i64, tpu.core_type = #tpu.core_type<tc>, window_params = [{transform_indices = @transform_0, window_bounds = array<i64: 1024, 1>}, {transform_indices = @transform_1, window_bounds = array<i64: 1024, 1>}, {transform_indices = @transform_2, window_bounds = array<i64: 1024, 1>}, {pipeline_mode = #tpu.pipeline_mode<synchronous>, transform_indices = @transform_3, window_bounds = array<i64: 512, 8>}, {pipeline_mode = #tpu.pipeline_mode<synchronous>, transform_indices = @transform_4, window_bounds = array<i64: 1, 128>}, {pipeline_mode = #tpu.pipeline_mode<synchronous>, transform_indices = @transform_5, window_bounds = array<i64: 1, 128>}, {pipeline_mode = #tpu.pipeline_mode<synchronous>, transform_indices = @transform_6, window_bounds = array<i64: 128, 128>}, {pipeline_mode = #tpu.pipeline_mode<synchronous>, transform_indices = @transform_7, window_bounds = array<i64: 128, 8>}, {pipeline_mode = #tpu.pipeline_mode<synchronous>, transform_indices = @transform_8, window_bounds = array<i64: 4, 128>}, {transform_indices = @transform_9, window_bounds = array<i64: 1024, 128>}, {transform_indices = @transform_10, window_bounds = array<i64: 1024, 128>}, {transform_indices = @transform_11, window_bounds = array<i64: 1024, 1>}, {pipeline_mode = #tpu.pipeline_mode<synchronous>, transform_indices = @transform_12, window_bounds = array<i64: 512, 4>}]} {
    %get3A = arith.constant 0 : index
    %get3A_0 = arith.constant 0 : index
    %get3A_1 = vector.load %arg1[%get3A, %get3A_0] : memref<1024x1xf32, #tpu.memory_space<vmem>>, vector<1024x1xf32>
    %get3A_2 = arith.constant 0 : index
    %get3A_3 = arith.constant 0 : index
    %get3A_4 = vector.load %arg5[%get3A_2, %get3A_3] : memref<1x128xf32, #tpu.memory_space<vmem>>, vector<1x128xf32>
    %mul3A = vector.broadcast %get3A_1 : vector<1024x1xf32> to vector<1024x128xf32>
    %mul3A_5 = vector.broadcast %get3A_4 : vector<1x128xf32> to vector<1024x128xf32>
    %mul3A_6 = arith.mulf %mul3A, %mul3A_5 : vector<1024x128xf32>
    %get3A_7 = arith.constant 0 : index
    %get3A_8 = arith.constant 0 : index
    %get3A_9 = vector.load %arg6[%get3A_7, %get3A_8] : memref<1x128xf32, #tpu.memory_space<vmem>>, vector<1x128xf32>
    %add3A = vector.broadcast %get3A_9 : vector<1x128xf32> to vector<1024x128xf32>
    %add3A_10 = arith.addf %mul3A_6, %add3A : vector<1024x128xf32>
    %tanh3A = math.tanh %add3A_10 : vector<1024x128xf32>
    %get3A_11 = arith.constant 0 : index
    %get3A_12 = arith.constant 0 : index
    %get3A_13 = vector.load %arg7[%get3A_11, %get3A_12] : memref<128x128xf32, #tpu.memory_space<vmem>>, vector<128x128xf32>
    %dot_general3A = arith.constant dense<0.000000e+00> : vector<1024x128xf32>
    %dot_general3A_14 = tpu.matmul %tanh3A, %get3A_13, %dot_general3A {dimension_numbers = #tpu.dot_dimension_numbers<[1], [0], [0], [1], [0, 0, 1, 1], [], []>, transpose_lhs_hint = false} : vector<1024x128xf32>, vector<128x128xf32>, vector<1024x128xf32> -> vector<1024x128xf32>
    %swap3A = arith.constant 0 : index
    %swap3A_15 = arith.constant 0 : index
    %swap3A_16 = vector.load %arg10[%swap3A, %swap3A_15] : memref<1024x128xf32, #tpu.memory_space<vmem>>, vector<1024x128xf32>
    tpu.vector_store %arg10[%swap3A, %swap3A_15], %dot_general3A_14 {strides = array<i32>} : memref<1024x128xf32, #tpu.memory_space<vmem>>, vector<1024x128xf32>,
    %get3A_17 = arith.constant 0 : index
    %get3A_18 = arith.constant 0 : index
    %get3A_19 = vector.load %arg8[%get3A_17, %get3A_18] : memref<128x8xf32, #tpu.memory_space<vmem>>, vector<128x8xf32>
    %dot_general3A_20 = arith.constant dense<0.000000e+00> : vector<1024x8xf32>
    %dot_general3A_21 = tpu.matmul %tanh3A, %get3A_19, %dot_general3A_20 {dimension_numbers = #tpu.dot_dimension_numbers<[1], [0], [0], [1], [0, 0, 1, 1], [], []>, transpose_lhs_hint = false} : vector<1024x128xf32>, vector<128x8xf32>, vector<1024x8xf32> -> vector<1024x8xf32>
    %slice3A = vector.extract_strided_slice %dot_general3A_21 {offsets = [0, 4], sizes = [1024, 1], strides = [1, 1]} : vector<1024x8xf32> to vector<1024x1xf32>
    %swap3A_22 = arith.constant 0 : index
    %swap3A_23 = arith.constant 0 : index
    %swap3A_24 = vector.load %arg12[%swap3A_22, %swap3A_23] : memref<1024x1xf32, #tpu.memory_space<vmem>>, vector<1024x1xf32>
    tpu.vector_store %arg12[%swap3A_22, %swap3A_23], %slice3A {strides = array<i32>} : memref<1024x1xf32, #tpu.memory_space<vmem>>, vector<1024x1xf32>,
    %iota3A = tpu.iota {dimensions = array<i32: 1>} : vector<1024x512xi32>
    %get3A_25 = arith.constant 0 : index
    %get3A_26 = arith.constant 0 : index
    %get3A_27 = vector.load %arg2[%get3A_25, %get3A_26] : memref<1024x1xi32, #tpu.memory_space<vmem>>, vector<1024x1xi32>
    %eq3A = vector.broadcast %get3A_27 : vector<1024x1xi32> to vector<1024x512xi32>
    %eq3A_28 = arith.cmpi eq, %eq3A, %iota3A : vector<1024x512xi32>
    %convert_element_type3A = arith.extui %eq3A_28 : vector<1024x512xi1> to vector<1024x512xi32>
    %convert_element_type3A_29 = arith.sitofp %convert_element_type3A : vector<1024x512xi32> to vector<1024x512xf32>
    %get3A_30 = arith.constant 0 : index
    %get3A_31 = arith.constant 0 : index
    %get3A_32 = vector.load %arg3[%get3A_30, %get3A_31] : memref<1024x1xi32, #tpu.memory_space<vmem>>, vector<1024x1xi32>
    %eq3A_33 = vector.broadcast %get3A_32 : vector<1024x1xi32> to vector<1024x512xi32>
    %eq3A_34 = arith.cmpi eq, %eq3A_33, %iota3A : vector<1024x512xi32>
    %convert_element_type3A_35 = arith.extui %eq3A_34 : vector<1024x512xi1> to vector<1024x512xi32>
    %convert_element_type3A_36 = arith.sitofp %convert_element_type3A_35 : vector<1024x512xi32> to vector<1024x512xf32>
    %get3A_37 = arith.constant 0 : index
    %get3A_38 = arith.constant 0 : index
    %get3A_39 = vector.load %arg4[%get3A_37, %get3A_38] : memref<512x8xf32, #tpu.memory_space<vmem>>, vector<512x8xf32>
    %slice3A_40 = vector.extract_strided_slice %get3A_39 {offsets = [0, 0], sizes = [512, 4], strides = [1, 1]} : vector<512x8xf32> to vector<512x4xf32>
    %dot_general3A_41 = arith.constant dense<0.000000e+00> : vector<1024x4xf32>
    %dot_general3A_42 = tpu.matmul %convert_element_type3A_29, %slice3A_40, %dot_general3A_41 {dimension_numbers = #tpu.dot_dimension_numbers<[1], [0], [0], [1], [0, 0, 1, 1], [], []>, transpose_lhs_hint = false} : vector<1024x512xf32>, vector<512x4xf32>, vector<1024x4xf32> -> vector<1024x4xf32>
    %slice3A_43 = vector.extract_strided_slice %get3A_39 {offsets = [0, 4], sizes = [512, 4], strides = [1, 1]} : vector<512x8xf32> to vector<512x4xf32>
    %dot_general3A_44 = arith.constant dense<0.000000e+00> : vector<1024x4xf32>
    %dot_general3A_45 = tpu.matmul %convert_element_type3A_36, %slice3A_43, %dot_general3A_44 {dimension_numbers = #tpu.dot_dimension_numbers<[1], [0], [0], [1], [0, 0, 1, 1], [], []>, transpose_lhs_hint = false} : vector<1024x512xf32>, vector<512x4xf32>, vector<1024x4xf32> -> vector<1024x4xf32>
    %add3A_46 = arith.addf %dot_general3A_42, %dot_general3A_45 : vector<1024x4xf32>
    %slice3A_47 = vector.extract_strided_slice %dot_general3A_21 {offsets = [0, 0], sizes = [1024, 4], strides = [1, 1]} : vector<1024x8xf32> to vector<1024x4xf32>
    %add3A_48 = arith.addf %add3A_46, %slice3A_47 : vector<1024x4xf32>
    %ge3A = arith.constant 0.000000e+00 : f32
    %ge3A_49 = vector.broadcast %ge3A : f32 to vector<1024x4xf32>
    %ge3A_50 = arith.cmpf oge, %add3A_48, %ge3A_49 : vector<1024x4xf32>
    %mul3A_51 = arith.constant 2.000000e-01 : f32
    %mul3A_52 = vector.broadcast %mul3A_51 : f32 to vector<1024x4xf32>
    %mul3A_53 = arith.mulf %mul3A_52, %add3A_48 : vector<1024x4xf32>
    %select_n3A = arith.select %ge3A_50, %add3A_48, %mul3A_53 : vector<1024x4xi1>, vector<1024x4xf32>
    %exp3A = math.exp %select_n3A : vector<1024x4xf32>
    %get3A_54 = arith.constant 0 : index
    %get3A_55 = arith.constant 0 : index
    %get3A_56 = vector.load %arg9[%get3A_54, %get3A_55] : memref<4x128xf32, #tpu.memory_space<vmem>>, vector<4x128xf32>
    %dot_general3A_57 = arith.constant dense<0.000000e+00> : vector<1024x128xf32>
    %dot_general3A_58 = tpu.matmul %exp3A, %get3A_56, %dot_general3A_57 {dimension_numbers = #tpu.dot_dimension_numbers<[1], [0], [0], [1], [0, 0, 1, 1], [], []>, transpose_lhs_hint = false} : vector<1024x4xf32>, vector<4x128xf32>, vector<1024x128xf32> -> vector<1024x128xf32>
    %swap3A_59 = arith.constant 0 : index
    %swap3A_60 = arith.constant 0 : index
    %swap3A_61 = vector.load %arg11[%swap3A_59, %swap3A_60] : memref<1024x128xf32, #tpu.memory_space<vmem>>, vector<1024x128xf32>
    tpu.vector_store %arg11[%swap3A_59, %swap3A_60], %dot_general3A_58 {strides = array<i32>} : memref<1024x128xf32, #tpu.memory_space<vmem>>, vector<1024x128xf32>,
    %eq3A_62 = arith.constant 0 : i32
    %eq3A_63 = arith.cmpi eq, %arg0, %eq3A_62 : i32
    %convert_element_type3A_64 = arith.extui %eq3A_63 : i1 to i32
    %cond3A = arith.constant 0 : i32
    %cond3A_65 = arith.cmpi ne, %convert_element_type3A_64, %cond3A : i32
    scf.if %cond3A_65 {
      %broadcast_in_dim3A = arith.constant 0.000000e+00 : f32
      %broadcast_in_dim3A_80 = vector.broadcast %broadcast_in_dim3A : f32 to vector<512x4xf32>
      %swap3A_81 = arith.constant 0 : index
      %swap3A_82 = arith.constant 0 : index
      %swap3A_83 = vector.load %arg14[%swap3A_81, %swap3A_82] : memref<512x4xf32, #tpu.memory_space<vmem>>, vector<512x4xf32>
      tpu.vector_store %arg14[%swap3A_81, %swap3A_82], %broadcast_in_dim3A_80 {strides = array<i32>} : memref<512x4xf32, #tpu.memory_space<vmem>>, vector<512x4xf32>,
    } else {
    }
    %get3A_66 = arith.constant 0 : index
    %get3A_67 = arith.constant 0 : index
    %get3A_68 = vector.load %arg14[%get3A_66, %get3A_67] : memref<512x4xf32, #tpu.memory_space<vmem>>, vector<512x4xf32>
    %dot_general3A_69 = arith.constant dense<0.000000e+00> : vector<512x4xf32>
    %dot_general3A_70 = tpu.matmul %convert_element_type3A_36, %exp3A, %dot_general3A_69 {dimension_numbers = #tpu.dot_dimension_numbers<[0], [0], [1], [1], [0, 1, 1, 1], [], []>, transpose_lhs_hint = false} : vector<1024x512xf32>, vector<1024x4xf32>, vector<512x4xf32> -> vector<512x4xf32>
    %add3A_71 = arith.addf %get3A_68, %dot_general3A_70 : vector<512x4xf32>
    %swap3A_72 = arith.constant 0 : index
    %swap3A_73 = arith.constant 0 : index
    %swap3A_74 = vector.load %arg14[%swap3A_72, %swap3A_73] : memref<512x4xf32, #tpu.memory_space<vmem>>, vector<512x4xf32>
    tpu.vector_store %arg14[%swap3A_72, %swap3A_73], %add3A_71 {strides = array<i32>} : memref<512x4xf32, #tpu.memory_space<vmem>>, vector<512x4xf32>,
    %eq3A_75 = arith.constant 15 : i32
    %eq3A_76 = arith.cmpi eq, %arg0, %eq3A_75 : i32
    %convert_element_type3A_77 = arith.extui %eq3A_76 : i1 to i32
    %cond3A_78 = arith.constant 0 : i32
    %cond3A_79 = arith.cmpi ne, %convert_element_type3A_77, %cond3A_78 : i32
    scf.if %cond3A_79 {
      %get3A_80 = arith.constant 0 : index
      %get3A_81 = arith.constant 0 : index
      %get3A_82 = vector.load %arg14[%get3A_80, %get3A_81] : memref<512x4xf32, #tpu.memory_space<vmem>>, vector<512x4xf32>
      %swap3A_83 = arith.constant 0 : index
      %swap3A_84 = arith.constant 0 : index
      %swap3A_85 = vector.load %arg13[%swap3A_83, %swap3A_84] : memref<512x4xf32, #tpu.memory_space<vmem>>, vector<512x4xf32>
      tpu.vector_store %arg13[%swap3A_83, %swap3A_84], %get3A_82 {strides = array<i32>} : memref<512x4xf32, #tpu.memory_space<vmem>>, vector<512x4xf32>,
    } else {
    }
    return
  }
  func.func @transform_0(%arg0: i32) -> (i32, i32) {
    %c0_i32 = arith.constant 0 : i32
    %c0_i32_0 = arith.constant 0 : i32
    return %arg0, %c0_i32 : i32, i32
  }
  func.func @transform_1(%arg0: i32) -> (i32, i32) {
    %c0_i32 = arith.constant 0 : i32
    %c0_i32_0 = arith.constant 0 : i32
    return %arg0, %c0_i32 : i32, i32
  }
  func.func @transform_2(%arg0: i32) -> (i32, i32) {
    %c0_i32 = arith.constant 0 : i32
    %c0_i32_0 = arith.constant 0 : i32
    return %arg0, %c0_i32 : i32, i32
  }
  func.func @transform_3(%arg0: i32) -> (i32, i32) {
    %c0_i32 = arith.constant 0 : i32
    %c0_i32_0 = arith.constant 0 : i32
    %c0_i32_1 = arith.constant 0 : i32
    return %c0_i32, %c0_i32_0 : i32, i32
  }
  func.func @transform_4(%arg0: i32) -> (i32, i32) {
    %c0_i32 = arith.constant 0 : i32
    %c0_i32_0 = arith.constant 0 : i32
    %c0_i32_1 = arith.constant 0 : i32
    return %c0_i32, %c0_i32_0 : i32, i32
  }
  func.func @transform_5(%arg0: i32) -> (i32, i32) {
    %c0_i32 = arith.constant 0 : i32
    %c0_i32_0 = arith.constant 0 : i32
    %c0_i32_1 = arith.constant 0 : i32
    return %c0_i32, %c0_i32_0 : i32, i32
  }
  func.func @transform_6(%arg0: i32) -> (i32, i32) {
    %c0_i32 = arith.constant 0 : i32
    %c0_i32_0 = arith.constant 0 : i32
    %c0_i32_1 = arith.constant 0 : i32
    return %c0_i32, %c0_i32_0 : i32, i32
  }
  func.func @transform_7(%arg0: i32) -> (i32, i32) {
    %c0_i32 = arith.constant 0 : i32
    %c0_i32_0 = arith.constant 0 : i32
    %c0_i32_1 = arith.constant 0 : i32
    return %c0_i32, %c0_i32_0 : i32, i32
  }
  func.func @transform_8(%arg0: i32) -> (i32, i32) {
    %c0_i32 = arith.constant 0 : i32
    %c0_i32_0 = arith.constant 0 : i32
    %c0_i32_1 = arith.constant 0 : i32
    return %c0_i32, %c0_i32_0 : i32, i32
  }
  func.func @transform_9(%arg0: i32) -> (i32, i32) {
    %c0_i32 = arith.constant 0 : i32
    %c0_i32_0 = arith.constant 0 : i32
    return %arg0, %c0_i32 : i32, i32
  }
  func.func @transform_10(%arg0: i32) -> (i32, i32) {
    %c0_i32 = arith.constant 0 : i32
    %c0_i32_0 = arith.constant 0 : i32
    return %arg0, %c0_i32 : i32, i32
  }
  func.func @transform_11(%arg0: i32) -> (i32, i32) {
    %c0_i32 = arith.constant 0 : i32
    %c0_i32_0 = arith.constant 0 : i32
    return %arg0, %c0_i32 : i32, i32
  }
  func.func @transform_12(%arg0: i32) -> (i32, i32) {
    %c0_i32 = arith.constant 0 : i32
    %c0_i32_0 = arith.constant 0 : i32
    %c0_i32_1 = arith.constant 0 : i32
    return %c0_i32, %c0_i32_0 : i32, i32
  }
}

module attributes {stable_mosaic.version = 14 : i64} {
  func.func @_ktd_body(%arg0: i32, %arg1: i32, %arg2: memref<1024x1xf32, #tpu.memory_space<vmem>>, %arg3: memref<1024x1xi32, #tpu.memory_space<vmem>>, %arg4: memref<1024x1xi32, #tpu.memory_space<vmem>>, %arg5: memref<512x128xf32, #tpu.memory_space<vmem>>, %arg6: memref<512x128xf32, #tpu.memory_space<vmem>>) attributes {dimension_semantics = [#tpu.dimension_semantics<arbitrary>, #tpu.dimension_semantics<arbitrary>], iteration_bounds = array<i64: 4, 16>, scalar_prefetch = 0 : i64, scratch_operands = 1 : i64, tpu.core_type = #tpu.core_type<tc>, window_params = [{transform_indices = @transform_0, window_bounds = array<i64: 1024, 1>}, {transform_indices = @transform_1, window_bounds = array<i64: 1024, 1>}, {transform_indices = @transform_2, window_bounds = array<i64: 1024, 1>}, {transform_indices = @transform_3, window_bounds = array<i64: 512, 128>}]} {
    %iota3A = tpu.iota {dimensions = array<i32: 1>} : vector<1024x512xi32>
    %iota3A_0 = tpu.iota {dimensions = array<i32: 1>} : vector<1024x128xi32>
    %mul3A = arith.constant 128 : i32
    %mul3A_1 = arith.muli %arg0, %mul3A : i32
    %add3A = vector.broadcast %mul3A_1 : i32 to vector<1024x128xi32>
    %add3A_2 = arith.addi %iota3A_0, %add3A : vector<1024x128xi32>
    %get3A = arith.constant 0 : index
    %get3A_3 = arith.constant 0 : index
    %get3A_4 = vector.load %arg3[%get3A, %get3A_3] : memref<1024x1xi32, #tpu.memory_space<vmem>>, vector<1024x1xi32>
    %eq3A = vector.broadcast %get3A_4 : vector<1024x1xi32> to vector<1024x512xi32>
    %eq3A_5 = arith.cmpi eq, %eq3A, %iota3A : vector<1024x512xi32>
    %convert_element_type3A = arith.extui %eq3A_5 : vector<1024x512xi1> to vector<1024x512xi32>
    %convert_element_type3A_6 = arith.sitofp %convert_element_type3A : vector<1024x512xi32> to vector<1024x512xf32>
    %get3A_7 = arith.constant 0 : index
    %get3A_8 = arith.constant 0 : index
    %get3A_9 = vector.load %arg4[%get3A_7, %get3A_8] : memref<1024x1xi32, #tpu.memory_space<vmem>>, vector<1024x1xi32>
    %eq3A_10 = vector.broadcast %get3A_9 : vector<1024x1xi32> to vector<1024x128xi32>
    %eq3A_11 = arith.cmpi eq, %eq3A_10, %add3A_2 : vector<1024x128xi32>
    %convert_element_type3A_12 = arith.extui %eq3A_11 : vector<1024x128xi1> to vector<1024x128xi32>
    %convert_element_type3A_13 = arith.sitofp %convert_element_type3A_12 : vector<1024x128xi32> to vector<1024x128xf32>
    %eq3A_14 = arith.constant 0 : i32
    %eq3A_15 = arith.cmpi eq, %arg1, %eq3A_14 : i32
    %convert_element_type3A_16 = arith.extui %eq3A_15 : i1 to i32
    %cond3A = arith.constant 0 : i32
    %cond3A_17 = arith.cmpi ne, %convert_element_type3A_16, %cond3A : i32
    scf.if %cond3A_17 {
      %broadcast_in_dim3A = arith.constant 0.000000e+00 : f32
      %broadcast_in_dim3A_35 = vector.broadcast %broadcast_in_dim3A : f32 to vector<512x128xf32>
      %swap3A_36 = arith.constant 0 : index
      %swap3A_37 = arith.constant 0 : index
      %swap3A_38 = vector.load %arg6[%swap3A_36, %swap3A_37] : memref<512x128xf32, #tpu.memory_space<vmem>>, vector<512x128xf32>
      tpu.vector_store %arg6[%swap3A_36, %swap3A_37], %broadcast_in_dim3A_35 {strides = array<i32>} : memref<512x128xf32, #tpu.memory_space<vmem>>, vector<512x128xf32>,
    } else {
    }
    %get3A_18 = arith.constant 0 : index
    %get3A_19 = arith.constant 0 : index
    %get3A_20 = vector.load %arg6[%get3A_18, %get3A_19] : memref<512x128xf32, #tpu.memory_space<vmem>>, vector<512x128xf32>
    %get3A_21 = arith.constant 0 : index
    %get3A_22 = arith.constant 0 : index
    %get3A_23 = vector.load %arg2[%get3A_21, %get3A_22] : memref<1024x1xf32, #tpu.memory_space<vmem>>, vector<1024x1xf32>
    %mul3A_24 = vector.broadcast %get3A_23 : vector<1024x1xf32> to vector<1024x128xf32>
    %mul3A_25 = arith.mulf %mul3A_24, %convert_element_type3A_13 : vector<1024x128xf32>
    %dot_general3A = arith.constant dense<0.000000e+00> : vector<512x128xf32>
    %dot_general3A_26 = tpu.matmul %convert_element_type3A_6, %mul3A_25, %dot_general3A {dimension_numbers = #tpu.dot_dimension_numbers<[0], [0], [1], [1], [0, 1, 1, 1], [], []>, transpose_lhs_hint = false} : vector<1024x512xf32>, vector<1024x128xf32>, vector<512x128xf32> -> vector<512x128xf32>
    %add3A_27 = arith.addf %get3A_20, %dot_general3A_26 : vector<512x128xf32>
    %swap3A = arith.constant 0 : index
    %swap3A_28 = arith.constant 0 : index
    %swap3A_29 = vector.load %arg6[%swap3A, %swap3A_28] : memref<512x128xf32, #tpu.memory_space<vmem>>, vector<512x128xf32>
    tpu.vector_store %arg6[%swap3A, %swap3A_28], %add3A_27 {strides = array<i32>} : memref<512x128xf32, #tpu.memory_space<vmem>>, vector<512x128xf32>,
    %eq3A_30 = arith.constant 15 : i32
    %eq3A_31 = arith.cmpi eq, %arg1, %eq3A_30 : i32
    %convert_element_type3A_32 = arith.extui %eq3A_31 : i1 to i32
    %cond3A_33 = arith.constant 0 : i32
    %cond3A_34 = arith.cmpi ne, %convert_element_type3A_32, %cond3A_33 : i32
    scf.if %cond3A_34 {
      %get3A_35 = arith.constant 0 : index
      %get3A_36 = arith.constant 0 : index
      %get3A_37 = vector.load %arg6[%get3A_35, %get3A_36] : memref<512x128xf32, #tpu.memory_space<vmem>>, vector<512x128xf32>
      %swap3A_38 = arith.constant 0 : index
      %swap3A_39 = arith.constant 0 : index
      %swap3A_40 = vector.load %arg5[%swap3A_38, %swap3A_39] : memref<512x128xf32, #tpu.memory_space<vmem>>, vector<512x128xf32>
      tpu.vector_store %arg5[%swap3A_38, %swap3A_39], %get3A_37 {strides = array<i32>} : memref<512x128xf32, #tpu.memory_space<vmem>>, vector<512x128xf32>,
    } else {
    }
    return
  }
  func.func @transform_0(%arg0: i32, %arg1: i32) -> (i32, i32) {
    %c0_i32 = arith.constant 0 : i32
    %c0_i32_0 = arith.constant 0 : i32
    return %arg1, %c0_i32 : i32, i32
  }
  func.func @transform_1(%arg0: i32, %arg1: i32) -> (i32, i32) {
    %c0_i32 = arith.constant 0 : i32
    %c0_i32_0 = arith.constant 0 : i32
    return %arg1, %c0_i32 : i32, i32
  }
  func.func @transform_2(%arg0: i32, %arg1: i32) -> (i32, i32) {
    %c0_i32 = arith.constant 0 : i32
    %c0_i32_0 = arith.constant 0 : i32
    return %arg1, %c0_i32 : i32, i32
  }
  func.func @transform_3(%arg0: i32, %arg1: i32) -> (i32, i32) {
    %c0_i32 = arith.constant 0 : i32
    %c0_i32_0 = arith.constant 0 : i32
    return %c0_i32, %arg0 : i32, i32
  }
}

module attributes {stable_mosaic.version = 14 : i64} {
  func.func @_kdec_body(%arg0: i32, %arg1: memref<2x512x128xf32, #tpu.memory_space<vmem>>, %arg2: memref<512x4xf32, #tpu.memory_space<vmem>>, %arg3: memref<512x128xf32, #tpu.memory_space<vmem>>, %arg4: memref<512x128xf32, #tpu.memory_space<vmem>>, %arg5: memref<512x4xf32, #tpu.memory_space<vmem>>, %arg6: memref<4x128xf32, #tpu.memory_space<vmem>>, %arg7: memref<1x128xf32, #tpu.memory_space<vmem>>, %arg8: memref<128x128xf32, #tpu.memory_space<vmem>>, %arg9: memref<128x8xf32, #tpu.memory_space<vmem>>, %arg10: memref<4x128xf32, #tpu.memory_space<vmem>>, %arg11: memref<128x128xf32, #tpu.memory_space<vmem>>, %arg12: memref<128x128xf32, #tpu.memory_space<vmem>>, %arg13: memref<1x128xf32, #tpu.memory_space<vmem>>, %arg14: memref<128x1xf32, #tpu.memory_space<vmem>>, %arg15: memref<128x1xf32, #tpu.memory_space<vmem>>, %arg16: memref<128x1xf32, #tpu.memory_space<vmem>>, %arg17: memref<128x1xf32, #tpu.memory_space<vmem>>, %arg18: memref<1x4xf32, #tpu.memory_space<vmem>>, %arg19: memref<512x128xf32, #tpu.memory_space<vmem>>, %arg20: memref<512x2xf32, #tpu.memory_space<vmem>>, %arg21: memref<512x128xf32, #tpu.memory_space<vmem>>, %arg22: memref<512x128xf32, #tpu.memory_space<vmem>>, %arg23: memref<512x128xf32, #tpu.memory_space<vmem>>, %arg24: memref<512x8xf32, #tpu.memory_space<vmem>>, %arg25: memref<4x512xf32, #tpu.memory_space<vmem>>, %arg26: memref<512x2xf32, #tpu.memory_space<vmem>>) attributes {dimension_semantics = [#tpu.dimension_semantics<arbitrary>], iteration_bounds = array<i64: 4>, scalar_prefetch = 0 : i64, scratch_operands = 1 : i64, tpu.core_type = #tpu.core_type<tc>, window_params = [{pipeline_mode = #tpu.pipeline_mode<synchronous>, transform_indices = @transform_0, window_bounds = array<i64: 2, 512, 128>}, {pipeline_mode = #tpu.pipeline_mode<synchronous>, transform_indices = @transform_1, window_bounds = array<i64: 512, 4>}, {transform_indices = @transform_2, window_bounds = array<i64: 512, 128>}, {pipeline_mode = #tpu.pipeline_mode<synchronous>, transform_indices = @transform_3, window_bounds = array<i64: 512, 128>}, {pipeline_mode = #tpu.pipeline_mode<synchronous>, transform_indices = @transform_4, window_bounds = array<i64: 512, 4>}, {pipeline_mode = #tpu.pipeline_mode<synchronous>, transform_indices = @transform_5, window_bounds = array<i64: 4, 128>}, {pipeline_mode = #tpu.pipeline_mode<synchronous>, transform_indices = @transform_6, window_bounds = array<i64: 1, 128>}, {pipeline_mode = #tpu.pipeline_mode<synchronous>, transform_indices = @transform_7, window_bounds = array<i64: 128, 128>}, {pipeline_mode = #tpu.pipeline_mode<synchronous>, transform_indices = @transform_8, window_bounds = array<i64: 128, 8>}, {pipeline_mode = #tpu.pipeline_mode<synchronous>, transform_indices = @transform_9, window_bounds = array<i64: 4, 128>}, {pipeline_mode = #tpu.pipeline_mode<synchronous>, transform_indices = @transform_10, window_bounds = array<i64: 128, 128>}, {pipeline_mode = #tpu.pipeline_mode<synchronous>, transform_indices = @transform_11, window_bounds = array<i64: 128, 128>}, {pipeline_mode = #tpu.pipeline_mode<synchronous>, transform_indices = @transform_12, window_bounds = array<i64: 1, 128>}, {pipeline_mode = #tpu.pipeline_mode<synchronous>, transform_indices = @transform_13, window_bounds = array<i64: 128, 1>}, {pipeline_mode = #tpu.pipeline_mode<synchronous>, transform_indices = @transform_14, window_bounds = array<i64: 128, 1>}, {pipeline_mode = #tpu.pipeline_mode<synchronous>, transform_indices = @transform_15, window_bounds = array<i64: 128, 1>}, {pipeline_mode = #tpu.pipeline_mode<synchronous>, transform_indices = @transform_16, window_bounds = array<i64: 128, 1>}, {pipeline_mode = #tpu.pipeline_mode<synchronous>, transform_indices = @transform_17, window_bounds = array<i64: 1, 4>}, {transform_indices = @transform_18, window_bounds = array<i64: 512, 128>}, {pipeline_mode = #tpu.pipeline_mode<synchronous>, transform_indices = @transform_19, window_bounds = array<i64: 512, 2>}, {pipeline_mode = #tpu.pipeline_mode<synchronous>, transform_indices = @transform_20, window_bounds = array<i64: 512, 128>}, {pipeline_mode = #tpu.pipeline_mode<synchronous>, transform_indices = @transform_21, window_bounds = array<i64: 512, 128>}, {pipeline_mode = #tpu.pipeline_mode<synchronous>, transform_indices = @transform_22, window_bounds = array<i64: 512, 128>}, {pipeline_mode = #tpu.pipeline_mode<synchronous>, transform_indices = @transform_23, window_bounds = array<i64: 512, 8>}, {pipeline_mode = #tpu.pipeline_mode<synchronous>, transform_indices = @transform_24, window_bounds = array<i64: 4, 512>}]} {
    %eq3A = arith.constant 0 : i32
    %eq3A_0 = arith.cmpi eq, %arg0, %eq3A : i32
    %convert_element_type3A = arith.extui %eq3A_0 : i1 to i32
    %cond3A = arith.constant 0 : i32
    %cond3A_1 = arith.cmpi ne, %convert_element_type3A, %cond3A : i32
    scf.if %cond3A_1 {
      %get3A_28 = arith.constant 0 : index
      %get3A_29 = arith.constant 0 : index
      %get3A_30 = arith.constant 0 : index
      %get3A_31 = vector.load %arg1[%get3A_28, %get3A_29, %get3A_30] : memref<2x512x128xf32, #tpu.memory_space<vmem>>, vector<1x512x128xf32>
      %get3A_32 = vector.shape_cast %get3A_31 : vector<1x512x128xf32> to vector<512x128xf32>
      %get3A_33 = arith.constant 1 : index
      %get3A_34 = arith.constant 0 : index
      %get3A_35 = arith.constant 0 : index
      %get3A_36 = vector.load %arg1[%get3A_33, %get3A_34, %get3A_35] : memref<2x512x128xf32, #tpu.memory_space<vmem>>, vector<1x512x128xf32>
      %get3A_37 = vector.shape_cast %get3A_36 : vector<1x512x128xf32> to vector<512x128xf32>
      %add3A_38 = arith.addf %get3A_32, %get3A_37 : vector<512x128xf32>
      %get3A_39 = arith.constant 0 : index
      %get3A_40 = arith.constant 0 : index
      %get3A_41 = vector.load %arg2[%get3A_39, %get3A_40] : memref<512x4xf32, #tpu.memory_space<vmem>>, vector<512x4xf32>
      %get3A_42 = arith.constant 0 : index
      %get3A_43 = arith.constant 0 : index
      %get3A_44 = vector.load %arg10[%get3A_42, %get3A_43] : memref<4x128xf32, #tpu.memory_space<vmem>>, vector<4x128xf32>
      %dot_general3A = arith.constant dense<0.000000e+00> : vector<512x128xf32>
      %dot_general3A_45 = tpu.matmul %get3A_41, %get3A_44, %dot_general3A {dimension_numbers = #tpu.dot_dimension_numbers<[1], [0], [0], [1], [0, 0, 1, 1], [], []>, transpose_lhs_hint = false} : vector<512x4xf32>, vector<4x128xf32>, vector<512x128xf32> -> vector<512x128xf32>
      %add3A_46 = arith.constant 1.000000e-16 : f32
      %add3A_47 = vector.broadcast %add3A_46 : f32 to vector<512x128xf32>
      %add3A_48 = arith.addf %dot_general3A_45, %add3A_47 : vector<512x128xf32>
      %div3A_49 = arith.divf %add3A_38, %add3A_48 : vector<512x128xf32>
      %gt3A = arith.constant 0.000000e+00 : f32
      %gt3A_50 = vector.broadcast %gt3A : f32 to vector<512x128xf32>
      %gt3A_51 = arith.cmpf ogt, %div3A_49, %gt3A_50 : vector<512x128xf32>
      %min3A = arith.constant 0.000000e+00 : f32
      %min3A_52 = vector.broadcast %min3A : f32 to vector<512x128xf32>
      %min3A_53 = arith.minimumf %div3A_49, %min3A_52 : vector<512x128xf32>
      %exp3A_54 = math.exp %min3A_53 : vector<512x128xf32>
      %sub3A = arith.constant 1.000000e+00 : f32
      %sub3A_55 = vector.broadcast %sub3A : f32 to vector<512x128xf32>
      %sub3A_56 = arith.subf %exp3A_54, %sub3A_55 : vector<512x128xf32>
      %select_n3A = arith.select %gt3A_51, %div3A_49, %sub3A_56 : vector<512x128xi1>, vector<512x128xf32>
      %get3A_57 = arith.constant 0 : index
      %get3A_58 = arith.constant 0 : index
      %get3A_59 = vector.load %arg4[%get3A_57, %get3A_58] : memref<512x128xf32, #tpu.memory_space<vmem>>, vector<512x128xf32>
      %get3A_60 = arith.constant 0 : index
      %get3A_61 = arith.constant 0 : index
      %get3A_62 = vector.load %arg11[%get3A_60, %get3A_61] : memref<128x128xf32, #tpu.memory_space<vmem>>, vector<128x128xf32>
      %dot_general3A_63 = arith.constant dense<0.000000e+00> : vector<512x128xf32>
      %dot_general3A_64 = tpu.matmul %select_n3A, %get3A_62, %dot_general3A_63 {dimension_numbers = #tpu.dot_dimension_numbers<[1], [0], [0], [1], [0, 0, 1, 1], [], []>, transpose_lhs_hint = false} : vector<512x128xf32>, vector<128x128xf32>, vector<512x128xf32> -> vector<512x128xf32>
      %get3A_65 = arith.constant 0 : index
      %get3A_66 = arith.constant 0 : index
      %get3A_67 = vector.load %arg12[%get3A_65, %get3A_66] : memref<128x128xf32, #tpu.memory_space<vmem>>, vector<128x128xf32>
      %dot_general3A_68 = arith.constant dense<0.000000e+00> : vector<512x128xf32>
      %dot_general3A_69 = tpu.matmul %get3A_59, %get3A_67, %dot_general3A_68 {dimension_numbers = #tpu.dot_dimension_numbers<[1], [0], [0], [1], [0, 0, 1, 1], [], []>, transpose_lhs_hint = false} : vector<512x128xf32>, vector<128x128xf32>, vector<512x128xf32> -> vector<512x128xf32>
      %add3A_70 = arith.addf %dot_general3A_64, %dot_general3A_69 : vector<512x128xf32>
      %get3A_71 = arith.constant 0 : index
      %get3A_72 = arith.constant 0 : index
      %get3A_73 = vector.load %arg13[%get3A_71, %get3A_72] : memref<1x128xf32, #tpu.memory_space<vmem>>, vector<1x128xf32>
      %add3A_74 = vector.broadcast %get3A_73 : vector<1x128xf32> to vector<512x128xf32>
      %add3A_75 = arith.addf %add3A_70, %add3A_74 : vector<512x128xf32>
      %tanh3A = math.tanh %add3A_75 : vector<512x128xf32>
      %get3A_76 = arith.constant 0 : index
      %get3A_77 = arith.constant 0 : index
      %get3A_78 = vector.load %arg14[%get3A_76, %get3A_77] : memref<128x1xf32, #tpu.memory_space<vmem>>, vector<128x1xf32>
      %dot_general3A_79 = arith.constant dense<0.000000e+00> : vector<512x1xf32>
      %dot_general3A_80 = tpu.matmul %tanh3A, %get3A_78, %dot_general3A_79 {dimension_numbers = #tpu.dot_dimension_numbers<[1], [0], [0], [1], [0, 0, 1, 1], [], []>, transpose_lhs_hint = false} : vector<512x128xf32>, vector<128x1xf32>, vector<512x1xf32> -> vector<512x1xf32>
      %swap3A_81 = arith.constant 0 : index
      %swap3A_82 = arith.constant 0 : index
      %swap3A_83 = vector.load %arg26[%swap3A_81, %swap3A_82] : memref<512x2xf32, #tpu.memory_space<vmem>>, vector<512x1xf32>
      tpu.vector_store %arg26[%swap3A_81, %swap3A_82], %dot_general3A_80 {strides = array<i32>} : memref<512x2xf32, #tpu.memory_space<vmem>>, vector<512x1xf32>,
      %get3A_84 = arith.constant 0 : index
      %get3A_85 = arith.constant 0 : index
      %get3A_86 = vector.load %arg15[%get3A_84, %get3A_85] : memref<128x1xf32, #tpu.memory_space<vmem>>, vector<128x1xf32>
      %dot_general3A_87 = arith.constant dense<0.000000e+00> : vector<512x1xf32>
      %dot_general3A_88 = tpu.matmul %tanh3A, %get3A_86, %dot_general3A_87 {dimension_numbers = #tpu.dot_dimension_numbers<[1], [0], [0], [1], [0, 0, 1, 1], [], []>, transpose_lhs_hint = false} : vector<512x128xf32>, vector<128x1xf32>, vector<512x1xf32> -> vector<512x1xf32>
      %swap3A_89 = arith.constant 0 : index
      %swap3A_90 = arith.constant 1 : index
      %swap3A_91 = vector.load %arg26[%swap3A_89, %swap3A_90] : memref<512x2xf32, #tpu.memory_space<vmem>>, vector<512x1xf32>
      tpu.vector_store %arg26[%swap3A_89, %swap3A_90], %dot_general3A_88 {strides = array<i32>} : memref<512x2xf32, #tpu.memory_space<vmem>>, vector<512x1xf32>,
      %get3A_92 = arith.constant 0 : index
      %get3A_93 = arith.constant 0 : index
      %get3A_94 = vector.load %arg16[%get3A_92, %get3A_93] : memref<128x1xf32, #tpu.memory_space<vmem>>, vector<128x1xf32>
      %dot_general3A_95 = arith.constant dense<0.000000e+00> : vector<512x1xf32>
      %dot_general3A_96 = tpu.matmul %tanh3A, %get3A_94, %dot_general3A_95 {dimension_numbers = #tpu.dot_dimension_numbers<[1], [0], [0], [1], [0, 0, 1, 1], [], []>, transpose_lhs_hint = false} : vector<512x128xf32>, vector<128x1xf32>, vector<512x1xf32> -> vector<512x1xf32>
      %get3A_97 = arith.constant 0 : index
      %get3A_98 = arith.constant 1 : index
      %get3A_99 = vector.load %arg18[%get3A_97, %get3A_98] : memref<1x4xf32, #tpu.memory_space<vmem>>, vector<1x1xf32>
      %add3A_100 = vector.broadcast %get3A_99 : vector<1x1xf32> to vector<512x1xf32>
      %add3A_101 = arith.addf %dot_general3A_96, %add3A_100 : vector<512x1xf32>
      %neg3A_102 = arith.constant 0.000000e+00 : f32
      %neg3A_103 = vector.broadcast %neg3A_102 : f32 to vector<512x1xf32>
      %neg3A_104 = arith.subf %neg3A_103, %add3A_101 : vector<512x1xf32>
      %exp3A_105 = math.exp %neg3A_104 : vector<512x1xf32>
      %add3A_106 = arith.constant 1.000000e+00 : f32
      %add3A_107 = vector.broadcast %add3A_106 : f32 to vector<512x1xf32>
      %add3A_108 = arith.addf %add3A_107, %exp3A_105 : vector<512x1xf32>
      %div3A_109 = arith.constant 1.000000e+00 : f32
      %div3A_110 = vector.broadcast %div3A_109 : f32 to vector<512x1xf32>
      %div3A_111 = arith.divf %div3A_110, %add3A_108 : vector<512x1xf32>
      %get3A_112 = arith.constant 0 : index
      %get3A_113 = arith.constant 0 : index
      %get3A_114 = vector.load %arg17[%get3A_112, %get3A_113] : memref<128x1xf32, #tpu.memory_space<vmem>>, vector<128x1xf32>
      %dot_general3A_115 = arith.constant dense<0.000000e+00> : vector<512x1xf32>
      %dot_general3A_116 = tpu.matmul %tanh3A, %get3A_114, %dot_general3A_115 {dimension_numbers = #tpu.dot_dimension_numbers<[1], [0], [0], [1], [0, 0, 1, 1], [], []>, transpose_lhs_hint = false} : vector<512x128xf32>, vector<128x1xf32>, vector<512x1xf32> -> vector<512x1xf32>
      %get3A_117 = arith.constant 0 : index
      %get3A_118 = arith.constant 2 : index
      %get3A_119 = vector.load %arg18[%get3A_117, %get3A_118] : memref<1x4xf32, #tpu.memory_space<vmem>>, vector<1x1xf32>
      %add3A_120 = vector.broadcast %get3A_119 : vector<1x1xf32> to vector<512x1xf32>
      %add3A_121 = arith.addf %dot_general3A_116, %add3A_120 : vector<512x1xf32>
      %neg3A_122 = arith.constant 0.000000e+00 : f32
      %neg3A_123 = vector.broadcast %neg3A_122 : f32 to vector<512x1xf32>
      %neg3A_124 = arith.subf %neg3A_123, %add3A_121 : vector<512x1xf32>
      %exp3A_125 = math.exp %neg3A_124 : vector<512x1xf32>
      %add3A_126 = arith.constant 1.000000e+00 : f32
      %add3A_127 = vector.broadcast %add3A_126 : f32 to vector<512x1xf32>
      %add3A_128 = arith.addf %add3A_127, %exp3A_125 : vector<512x1xf32>
      %div3A_129 = arith.constant 1.000000e+00 : f32
      %div3A_130 = vector.broadcast %div3A_129 : f32 to vector<512x1xf32>
      %div3A_131 = arith.divf %div3A_130, %add3A_128 : vector<512x1xf32>
      %get3A_132 = arith.constant 0 : index
      %get3A_133 = arith.constant 0 : index
      %get3A_134 = vector.load %arg5[%get3A_132, %get3A_133] : memref<512x4xf32, #tpu.memory_space<vmem>>, vector<512x2xf32>
      %concatenate3A = tpu.concatenate %get3A_134, %div3A_111, %div3A_131 in 1 : vector<512x2xf32>, vector<512x1xf32>, vector<512x1xf32> -> vector<512x4xf32>
      %get3A_135 = arith.constant 0 : index
      %get3A_136 = arith.constant 0 : index
      %get3A_137 = vector.load %arg6[%get3A_135, %get3A_136] : memref<4x128xf32, #tpu.memory_space<vmem>>, vector<4x128xf32>
      %dot_general3A_138 = arith.constant dense<0.000000e+00> : vector<512x128xf32>
      %dot_general3A_139 = tpu.matmul %concatenate3A, %get3A_137, %dot_general3A_138 {dimension_numbers = #tpu.dot_dimension_numbers<[1], [0], [0], [1], [0, 0, 1, 1], [], []>, transpose_lhs_hint = false} : vector<512x4xf32>, vector<4x128xf32>, vector<512x128xf32> -> vector<512x128xf32>
      %get3A_140 = arith.constant 0 : index
      %get3A_141 = arith.constant 0 : index
      %get3A_142 = vector.load %arg7[%get3A_140, %get3A_141] : memref<1x128xf32, #tpu.memory_space<vmem>>, vector<1x128xf32>
      %add3A_143 = vector.broadcast %get3A_142 : vector<1x128xf32> to vector<512x128xf32>
      %add3A_144 = arith.addf %dot_general3A_139, %add3A_143 : vector<512x128xf32>
      %tanh3A_145 = math.tanh %add3A_144 : vector<512x128xf32>
      %get3A_146 = arith.constant 0 : index
      %get3A_147 = arith.constant 0 : index
      %get3A_148 = vector.load %arg8[%get3A_146, %get3A_147] : memref<128x128xf32, #tpu.memory_space<vmem>>, vector<128x128xf32>
      %dot_general3A_149 = arith.constant dense<0.000000e+00> : vector<512x128xf32>
      %dot_general3A_150 = tpu.matmul %tanh3A_145, %get3A_148, %dot_general3A_149 {dimension_numbers = #tpu.dot_dimension_numbers<[1], [0], [0], [1], [0, 0, 1, 1], [], []>, transpose_lhs_hint = false} : vector<512x128xf32>, vector<128x128xf32>, vector<512x128xf32> -> vector<512x128xf32>
      %get3A_151 = arith.constant 0 : index
      %get3A_152 = arith.constant 0 : index
      %get3A_153 = vector.load %arg9[%get3A_151, %get3A_152] : memref<128x8xf32, #tpu.memory_space<vmem>>, vector<128x8xf32>
      %dot_general3A_154 = arith.constant dense<0.000000e+00> : vector<512x8xf32>
      %dot_general3A_155 = tpu.matmul %dot_general3A_150, %get3A_153, %dot_general3A_154 {dimension_numbers = #tpu.dot_dimension_numbers<[1], [0], [0], [1], [0, 0, 1, 1], [], []>, transpose_lhs_hint = false} : vector<512x128xf32>, vector<128x8xf32>, vector<512x8xf32> -> vector<512x8xf32>
      %swap3A_156 = arith.constant 0 : index
      %swap3A_157 = arith.constant 0 : index
      %swap3A_158 = vector.load %arg21[%swap3A_156, %swap3A_157] : memref<512x128xf32, #tpu.memory_space<vmem>>, vector<512x128xf32>
      tpu.vector_store %arg21[%swap3A_156, %swap3A_157], %select_n3A {strides = array<i32>} : memref<512x128xf32, #tpu.memory_space<vmem>>, vector<512x128xf32>,
      %concatenate3A_159 = tpu.concatenate %div3A_111, %div3A_131 in 1 : vector<512x1xf32>, vector<512x1xf32> -> vector<512x2xf32>
      %swap3A_160 = arith.constant 0 : index
      %swap3A_161 = arith.constant 0 : index
      %swap3A_162 = vector.load %arg20[%swap3A_160, %swap3A_161] : memref<512x2xf32, #tpu.memory_space<vmem>>, vector<512x2xf32>
      tpu.vector_store %arg20[%swap3A_160, %swap3A_161], %concatenate3A_159 {strides = array<i32>} : memref<512x2xf32, #tpu.memory_space<vmem>>, vector<512x2xf32>,
      %swap3A_163 = arith.constant 0 : index
      %swap3A_164 = arith.constant 0 : index
      %swap3A_165 = vector.load %arg22[%swap3A_163, %swap3A_164] : memref<512x128xf32, #tpu.memory_space<vmem>>, vector<512x128xf32>
      tpu.vector_store %arg22[%swap3A_163, %swap3A_164], %tanh3A_145 {strides = array<i32>} : memref<512x128xf32, #tpu.memory_space<vmem>>, vector<512x128xf32>,
      %swap3A_166 = arith.constant 0 : index
      %swap3A_167 = arith.constant 0 : index
      %swap3A_168 = vector.load %arg23[%swap3A_166, %swap3A_167] : memref<512x128xf32, #tpu.memory_space<vmem>>, vector<512x128xf32>
      tpu.vector_store %arg23[%swap3A_166, %swap3A_167], %dot_general3A_150 {strides = array<i32>} : memref<512x128xf32, #tpu.memory_space<vmem>>, vector<512x128xf32>,
      %swap3A_169 = arith.constant 0 : index
      %swap3A_170 = arith.constant 0 : index
      %swap3A_171 = vector.load %arg24[%swap3A_169, %swap3A_170] : memref<512x8xf32, #tpu.memory_space<vmem>>, vector<512x8xf32>
      tpu.vector_store %arg24[%swap3A_169, %swap3A_170], %dot_general3A_155 {strides = array<i32>} : memref<512x8xf32, #tpu.memory_space<vmem>>, vector<512x8xf32>,
      %get3A_172 = arith.constant 0 : index
      %get3A_173 = arith.constant 4 : index
      %get3A_174 = vector.load %arg9[%get3A_172, %get3A_173] : memref<128x8xf32, #tpu.memory_space<vmem>>, vector<128x4xf32>
      %dot_general3A_175 = arith.constant dense<0.000000e+00> : vector<4x512xf32>
      %dot_general3A_176 = tpu.matmul %get3A_174, %dot_general3A_150, %dot_general3A_175 {dimension_numbers = #tpu.dot_dimension_numbers<[0], [1], [1], [0], [0, 1, 1, 0], [], []>, transpose_lhs_hint = false} : vector<128x4xf32>, vector<512x128xf32>, vector<4x512xf32> -> vector<4x512xf32>
      %swap3A_177 = arith.constant 0 : index
      %swap3A_178 = arith.constant 0 : index
      %swap3A_179 = vector.load %arg25[%swap3A_177, %swap3A_178] : memref<4x512xf32, #tpu.memory_space<vmem>>, vector<4x512xf32>
      tpu.vector_store %arg25[%swap3A_177, %swap3A_178], %dot_general3A_176 {strides = array<i32>} : memref<4x512xf32, #tpu.memory_space<vmem>>, vector<4x512xf32>,
    } else {
    }
    %get3A = arith.constant 0 : index
    %get3A_2 = arith.constant 0 : index
    %get3A_3 = vector.load %arg3[%get3A, %get3A_2] : memref<512x128xf32, #tpu.memory_space<vmem>>, vector<512x128xf32>
    %mul3A = arith.constant 128 : i32
    %mul3A_4 = arith.muli %arg0, %mul3A : i32
    %get3A_5 = arith.index_cast %mul3A_4 : i32 to index
    %get3A_6 = arith.constant 1 : index
    %get3A_7 = vector.load %arg26[%get3A_5, %get3A_6] : memref<512x2xf32, #tpu.memory_space<vmem>>, vector<128x1xf32>
    %transpose3A = tpu.transpose %get3A_7, [1, 0] : vector<128x1xf32> -> vector<1x128xf32>
    %get3A_8 = arith.constant 0 : index
    %get3A_9 = arith.constant 0 : index
    %get3A_10 = vector.load %arg26[%get3A_8, %get3A_9] : memref<512x2xf32, #tpu.memory_space<vmem>>, vector<512x1xf32>
    %add3A = vector.broadcast %get3A_10 : vector<512x1xf32> to vector<512x128xf32>
    %add3A_11 = arith.addf %get3A_3, %add3A : vector<512x128xf32>
    %add3A_12 = vector.broadcast %transpose3A : vector<1x128xf32> to vector<512x128xf32>
    %add3A_13 = arith.addf %add3A_11, %add3A_12 : vector<512x128xf32>
    %get3A_14 = arith.constant 0 : index
    %get3A_15 = arith.constant 0 : index
    %get3A_16 = vector.load %arg18[%get3A_14, %get3A_15] : memref<1x4xf32, #tpu.memory_space<vmem>>, vector<1x1xf32>
    %add3A_17 = vector.broadcast %get3A_16 : vector<1x1xf32> to vector<512x128xf32>
    %add3A_18 = arith.addf %add3A_13, %add3A_17 : vector<512x128xf32>
    %neg3A = arith.constant 0.000000e+00 : f32
    %neg3A_19 = vector.broadcast %neg3A : f32 to vector<512x128xf32>
    %neg3A_20 = arith.subf %neg3A_19, %add3A_18 : vector<512x128xf32>
    %exp3A = math.exp %neg3A_20 : vector<512x128xf32>
    %add3A_21 = arith.constant 1.000000e+00 : f32
    %add3A_22 = vector.broadcast %add3A_21 : f32 to vector<512x128xf32>
    %add3A_23 = arith.addf %add3A_22, %exp3A : vector<512x128xf32>
    %div3A = arith.constant 1.000000e+00 : f32
    %div3A_24 = vector.broadcast %div3A : f32 to vector<512x128xf32>
    %div3A_25 = arith.divf %div3A_24, %add3A_23 : vector<512x128xf32>
    %swap3A = arith.constant 0 : index
    %swap3A_26 = arith.constant 0 : index
    %swap3A_27 = vector.load %arg19[%swap3A, %swap3A_26] : memref<512x128xf32, #tpu.memory_space<vmem>>, vector<512x128xf32>
    tpu.vector_store %arg19[%swap3A, %swap3A_26], %div3A_25 {strides = array<i32>} : memref<512x128xf32, #tpu.memory_space<vmem>>, vector<512x128xf32>,
    return
  }
  func.func @transform_0(%arg0: i32) -> (i32, i32, i32) {
    %c0_i32 = arith.constant 0 : i32
    %c0_i32_0 = arith.constant 0 : i32
    %c0_i32_1 = arith.constant 0 : i32
    %c0_i32_2 = arith.constant 0 : i32
    return %c0_i32, %c0_i32_0, %c0_i32_1 : i32, i32, i32
  }
  func.func @transform_1(%arg0: i32) -> (i32, i32) {
    %c0_i32 = arith.constant 0 : i32
    %c0_i32_0 = arith.constant 0 : i32
    %c0_i32_1 = arith.constant 0 : i32
    return %c0_i32, %c0_i32_0 : i32, i32
  }
  func.func @transform_2(%arg0: i32) -> (i32, i32) {
    %c0_i32 = arith.constant 0 : i32
    %c0_i32_0 = arith.constant 0 : i32
    return %c0_i32, %arg0 : i32, i32
  }
  func.func @transform_3(%arg0: i32) -> (i32, i32) {
    %c0_i32 = arith.constant 0 : i32
    %c0_i32_0 = arith.constant 0 : i32
    %c0_i32_1 = arith.constant 0 : i32
    return %c0_i32, %c0_i32_0 : i32, i32
  }
  func.func @transform_4(%arg0: i32) -> (i32, i32) {
    %c0_i32 = arith.constant 0 : i32
    %c0_i32_0 = arith.constant 0 : i32
    %c0_i32_1 = arith.constant 0 : i32
    return %c0_i32, %c0_i32_0 : i32, i32
  }
  func.func @transform_5(%arg0: i32) -> (i32, i32) {
    %c0_i32 = arith.constant 0 : i32
    %c0_i32_0 = arith.constant 0 : i32
    %c0_i32_1 = arith.constant 0 : i32
    return %c0_i32, %c0_i32_0 : i32, i32
  }
  func.func @transform_6(%arg0: i32) -> (i32, i32) {
    %c0_i32 = arith.constant 0 : i32
    %c0_i32_0 = arith.constant 0 : i32
    %c0_i32_1 = arith.constant 0 : i32
    return %c0_i32, %c0_i32_0 : i32, i32
  }
  func.func @transform_7(%arg0: i32) -> (i32, i32) {
    %c0_i32 = arith.constant 0 : i32
    %c0_i32_0 = arith.constant 0 : i32
    %c0_i32_1 = arith.constant 0 : i32
    return %c0_i32, %c0_i32_0 : i32, i32
  }
  func.func @transform_8(%arg0: i32) -> (i32, i32) {
    %c0_i32 = arith.constant 0 : i32
    %c0_i32_0 = arith.constant 0 : i32
    %c0_i32_1 = arith.constant 0 : i32
    return %c0_i32, %c0_i32_0 : i32, i32
  }
  func.func @transform_9(%arg0: i32) -> (i32, i32) {
    %c0_i32 = arith.constant 0 : i32
    %c0_i32_0 = arith.constant 0 : i32
    %c0_i32_1 = arith.constant 0 : i32
    return %c0_i32, %c0_i32_0 : i32, i32
  }
  func.func @transform_10(%arg0: i32) -> (i32, i32) {
    %c0_i32 = arith.constant 0 : i32
    %c0_i32_0 = arith.constant 0 : i32
    %c0_i32_1 = arith.constant 0 : i32
    return %c0_i32, %c0_i32_0 : i32, i32
  }
  func.func @transform_11(%arg0: i32) -> (i32, i32) {
    %c0_i32 = arith.constant 0 : i32
    %c0_i32_0 = arith.constant 0 : i32
    %c0_i32_1 = arith.constant 0 : i32
    return %c0_i32, %c0_i32_0 : i32, i32
  }
  func.func @transform_12(%arg0: i32) -> (i32, i32) {
    %c0_i32 = arith.constant 0 : i32
    %c0_i32_0 = arith.constant 0 : i32
    %c0_i32_1 = arith.constant 0 : i32
    return %c0_i32, %c0_i32_0 : i32, i32
  }
  func.func @transform_13(%arg0: i32) -> (i32, i32) {
    %c0_i32 = arith.constant 0 : i32
    %c0_i32_0 = arith.constant 0 : i32
    %c0_i32_1 = arith.constant 0 : i32
    return %c0_i32, %c0_i32_0 : i32, i32
  }
  func.func @transform_14(%arg0: i32) -> (i32, i32) {
    %c0_i32 = arith.constant 0 : i32
    %c0_i32_0 = arith.constant 0 : i32
    %c0_i32_1 = arith.constant 0 : i32
    return %c0_i32, %c0_i32_0 : i32, i32
  }
  func.func @transform_15(%arg0: i32) -> (i32, i32) {
    %c0_i32 = arith.constant 0 : i32
    %c0_i32_0 = arith.constant 0 : i32
    %c0_i32_1 = arith.constant 0 : i32
    return %c0_i32, %c0_i32_0 : i32, i32
  }
  func.func @transform_16(%arg0: i32) -> (i32, i32) {
    %c0_i32 = arith.constant 0 : i32
    %c0_i32_0 = arith.constant 0 : i32
    %c0_i32_1 = arith.constant 0 : i32
    return %c0_i32, %c0_i32_0 : i32, i32
  }
  func.func @transform_17(%arg0: i32) -> (i32, i32) {
    %c0_i32 = arith.constant 0 : i32
    %c0_i32_0 = arith.constant 0 : i32
    %c0_i32_1 = arith.constant 0 : i32
    return %c0_i32, %c0_i32_0 : i32, i32
  }
  func.func @transform_18(%arg0: i32) -> (i32, i32) {
    %c0_i32 = arith.constant 0 : i32
    %c0_i32_0 = arith.constant 0 : i32
    return %c0_i32, %arg0 : i32, i32
  }
  func.func @transform_19(%arg0: i32) -> (i32, i32) {
    %c0_i32 = arith.constant 0 : i32
    %c0_i32_0 = arith.constant 0 : i32
    %c0_i32_1 = arith.constant 0 : i32
    return %c0_i32, %c0_i32_0 : i32, i32
  }
  func.func @transform_20(%arg0: i32) -> (i32, i32) {
    %c0_i32 = arith.constant 0 : i32
    %c0_i32_0 = arith.constant 0 : i32
    %c0_i32_1 = arith.constant 0 : i32
    return %c0_i32, %c0_i32_0 : i32, i32
  }
  func.func @transform_21(%arg0: i32) -> (i32, i32) {
    %c0_i32 = arith.constant 0 : i32
    %c0_i32_0 = arith.constant 0 : i32
    %c0_i32_1 = arith.constant 0 : i32
    return %c0_i32, %c0_i32_0 : i32, i32
  }
  func.func @transform_22(%arg0: i32) -> (i32, i32) {
    %c0_i32 = arith.constant 0 : i32
    %c0_i32_0 = arith.constant 0 : i32
    %c0_i32_1 = arith.constant 0 : i32
    return %c0_i32, %c0_i32_0 : i32, i32
  }
  func.func @transform_23(%arg0: i32) -> (i32, i32) {
    %c0_i32 = arith.constant 0 : i32
    %c0_i32_0 = arith.constant 0 : i32
    %c0_i32_1 = arith.constant 0 : i32
    return %c0_i32, %c0_i32_0 : i32, i32
  }
  func.func @transform_24(%arg0: i32) -> (i32, i32) {
    %c0_i32 = arith.constant 0 : i32
    %c0_i32_0 = arith.constant 0 : i32
    %c0_i32_1 = arith.constant 0 : i32
    return %c0_i32, %c0_i32_0 : i32, i32
  }
}

module attributes {stable_mosaic.version = 14 : i64} {
  func.func @_k2_body(%arg0: i32, %arg1: i32, %arg2: memref<32x128xf32, #tpu.memory_space<vmem>>, %arg3: memref<32x128xf32, #tpu.memory_space<vmem>>, %arg4: memref<32x8xf32, #tpu.memory_space<vmem>>, %arg5: memref<4x128xf32, #tpu.memory_space<vmem>>, %arg6: memref<32x128xf32, #tpu.memory_space<vmem>>, %arg7: memref<1x128xf32, #tpu.memory_space<vmem>>, %arg8: memref<1x128xf32, #tpu.memory_space<vmem>>, %arg9: memref<4x32xf32, #tpu.memory_space<vmem>>, %arg10: memref<128x1xf32, #tpu.memory_space<vmem>>, %arg11: memref<128x128xf32, #tpu.memory_space<vmem>>, %arg12: memref<32x128xf32, #tpu.memory_space<vmem>>, %arg13: memref<128x128xf32, #tpu.memory_space<vmem>>, %arg14: memref<128x128xf32, #tpu.memory_space<vmem>>, %arg15: memref<128x128xf32, #tpu.memory_space<vmem>>) attributes {dimension_semantics = [#tpu.dimension_semantics<arbitrary>, #tpu.dimension_semantics<arbitrary>], iteration_bounds = array<i64: 4, 16>, scalar_prefetch = 0 : i64, scratch_operands = 2 : i64, tpu.core_type = #tpu.core_type<tc>, window_params = [{transform_indices = @transform_0, window_bounds = array<i64: 32, 128>}, {transform_indices = @transform_1, window_bounds = array<i64: 32, 128>}, {transform_indices = @transform_2, window_bounds = array<i64: 32, 8>}, {transform_indices = @transform_3, window_bounds = array<i64: 4, 128>}, {transform_indices = @transform_4, window_bounds = array<i64: 32, 128>}, {pipeline_mode = #tpu.pipeline_mode<synchronous>, transform_indices = @transform_5, window_bounds = array<i64: 1, 128>}, {pipeline_mode = #tpu.pipeline_mode<synchronous>, transform_indices = @transform_6, window_bounds = array<i64: 1, 128>}, {pipeline_mode = #tpu.pipeline_mode<synchronous>, transform_indices = @transform_7, window_bounds = array<i64: 4, 32>}, {pipeline_mode = #tpu.pipeline_mode<synchronous>, transform_indices = @transform_8, window_bounds = array<i64: 128, 1>}, {pipeline_mode = #tpu.pipeline_mode<synchronous>, transform_indices = @transform_9, window_bounds = array<i64: 128, 128>}, {transform_indices = @transform_10, window_bounds = array<i64: 32, 128>}, {transform_indices = @transform_11, window_bounds = array<i64: 128, 128>}]} {
    %mul3A = arith.constant 32 : i32
    %mul3A_0 = arith.muli %arg1, %mul3A : i32
    %mul3A_1 = arith.constant 128 : i32
    %mul3A_2 = arith.muli %arg0, %mul3A_1 : i32
    %eq3A = arith.constant 0 : i32
    %eq3A_3 = arith.cmpi eq, %arg1, %eq3A : i32
    %convert_element_type3A = arith.extui %eq3A_3 : i1 to i32
    %cond3A = arith.constant 0 : i32
    %cond3A_4 = arith.cmpi ne, %convert_element_type3A, %cond3A : i32
    scf.if %cond3A_4 {
      %broadcast_in_dim3A_193 = arith.constant 0.000000e+00 : f32
      %broadcast_in_dim3A_194 = vector.broadcast %broadcast_in_dim3A_193 : f32 to vector<128x128xf32>
      %swap3A_195 = arith.constant 0 : index
      %swap3A_196 = arith.constant 0 : index
      %swap3A_197 = vector.load %arg14[%swap3A_195, %swap3A_196] : memref<128x128xf32, #tpu.memory_space<vmem>>, vector<128x128xf32>
      tpu.vector_store %arg14[%swap3A_195, %swap3A_196], %broadcast_in_dim3A_194 {strides = array<i32>} : memref<128x128xf32, #tpu.memory_space<vmem>>, vector<128x128xf32>,
      %broadcast_in_dim3A_198 = arith.constant 0.000000e+00 : f32
      %broadcast_in_dim3A_199 = vector.broadcast %broadcast_in_dim3A_198 : f32 to vector<128x128xf32>
      %swap3A_200 = arith.constant 0 : index
      %swap3A_201 = arith.constant 0 : index
      %swap3A_202 = vector.load %arg15[%swap3A_200, %swap3A_201] : memref<128x128xf32, #tpu.memory_space<vmem>>, vector<128x128xf32>
      tpu.vector_store %arg15[%swap3A_200, %swap3A_201], %broadcast_in_dim3A_199 {strides = array<i32>} : memref<128x128xf32, #tpu.memory_space<vmem>>, vector<128x128xf32>,
    } else {
    }
    %get3A = arith.constant 0 : index
    %get3A_5 = arith.constant 0 : index
    %get3A_6 = vector.load %arg2[%get3A, %get3A_5] : memref<32x128xf32, #tpu.memory_space<vmem>>, vector<32x128xf32>
    %get3A_7 = arith.constant 0 : index
    %get3A_8 = arith.constant 0 : index
    %get3A_9 = vector.load %arg3[%get3A_7, %get3A_8] : memref<32x128xf32, #tpu.memory_space<vmem>>, vector<32x128xf32>
    %iota3A = tpu.iota {dimensions = array<i32: 0>} : vector<32x128xi32>
    %add3A = vector.broadcast %mul3A_0 : i32 to vector<32x128xi32>
    %add3A_10 = arith.addi %iota3A, %add3A : vector<32x128xi32>
    %iota3A_11 = tpu.iota {dimensions = array<i32: 1>} : vector<32x128xi32>
    %add3A_12 = vector.broadcast %mul3A_2 : i32 to vector<32x128xi32>
    %add3A_13 = arith.addi %iota3A_11, %add3A_12 : vector<32x128xi32>
    %add3A_14 = arith.addf %get3A_6, %get3A_9 : vector<32x128xf32>
    %gt3A = arith.constant 5.000000e-01 : f32
    %gt3A_15 = vector.broadcast %gt3A : f32 to vector<32x128xf32>
    %gt3A_16 = arith.cmpf ogt, %add3A_14, %gt3A_15 : vector<32x128xf32>
    %eq3A_17 = arith.cmpi eq, %add3A_10, %add3A_13 : vector<32x128xi32>
    %or3A = arith.ori %gt3A_16, %eq3A_17 : vector<32x128xi1>
    %convert_element_type3A_18 = arith.extui %or3A : vector<32x128xi1> to vector<32x128xi32>
    %convert_element_type3A_19 = arith.sitofp %convert_element_type3A_18 : vector<32x128xi32> to vector<32x128xf32>
    %get3A_20 = arith.constant 0 : index
    %get3A_21 = arith.constant 0 : index
    %get3A_22 = vector.load %arg7[%get3A_20, %get3A_21] : memref<1x128xf32, #tpu.memory_space<vmem>>, vector<1x128xf32>
    %reshape3A = vector.shape_cast %get3A_22 : vector<1x128xf32> to vector<1x1x128xf32>
    %get3A_23 = arith.constant 0 : index
    %get3A_24 = arith.constant 0 : index
    %get3A_25 = vector.load %arg8[%get3A_23, %get3A_24] : memref<1x128xf32, #tpu.memory_space<vmem>>, vector<1x128xf32>
    %reshape3A_26 = vector.shape_cast %get3A_25 : vector<1x128xf32> to vector<1x1x128xf32>
    %broadcast_in_dim3A = vector.shape_cast %get3A_6 : vector<32x128xf32> to vector<32x128x1xf32>
    %mul3A_27 = vector.broadcast %broadcast_in_dim3A : vector<32x128x1xf32> to vector<32x128x128xf32>
    %mul3A_28 = vector.broadcast %reshape3A : vector<1x1x128xf32> to vector<32x128x128xf32>
    %mul3A_29 = arith.mulf %mul3A_27, %mul3A_28 : vector<32x128x128xf32>
    %add3A_30 = vector.broadcast %reshape3A_26 : vector<1x1x128xf32> to vector<32x128x128xf32>
    %add3A_31 = arith.addf %mul3A_29, %add3A_30 : vector<32x128x128xf32>
    %tanh3A = math.tanh %add3A_31 : vector<32x128x128xf32>
    %get3A_32 = arith.constant 0 : index
    %get3A_33 = arith.constant 0 : index
    %get3A_34 = vector.load %arg10[%get3A_32, %get3A_33] : memref<128x1xf32, #tpu.memory_space<vmem>>, vector<128x1xf32>
    %reshape3A_35 = vector.shape_cast %get3A_34 : vector<128x1xf32> to vector<1x1x128xf32>
    %mul3A_36 = vector.broadcast %reshape3A_35 : vector<1x1x128xf32> to vector<32x128x128xf32>
    %mul3A_37 = arith.mulf %tanh3A, %mul3A_36 : vector<32x128x128xf32>
    %reduce_sum3A = arith.constant dense<0.000000e+00> : vector<32x128xf32>
    %reduce_sum3A_38 = vector.multi_reduction <add>, %mul3A_37, %reduce_sum3A [2] : vector<32x128x128xf32> to vector<32x128xf32>
    %mul3A_39 = arith.mulf %reduce_sum3A_38, %convert_element_type3A_19 : vector<32x128xf32>
    %swap3A = arith.constant 0 : index
    %swap3A_40 = arith.constant 0 : index
    %swap3A_41 = vector.load %arg12[%swap3A, %swap3A_40] : memref<32x128xf32, #tpu.memory_space<vmem>>, vector<32x128xf32>
    tpu.vector_store %arg12[%swap3A, %swap3A_40], %mul3A_39 {strides = array<i32>} : memref<32x128xf32, #tpu.memory_space<vmem>>, vector<32x128xf32>,
    %reshape3A_42 = vector.shape_cast %tanh3A : vector<32x128x128xf32> to vector<4096x128xf32>
    %get3A_43 = arith.constant 0 : index
    %get3A_44 = arith.constant 0 : index
    %get3A_45 = vector.load %arg11[%get3A_43, %get3A_44] : memref<128x128xf32, #tpu.memory_space<vmem>>, vector<128x128xf32>
    %dot_general3A = arith.constant dense<0.000000e+00> : vector<4096x128xf32>
    %dot_general3A_46 = tpu.matmul %reshape3A_42, %get3A_45, %dot_general3A {dimension_numbers = #tpu.dot_dimension_numbers<[1], [0], [0], [1], [0, 0, 1, 1], [], []>, transpose_lhs_hint = false} : vector<4096x128xf32>, vector<128x128xf32>, vector<4096x128xf32> -> vector<4096x128xf32>
    %reshape3A_47 = vector.shape_cast %dot_general3A_46 : vector<4096x128xf32> to vector<32x128x128xf32>
    %get3A_48 = arith.constant 0 : index
    %get3A_49 = arith.constant 0 : index
    %get3A_50 = vector.load %arg6[%get3A_48, %get3A_49] : memref<32x128xf32, #tpu.memory_space<vmem>>, vector<32x128xf32>
    %broadcast_in_dim3A_51 = vector.shape_cast %get3A_50 : vector<32x128xf32> to vector<32x1x128xf32>
    %add3A_52 = vector.broadcast %broadcast_in_dim3A_51 : vector<32x1x128xf32> to vector<32x128x128xf32>
    %add3A_53 = arith.addf %reshape3A_47, %add3A_52 : vector<32x128x128xf32>
    %get3A_54 = arith.constant 0 : index
    %get3A_55 = arith.constant 0 : index
    %get3A_56 = vector.load %arg4[%get3A_54, %get3A_55] : memref<32x8xf32, #tpu.memory_space<vmem>>, vector<32x8xf32>
    %get3A_57 = arith.constant 0 : index
    %get3A_58 = arith.constant 0 : index
    %get3A_59 = vector.load %arg5[%get3A_57, %get3A_58] : memref<4x128xf32, #tpu.memory_space<vmem>>, vector<4x128xf32>
    %get3A_60 = arith.constant 0 : index
    %get3A_61 = arith.constant 0 : index
    %get3A_62 = vector.load %arg9[%get3A_60, %get3A_61] : memref<4x32xf32, #tpu.memory_space<vmem>>, vector<4x32xf32>
    %slice3A = vector.extract_strided_slice %reshape3A_47 {offsets = [0, 0, 0], sizes = [32, 128, 32], strides = [1, 1, 1]} : vector<32x128x128xf32> to vector<32x128x32xf32>
    %slice3A_63 = vector.extract_strided_slice %get3A_62 {offsets = [0, 0], sizes = [1, 32], strides = [1, 1]} : vector<4x32xf32> to vector<1x32xf32>
    %squeeze3A = vector.shape_cast %slice3A_63 : vector<1x32xf32> to vector<32xf32>
    %reshape3A_64 = vector.shape_cast %squeeze3A : vector<32xf32> to vector<1x1x32xf32>
    %mul3A_65 = vector.broadcast %reshape3A_64 : vector<1x1x32xf32> to vector<32x128x32xf32>
    %mul3A_66 = arith.mulf %slice3A, %mul3A_65 : vector<32x128x32xf32>
    %reduce_sum3A_67 = arith.constant dense<0.000000e+00> : vector<32x128xf32>
    %reduce_sum3A_68 = vector.multi_reduction <add>, %mul3A_66, %reduce_sum3A_67 [2] : vector<32x128x32xf32> to vector<32x128xf32>
    %slice3A_69 = vector.extract_strided_slice %get3A_56 {offsets = [0, 0], sizes = [32, 1], strides = [1, 1]} : vector<32x8xf32> to vector<32x1xf32>
    %add3A_70 = vector.broadcast %slice3A_69 : vector<32x1xf32> to vector<32x128xf32>
    %add3A_71 = arith.addf %reduce_sum3A_68, %add3A_70 : vector<32x128xf32>
    %slice3A_72 = vector.extract_strided_slice %get3A_59 {offsets = [0, 0], sizes = [1, 128], strides = [1, 1]} : vector<4x128xf32> to vector<1x128xf32>
    %add3A_73 = vector.broadcast %slice3A_72 : vector<1x128xf32> to vector<32x128xf32>
    %add3A_74 = arith.addf %add3A_71, %add3A_73 : vector<32x128xf32>
    %ge3A = arith.constant 0.000000e+00 : f32
    %ge3A_75 = vector.broadcast %ge3A : f32 to vector<32x128xf32>
    %ge3A_76 = arith.cmpf oge, %add3A_74, %ge3A_75 : vector<32x128xf32>
    %mul3A_77 = arith.constant 2.000000e-01 : f32
    %mul3A_78 = vector.broadcast %mul3A_77 : f32 to vector<32x128xf32>
    %mul3A_79 = arith.mulf %mul3A_78, %add3A_74 : vector<32x128xf32>
    %select_n3A = arith.select %ge3A_76, %add3A_74, %mul3A_79 : vector<32x128xi1>, vector<32x128xf32>
    %exp3A = math.exp %select_n3A : vector<32x128xf32>
    %jit3A = arith.constant 0.000000e+00 : f32
    %broadcast_in_dim3A_80 = vector.broadcast %jit3A : f32 to vector<32x128xf32>
    %select_n3A_81 = arith.select %or3A, %exp3A, %broadcast_in_dim3A_80 : vector<32x128xi1>, vector<32x128xf32>
    %broadcast_in_dim3A_82 = vector.shape_cast %select_n3A_81 : vector<32x128xf32> to vector<32x128x1xf32>
    %broadcast_in_dim3A_83 = vector.shape_cast %broadcast_in_dim3A_82 : vector<32x128x1xf32> to vector<32x128x1xf32>
    %broadcast_in_dim3A_84 = vector.broadcast %broadcast_in_dim3A_83 : vector<32x128x1xf32> to vector<32x128x32xf32>
    %slice3A_85 = vector.extract_strided_slice %reshape3A_47 {offsets = [0, 0, 32], sizes = [32, 128, 32], strides = [1, 1, 1]} : vector<32x128x128xf32> to vector<32x128x32xf32>
    %slice3A_86 = vector.extract_strided_slice %get3A_62 {offsets = [1, 0], sizes = [1, 32], strides = [1, 1]} : vector<4x32xf32> to vector<1x32xf32>
    %squeeze3A_87 = vector.shape_cast %slice3A_86 : vector<1x32xf32> to vector<32xf32>
    %reshape3A_88 = vector.shape_cast %squeeze3A_87 : vector<32xf32> to vector<1x1x32xf32>
    %mul3A_89 = vector.broadcast %reshape3A_88 : vector<1x1x32xf32> to vector<32x128x32xf32>
    %mul3A_90 = arith.mulf %slice3A_85, %mul3A_89 : vector<32x128x32xf32>
    %reduce_sum3A_91 = arith.constant dense<0.000000e+00> : vector<32x128xf32>
    %reduce_sum3A_92 = vector.multi_reduction <add>, %mul3A_90, %reduce_sum3A_91 [2] : vector<32x128x32xf32> to vector<32x128xf32>
    %slice3A_93 = vector.extract_strided_slice %get3A_56 {offsets = [0, 1], sizes = [32, 1], strides = [1, 1]} : vector<32x8xf32> to vector<32x1xf32>
    %add3A_94 = vector.broadcast %slice3A_93 : vector<32x1xf32> to vector<32x128xf32>
    %add3A_95 = arith.addf %reduce_sum3A_92, %add3A_94 : vector<32x128xf32>
    %slice3A_96 = vector.extract_strided_slice %get3A_59 {offsets = [1, 0], sizes = [1, 128], strides = [1, 1]} : vector<4x128xf32> to vector<1x128xf32>
    %add3A_97 = vector.broadcast %slice3A_96 : vector<1x128xf32> to vector<32x128xf32>
    %add3A_98 = arith.addf %add3A_95, %add3A_97 : vector<32x128xf32>
    %ge3A_99 = arith.constant 0.000000e+00 : f32
    %ge3A_100 = vector.broadcast %ge3A_99 : f32 to vector<32x128xf32>
    %ge3A_101 = arith.cmpf oge, %add3A_98, %ge3A_100 : vector<32x128xf32>
    %mul3A_102 = arith.constant 2.000000e-01 : f32
    %mul3A_103 = vector.broadcast %mul3A_102 : f32 to vector<32x128xf32>
    %mul3A_104 = arith.mulf %mul3A_103, %add3A_98 : vector<32x128xf32>
    %select_n3A_105 = arith.select %ge3A_101, %add3A_98, %mul3A_104 : vector<32x128xi1>, vector<32x128xf32>
    %exp3A_106 = math.exp %select_n3A_105 : vector<32x128xf32>
    %jit3A_107 = arith.constant 0.000000e+00 : f32
    %broadcast_in_dim3A_108 = vector.broadcast %jit3A_107 : f32 to vector<32x128xf32>
    %select_n3A_109 = arith.select %or3A, %exp3A_106, %broadcast_in_dim3A_108 : vector<32x128xi1>, vector<32x128xf32>
    %broadcast_in_dim3A_110 = vector.shape_cast %select_n3A_109 : vector<32x128xf32> to vector<32x128x1xf32>
    %broadcast_in_dim3A_111 = vector.shape_cast %broadcast_in_dim3A_110 : vector<32x128x1xf32> to vector<32x128x1xf32>
    %broadcast_in_dim3A_112 = vector.broadcast %broadcast_in_dim3A_111 : vector<32x128x1xf32> to vector<32x128x32xf32>
    %slice3A_113 = vector.extract_strided_slice %reshape3A_47 {offsets = [0, 0, 64], sizes = [32, 128, 32], strides = [1, 1, 1]} : vector<32x128x128xf32> to vector<32x128x32xf32>
    %slice3A_114 = vector.extract_strided_slice %get3A_62 {offsets = [2, 0], sizes = [1, 32], strides = [1, 1]} : vector<4x32xf32> to vector<1x32xf32>
    %squeeze3A_115 = vector.shape_cast %slice3A_114 : vector<1x32xf32> to vector<32xf32>
    %reshape3A_116 = vector.shape_cast %squeeze3A_115 : vector<32xf32> to vector<1x1x32xf32>
    %mul3A_117 = vector.broadcast %reshape3A_116 : vector<1x1x32xf32> to vector<32x128x32xf32>
    %mul3A_118 = arith.mulf %slice3A_113, %mul3A_117 : vector<32x128x32xf32>
    %reduce_sum3A_119 = arith.constant dense<0.000000e+00> : vector<32x128xf32>
    %reduce_sum3A_120 = vector.multi_reduction <add>, %mul3A_118, %reduce_sum3A_119 [2] : vector<32x128x32xf32> to vector<32x128xf32>
    %slice3A_121 = vector.extract_strided_slice %get3A_56 {offsets = [0, 2], sizes = [32, 1], strides = [1, 1]} : vector<32x8xf32> to vector<32x1xf32>
    %add3A_122 = vector.broadcast %slice3A_121 : vector<32x1xf32> to vector<32x128xf32>
    %add3A_123 = arith.addf %reduce_sum3A_120, %add3A_122 : vector<32x128xf32>
    %slice3A_124 = vector.extract_strided_slice %get3A_59 {offsets = [2, 0], sizes = [1, 128], strides = [1, 1]} : vector<4x128xf32> to vector<1x128xf32>
    %add3A_125 = vector.broadcast %slice3A_124 : vector<1x128xf32> to vector<32x128xf32>
    %add3A_126 = arith.addf %add3A_123, %add3A_125 : vector<32x128xf32>
    %ge3A_127 = arith.constant 0.000000e+00 : f32
    %ge3A_128 = vector.broadcast %ge3A_127 : f32 to vector<32x128xf32>
    %ge3A_129 = arith.cmpf oge, %add3A_126, %ge3A_128 : vector<32x128xf32>
    %mul3A_130 = arith.constant 2.000000e-01 : f32
    %mul3A_131 = vector.broadcast %mul3A_130 : f32 to vector<32x128xf32>
    %mul3A_132 = arith.mulf %mul3A_131, %add3A_126 : vector<32x128xf32>
    %select_n3A_133 = arith.select %ge3A_129, %add3A_126, %mul3A_132 : vector<32x128xi1>, vector<32x128xf32>
    %exp3A_134 = math.exp %select_n3A_133 : vector<32x128xf32>
    %jit3A_135 = arith.constant 0.000000e+00 : f32
    %broadcast_in_dim3A_136 = vector.broadcast %jit3A_135 : f32 to vector<32x128xf32>
    %select_n3A_137 = arith.select %or3A, %exp3A_134, %broadcast_in_dim3A_136 : vector<32x128xi1>, vector<32x128xf32>
    %broadcast_in_dim3A_138 = vector.shape_cast %select_n3A_137 : vector<32x128xf32> to vector<32x128x1xf32>
    %broadcast_in_dim3A_139 = vector.shape_cast %broadcast_in_dim3A_138 : vector<32x128x1xf32> to vector<32x128x1xf32>
    %broadcast_in_dim3A_140 = vector.broadcast %broadcast_in_dim3A_139 : vector<32x128x1xf32> to vector<32x128x32xf32>
    %slice3A_141 = vector.extract_strided_slice %reshape3A_47 {offsets = [0, 0, 96], sizes = [32, 128, 32], strides = [1, 1, 1]} : vector<32x128x128xf32> to vector<32x128x32xf32>
    %slice3A_142 = vector.extract_strided_slice %get3A_62 {offsets = [3, 0], sizes = [1, 32], strides = [1, 1]} : vector<4x32xf32> to vector<1x32xf32>
    %squeeze3A_143 = vector.shape_cast %slice3A_142 : vector<1x32xf32> to vector<32xf32>
    %reshape3A_144 = vector.shape_cast %squeeze3A_143 : vector<32xf32> to vector<1x1x32xf32>
    %mul3A_145 = vector.broadcast %reshape3A_144 : vector<1x1x32xf32> to vector<32x128x32xf32>
    %mul3A_146 = arith.mulf %slice3A_141, %mul3A_145 : vector<32x128x32xf32>
    %reduce_sum3A_147 = arith.constant dense<0.000000e+00> : vector<32x128xf32>
    %reduce_sum3A_148 = vector.multi_reduction <add>, %mul3A_146, %reduce_sum3A_147 [2] : vector<32x128x32xf32> to vector<32x128xf32>
    %slice3A_149 = vector.extract_strided_slice %get3A_56 {offsets = [0, 3], sizes = [32, 1], strides = [1, 1]} : vector<32x8xf32> to vector<32x1xf32>
    %add3A_150 = vector.broadcast %slice3A_149 : vector<32x1xf32> to vector<32x128xf32>
    %add3A_151 = arith.addf %reduce_sum3A_148, %add3A_150 : vector<32x128xf32>
    %slice3A_152 = vector.extract_strided_slice %get3A_59 {offsets = [3, 0], sizes = [1, 128], strides = [1, 1]} : vector<4x128xf32> to vector<1x128xf32>
    %add3A_153 = vector.broadcast %slice3A_152 : vector<1x128xf32> to vector<32x128xf32>
    %add3A_154 = arith.addf %add3A_151, %add3A_153 : vector<32x128xf32>
    %ge3A_155 = arith.constant 0.000000e+00 : f32
    %ge3A_156 = vector.broadcast %ge3A_155 : f32 to vector<32x128xf32>
    %ge3A_157 = arith.cmpf oge, %add3A_154, %ge3A_156 : vector<32x128xf32>
    %mul3A_158 = arith.constant 2.000000e-01 : f32
    %mul3A_159 = vector.broadcast %mul3A_158 : f32 to vector<32x128xf32>
    %mul3A_160 = arith.mulf %mul3A_159, %add3A_154 : vector<32x128xf32>
    %select_n3A_161 = arith.select %ge3A_157, %add3A_154, %mul3A_160 : vector<32x128xi1>, vector<32x128xf32>
    %exp3A_162 = math.exp %select_n3A_161 : vector<32x128xf32>
    %jit3A_163 = arith.constant 0.000000e+00 : f32
    %broadcast_in_dim3A_164 = vector.broadcast %jit3A_163 : f32 to vector<32x128xf32>
    %select_n3A_165 = arith.select %or3A, %exp3A_162, %broadcast_in_dim3A_164 : vector<32x128xi1>, vector<32x128xf32>
    %broadcast_in_dim3A_166 = vector.shape_cast %select_n3A_165 : vector<32x128xf32> to vector<32x128x1xf32>
    %broadcast_in_dim3A_167 = vector.shape_cast %broadcast_in_dim3A_166 : vector<32x128x1xf32> to vector<32x128x1xf32>
    %broadcast_in_dim3A_168 = vector.broadcast %broadcast_in_dim3A_167 : vector<32x128x1xf32> to vector<32x128x32xf32>
    %concatenate3A = tpu.concatenate %broadcast_in_dim3A_84, %broadcast_in_dim3A_112, %broadcast_in_dim3A_140, %broadcast_in_dim3A_168 in 2 : vector<32x128x32xf32>, vector<32x128x32xf32>, vector<32x128x32xf32>, vector<32x128x32xf32> -> vector<32x128x128xf32>
    %get3A_169 = arith.constant 0 : index
    %get3A_170 = arith.constant 0 : index
    %get3A_171 = vector.load %arg14[%get3A_169, %get3A_170] : memref<128x128xf32, #tpu.memory_space<vmem>>, vector<128x128xf32>
    %mul3A_172 = arith.mulf %concatenate3A, %add3A_53 : vector<32x128x128xf32>
    %reduce_sum3A_173 = arith.constant dense<0.000000e+00> : vector<128x128xf32>
    %reduce_sum3A_174 = vector.multi_reduction <add>, %mul3A_172, %reduce_sum3A_173 [0] : vector<32x128x128xf32> to vector<128x128xf32>
    %add3A_175 = arith.addf %get3A_171, %reduce_sum3A_174 : vector<128x128xf32>
    %swap3A_176 = arith.constant 0 : index
    %swap3A_177 = arith.constant 0 : index
    %swap3A_178 = vector.load %arg14[%swap3A_176, %swap3A_177] : memref<128x128xf32, #tpu.memory_space<vmem>>, vector<128x128xf32>
    tpu.vector_store %arg14[%swap3A_176, %swap3A_177], %add3A_175 {strides = array<i32>} : memref<128x128xf32, #tpu.memory_space<vmem>>, vector<128x128xf32>,
    %get3A_179 = arith.constant 0 : index
    %get3A_180 = arith.constant 0 : index
    %get3A_181 = vector.load %arg15[%get3A_179, %get3A_180] : memref<128x128xf32, #tpu.memory_space<vmem>>, vector<128x128xf32>
    %reduce_sum3A_182 = arith.constant dense<0.000000e+00> : vector<128x128xf32>
    %reduce_sum3A_183 = vector.multi_reduction <add>, %concatenate3A, %reduce_sum3A_182 [0] : vector<32x128x128xf32> to vector<128x128xf32>
    %add3A_184 = arith.addf %get3A_181, %reduce_sum3A_183 : vector<128x128xf32>
    %swap3A_185 = arith.constant 0 : index
    %swap3A_186 = arith.constant 0 : index
    %swap3A_187 = vector.load %arg15[%swap3A_185, %swap3A_186] : memref<128x128xf32, #tpu.memory_space<vmem>>, vector<128x128xf32>
    tpu.vector_store %arg15[%swap3A_185, %swap3A_186], %add3A_184 {strides = array<i32>} : memref<128x128xf32, #tpu.memory_space<vmem>>, vector<128x128xf32>,
    %eq3A_188 = arith.constant 15 : i32
    %eq3A_189 = arith.cmpi eq, %arg1, %eq3A_188 : i32
    %convert_element_type3A_190 = arith.extui %eq3A_189 : i1 to i32
    %cond3A_191 = arith.constant 0 : i32
    %cond3A_192 = arith.cmpi ne, %convert_element_type3A_190, %cond3A_191 : i32
    scf.if %cond3A_192 {
      %get3A_193 = arith.constant 0 : index
      %get3A_194 = arith.constant 0 : index
      %get3A_195 = vector.load %arg14[%get3A_193, %get3A_194] : memref<128x128xf32, #tpu.memory_space<vmem>>, vector<128x128xf32>
      %get3A_196 = arith.constant 0 : index
      %get3A_197 = arith.constant 0 : index
      %get3A_198 = vector.load %arg15[%get3A_196, %get3A_197] : memref<128x128xf32, #tpu.memory_space<vmem>>, vector<128x128xf32>
      %div3A = arith.divf %get3A_195, %get3A_198 : vector<128x128xf32>
      %gt3A_199 = arith.constant 0.000000e+00 : f32
      %gt3A_200 = vector.broadcast %gt3A_199 : f32 to vector<128x128xf32>
      %gt3A_201 = arith.cmpf ogt, %div3A, %gt3A_200 : vector<128x128xf32>
      %min3A = arith.constant 0.000000e+00 : f32
      %min3A_202 = vector.broadcast %min3A : f32 to vector<128x128xf32>
      %min3A_203 = arith.minimumf %div3A, %min3A_202 : vector<128x128xf32>
      %exp3A_204 = math.exp %min3A_203 : vector<128x128xf32>
      %sub3A = arith.constant 1.000000e+00 : f32
      %sub3A_205 = vector.broadcast %sub3A : f32 to vector<128x128xf32>
      %sub3A_206 = arith.subf %exp3A_204, %sub3A_205 : vector<128x128xf32>
      %select_n3A_207 = arith.select %gt3A_201, %div3A, %sub3A_206 : vector<128x128xi1>, vector<128x128xf32>
      %swap3A_208 = arith.constant 0 : index
      %swap3A_209 = arith.constant 0 : index
      %swap3A_210 = vector.load %arg13[%swap3A_208, %swap3A_209] : memref<128x128xf32, #tpu.memory_space<vmem>>, vector<128x128xf32>
      tpu.vector_store %arg13[%swap3A_208, %swap3A_209], %select_n3A_207 {strides = array<i32>} : memref<128x128xf32, #tpu.memory_space<vmem>>, vector<128x128xf32>,
    } else {
    }
    return
  }
  func.func @transform_0(%arg0: i32, %arg1: i32) -> (i32, i32) {
    %c0_i32 = arith.constant 0 : i32
    return %arg1, %arg0 : i32, i32
  }
  func.func @transform_1(%arg0: i32, %arg1: i32) -> (i32, i32) {
    %c0_i32 = arith.constant 0 : i32
    return %arg1, %arg0 : i32, i32
  }
  func.func @transform_2(%arg0: i32, %arg1: i32) -> (i32, i32) {
    %c0_i32 = arith.constant 0 : i32
    %c0_i32_0 = arith.constant 0 : i32
    return %arg1, %c0_i32 : i32, i32
  }
  func.func @transform_3(%arg0: i32, %arg1: i32) -> (i32, i32) {
    %c0_i32 = arith.constant 0 : i32
    %c0_i32_0 = arith.constant 0 : i32
    return %c0_i32, %arg0 : i32, i32
  }
  func.func @transform_4(%arg0: i32, %arg1: i32) -> (i32, i32) {
    %c0_i32 = arith.constant 0 : i32
    %c0_i32_0 = arith.constant 0 : i32
    return %arg1, %c0_i32 : i32, i32
  }
  func.func @transform_5(%arg0: i32, %arg1: i32) -> (i32, i32) {
    %c0_i32 = arith.constant 0 : i32
    %c0_i32_0 = arith.constant 0 : i32
    %c0_i32_1 = arith.constant 0 : i32
    return %c0_i32, %c0_i32_0 : i32, i32
  }
  func.func @transform_6(%arg0: i32, %arg1: i32) -> (i32, i32) {
    %c0_i32 = arith.constant 0 : i32
    %c0_i32_0 = arith.constant 0 : i32
    %c0_i32_1 = arith.constant 0 : i32
    return %c0_i32, %c0_i32_0 : i32, i32
  }
  func.func @transform_7(%arg0: i32, %arg1: i32) -> (i32, i32) {
    %c0_i32 = arith.constant 0 : i32
    %c0_i32_0 = arith.constant 0 : i32
    %c0_i32_1 = arith.constant 0 : i32
    return %c0_i32, %c0_i32_0 : i32, i32
  }
  func.func @transform_8(%arg0: i32, %arg1: i32) -> (i32, i32) {
    %c0_i32 = arith.constant 0 : i32
    %c0_i32_0 = arith.constant 0 : i32
    %c0_i32_1 = arith.constant 0 : i32
    return %c0_i32, %c0_i32_0 : i32, i32
  }
  func.func @transform_9(%arg0: i32, %arg1: i32) -> (i32, i32) {
    %c0_i32 = arith.constant 0 : i32
    %c0_i32_0 = arith.constant 0 : i32
    %c0_i32_1 = arith.constant 0 : i32
    return %c0_i32, %c0_i32_0 : i32, i32
  }
  func.func @transform_10(%arg0: i32, %arg1: i32) -> (i32, i32) {
    %c0_i32 = arith.constant 0 : i32
    return %arg1, %arg0 : i32, i32
  }
  func.func @transform_11(%arg0: i32, %arg1: i32) -> (i32, i32) {
    %c0_i32 = arith.constant 0 : i32
    %c0_i32_0 = arith.constant 0 : i32
    return %arg0, %c0_i32 : i32, i32
  }
}

module attributes {stable_mosaic.version = 14 : i64} {
  func.func @_k3_body(%arg0: i32, %arg1: memref<512x128xf32, #tpu.memory_space<vmem>>, %arg2: memref<512x128xf32, #tpu.memory_space<vmem>>, %arg3: memref<512x128xf32, #tpu.memory_space<vmem>>, %arg4: memref<512x128xf32, #tpu.memory_space<vmem>>, %arg5: memref<128x128xf32, #tpu.memory_space<vmem>>, %arg6: memref<128x128xf32, #tpu.memory_space<vmem>>, %arg7: memref<128x128xf32, #tpu.memory_space<vmem>>, %arg8: memref<1x128xf32, #tpu.memory_space<vmem>>, %arg9: memref<128x1xf32, #tpu.memory_space<vmem>>, %arg10: memref<128x1xf32, #tpu.memory_space<vmem>>, %arg11: memref<128x1xf32, #tpu.memory_space<vmem>>, %arg12: memref<128x1xf32, #tpu.memory_space<vmem>>, %arg13: memref<1x4xf32, #tpu.memory_space<vmem>>, %arg14: memref<512x128xf32, #tpu.memory_space<vmem>>, %arg15: memref<512x2xf32, #tpu.memory_space<vmem>>, %arg16: memref<512x2xf32, #tpu.memory_space<vmem>>) attributes {dimension_semantics = [#tpu.dimension_semantics<arbitrary>], iteration_bounds = array<i64: 4>, scalar_prefetch = 0 : i64, scratch_operands = 1 : i64, tpu.core_type = #tpu.core_type<tc>, window_params = [{transform_indices = @transform_0, window_bounds = array<i64: 512, 128>}, {pipeline_mode = #tpu.pipeline_mode<synchronous>, transform_indices = @transform_1, window_bounds = array<i64: 512, 128>}, {pipeline_mode = #tpu.pipeline_mode<synchronous>, transform_indices = @transform_2, window_bounds = array<i64: 512, 128>}, {pipeline_mode = #tpu.pipeline_mode<synchronous>, transform_indices = @transform_3, window_bounds = array<i64: 512, 128>}, {pipeline_mode = #tpu.pipeline_mode<synchronous>, transform_indices = @transform_4, window_bounds = array<i64: 128, 128>}, {pipeline_mode = #tpu.pipeline_mode<synchronous>, transform_indices = @transform_5, window_bounds = array<i64: 128, 128>}, {pipeline_mode = #tpu.pipeline_mode<synchronous>, transform_indices = @transform_6, window_bounds = array<i64: 128, 128>}, {pipeline_mode = #tpu.pipeline_mode<synchronous>, transform_indices = @transform_7, window_bounds = array<i64: 1, 128>}, {pipeline_mode = #tpu.pipeline_mode<synchronous>, transform_indices = @transform_8, window_bounds = array<i64: 128, 1>}, {pipeline_mode = #tpu.pipeline_mode<synchronous>, transform_indices = @transform_9, window_bounds = array<i64: 128, 1>}, {pipeline_mode = #tpu.pipeline_mode<synchronous>, transform_indices = @transform_10, window_bounds = array<i64: 128, 1>}, {pipeline_mode = #tpu.pipeline_mode<synchronous>, transform_indices = @transform_11, window_bounds = array<i64: 128, 1>}, {pipeline_mode = #tpu.pipeline_mode<synchronous>, transform_indices = @transform_12, window_bounds = array<i64: 1, 4>}, {transform_indices = @transform_13, window_bounds = array<i64: 512, 128>}, {pipeline_mode = #tpu.pipeline_mode<synchronous>, transform_indices = @transform_14, window_bounds = array<i64: 512, 2>}]} {
    %eq3A = arith.constant 0 : i32
    %eq3A_0 = arith.cmpi eq, %arg0, %eq3A : i32
    %convert_element_type3A = arith.extui %eq3A_0 : i1 to i32
    %cond3A = arith.constant 0 : i32
    %cond3A_1 = arith.cmpi ne, %convert_element_type3A, %cond3A : i32
    scf.if %cond3A_1 {
      %get3A_28 = arith.constant 0 : index
      %get3A_29 = arith.constant 0 : index
      %get3A_30 = vector.load %arg2[%get3A_28, %get3A_29] : memref<512x128xf32, #tpu.memory_space<vmem>>, vector<512x128xf32>
      %get3A_31 = arith.constant 0 : index
      %get3A_32 = arith.constant 0 : index
      %get3A_33 = vector.load %arg5[%get3A_31, %get3A_32] : memref<128x128xf32, #tpu.memory_space<vmem>>, vector<128x128xf32>
      %dot_general3A = arith.constant dense<0.000000e+00> : vector<512x128xf32>
      %dot_general3A_34 = tpu.matmul %get3A_30, %get3A_33, %dot_general3A {dimension_numbers = #tpu.dot_dimension_numbers<[1], [0], [0], [1], [0, 0, 1, 1], [], []>, transpose_lhs_hint = false} : vector<512x128xf32>, vector<128x128xf32>, vector<512x128xf32> -> vector<512x128xf32>
      %get3A_35 = arith.constant 0 : index
      %get3A_36 = arith.constant 0 : index
      %get3A_37 = vector.load %arg3[%get3A_35, %get3A_36] : memref<512x128xf32, #tpu.memory_space<vmem>>, vector<512x128xf32>
      %get3A_38 = arith.constant 0 : index
      %get3A_39 = arith.constant 0 : index
      %get3A_40 = vector.load %arg6[%get3A_38, %get3A_39] : memref<128x128xf32, #tpu.memory_space<vmem>>, vector<128x128xf32>
      %dot_general3A_41 = arith.constant dense<0.000000e+00> : vector<512x128xf32>
      %dot_general3A_42 = tpu.matmul %get3A_37, %get3A_40, %dot_general3A_41 {dimension_numbers = #tpu.dot_dimension_numbers<[1], [0], [0], [1], [0, 0, 1, 1], [], []>, transpose_lhs_hint = false} : vector<512x128xf32>, vector<128x128xf32>, vector<512x128xf32> -> vector<512x128xf32>
      %add3A_43 = arith.addf %dot_general3A_34, %dot_general3A_42 : vector<512x128xf32>
      %get3A_44 = arith.constant 0 : index
      %get3A_45 = arith.constant 0 : index
      %get3A_46 = vector.load %arg4[%get3A_44, %get3A_45] : memref<512x128xf32, #tpu.memory_space<vmem>>, vector<512x128xf32>
      %get3A_47 = arith.constant 0 : index
      %get3A_48 = arith.constant 0 : index
      %get3A_49 = vector.load %arg7[%get3A_47, %get3A_48] : memref<128x128xf32, #tpu.memory_space<vmem>>, vector<128x128xf32>
      %dot_general3A_50 = arith.constant dense<0.000000e+00> : vector<512x128xf32>
      %dot_general3A_51 = tpu.matmul %get3A_46, %get3A_49, %dot_general3A_50 {dimension_numbers = #tpu.dot_dimension_numbers<[1], [0], [0], [1], [0, 0, 1, 1], [], []>, transpose_lhs_hint = false} : vector<512x128xf32>, vector<128x128xf32>, vector<512x128xf32> -> vector<512x128xf32>
      %add3A_52 = arith.addf %add3A_43, %dot_general3A_51 : vector<512x128xf32>
      %get3A_53 = arith.constant 0 : index
      %get3A_54 = arith.constant 0 : index
      %get3A_55 = vector.load %arg8[%get3A_53, %get3A_54] : memref<1x128xf32, #tpu.memory_space<vmem>>, vector<1x128xf32>
      %add3A_56 = vector.broadcast %get3A_55 : vector<1x128xf32> to vector<512x128xf32>
      %add3A_57 = arith.addf %add3A_52, %add3A_56 : vector<512x128xf32>
      %tanh3A = math.tanh %add3A_57 : vector<512x128xf32>
      %get3A_58 = arith.constant 0 : index
      %get3A_59 = arith.constant 0 : index
      %get3A_60 = vector.load %arg9[%get3A_58, %get3A_59] : memref<128x1xf32, #tpu.memory_space<vmem>>, vector<128x1xf32>
      %dot_general3A_61 = arith.constant dense<0.000000e+00> : vector<512x1xf32>
      %dot_general3A_62 = tpu.matmul %tanh3A, %get3A_60, %dot_general3A_61 {dimension_numbers = #tpu.dot_dimension_numbers<[1], [0], [0], [1], [0, 0, 1, 1], [], []>, transpose_lhs_hint = false} : vector<512x128xf32>, vector<128x1xf32>, vector<512x1xf32> -> vector<512x1xf32>
      %swap3A_63 = arith.constant 0 : index
      %swap3A_64 = arith.constant 0 : index
      %swap3A_65 = vector.load %arg16[%swap3A_63, %swap3A_64] : memref<512x2xf32, #tpu.memory_space<vmem>>, vector<512x1xf32>
      tpu.vector_store %arg16[%swap3A_63, %swap3A_64], %dot_general3A_62 {strides = array<i32>} : memref<512x2xf32, #tpu.memory_space<vmem>>, vector<512x1xf32>,
      %get3A_66 = arith.constant 0 : index
      %get3A_67 = arith.constant 0 : index
      %get3A_68 = vector.load %arg10[%get3A_66, %get3A_67] : memref<128x1xf32, #tpu.memory_space<vmem>>, vector<128x1xf32>
      %dot_general3A_69 = arith.constant dense<0.000000e+00> : vector<512x1xf32>
      %dot_general3A_70 = tpu.matmul %tanh3A, %get3A_68, %dot_general3A_69 {dimension_numbers = #tpu.dot_dimension_numbers<[1], [0], [0], [1], [0, 0, 1, 1], [], []>, transpose_lhs_hint = false} : vector<512x128xf32>, vector<128x1xf32>, vector<512x1xf32> -> vector<512x1xf32>
      %swap3A_71 = arith.constant 0 : index
      %swap3A_72 = arith.constant 1 : index
      %swap3A_73 = vector.load %arg16[%swap3A_71, %swap3A_72] : memref<512x2xf32, #tpu.memory_space<vmem>>, vector<512x1xf32>
      tpu.vector_store %arg16[%swap3A_71, %swap3A_72], %dot_general3A_70 {strides = array<i32>} : memref<512x2xf32, #tpu.memory_space<vmem>>, vector<512x1xf32>,
      %get3A_74 = arith.constant 0 : index
      %get3A_75 = arith.constant 0 : index
      %get3A_76 = vector.load %arg11[%get3A_74, %get3A_75] : memref<128x1xf32, #tpu.memory_space<vmem>>, vector<128x1xf32>
      %dot_general3A_77 = arith.constant dense<0.000000e+00> : vector<512x1xf32>
      %dot_general3A_78 = tpu.matmul %tanh3A, %get3A_76, %dot_general3A_77 {dimension_numbers = #tpu.dot_dimension_numbers<[1], [0], [0], [1], [0, 0, 1, 1], [], []>, transpose_lhs_hint = false} : vector<512x128xf32>, vector<128x1xf32>, vector<512x1xf32> -> vector<512x1xf32>
      %get3A_79 = arith.constant 0 : index
      %get3A_80 = arith.constant 1 : index
      %get3A_81 = vector.load %arg13[%get3A_79, %get3A_80] : memref<1x4xf32, #tpu.memory_space<vmem>>, vector<1x1xf32>
      %add3A_82 = vector.broadcast %get3A_81 : vector<1x1xf32> to vector<512x1xf32>
      %add3A_83 = arith.addf %dot_general3A_78, %add3A_82 : vector<512x1xf32>
      %neg3A_84 = arith.constant 0.000000e+00 : f32
      %neg3A_85 = vector.broadcast %neg3A_84 : f32 to vector<512x1xf32>
      %neg3A_86 = arith.subf %neg3A_85, %add3A_83 : vector<512x1xf32>
      %exp3A_87 = math.exp %neg3A_86 : vector<512x1xf32>
      %add3A_88 = arith.constant 1.000000e+00 : f32
      %add3A_89 = vector.broadcast %add3A_88 : f32 to vector<512x1xf32>
      %add3A_90 = arith.addf %add3A_89, %exp3A_87 : vector<512x1xf32>
      %div3A_91 = arith.constant 1.000000e+00 : f32
      %div3A_92 = vector.broadcast %div3A_91 : f32 to vector<512x1xf32>
      %div3A_93 = arith.divf %div3A_92, %add3A_90 : vector<512x1xf32>
      %get3A_94 = arith.constant 0 : index
      %get3A_95 = arith.constant 0 : index
      %get3A_96 = vector.load %arg12[%get3A_94, %get3A_95] : memref<128x1xf32, #tpu.memory_space<vmem>>, vector<128x1xf32>
      %dot_general3A_97 = arith.constant dense<0.000000e+00> : vector<512x1xf32>
      %dot_general3A_98 = tpu.matmul %tanh3A, %get3A_96, %dot_general3A_97 {dimension_numbers = #tpu.dot_dimension_numbers<[1], [0], [0], [1], [0, 0, 1, 1], [], []>, transpose_lhs_hint = false} : vector<512x128xf32>, vector<128x1xf32>, vector<512x1xf32> -> vector<512x1xf32>
      %get3A_99 = arith.constant 0 : index
      %get3A_100 = arith.constant 2 : index
      %get3A_101 = vector.load %arg13[%get3A_99, %get3A_100] : memref<1x4xf32, #tpu.memory_space<vmem>>, vector<1x1xf32>
      %add3A_102 = vector.broadcast %get3A_101 : vector<1x1xf32> to vector<512x1xf32>
      %add3A_103 = arith.addf %dot_general3A_98, %add3A_102 : vector<512x1xf32>
      %neg3A_104 = arith.constant 0.000000e+00 : f32
      %neg3A_105 = vector.broadcast %neg3A_104 : f32 to vector<512x1xf32>
      %neg3A_106 = arith.subf %neg3A_105, %add3A_103 : vector<512x1xf32>
      %exp3A_107 = math.exp %neg3A_106 : vector<512x1xf32>
      %add3A_108 = arith.constant 1.000000e+00 : f32
      %add3A_109 = vector.broadcast %add3A_108 : f32 to vector<512x1xf32>
      %add3A_110 = arith.addf %add3A_109, %exp3A_107 : vector<512x1xf32>
      %div3A_111 = arith.constant 1.000000e+00 : f32
      %div3A_112 = vector.broadcast %div3A_111 : f32 to vector<512x1xf32>
      %div3A_113 = arith.divf %div3A_112, %add3A_110 : vector<512x1xf32>
      %concatenate3A = tpu.concatenate %div3A_93, %div3A_113 in 1 : vector<512x1xf32>, vector<512x1xf32> -> vector<512x2xf32>
      %swap3A_114 = arith.constant 0 : index
      %swap3A_115 = arith.constant 0 : index
      %swap3A_116 = vector.load %arg15[%swap3A_114, %swap3A_115] : memref<512x2xf32, #tpu.memory_space<vmem>>, vector<512x2xf32>
      tpu.vector_store %arg15[%swap3A_114, %swap3A_115], %concatenate3A {strides = array<i32>} : memref<512x2xf32, #tpu.memory_space<vmem>>, vector<512x2xf32>,
    } else {
    }
    %mul3A = arith.constant 128 : i32
    %mul3A_2 = arith.muli %arg0, %mul3A : i32
    %get3A = arith.index_cast %mul3A_2 : i32 to index
    %get3A_3 = arith.constant 1 : index
    %get3A_4 = vector.load %arg16[%get3A, %get3A_3] : memref<512x2xf32, #tpu.memory_space<vmem>>, vector<128x1xf32>
    %transpose3A = tpu.transpose %get3A_4, [1, 0] : vector<128x1xf32> -> vector<1x128xf32>
    %get3A_5 = arith.constant 0 : index
    %get3A_6 = arith.constant 0 : index
    %get3A_7 = vector.load %arg1[%get3A_5, %get3A_6] : memref<512x128xf32, #tpu.memory_space<vmem>>, vector<512x128xf32>
    %get3A_8 = arith.constant 0 : index
    %get3A_9 = arith.constant 0 : index
    %get3A_10 = vector.load %arg16[%get3A_8, %get3A_9] : memref<512x2xf32, #tpu.memory_space<vmem>>, vector<512x1xf32>
    %add3A = vector.broadcast %get3A_10 : vector<512x1xf32> to vector<512x128xf32>
    %add3A_11 = arith.addf %get3A_7, %add3A : vector<512x128xf32>
    %add3A_12 = vector.broadcast %transpose3A : vector<1x128xf32> to vector<512x128xf32>
    %add3A_13 = arith.addf %add3A_11, %add3A_12 : vector<512x128xf32>
    %get3A_14 = arith.constant 0 : index
    %get3A_15 = arith.constant 0 : index
    %get3A_16 = vector.load %arg13[%get3A_14, %get3A_15] : memref<1x4xf32, #tpu.memory_space<vmem>>, vector<1x1xf32>
    %add3A_17 = vector.broadcast %get3A_16 : vector<1x1xf32> to vector<512x128xf32>
    %add3A_18 = arith.addf %add3A_13, %add3A_17 : vector<512x128xf32>
    %neg3A = arith.constant 0.000000e+00 : f32
    %neg3A_19 = vector.broadcast %neg3A : f32 to vector<512x128xf32>
    %neg3A_20 = arith.subf %neg3A_19, %add3A_18 : vector<512x128xf32>
    %exp3A = math.exp %neg3A_20 : vector<512x128xf32>
    %add3A_21 = arith.constant 1.000000e+00 : f32
    %add3A_22 = vector.broadcast %add3A_21 : f32 to vector<512x128xf32>
    %add3A_23 = arith.addf %add3A_22, %exp3A : vector<512x128xf32>
    %div3A = arith.constant 1.000000e+00 : f32
    %div3A_24 = vector.broadcast %div3A : f32 to vector<512x128xf32>
    %div3A_25 = arith.divf %div3A_24, %add3A_23 : vector<512x128xf32>
    %swap3A = arith.constant 0 : index
    %swap3A_26 = arith.constant 0 : index
    %swap3A_27 = vector.load %arg14[%swap3A, %swap3A_26] : memref<512x128xf32, #tpu.memory_space<vmem>>, vector<512x128xf32>
    tpu.vector_store %arg14[%swap3A, %swap3A_26], %div3A_25 {strides = array<i32>} : memref<512x128xf32, #tpu.memory_space<vmem>>, vector<512x128xf32>,
    return
  }
  func.func @transform_0(%arg0: i32) -> (i32, i32) {
    %c0_i32 = arith.constant 0 : i32
    %c0_i32_0 = arith.constant 0 : i32
    return %c0_i32, %arg0 : i32, i32
  }
  func.func @transform_1(%arg0: i32) -> (i32, i32) {
    %c0_i32 = arith.constant 0 : i32
    %c0_i32_0 = arith.constant 0 : i32
    %c0_i32_1 = arith.constant 0 : i32
    return %c0_i32, %c0_i32_0 : i32, i32
  }
  func.func @transform_2(%arg0: i32) -> (i32, i32) {
    %c0_i32 = arith.constant 0 : i32
    %c0_i32_0 = arith.constant 0 : i32
    %c0_i32_1 = arith.constant 0 : i32
    return %c0_i32, %c0_i32_0 : i32, i32
  }
  func.func @transform_3(%arg0: i32) -> (i32, i32) {
    %c0_i32 = arith.constant 0 : i32
    %c0_i32_0 = arith.constant 0 : i32
    %c0_i32_1 = arith.constant 0 : i32
    return %c0_i32, %c0_i32_0 : i32, i32
  }
  func.func @transform_4(%arg0: i32) -> (i32, i32) {
    %c0_i32 = arith.constant 0 : i32
    %c0_i32_0 = arith.constant 0 : i32
    %c0_i32_1 = arith.constant 0 : i32
    return %c0_i32, %c0_i32_0 : i32, i32
  }
  func.func @transform_5(%arg0: i32) -> (i32, i32) {
    %c0_i32 = arith.constant 0 : i32
    %c0_i32_0 = arith.constant 0 : i32
    %c0_i32_1 = arith.constant 0 : i32
    return %c0_i32, %c0_i32_0 : i32, i32
  }
  func.func @transform_6(%arg0: i32) -> (i32, i32) {
    %c0_i32 = arith.constant 0 : i32
    %c0_i32_0 = arith.constant 0 : i32
    %c0_i32_1 = arith.constant 0 : i32
    return %c0_i32, %c0_i32_0 : i32, i32
  }
  func.func @transform_7(%arg0: i32) -> (i32, i32) {
    %c0_i32 = arith.constant 0 : i32
    %c0_i32_0 = arith.constant 0 : i32
    %c0_i32_1 = arith.constant 0 : i32
    return %c0_i32, %c0_i32_0 : i32, i32
  }
  func.func @transform_8(%arg0: i32) -> (i32, i32) {
    %c0_i32 = arith.constant 0 : i32
    %c0_i32_0 = arith.constant 0 : i32
    %c0_i32_1 = arith.constant 0 : i32
    return %c0_i32, %c0_i32_0 : i32, i32
  }
  func.func @transform_9(%arg0: i32) -> (i32, i32) {
    %c0_i32 = arith.constant 0 : i32
    %c0_i32_0 = arith.constant 0 : i32
    %c0_i32_1 = arith.constant 0 : i32
    return %c0_i32, %c0_i32_0 : i32, i32
  }
  func.func @transform_10(%arg0: i32) -> (i32, i32) {
    %c0_i32 = arith.constant 0 : i32
    %c0_i32_0 = arith.constant 0 : i32
    %c0_i32_1 = arith.constant 0 : i32
    return %c0_i32, %c0_i32_0 : i32, i32
  }
  func.func @transform_11(%arg0: i32) -> (i32, i32) {
    %c0_i32 = arith.constant 0 : i32
    %c0_i32_0 = arith.constant 0 : i32
    %c0_i32_1 = arith.constant 0 : i32
    return %c0_i32, %c0_i32_0 : i32, i32
  }
  func.func @transform_12(%arg0: i32) -> (i32, i32) {
    %c0_i32 = arith.constant 0 : i32
    %c0_i32_0 = arith.constant 0 : i32
    %c0_i32_1 = arith.constant 0 : i32
    return %c0_i32, %c0_i32_0 : i32, i32
  }
  func.func @transform_13(%arg0: i32) -> (i32, i32) {
    %c0_i32 = arith.constant 0 : i32
    %c0_i32_0 = arith.constant 0 : i32
    return %c0_i32, %arg0 : i32, i32
  }
  func.func @transform_14(%arg0: i32) -> (i32, i32) {
    %c0_i32 = arith.constant 0 : i32
    %c0_i32_0 = arith.constant 0 : i32
    %c0_i32_1 = arith.constant 0 : i32
    return %c0_i32, %c0_i32_0 : i32, i32
  }
}

</mosaic_0001>

<sc_bundles>
// kernel: kernel.9.cloned.1.call-start
scs
__scs_entry_jumppad:
0x0: {  	(pc) =	sbr.rel $0x88, $3  }
0x1: {  	(tag) =	ssettag $0x0;
	lr =	simm.s32 $0x1  }
0x2: {  	[smem:$0x3F88] =	sst lr;
	_ =	strace $0xD0000000  }
0x3: {  	_ = 	snop  }
0x4: {  	_ = 	snop  }
0x5: {  	_ = 	snop  }
0x6: {  	_ = 	snop  }
0x7: {  	_ = 	snop  }
__scs_overlays_trampoline_lowered:
0x8: {  	[smem:$0x3F97] =	sst s0  }
0x9: {  	[smem:$0x3F98] =	sst s1  }
0xa: {  	[smem:$0x3F99] =	sst s2  }
0xb: {  	[smem:$0x3F9A] =	sst s3  }
0xc: {  	[smem:$0x3F9B] =	sst s4  }
0xd: {  	[smem:$0x3F9C] =	sst s5  }
0xe: {  	[smem:$0x3F9D] =	sst s6  }
0xf: {  	[smem:$0x3F9E] =	sst s7  }
0x10: {  	[smem:$0x3F9F] =	sst s8  }
0x11: {  	[smem:$0x3FA0] =	sst s9;
	s0 =	simm.s32 @!p0 $0x0  }
0x12: {  	s1 =	sld [smem:$0x3F86];
	s0 =	simm.s32 @p0 $0x1  }
0x13: {  	[smem:$0x3FA1] =	sst s0;
	s0 =	simm.s32 @!p1 $0x0  }
0x14: {  	s2 =	sld [smem:$0x3F85];
	s0 =	simm.s32 @p1 $0x1  }
0x15: {  	[smem:$0x3FA2] =	sst s0;
	s0 =	simm.s32 @!p2 $0x0  }
0x16: {  	s3 =	sld [smem:$0x3FDB];
	s0 =	simm.s32 @p2 $0x1  }
0x17: {  	s4 =	simm.s32 $0x1BF5;
	[smem:$0x3FA4] =	sst s0  }
0x18: {  	s0 =	sld [smem:$0x3F87];
	_ =	swait.ge [sflag:s4], $0x0  }
0x19: {  	s7 =	sld [smem:$0x3F88]  }
0x1a: {  	s8 =	sadd.s32 $0xFFFFE003, lr  }
0x1b: {  	s9 =	sadd.s32 $0xFFFFFEF7, lr;
	s5 =	simm.s32 $0xFFFFFFFF;
	p2 =	slt.u32 s8, $0xFFFFF086  }
0x1c: {  	p1 =	slt.u32 s9, $0xF7A;
	s5 =	simm.s32 @!p2 $0x0  }
0x1d: {  	s5 =	simm.s32 @p1 $0x1;
	p0 =	seq.s32 s7, s2  }
0x1e: {  	s7 =	smul.u32 @!p0 $0xF7A, s2;
	p2 =	seq.s32 @!p0 s5, $0x0  }
0x1f: {  	s9 =	smul.u32 $0xF7A, s1;
	s8 =	simm.s32 @!p0 $0x1BF5;
	p2 =	por !p2, p0  }
0x20: {  	[sflag:s8] =	ssyncset.s32 @!p0 $0xFFFFF086;
	s6 =	sadd.s32 @!p0 s3, s7;
	s7 =	simm.s32 @!p0 $0x108  }
0x21: {  	s3 =	sadd.s32 s3, s9;
	s6 =	sadd.s32 @!p0 $0x88, s6;
	s7 =	simm.s32 @p2 $0x1082  }
0x22: {  	[simem:s7], [sflag:s8] =	dma.local @!p0 [hbm:s6], $0xF7A  }
0x23: {  	s9 =	sor.u32 $0xD0000000, s2;
	s6 =	simm.s32 $0x108;
	_ =	swait.ge @!p0 [sflag:s8], $0x0  }
0x24: {  	s3 =	sadd.s32 $0x88, s3;
	s6 =	simm.s32 @!p1 $0x1082;
	[sflag:s4] =	ssyncset.s32 $0xFFFFF086  }
0x25: {  	[simem:s6], [sflag:s4] =	dma.local [hbm:s3], $0xF7A  }
0x26: {  	[smem:$0x3F88] =	sst s1;
	(tag) =	ssettag s2;
	_ =	strace s9  }
0x27: {  	s1 =	sld [smem:$0x3F98]  }
0x28: {  	s2 =	sld [smem:$0x3F99]  }
0x29: {  	s4 =	sld [smem:$0x3F9B]  }
0x2a: {  	p0 =	seq.s32 s5, $0x0;
	s5 =	sld [smem:$0x3F9C]  }
0x2b: {  	s6 =	sld [smem:$0x3F9D]  }
0x2c: {  	s7 =	sld [smem:$0x3F9E]  }
0x2d: {  	s3 =	simm.s32 $0x108;
	s8 =	sld [smem:$0x3F9F]  }
0x2e: {  	s3 =	simm.s32 @!p0 $0x1082;
	s9 =	sld [smem:$0x3FA0]  }
0x2f: {  	lr =	sadd.s32 s0, s3;
	s0 =	sld [smem:$0x3F97]  }
0x30: {  	s3 =	sld [smem:$0x3F9A]  }
0x31: {  	[smem:$0x3FA3] =	sst s10  }
0x32: {  	s10 =	sld [smem:$0x3FA1];
	_ =	sdelay $0x3  }
0x33: {  	p0 =	seq.s32 s10, $0x1;
	s10 =	sld [smem:$0x3FA3];
	_ =	sdelay $0x3  }
0x34: {  	[smem:$0x3FA3] =	sst s10  }
0x35: {  	s10 =	sld [smem:$0x3FA2];
	_ =	sdelay $0x3  }
0x36: {  	p1 =	seq.s32 s10, $0x1;
	s10 =	sld [smem:$0x3FA3];
	_ =	sdelay $0x3  }
0x37: {  	[smem:$0x3FA3] =	sst s10  }
0x38: {  	s10 =	sld [smem:$0x3FA4]  }
0x39: {  	_ = 	snop;
	(pc) =	sbr.ind lr, $3  }
0x3a: {  	_ = 	snop  }
0x3b: {  	_ = 	snop  }
0x3c: {  	p2 =	seq.s32 s10, $0x1;
	s10 =	sld [smem:$0x3FA3]  }
0x3d: {  	_ =	shalt  }
0x3e: {  	_ =	shalt  }
0x3f: {  	_ =	shalt  }
0x40: {  	_ =	shalt  }
0x41: {  	_ =	shalt  }
0x42: {  	_ =	shalt  }
0x43: {  	_ =	shalt  }
0x44: {  	_ =	shalt  }
0x45: {  	_ =	shalt  }
0x46: {  	_ =	shalt  }
0x47: {  	_ =	shalt  }
0x48: {  	_ =	shalt  }
0x49: {  	_ =	shalt  }
0x4a: {  	_ =	shalt  }
0x4b: {  	_ =	shalt  }
0x4c: {  	_ =	shalt  }
0x4d: {  	_ =	shalt  }
0x4e: {  	_ =	shalt  }
0x4f: {  	_ =	shalt  }
0x50: {  	_ =	shalt  }
0x51: {  	_ =	shalt  }
0x52: {  	_ =	shalt  }
0x53: {  	_ =	shalt  }
0x54: {  	_ =	shalt  }
0x55: {  	_ =	shalt  }
0x56: {  	_ =	shalt  }
0x57: {  	_ =	shalt  }
0x58: {  	_ =	shalt  }
0x59: {  	_ =	shalt  }
0x5a: {  	_ =	shalt  }
0x5b: {  	_ =	shalt  }
0x5c: {  	_ =	shalt  }
0x5d: {  	_ =	shalt  }
0x5e: {  	_ =	shalt  }
0x5f: {  	_ =	shalt  }
0x60: {  	_ =	shalt  }
0x61: {  	_ =	shalt  }
0x62: {  	_ =	shalt  }
0x63: {  	_ =	shalt  }
0x64: {  	_ =	shalt  }
0x65: {  	_ =	shalt  }
0x66: {  	_ =	shalt  }
0x67: {  	_ =	shalt  }
0x68: {  	_ =	shalt  }
0x69: {  	_ =	shalt  }
0x6a: {  	_ =	shalt  }
0x6b: {  	_ =	shalt  }
0x6c: {  	_ =	shalt  }
0x6d: {  	_ =	shalt  }
0x6e: {  	_ =	shalt  }
0x6f: {  	_ =	shalt  }
0x70: {  	_ =	shalt  }
0x71: {  	_ =	shalt  }
0x72: {  	_ =	shalt  }
0x73: {  	_ =	shalt  }
0x74: {  	_ =	shalt  }
0x75: {  	_ =	shalt  }
0x76: {  	_ =	shalt  }
0x77: {  	_ =	shalt  }
0x78: {  	_ =	shalt  }
0x79: {  	_ =	shalt  }
0x7a: {  	_ =	shalt  }
0x7b: {  	_ =	shalt  }
0x7c: {  	_ =	shalt  }
0x7d: {  	_ =	shalt  }
0x7e: {  	_ =	shalt  }
0x7f: {  	_ =	shalt  }
0x80: {  	_ =	shalt  }
0x81: {  	_ =	shalt  }
0x82: {  	_ =	shalt  }
0x83: {  	_ =	shalt  }
0x84: {  	_ =	shalt  }
0x85: {  	_ =	shalt  }
0x86: {  	_ =	shalt  }
0x87: {  	_ =	shalt  }
.Lfunc_end0:
.L_simem_size_0:
called_computation_lowered:
.L_overlay_start_0:
0x88: {  	s2 =	sld [smem:$0x3FD9]  }
0x89: {  	s3 =	sld [smem:$0x3FFE];
	_ =	sdelay $0x1  }
0x8a: {  	s1 =	srdreg.scid  }
0x8b: {  	s0 =	sand.u32 $0x1, s1  }
0x8c: {  	s14 =	sshll.u32 s0, $0xA;
	s2 =	sadd.s32 s3, s2  }
0x8d: {  	s2 =	sadd.s32 s2, s14  }
0x8e: {  	[smem:$0x3FAF] =	sst s2  }
0x8f: {  	_ = 	snop  }
0x90: {  	s2 =	sld [smem:$0x3FD0];
	_ =	sdelay $0x2  }
0x91: {  	s15 =	simm.s32 $0xA;
	s4 =	simm.s32 $0x10  }
0x92: {  	[smem:s4], [sflag:s15] =	dma.local [hbm:s2], $0x1  }
0x93: {  	_ =	swait.eq [sflag:s15], $0x1  }
0x94: {  	[sflag:s15] =	ssyncset.done $0x0  }
0x95: {  	s16 =	sld [smem:$0x10];
	[sflag:s15] =	ssyncadd.s32 $0xFFFFFFFF  }
0x96: {  	s17 =	sld [smem:$0x13];
	(tm) =	ssettm $0x1  }
0x97: {  	s18 =	sld [smem:$0x3FFB];
	_ =	sdelay $0x3  }
0x98: {  	_ =	strace s18  }
0x99: {  	s4 =	sld [smem:$0x3FFC];
	_ =	sdelay $0x3  }
0x9a: {  	_ =	strace s4  }
0x9b: {  	s4 =	sld [smem:$0x3FFD];
	_ =	sdelay $0x3  }
0x9c: {  	_ =	strace s4  }
0x9d: {  	_ =	strace $0x8FFFFFFF  }
0x9e: {  	s19 =	sld [smem:$0x3FDB];
	_ =	sdelay $0x1  }
0x9f: {  	s5 =	simm.s32 $_scs_section_size  }
0xa0: {  	s6 =	simm.s32 $_size__tile_overlayer_lowered;
	s7 =	simm.s32 $_tile_overlayer_lowered  }
0xa1: {  	s22 =	simm.s32 $0x1BFF;
	s21 =	sshll.u32 s7, $0x1;
	s4 =	sadd.s32 s5, s19  }
0xa2: {  	s8 =	simm.s32 $0x0;
	s20 =	sshll.u32 s6, $0x1;
	s6 =	sadd.s32 s21, s4  }
0xa3: {  	[timem:s8], [sflag:s22] =	dma.local [hbm:s6], s20  }
0xa4: {  	_ =	swait.ge [sflag:s22], s20  }
0xa5: {  	s5 =	ssub.s32 $0x0, s20;
	[sflag:s22] =	ssyncset.done $0x0  }
0xa6: {  	[sflag:s22] =	ssyncadd.s32 s5;
	_ =	sdelay $0x1  }
0xa7: {  	s23 =	simm.s32 $0x1B8B  }
0xa8: {  	_ =	swait.ge [sflag:s23], $0x1  }
0xa9: {  	[sflag:s23] =	ssyncset.done $0x0  }
0xaa: {  	s25 =	simm.s32 $0x1B8E;
	s24 =	sld [smem:$0x3FFE];
	[sflag:s23] =	ssyncadd.s32 $0xFFFFFFFF  }
0xab: {  	s26 =	simm.s32 $execute0_lowered;
	[smem:$0x3FD2] =	sst s25  }
0xac: {  	s6 =	sshll.u32 s26, $0x1;
	_ =	strace $0x80000046;
	[dreg:$0x1] =	wrdreg $0xFFFFFFFF  }
0xad: {  	s28 =	simm.s32 $_size_execute0_lowered;
	s4 =	sadd.s32 s4, s6;
	[dreg:$0x0] =	wrdreg $0x0  }
0xae: {  	s6 =	sshll.u32 s28, $0x1;
	[dreg:$0x2] =	wrdreg s4  }
0xaf: {  	[dreg:$0x3] =	wrdreg s6  }
0xb0: {  	[dreg:$0x4] =	wrdreg $0xC0  }
0xb1: {  	_ =	task [dreg:s8], $0x5FFFF  }
0xb2: {  	[dreg:$0x1] =	wrdreg $0xFFFFFFFF  }
0xb3: {  	[dreg:$0x0] =	wrdreg $0x60  }
0xb4: {  	[dreg:$0x2] =	wrdreg s16  }
0xb5: {  	[dreg:$0x3] =	wrdreg s24  }
0xb6: {  	[dreg:$0x4] =	wrdreg s17  }
0xb7: {  	[dreg:$0x5] =	wrdreg $0x71000  }
0xb8: {  	[dreg:$0x6] =	wrdreg $0x81000  }
0xb9: {  	[dreg:$0x7] =	wrdreg $0x9  }
0xba: {  	_ =	task.clear_ibuf [dreg:s8], $0x8FFFF;
	_ =	strace $0x90000046  }
0xbb: {  	s29 =	simm.s32 $0x9;
	_ =	strace $0x80000048  }
0xbc: {  	_ =	swait.ge [sflag:s29], $0x1  }
0xbd: {  	[sflag:s29] =	ssyncadd.s32 $0xFFFFFFFF  }
0xbe: {  	_ =	strace $0x90000048  }
0xbf: {  	_ =	sfence  }
0xc0: {  	s30 =	sld [smem:$0x0];
	_ =	sdelay $0x2  }
0xc1: {  	s31 =	sshll.u32 s1, $0xD;
	s1 =	sshrl.u32 s1, $0x2  }
0xc2: {  	s3 =	sand.u32 $0x4000, s31;
	s1 =	sadd.s32 s1, s30  }
0xc3: {  	s0 =	sor.u32 s3, s0;
	s1 =	sshll.u32 s1, $0x11  }
0xc4: {  	s0 =	sor.u32 s1, s0  }
0xc5: {  	s0 =	sadd.s32 $0x8F2B, s0  }
0xc6: {  	[sflag:s0] =	ssyncadd.remote.s32 $0x1  }
0xc7: {  	_ =	sfence.sel $0xFFFF  }
0xc8: {  	[dreg:$0x0] =	wrdreg $0xFFFFFFFF;
	(pc) =	sbr.abs _section_cstart, $3  }
0xc9: {  	[dreg:$0x1] =	wrdreg $0xFFFFFFFF  }
0xca: {  	_ =	task.clear_ibuf [dreg:s8], $0x2FFFF;
	_ =	strace $0x9FFFFFFF  }
0xcb: {  	(tm) =	ssettm $0x7FFFFFFF  }
tec
execute0_lowered:
.L_overlay_start_1:
0x0: {  	(tag) =	ssettag $0x1  }
0x1: {  	s0 =	rddreg [dreg:$0x0]  }
0x2: {  	s1 =	rddreg [dreg:$0x1];
	s2 =	srdreg.scid  }
0x3: {  	s15 =	stileid.u32;
	s3 =	sadd.s32 $0x3C00, s1;
	s2 =	sand.u32 $0x1, s2  }
0x4: {  	s6 =	sshll.u32 s15, $0x9;
	s7 =	sadd.s32 $0x3400, s1;
	s4 =	ssub.s32 $0x2, s2  }
0x5: {  	s5 =	sshll.u32 s2, $0xD;
	s0 =	sadd.s32 s0, s6;
	s8 =	sshrl.u32 s4, $0x1  }
0x6: {  	s5 =	sor.u32 s6, s5;
	[dreg:$0x6] =	wrdreg s0;
	s9 =	ssub.s32 s4, s8  }
0x7: {  	s14 =	sshrl.u32 s5, $0x3;
	s8 =	sor.u32 $0x40, s5;
	s6 =	sor.u32 $0xC0, s5  }
0x8: {  	s11 =	sor.u32 $0x100, s5;
	s12 =	sor.u32 $0x180, s5;
	s16 =	sadd.s32 s3, s14  }
0x9: {  	s17 =	sshrl.u32 s8, $0x3;
	s4 =	sadd.s32 s7, s14;
	s20 =	sshrl.u32 s6, $0x3  }
0xa: {  	s22 =	sshrl.u32 s11, $0x3;
	s25 =	sshrl.u32 s12, $0x3;
	[dreg:$0x7] =	wrdreg s16  }
0xb: {  	s14 =	sor.u32 $0x1C0, s5;
	[dreg:$0x8] =	wrdreg s4;
	s18 =	sadd.s32 s3, s17  }
0xc: {  	s12 =	sshll.u32 s12, $0x4;
	s0 =	sadd.s32 s7, s17;
	[dreg:$0x9] =	wrdreg s18  }
0xd: {  	s9 =	smax.u32 s9, $0x1;
	s21 =	sadd.s32 s3, s20;
	[dreg:$0xa] =	wrdreg s0  }
0xe: {  	s4 =	sor.u32 $0x80, s5;
	s23 =	sadd.s32 s3, s22;
	[dreg:$0xd] =	wrdreg s21  }
0xf: {  	s26 =	sadd.s32 s3, s25;
	s16 =	sshrl.u32 s14, $0x3;
	[dreg:$0xf] =	wrdreg s23  }
0x10: {  	s19 =	sshrl.u32 s4, $0x3;
	[dreg:$0x13] =	wrdreg s26;
	s18 =	simm.s32 $0x0  }
0x11: {  	s17 =	sshll.u32 s5, $0x4;
	s10 =	sadd.s32 s3, s19;
	[smem:$0x7FF] =	sst s18  }
0x12: {  	s4 =	sshll.u32 s4, $0x4;
	s0 =	sadd.s32 s7, s19;
	[dreg:$0xb] =	wrdreg s10  }
0x13: {  	s19 =	sadd.s32 $0x84400, s1;
	[dreg:$0xc] =	wrdreg s0;
	s10 =	sadd.s32 s7, s20  }
0x14: {  	s0 =	sadd.s32 s7, s22;
	s20 =	sadd.s32 $0x104400, s1;
	s26 =	sadd.s32 s19, s17  }
0x15: {  	s1 =	sshll.u32 s8, $0x4;
	s23 =	sadd.s32 s19, s4;
	[dreg:$0xe] =	wrdreg s10  }
0x16: {  	s8 =	sshll.u32 s11, $0x4;
	s10 =	sor.u32 $0x140, s5;
	[dreg:$0x10] =	wrdreg s0  }
0x17: {  	[dreg:$0x17] =	wrdreg s26;
	s21 =	sadd.s32 s19, s1;
	s24 =	sshrl.u32 s10, $0x3  }
0x18: {  	s22 =	sadd.s32 s20, s1;
	s28 =	sadd.s32 s19, s8;
	s13 =	sadd.s32 s3, s24  }
0x19: {  	s0 =	sadd.s32 s7, s24;
	s24 =	sadd.s32 s20, s4;
	s4 =	rddreg [dreg:$0x4]  }
0x1a: {  	s29 =	sadd.s32 s20, s8;
	s1 =	sadd.s32 s20, s12;
	[dreg:$0x11] =	wrdreg s13  }
0x1b: {  	s11 =	sshll.u32 s10, $0x4;
	s3 =	sadd.s32 s3, s16;
	[dreg:$0x12] =	wrdreg s0  }
0x1c: {  	s10 =	simm.s32 $0x6100;
	s13 =	sadd.s32 s7, s25;
	[dreg:$0x15] =	wrdreg s3  }
0x1d: {  	s0 =	sadd.s32 s7, s16;
	s16 =	sshll.u32 s2, $0x10;
	s2 =	rddreg [dreg:$0x3]  }
0x1e: {  	s30 =	sadd.s32 s19, s11;
	s31 =	sadd.s32 s20, s11;
	[dreg:$0x14] =	wrdreg s13  }
0x1f: {  	s11 =	simm.s32 $0x1;
	s7 =	sshll.u32 s6, $0x4;
	[dreg:$0x16] =	wrdreg s0  }
0x20: {  	s0 =	sadd.s32 s20, s17;
	s25 =	sadd.s32 s19, s7;
	s26 =	sadd.s32 s20, s7  }
0x21: {  	s13 =	sshll.u32 s14, $0x4;
	s14 =	rddreg [dreg:$0x2];
	s17 =	sshll.u32 s15, $0xC  }
0x22: {  	s15 =	simm.s32 $0x4100;
	[dreg:$0x18] =	wrdreg s0;
	s0 =	sadd.s32 s19, s12  }
0x23: {  	s3 =	sadd.s32 s19, s13;
	s19 =	sor.u32 s17, s16;
	s5 =	sadd.s32 s20, s13  }
0x24: {  	s7 =	sadd.s32 s17, s2;
	s8 =	sadd.s32 s17, s4;
	s12 =	simm.s32 $0x2000  }
0x25: {  	s13 =	simm.s32 $0x2080;
	s16 =	simm.s32 $0x40;
	s20 =	sshrl.u32 s19, $0x3  }
0x26: {  	v0 =	vimm.f32 $0.0e+00;
	_ =	strace $0x80000047;
	s6 =	sadd.s32 s14, s20;
	s14 =	simm.s32 $0x2100  }
.LBB2_1:
0x27: {  	s17 =	simm.s32 $0x0;
	s19 =	simm.s32 $0x200  }
.LBB2_2:
0x28: {  	p0 =	sne.s32 s19, $0x3E00;
	[tilespmem:s17+$0x6170] =	vst v0  }
0x29: {  	[tilespmem:s17+$0x6100] =	vst v0  }
0x2a: {  	[tilespmem:s17+$0x6110] =	vst v0  }
.Ltmp0:
0x2b: {  	[tilespmem:s17+$0x6120] =	vst v0;
	(pc) =	sbr.rel @p0 .LBB2_2-.Ltmp0, $4  }
0x2c: {  	[tilespmem:s17+$0x6130] =	vst v0  }
0x2d: {  	[tilespmem:s17+$0x6140] =	vst v0  }
0x2e: {  	[tilespmem:s17+$0x6150] =	vst v0  }
0x2f: {  	[tilespmem:s17+$0x6160] =	vst v0;
	s17 =	sshra.s32 s19, $0x2;
	s19 =	sadd.s32 $0x200, s19  }
0x30: {  	[tilespmem:s17+$0x6170] =	vst v0  }
0x31: {  	[tilespmem:s17+$0x6100] =	vst v0  }
0x32: {  	[tilespmem:s17+$0x6110] =	vst v0  }
0x33: {  	[tilespmem:s17+$0x6120] =	vst v0  }
0x34: {  	[tilespmem:s17+$0x6130] =	vst v0  }
0x35: {  	[tilespmem:s17+$0x6140] =	vst v0  }
0x36: {  	[tilespmem:s17+$0x6150] =	vst v0  }
0x37: {  	[tilespmem:s17+$0x6160] =	vst v0  }
0x38: {  	[spmem:s7] =	stream.linear.scatter [tilespmem:s10], [sflag:$0x1], $0x1000, $0x38;
	[tilespmem:$0x9100] =	vst v63  }
0x39: {  	_ =	swait.ge [sflag:s11], $0x1000  }
0x3a: {  	[sflag:s11] =	ssyncset.done $0x0  }
0x3b: {  	s17 =	simm.s32 $0x0;
	s19 =	rddreg [dreg:$0x6];
	[sflag:s11] =	ssyncadd.s32 $0xFFFFF000  }
0x3c: {  	[tilespmem:s10], [sflag:$0x1] =	stream.linear.gather [hbm4b:s19+s17], $0x1000, $0x38;
	[tilespmem:$0x9100] =	vst v63  }
0x3d: {  	_ =	swait.ge [sflag:s11], $0x1000  }
0x3e: {  	[sflag:s11] =	ssyncset.done $0x0  }
0x3f: {  	[sflag:s11] =	ssyncadd.s32 $0xFFFFF000  }
0x40: {  	[spmem:s8] =	stream.linear.scatter [tilespmem:s10], [sflag:$0x1], $0x1000, $0x38;
	[tilespmem:$0x9100] =	vst v63  }
0x41: {  	_ =	swait.ge [sflag:s11], $0x1000  }
0x42: {  	[sflag:s11] =	ssyncset.done $0x0  }
0x43: {  	[sflag:s11] =	ssyncadd.s32 $0xFFFFF000  }
0x44: {  	[bflag:$0x0] =	sbarrier.arrive $0xFFFF  }
0x45: {  	s20 =	rddreg [dreg:$0x7]  }
0x46: {  	[tilespmem:s12], [sflag:$0x1] =	stream.linear.gather [hbm4b:s20+s17], $0x40, $0x38;
	[tilespmem:$0x9100] =	vst v63  }
0x47: {  	_ =	swait.ge [sflag:s11], $0x40  }
0x48: {  	[sflag:s11] =	ssyncset.done $0x0  }
0x49: {  	s20 =	rddreg [dreg:$0x8];
	[sflag:s11] =	ssyncadd.s32 $0xFFFFFFC0  }
0x4a: {  	[tilespmem:s13], [sflag:$0x1] =	stream.linear.gather [hbm4b:s20+s17], $0x40, $0x38;
	[tilespmem:$0x9100] =	vst v63  }
0x4b: {  	_ =	swait.ge [sflag:s11], $0x40  }
0x4c: {  	[sflag:s11] =	ssyncset.done $0x0  }
0x4d: {  	s20 =	rddreg [dreg:$0x17];
	[sflag:s11] =	ssyncadd.s32 $0xFFFFFFC0  }
0x4e: {  	[tilespmem:s14], [sflag:$0x1] =	stream.linear.gather [hbm4b:s20+s17], $0x2000, $0x38;
	[tilespmem:$0x9100] =	vst v63  }
0x4f: {  	_ =	swait.ge [sflag:s11], $0x2000  }
0x50: {  	[sflag:s11] =	ssyncset.done $0x0  }
0x51: {  	s20 =	rddreg [dreg:$0x18];
	[sflag:s11] =	ssyncadd.s32 $0xFFFFE000  }
0x52: {  	[tilespmem:s15], [sflag:$0x1] =	stream.linear.gather [hbm4b:s20+s17], $0x2000, $0x38;
	[tilespmem:$0x9100] =	vst v63  }
0x53: {  	_ =	swait.ge [sflag:s11], $0x2000  }
0x54: {  	[sflag:s11] =	ssyncset.done $0x0  }
0x55: {  	[sflag:s11] =	ssyncadd.s32 $0xFFFFE000  }
0x56: {  	[tilespmem:s17], [sflag:$0x1] =	stream.indirect.gather [spmem:s4], $0x80, s12, s16, $0xb8;
	[tilespmem:$0x9100] =	vst v63  }
0x57: {  	_ =	swait.ge [sflag:s11], $0x2000  }
0x58: {  	[sflag:s11] =	ssyncset.done $0x0  }
0x59: {  	s17 =	simm.s32 $0x0;
	[sflag:s11] =	ssyncadd.s32 $0xFFFFE000  }
0x5a: {  	v13 =	vld [tilespmem:s17+$0x0]  }
0x5b: {  	v18 =	vld [tilespmem:s17+$0x2100]  }
0x5c: {  	v20 =	vld [tilespmem:s17+$0x10]  }
0x5d: {  	v21 =	vld [tilespmem:s17+$0x2110]  }
0x5e: {  	v6 =	vld [tilespmem:s17+$0x20]  }
0x5f: {  	v11 =	vld [tilespmem:s17+$0x2120]  }
0x60: {  	v9 =	vld [tilespmem:s17+$0x30]  }
0x61: {  	v12 =	vld [tilespmem:s17+$0x2130]  }
0x62: {  	v8 =	vld [tilespmem:s17+$0x40]  }
0x63: {  	v10 =	vld [tilespmem:s17+$0x2140]  }
0x64: {  	v4 =	vld [tilespmem:s17+$0x50]  }
0x65: {  	v7 =	vld [tilespmem:s17+$0x2150]  }
0x66: {  	v2 =	vld [tilespmem:s17+$0x60]  }
0x67: {  	v5 =	vld [tilespmem:s17+$0x2160]  }
0x68: {  	v1 =	vld [tilespmem:s17+$0x70]  }
0x69: {  	v3 =	vld [tilespmem:s17+$0x2170]  }
0x6a: {  	v17 =	vld [tilespmem:s17+$0x4100]  }
0x6b: {  	v16 =	vld [tilespmem:s17+$0x4110]  }
0x6c: {  	v15 =	vld [tilespmem:s17+$0x4120]  }
0x6d: {  	v14 =	vld [tilespmem:s17+$0x4130];
	v19 =	vadd.f32 v18, v13  }
0x6e: {  	s19 =	simm.s32 $0x200;
	v18 =	vadd.f32 v21, v20;
	v13 =	vld [tilespmem:s17+$0x4140]  }
.LBB2_4:
0x6f: {  	p0 =	sne.s32 s19, $0x7E00;
	v17 =	vmul.f32 v19, v17;
	v6 =	vadd.f32 v11, v6;
	v11 =	vld [tilespmem:s17+$0x4150]  }
0x70: {  	v9 =	vadd.f32 v12, v9;
	v16 =	vmul.f32 v18, v16;
	v12 =	vld [tilespmem:s17+$0x4160]  }
0x71: {  	s20 =	sshra.s32 s19, $0x2;
	v8 =	vadd.f32 v10, v8;
	[tilespmem:s17+$0x4100] =	vst v17;
	v6 =	vmul.f32 v6, v15;
	v10 =	vld [tilespmem:s17+$0x4170]  }
0x72: {  	v4 =	vadd.f32 v7, v4;
	v18 =	vld [tilespmem:s20+$0x0];
	[tilespmem:s17+$0x4110] =	vst v16;
	v9 =	vmul.f32 v9, v14  }
0x73: {  	v2 =	vadd.f32 v5, v2;
	v14 =	vld [tilespmem:s20+$0x2100];
	[tilespmem:s17+$0x4120] =	vst v6;
	v6 =	vmul.f32 v8, v13  }
0x74: {  	v1 =	vadd.f32 v3, v1;
	v13 =	vld [tilespmem:s20+$0x10];
	[tilespmem:s17+$0x4130] =	vst v9;
	v4 =	vmul.f32 v4, v11  }
0x75: {  	v20 =	vld [tilespmem:s20+$0x2110];
	[tilespmem:s17+$0x4140] =	vst v6;
	v2 =	vmul.f32 v2, v12  }
0x76: {  	v6 =	vld [tilespmem:s20+$0x20];
	[tilespmem:s17+$0x4150] =	vst v4;
	v1 =	vmul.f32 v1, v10  }
0x77: {  	v11 =	vld [tilespmem:s20+$0x2120];
	[tilespmem:s17+$0x4160] =	vst v2  }
0x78: {  	v9 =	vld [tilespmem:s20+$0x30];
	[tilespmem:s17+$0x4170] =	vst v1;
	s17 =	smov.u32 s20  }
0x79: {  	v12 =	vld [tilespmem:s17+$0x2130]  }
0x7a: {  	v8 =	vld [tilespmem:s17+$0x40]  }
0x7b: {  	v10 =	vld [tilespmem:s17+$0x2140]  }
0x7c: {  	v4 =	vld [tilespmem:s17+$0x50]  }
0x7d: {  	v7 =	vld [tilespmem:s17+$0x2150]  }
0x7e: {  	v2 =	vld [tilespmem:s17+$0x60]  }
0x7f: {  	v5 =	vld [tilespmem:s17+$0x2160]  }
0x80: {  	v1 =	vld [tilespmem:s17+$0x70]  }
0x81: {  	v3 =	vld [tilespmem:s17+$0x2170]  }
.Ltmp1:
0x82: {  	v17 =	vld [tilespmem:s17+$0x4100];
	(pc) =	sbr.rel @p0 .LBB2_4-.Ltmp1, $4  }
0x83: {  	v16 =	vld [tilespmem:s17+$0x4110]  }
0x84: {  	v15 =	vld [tilespmem:s17+$0x4120]  }
0x85: {  	v19 =	vadd.f32 v14, v18;
	v14 =	vld [tilespmem:s17+$0x4130]  }
0x86: {  	s19 =	sadd.s32 $0x200, s19;
	v18 =	vadd.f32 v20, v13;
	v13 =	vld [tilespmem:s17+$0x4140]  }
0x87: {  	v17 =	vmul.f32 v19, v17;
	v19 =	vld [tilespmem:s17+$0x4150];
	v6 =	vadd.f32 v11, v6  }
0x88: {  	v11 =	vld [tilespmem:s17+$0x4160];
	v9 =	vadd.f32 v12, v9;
	v16 =	vmul.f32 v18, v16  }
0x89: {  	v8 =	vadd.f32 v10, v8;
	v10 =	vld [tilespmem:s17+$0x4170];
	[tilespmem:s17+$0x4100] =	vst v17;
	v6 =	vmul.f32 v6, v15  }
0x8a: {  	v4 =	vadd.f32 v7, v4;
	[tilespmem:s17+$0x4110] =	vst v16;
	v9 =	vmul.f32 v9, v14  }
0x8b: {  	v2 =	vadd.f32 v5, v2;
	[tilespmem:s17+$0x4120] =	vst v6;
	v6 =	vmul.f32 v8, v13  }
0x8c: {  	v1 =	vadd.f32 v3, v1;
	[tilespmem:s17+$0x4130] =	vst v9;
	v4 =	vmul.f32 v4, v19  }
0x8d: {  	v2 =	vmul.f32 v2, v11;
	[tilespmem:s17+$0x4140] =	vst v6  }
0x8e: {  	v1 =	vmul.f32 v1, v10;
	[tilespmem:s17+$0x4150] =	vst v4  }
0x8f: {  	[tilespmem:s17+$0x4160] =	vst v2  }
0x90: {  	[tilespmem:s17+$0x4170] =	vst v1  }
0x91: {  	[spmem:s2] =	stream.indirect.scatter.add.f32 [tilespmem:s15], [sflag:$0x1], $0x80, s13, s16, $0xb8;
	[tilespmem:$0x9100] =	vst v63  }
0x92: {  	_ =	swait.ge [sflag:s11], $0x2000  }
0x93: {  	[sflag:s11] =	ssyncset.done $0x0  }
0x94: {  	s17 =	simm.s32 $0x0;
	s19 =	rddreg [dreg:$0x9];
	[sflag:s11] =	ssyncadd.s32 $0xFFFFE000  }
0x95: {  	[tilespmem:s12], [sflag:$0x1] =	stream.linear.gather [hbm4b:s19+s17], $0x40, $0x38;
	[tilespmem:$0x9100] =	vst v63  }
0x96: {  	_ =	swait.ge [sflag:s11], $0x40  }
0x97: {  	[sflag:s11] =	ssyncset.done $0x0  }
0x98: {  	s20 =	rddreg [dreg:$0xa];
	[sflag:s11] =	ssyncadd.s32 $0xFFFFFFC0  }
0x99: {  	[tilespmem:s13], [sflag:$0x1] =	stream.linear.gather [hbm4b:s20+s17], $0x40, $0x38;
	[tilespmem:$0x9100] =	vst v63  }
0x9a: {  	_ =	swait.ge [sflag:s11], $0x40  }
0x9b: {  	[sflag:s11] =	ssyncset.done $0x0  }
0x9c: {  	[sflag:s11] =	ssyncadd.s32 $0xFFFFFFC0  }
0x9d: {  	[tilespmem:s14], [sflag:$0x1] =	stream.linear.gather [hbm4b:s21+s17], $0x2000, $0x38;
	[tilespmem:$0x9100] =	vst v63  }
0x9e: {  	_ =	swait.ge [sflag:s11], $0x2000  }
0x9f: {  	[sflag:s11] =	ssyncset.done $0x0  }
0xa0: {  	[sflag:s11] =	ssyncadd.s32 $0xFFFFE000  }
0xa1: {  	[tilespmem:s15], [sflag:$0x1] =	stream.linear.gather [hbm4b:s22+s17], $0x2000, $0x38;
	[tilespmem:$0x9100] =	vst v63  }
0xa2: {  	_ =	swait.ge [sflag:s11], $0x2000  }
0xa3: {  	[sflag:s11] =	ssyncset.done $0x0  }
0xa4: {  	[sflag:s11] =	ssyncadd.s32 $0xFFFFE000  }
0xa5: {  	[tilespmem:s17], [sflag:$0x1] =	stream.indirect.gather [spmem:s4], $0x80, s12, s16, $0xb8;
	[tilespmem:$0x9100] =	vst v63  }
0xa6: {  	_ =	swait.ge [sflag:s11], $0x2000  }
0xa7: {  	[sflag:s11] =	ssyncset.done $0x0  }
0xa8: {  	s17 =	simm.s32 $0x0;
	[sflag:s11] =	ssyncadd.s32 $0xFFFFE000  }
0xa9: {  	v13 =	vld [tilespmem:s17+$0x0]  }
0xaa: {  	v18 =	vld [tilespmem:s17+$0x2100]  }
0xab: {  	v20 =	vld [tilespmem:s17+$0x10]  }
0xac: {  	v21 =	vld [tilespmem:s17+$0x2110]  }
0xad: {  	v6 =	vld [tilespmem:s17+$0x20]  }
0xae: {  	v11 =	vld [tilespmem:s17+$0x2120]  }
0xaf: {  	v9 =	vld [tilespmem:s17+$0x30]  }
0xb0: {  	v12 =	vld [tilespmem:s17+$0x2130]  }
0xb1: {  	v8 =	vld [tilespmem:s17+$0x40]  }
0xb2: {  	v10 =	vld [tilespmem:s17+$0x2140]  }
0xb3: {  	v4 =	vld [tilespmem:s17+$0x50]  }
0xb4: {  	v7 =	vld [tilespmem:s17+$0x2150]  }
0xb5: {  	v2 =	vld [tilespmem:s17+$0x60]  }
0xb6: {  	v5 =	vld [tilespmem:s17+$0x2160]  }
0xb7: {  	v1 =	vld [tilespmem:s17+$0x70]  }
0xb8: {  	v3 =	vld [tilespmem:s17+$0x2170]  }
0xb9: {  	v17 =	vld [tilespmem:s17+$0x4100]  }
0xba: {  	v16 =	vld [tilespmem:s17+$0x4110]  }
0xbb: {  	v15 =	vld [tilespmem:s17+$0x4120]  }
0xbc: {  	v14 =	vld [tilespmem:s17+$0x4130];
	v19 =	vadd.f32 v18, v13  }
0xbd: {  	s19 =	simm.s32 $0x200;
	v18 =	vadd.f32 v21, v20;
	v13 =	vld [tilespmem:s17+$0x4140]  }
.LBB2_6:
0xbe: {  	p0 =	sne.s32 s19, $0x7E00;
	v17 =	vmul.f32 v19, v17;
	v6 =	vadd.f32 v11, v6;
	v11 =	vld [tilespmem:s17+$0x4150]  }
0xbf: {  	v9 =	vadd.f32 v12, v9;
	v16 =	vmul.f32 v18, v16;
	v12 =	vld [tilespmem:s17+$0x4160]  }
0xc0: {  	s20 =	sshra.s32 s19, $0x2;
	v8 =	vadd.f32 v10, v8;
	[tilespmem:s17+$0x4100] =	vst v17;
	v6 =	vmul.f32 v6, v15;
	v10 =	vld [tilespmem:s17+$0x4170]  }
0xc1: {  	v4 =	vadd.f32 v7, v4;
	v18 =	vld [tilespmem:s20+$0x0];
	[tilespmem:s17+$0x4110] =	vst v16;
	v9 =	vmul.f32 v9, v14  }
0xc2: {  	v2 =	vadd.f32 v5, v2;
	v14 =	vld [tilespmem:s20+$0x2100];
	[tilespmem:s17+$0x4120] =	vst v6;
	v6 =	vmul.f32 v8, v13  }
0xc3: {  	v1 =	vadd.f32 v3, v1;
	v13 =	vld [tilespmem:s20+$0x10];
	[tilespmem:s17+$0x4130] =	vst v9;
	v4 =	vmul.f32 v4, v11  }
0xc4: {  	v20 =	vld [tilespmem:s20+$0x2110];
	[tilespmem:s17+$0x4140] =	vst v6;
	v2 =	vmul.f32 v2, v12  }
0xc5: {  	v6 =	vld [tilespmem:s20+$0x20];
	[tilespmem:s17+$0x4150] =	vst v4;
	v1 =	vmul.f32 v1, v10  }
0xc6: {  	v11 =	vld [tilespmem:s20+$0x2120];
	[tilespmem:s17+$0x4160] =	vst v2  }
0xc7: {  	v9 =	vld [tilespmem:s20+$0x30];
	[tilespmem:s17+$0x4170] =	vst v1;
	s17 =	smov.u32 s20  }
0xc8: {  	v12 =	vld [tilespmem:s17+$0x2130]  }
0xc9: {  	v8 =	vld [tilespmem:s17+$0x40]  }
0xca: {  	v10 =	vld [tilespmem:s17+$0x2140]  }
0xcb: {  	v4 =	vld [tilespmem:s17+$0x50]  }
0xcc: {  	v7 =	vld [tilespmem:s17+$0x2150]  }
0xcd: {  	v2 =	vld [tilespmem:s17+$0x60]  }
0xce: {  	v5 =	vld [tilespmem:s17+$0x2160]  }
0xcf: {  	v1 =	vld [tilespmem:s17+$0x70]  }
0xd0: {  	v3 =	vld [tilespmem:s17+$0x2170]  }
.Ltmp2:
0xd1: {  	v17 =	vld [tilespmem:s17+$0x4100];
	(pc) =	sbr.rel @p0 .LBB2_6-.Ltmp2, $4  }
0xd2: {  	v16 =	vld [tilespmem:s17+$0x4110]  }
0xd3: {  	v15 =	vld [tilespmem:s17+$0x4120]  }
0xd4: {  	v19 =	vadd.f32 v14, v18;
	v14 =	vld [tilespmem:s17+$0x4130]  }
0xd5: {  	s19 =	sadd.s32 $0x200, s19;
	v18 =	vadd.f32 v20, v13;
	v13 =	vld [tilespmem:s17+$0x4140]  }
0xd6: {  	v17 =	vmul.f32 v19, v17;
	v19 =	vld [tilespmem:s17+$0x4150];
	v6 =	vadd.f32 v11, v6  }
0xd7: {  	v11 =	vld [tilespmem:s17+$0x4160];
	v9 =	vadd.f32 v12, v9;
	v16 =	vmul.f32 v18, v16  }
0xd8: {  	v8 =	vadd.f32 v10, v8;
	v10 =	vld [tilespmem:s17+$0x4170];
	[tilespmem:s17+$0x4100] =	vst v17;
	v6 =	vmul.f32 v6, v15  }
0xd9: {  	v4 =	vadd.f32 v7, v4;
	[tilespmem:s17+$0x4110] =	vst v16;
	v9 =	vmul.f32 v9, v14  }
0xda: {  	v2 =	vadd.f32 v5, v2;
	[tilespmem:s17+$0x4120] =	vst v6;
	v6 =	vmul.f32 v8, v13  }
0xdb: {  	v1 =	vadd.f32 v3, v1;
	[tilespmem:s17+$0x4130] =	vst v9;
	v4 =	vmul.f32 v4, v19  }
0xdc: {  	v2 =	vmul.f32 v2, v11;
	[tilespmem:s17+$0x4140] =	vst v6  }
0xdd: {  	v1 =	vmul.f32 v1, v10;
	[tilespmem:s17+$0x4150] =	vst v4  }
0xde: {  	[tilespmem:s17+$0x4160] =	vst v2  }
0xdf: {  	[tilespmem:s17+$0x4170] =	vst v1  }
0xe0: {  	[spmem:s2] =	stream.indirect.scatter.add.f32 [tilespmem:s15], [sflag:$0x1], $0x80, s13, s16, $0xb8;
	[tilespmem:$0x9100] =	vst v63  }
0xe1: {  	_ =	swait.ge [sflag:s11], $0x2000  }
0xe2: {  	[sflag:s11] =	ssyncset.done $0x0  }
0xe3: {  	s17 =	simm.s32 $0x0;
	s19 =	rddreg [dreg:$0xb];
	[sflag:s11] =	ssyncadd.s32 $0xFFFFE000  }
0xe4: {  	[tilespmem:s12], [sflag:$0x1] =	stream.linear.gather [hbm4b:s19+s17], $0x40, $0x38;
	[tilespmem:$0x9100] =	vst v63  }
0xe5: {  	_ =	swait.ge [sflag:s11], $0x40  }
0xe6: {  	[sflag:s11] =	ssyncset.done $0x0  }
0xe7: {  	s20 =	rddreg [dreg:$0xc];
	[sflag:s11] =	ssyncadd.s32 $0xFFFFFFC0  }
0xe8: {  	[tilespmem:s13], [sflag:$0x1] =	stream.linear.gather [hbm4b:s20+s17], $0x40, $0x38;
	[tilespmem:$0x9100] =	vst v63  }
0xe9: {  	_ =	swait.ge [sflag:s11], $0x40  }
0xea: {  	[sflag:s11] =	ssyncset.done $0x0  }
0xeb: {  	[sflag:s11] =	ssyncadd.s32 $0xFFFFFFC0  }
0xec: {  	[tilespmem:s14], [sflag:$0x1] =	stream.linear.gather [hbm4b:s23+s17], $0x2000, $0x38;
	[tilespmem:$0x9100] =	vst v63  }
0xed: {  	_ =	swait.ge [sflag:s11], $0x2000  }
0xee: {  	[sflag:s11] =	ssyncset.done $0x0  }
0xef: {  	[sflag:s11] =	ssyncadd.s32 $0xFFFFE000  }
0xf0: {  	[tilespmem:s15], [sflag:$0x1] =	stream.linear.gather [hbm4b:s24+s17], $0x2000, $0x38;
	[tilespmem:$0x9100] =	vst v63  }
0xf1: {  	_ =	swait.ge [sflag:s11], $0x2000  }
0xf2: {  	[sflag:s11] =	ssyncset.done $0x0  }
0xf3: {  	[sflag:s11] =	ssyncadd.s32 $0xFFFFE000  }
0xf4: {  	[tilespmem:s17], [sflag:$0x1] =	stream.indirect.gather [spmem:s4], $0x80, s12, s16, $0xb8;
	[tilespmem:$0x9100] =	vst v63  }
0xf5: {  	_ =	swait.ge [sflag:s11], $0x2000  }
0xf6: {  	[sflag:s11] =	ssyncset.done $0x0  }
0xf7: {  	s17 =	simm.s32 $0x0;
	[sflag:s11] =	ssyncadd.s32 $0xFFFFE000  }
0xf8: {  	v13 =	vld [tilespmem:s17+$0x0]  }
0xf9: {  	v18 =	vld [tilespmem:s17+$0x2100]  }
0xfa: {  	v20 =	vld [tilespmem:s17+$0x10]  }
0xfb: {  	v21 =	vld [tilespmem:s17+$0x2110]  }
0xfc: {  	v6 =	vld [tilespmem:s17+$0x20]  }
0xfd: {  	v11 =	vld [tilespmem:s17+$0x2120]  }
0xfe: {  	v9 =	vld [tilespmem:s17+$0x30]  }
0xff: {  	v12 =	vld [tilespmem:s17+$0x2130]  }
0x100: {  	v8 =	vld [tilespmem:s17+$0x40]  }
0x101: {  	v10 =	vld [tilespmem:s17+$0x2140]  }
0x102: {  	v4 =	vld [tilespmem:s17+$0x50]  }
0x103: {  	v7 =	vld [tilespmem:s17+$0x2150]  }
0x104: {  	v2 =	vld [tilespmem:s17+$0x60]  }
0x105: {  	v5 =	vld [tilespmem:s17+$0x2160]  }
0x106: {  	v1 =	vld [tilespmem:s17+$0x70]  }
0x107: {  	v3 =	vld [tilespmem:s17+$0x2170]  }
0x108: {  	v17 =	vld [tilespmem:s17+$0x4100]  }
0x109: {  	v16 =	vld [tilespmem:s17+$0x4110]  }
0x10a: {  	v15 =	vld [tilespmem:s17+$0x4120]  }
0x10b: {  	v14 =	vld [tilespmem:s17+$0x4130];
	v19 =	vadd.f32 v18, v13  }
0x10c: {  	s19 =	simm.s32 $0x200;
	v18 =	vadd.f32 v21, v20;
	v13 =	vld [tilespmem:s17+$0x4140]  }
.LBB2_8:
0x10d: {  	p0 =	sne.s32 s19, $0x7E00;
	v17 =	vmul.f32 v19, v17;
	v6 =	vadd.f32 v11, v6;
	v11 =	vld [tilespmem:s17+$0x4150]  }
0x10e: {  	v9 =	vadd.f32 v12, v9;
	v16 =	vmul.f32 v18, v16;
	v12 =	vld [tilespmem:s17+$0x4160]  }
0x10f: {  	s20 =	sshra.s32 s19, $0x2;
	v8 =	vadd.f32 v10, v8;
	[tilespmem:s17+$0x4100] =	vst v17;
	v6 =	vmul.f32 v6, v15;
	v10 =	vld [tilespmem:s17+$0x4170]  }
0x110: {  	v4 =	vadd.f32 v7, v4;
	v18 =	vld [tilespmem:s20+$0x0];
	[tilespmem:s17+$0x4110] =	vst v16;
	v9 =	vmul.f32 v9, v14  }
0x111: {  	v2 =	vadd.f32 v5, v2;
	v14 =	vld [tilespmem:s20+$0x2100];
	[tilespmem:s17+$0x4120] =	vst v6;
	v6 =	vmul.f32 v8, v13  }
0x112: {  	v1 =	vadd.f32 v3, v1;
	v13 =	vld [tilespmem:s20+$0x10];
	[tilespmem:s17+$0x4130] =	vst v9;
	v4 =	vmul.f32 v4, v11  }
0x113: {  	v20 =	vld [tilespmem:s20+$0x2110];
	[tilespmem:s17+$0x4140] =	vst v6;
	v2 =	vmul.f32 v2, v12  }
0x114: {  	v6 =	vld [tilespmem:s20+$0x20];
	[tilespmem:s17+$0x4150] =	vst v4;
	v1 =	vmul.f32 v1, v10  }
0x115: {  	v11 =	vld [tilespmem:s20+$0x2120];
	[tilespmem:s17+$0x4160] =	vst v2  }
0x116: {  	v9 =	vld [tilespmem:s20+$0x30];
	[tilespmem:s17+$0x4170] =	vst v1;
	s17 =	smov.u32 s20  }
0x117: {  	v12 =	vld [tilespmem:s17+$0x2130]  }
0x118: {  	v8 =	vld [tilespmem:s17+$0x40]  }
0x119: {  	v10 =	vld [tilespmem:s17+$0x2140]  }
0x11a: {  	v4 =	vld [tilespmem:s17+$0x50]  }
0x11b: {  	v7 =	vld [tilespmem:s17+$0x2150]  }
0x11c: {  	v2 =	vld [tilespmem:s17+$0x60]  }
0x11d: {  	v5 =	vld [tilespmem:s17+$0x2160]  }
0x11e: {  	v1 =	vld [tilespmem:s17+$0x70]  }
0x11f: {  	v3 =	vld [tilespmem:s17+$0x2170]  }
.Ltmp3:
0x120: {  	v17 =	vld [tilespmem:s17+$0x4100];
	(pc) =	sbr.rel @p0 .LBB2_8-.Ltmp3, $4  }
0x121: {  	v16 =	vld [tilespmem:s17+$0x4110]  }
0x122: {  	v15 =	vld [tilespmem:s17+$0x4120]  }
0x123: {  	v19 =	vadd.f32 v14, v18;
	v14 =	vld [tilespmem:s17+$0x4130]  }
0x124: {  	s19 =	sadd.s32 $0x200, s19;
	v18 =	vadd.f32 v20, v13;
	v13 =	vld [tilespmem:s17+$0x4140]  }
0x125: {  	v17 =	vmul.f32 v19, v17;
	v19 =	vld [tilespmem:s17+$0x4150];
	v6 =	vadd.f32 v11, v6  }
0x126: {  	v11 =	vld [tilespmem:s17+$0x4160];
	v9 =	vadd.f32 v12, v9;
	v16 =	vmul.f32 v18, v16  }
0x127: {  	v8 =	vadd.f32 v10, v8;
	v10 =	vld [tilespmem:s17+$0x4170];
	[tilespmem:s17+$0x4100] =	vst v17;
	v6 =	vmul.f32 v6, v15  }
0x128: {  	v4 =	vadd.f32 v7, v4;
	[tilespmem:s17+$0x4110] =	vst v16;
	v9 =	vmul.f32 v9, v14  }
0x129: {  	v2 =	vadd.f32 v5, v2;
	[tilespmem:s17+$0x4120] =	vst v6;
	v6 =	vmul.f32 v8, v13  }
0x12a: {  	v1 =	vadd.f32 v3, v1;
	[tilespmem:s17+$0x4130] =	vst v9;
	v4 =	vmul.f32 v4, v19  }
0x12b: {  	v2 =	vmul.f32 v2, v11;
	[tilespmem:s17+$0x4140] =	vst v6  }
0x12c: {  	v1 =	vmul.f32 v1, v10;
	[tilespmem:s17+$0x4150] =	vst v4  }
0x12d: {  	[tilespmem:s17+$0x4160] =	vst v2  }
0x12e: {  	[tilespmem:s17+$0x4170] =	vst v1  }
0x12f: {  	[spmem:s2] =	stream.indirect.scatter.add.f32 [tilespmem:s15], [sflag:$0x1], $0x80, s13, s16, $0xb8;
	[tilespmem:$0x9100] =	vst v63  }
0x130: {  	_ =	swait.ge [sflag:s11], $0x2000  }
0x131: {  	[sflag:s11] =	ssyncset.done $0x0  }
0x132: {  	s17 =	simm.s32 $0x0;
	s19 =	rddreg [dreg:$0xd];
	[sflag:s11] =	ssyncadd.s32 $0xFFFFE000  }
0x133: {  	[tilespmem:s12], [sflag:$0x1] =	stream.linear.gather [hbm4b:s19+s17], $0x40, $0x38;
	[tilespmem:$0x9100] =	vst v63  }
0x134: {  	_ =	swait.ge [sflag:s11], $0x40  }
0x135: {  	[sflag:s11] =	ssyncset.done $0x0  }
0x136: {  	s20 =	rddreg [dreg:$0xe];
	[sflag:s11] =	ssyncadd.s32 $0xFFFFFFC0  }
0x137: {  	[tilespmem:s13], [sflag:$0x1] =	stream.linear.gather [hbm4b:s20+s17], $0x40, $0x38;
	[tilespmem:$0x9100] =	vst v63  }
0x138: {  	_ =	swait.ge [sflag:s11], $0x40  }
0x139: {  	[sflag:s11] =	ssyncset.done $0x0  }
0x13a: {  	[sflag:s11] =	ssyncadd.s32 $0xFFFFFFC0  }
0x13b: {  	[tilespmem:s14], [sflag:$0x1] =	stream.linear.gather [hbm4b:s25+s17], $0x2000, $0x38;
	[tilespmem:$0x9100] =	vst v63  }
0x13c: {  	_ =	swait.ge [sflag:s11], $0x2000  }
0x13d: {  	[sflag:s11] =	ssyncset.done $0x0  }
0x13e: {  	[sflag:s11] =	ssyncadd.s32 $0xFFFFE000  }
0x13f: {  	[tilespmem:s15], [sflag:$0x1] =	stream.linear.gather [hbm4b:s26+s17], $0x2000, $0x38;
	[tilespmem:$0x9100] =	vst v63  }
0x140: {  	_ =	swait.ge [sflag:s11], $0x2000  }
0x141: {  	[sflag:s11] =	ssyncset.done $0x0  }
0x142: {  	[sflag:s11] =	ssyncadd.s32 $0xFFFFE000  }
0x143: {  	[tilespmem:s17], [sflag:$0x1] =	stream.indirect.gather [spmem:s4], $0x80, s12, s16, $0xb8;
	[tilespmem:$0x9100] =	vst v63  }
0x144: {  	_ =	swait.ge [sflag:s11], $0x2000  }
0x145: {  	[sflag:s11] =	ssyncset.done $0x0  }
0x146: {  	s17 =	simm.s32 $0x0;
	[sflag:s11] =	ssyncadd.s32 $0xFFFFE000  }
0x147: {  	v13 =	vld [tilespmem:s17+$0x0]  }
0x148: {  	v18 =	vld [tilespmem:s17+$0x2100]  }
0x149: {  	v20 =	vld [tilespmem:s17+$0x10]  }
0x14a: {  	v21 =	vld [tilespmem:s17+$0x2110]  }
0x14b: {  	v6 =	vld [tilespmem:s17+$0x20]  }
0x14c: {  	v11 =	vld [tilespmem:s17+$0x2120]  }
0x14d: {  	v9 =	vld [tilespmem:s17+$0x30]  }
0x14e: {  	v12 =	vld [tilespmem:s17+$0x2130]  }
0x14f: {  	v8 =	vld [tilespmem:s17+$0x40]  }
0x150: {  	v10 =	vld [tilespmem:s17+$0x2140]  }
0x151: {  	v4 =	vld [tilespmem:s17+$0x50]  }
0x152: {  	v7 =	vld [tilespmem:s17+$0x2150]  }
0x153: {  	v2 =	vld [tilespmem:s17+$0x60]  }
0x154: {  	v5 =	vld [tilespmem:s17+$0x2160]  }
0x155: {  	v1 =	vld [tilespmem:s17+$0x70]  }
0x156: {  	v3 =	vld [tilespmem:s17+$0x2170]  }
0x157: {  	v17 =	vld [tilespmem:s17+$0x4100]  }
0x158: {  	v16 =	vld [tilespmem:s17+$0x4110]  }
0x159: {  	v15 =	vld [tilespmem:s17+$0x4120]  }
0x15a: {  	v14 =	vld [tilespmem:s17+$0x4130];
	v19 =	vadd.f32 v18, v13  }
0x15b: {  	s19 =	simm.s32 $0x200;
	v18 =	vadd.f32 v21, v20;
	v13 =	vld [tilespmem:s17+$0x4140]  }
.LBB2_10:
0x15c: {  	p0 =	sne.s32 s19, $0x7E00;
	v17 =	vmul.f32 v19, v17;
	v6 =	vadd.f32 v11, v6;
	v11 =	vld [tilespmem:s17+$0x4150]  }
0x15d: {  	v9 =	vadd.f32 v12, v9;
	v16 =	vmul.f32 v18, v16;
	v12 =	vld [tilespmem:s17+$0x4160]  }
0x15e: {  	s20 =	sshra.s32 s19, $0x2;
	v8 =	vadd.f32 v10, v8;
	[tilespmem:s17+$0x4100] =	vst v17;
	v6 =	vmul.f32 v6, v15;
	v10 =	vld [tilespmem:s17+$0x4170]  }
0x15f: {  	v4 =	vadd.f32 v7, v4;
	v18 =	vld [tilespmem:s20+$0x0];
	[tilespmem:s17+$0x4110] =	vst v16;
	v9 =	vmul.f32 v9, v14  }
0x160: {  	v2 =	vadd.f32 v5, v2;
	v14 =	vld [tilespmem:s20+$0x2100];
	[tilespmem:s17+$0x4120] =	vst v6;
	v6 =	vmul.f32 v8, v13  }
0x161: {  	v1 =	vadd.f32 v3, v1;
	v13 =	vld [tilespmem:s20+$0x10];
	[tilespmem:s17+$0x4130] =	vst v9;
	v4 =	vmul.f32 v4, v11  }
0x162: {  	v20 =	vld [tilespmem:s20+$0x2110];
	[tilespmem:s17+$0x4140] =	vst v6;
	v2 =	vmul.f32 v2, v12  }
0x163: {  	v6 =	vld [tilespmem:s20+$0x20];
	[tilespmem:s17+$0x4150] =	vst v4;
	v1 =	vmul.f32 v1, v10  }
0x164: {  	v11 =	vld [tilespmem:s20+$0x2120];
	[tilespmem:s17+$0x4160] =	vst v2  }
0x165: {  	v9 =	vld [tilespmem:s20+$0x30];
	[tilespmem:s17+$0x4170] =	vst v1;
	s17 =	smov.u32 s20  }
0x166: {  	v12 =	vld [tilespmem:s17+$0x2130]  }
0x167: {  	v8 =	vld [tilespmem:s17+$0x40]  }
0x168: {  	v10 =	vld [tilespmem:s17+$0x2140]  }
0x169: {  	v4 =	vld [tilespmem:s17+$0x50]  }
0x16a: {  	v7 =	vld [tilespmem:s17+$0x2150]  }
0x16b: {  	v2 =	vld [tilespmem:s17+$0x60]  }
0x16c: {  	v5 =	vld [tilespmem:s17+$0x2160]  }
0x16d: {  	v1 =	vld [tilespmem:s17+$0x70]  }
0x16e: {  	v3 =	vld [tilespmem:s17+$0x2170]  }
.Ltmp4:
0x16f: {  	v17 =	vld [tilespmem:s17+$0x4100];
	(pc) =	sbr.rel @p0 .LBB2_10-.Ltmp4, $4  }
0x170: {  	v16 =	vld [tilespmem:s17+$0x4110]  }
0x171: {  	v15 =	vld [tilespmem:s17+$0x4120]  }
0x172: {  	v19 =	vadd.f32 v14, v18;
	v14 =	vld [tilespmem:s17+$0x4130]  }
0x173: {  	s19 =	sadd.s32 $0x200, s19;
	v18 =	vadd.f32 v20, v13;
	v13 =	vld [tilespmem:s17+$0x4140]  }
0x174: {  	v17 =	vmul.f32 v19, v17;
	v19 =	vld [tilespmem:s17+$0x4150];
	v6 =	vadd.f32 v11, v6  }
0x175: {  	v11 =	vld [tilespmem:s17+$0x4160];
	v9 =	vadd.f32 v12, v9;
	v16 =	vmul.f32 v18, v16  }
0x176: {  	v8 =	vadd.f32 v10, v8;
	v10 =	vld [tilespmem:s17+$0x4170];
	[tilespmem:s17+$0x4100] =	vst v17;
	v6 =	vmul.f32 v6, v15  }
0x177: {  	v4 =	vadd.f32 v7, v4;
	[tilespmem:s17+$0x4110] =	vst v16;
	v9 =	vmul.f32 v9, v14  }
0x178: {  	v2 =	vadd.f32 v5, v2;
	[tilespmem:s17+$0x4120] =	vst v6;
	v6 =	vmul.f32 v8, v13  }
0x179: {  	v1 =	vadd.f32 v3, v1;
	[tilespmem:s17+$0x4130] =	vst v9;
	v4 =	vmul.f32 v4, v19  }
0x17a: {  	v2 =	vmul.f32 v2, v11;
	[tilespmem:s17+$0x4140] =	vst v6  }
0x17b: {  	v1 =	vmul.f32 v1, v10;
	[tilespmem:s17+$0x4150] =	vst v4  }
0x17c: {  	[tilespmem:s17+$0x4160] =	vst v2  }
0x17d: {  	[tilespmem:s17+$0x4170] =	vst v1  }
0x17e: {  	[spmem:s2] =	stream.indirect.scatter.add.f32 [tilespmem:s15], [sflag:$0x1], $0x80, s13, s16, $0xb8;
	[tilespmem:$0x9100] =	vst v63  }
0x17f: {  	_ =	swait.ge [sflag:s11], $0x2000  }
0x180: {  	[sflag:s11] =	ssyncset.done $0x0  }
0x181: {  	s17 =	simm.s32 $0x0;
	s19 =	rddreg [dreg:$0xf];
	[sflag:s11] =	ssyncadd.s32 $0xFFFFE000  }
0x182: {  	[tilespmem:s12], [sflag:$0x1] =	stream.linear.gather [hbm4b:s19+s17], $0x40, $0x38;
	[tilespmem:$0x9100] =	vst v63  }
0x183: {  	_ =	swait.ge [sflag:s11], $0x40  }
0x184: {  	[sflag:s11] =	ssyncset.done $0x0  }
0x185: {  	s20 =	rddreg [dreg:$0x10];
	[sflag:s11] =	ssyncadd.s32 $0xFFFFFFC0  }
0x186: {  	[tilespmem:s13], [sflag:$0x1] =	stream.linear.gather [hbm4b:s20+s17], $0x40, $0x38;
	[tilespmem:$0x9100] =	vst v63  }
0x187: {  	_ =	swait.ge [sflag:s11], $0x40  }
0x188: {  	[sflag:s11] =	ssyncset.done $0x0  }
0x189: {  	[sflag:s11] =	ssyncadd.s32 $0xFFFFFFC0  }
0x18a: {  	[tilespmem:s14], [sflag:$0x1] =	stream.linear.gather [hbm4b:s28+s17], $0x2000, $0x38;
	[tilespmem:$0x9100] =	vst v63  }
0x18b: {  	_ =	swait.ge [sflag:s11], $0x2000  }
0x18c: {  	[sflag:s11] =	ssyncset.done $0x0  }
0x18d: {  	[sflag:s11] =	ssyncadd.s32 $0xFFFFE000  }
0x18e: {  	[tilespmem:s15], [sflag:$0x1] =	stream.linear.gather [hbm4b:s29+s17], $0x2000, $0x38;
	[tilespmem:$0x9100] =	vst v63  }
0x18f: {  	_ =	swait.ge [sflag:s11], $0x2000  }
0x190: {  	[sflag:s11] =	ssyncset.done $0x0  }
0x191: {  	[sflag:s11] =	ssyncadd.s32 $0xFFFFE000  }
0x192: {  	[tilespmem:s17], [sflag:$0x1] =	stream.indirect.gather [spmem:s4], $0x80, s12, s16, $0xb8;
	[tilespmem:$0x9100] =	vst v63  }
0x193: {  	_ =	swait.ge [sflag:s11], $0x2000  }
0x194: {  	[sflag:s11] =	ssyncset.done $0x0  }
0x195: {  	s17 =	simm.s32 $0x0;
	[sflag:s11] =	ssyncadd.s32 $0xFFFFE000  }
0x196: {  	v13 =	vld [tilespmem:s17+$0x0]  }
0x197: {  	v18 =	vld [tilespmem:s17+$0x2100]  }
0x198: {  	v20 =	vld [tilespmem:s17+$0x10]  }
0x199: {  	v21 =	vld [tilespmem:s17+$0x2110]  }
0x19a: {  	v6 =	vld [tilespmem:s17+$0x20]  }
0x19b: {  	v11 =	vld [tilespmem:s17+$0x2120]  }
0x19c: {  	v9 =	vld [tilespmem:s17+$0x30]  }
0x19d: {  	v12 =	vld [tilespmem:s17+$0x2130]  }
0x19e: {  	v8 =	vld [tilespmem:s17+$0x40]  }
0x19f: {  	v10 =	vld [tilespmem:s17+$0x2140]  }
0x1a0: {  	v4 =	vld [tilespmem:s17+$0x50]  }
0x1a1: {  	v7 =	vld [tilespmem:s17+$0x2150]  }
0x1a2: {  	v2 =	vld [tilespmem:s17+$0x60]  }
0x1a3: {  	v5 =	vld [tilespmem:s17+$0x2160]  }
0x1a4: {  	v1 =	vld [tilespmem:s17+$0x70]  }
0x1a5: {  	v3 =	vld [tilespmem:s17+$0x2170]  }
0x1a6: {  	v17 =	vld [tilespmem:s17+$0x4100]  }
0x1a7: {  	v16 =	vld [tilespmem:s17+$0x4110]  }
0x1a8: {  	v15 =	vld [tilespmem:s17+$0x4120]  }
0x1a9: {  	v14 =	vld [tilespmem:s17+$0x4130];
	v19 =	vadd.f32 v18, v13  }
0x1aa: {  	s19 =	simm.s32 $0x200;
	v18 =	vadd.f32 v21, v20;
	v13 =	vld [tilespmem:s17+$0x4140]  }
.LBB2_12:
0x1ab: {  	p0 =	sne.s32 s19, $0x7E00;
	v17 =	vmul.f32 v19, v17;
	v6 =	vadd.f32 v11, v6;
	v11 =	vld [tilespmem:s17+$0x4150]  }
0x1ac: {  	v9 =	vadd.f32 v12, v9;
	v16 =	vmul.f32 v18, v16;
	v12 =	vld [tilespmem:s17+$0x4160]  }
0x1ad: {  	s20 =	sshra.s32 s19, $0x2;
	v8 =	vadd.f32 v10, v8;
	[tilespmem:s17+$0x4100] =	vst v17;
	v6 =	vmul.f32 v6, v15;
	v10 =	vld [tilespmem:s17+$0x4170]  }
0x1ae: {  	v4 =	vadd.f32 v7, v4;
	v18 =	vld [tilespmem:s20+$0x0];
	[tilespmem:s17+$0x4110] =	vst v16;
	v9 =	vmul.f32 v9, v14  }
0x1af: {  	v2 =	vadd.f32 v5, v2;
	v14 =	vld [tilespmem:s20+$0x2100];
	[tilespmem:s17+$0x4120] =	vst v6;
	v6 =	vmul.f32 v8, v13  }
0x1b0: {  	v1 =	vadd.f32 v3, v1;
	v13 =	vld [tilespmem:s20+$0x10];
	[tilespmem:s17+$0x4130] =	vst v9;
	v4 =	vmul.f32 v4, v11  }
0x1b1: {  	v20 =	vld [tilespmem:s20+$0x2110];
	[tilespmem:s17+$0x4140] =	vst v6;
	v2 =	vmul.f32 v2, v12  }
0x1b2: {  	v6 =	vld [tilespmem:s20+$0x20];
	[tilespmem:s17+$0x4150] =	vst v4;
	v1 =	vmul.f32 v1, v10  }
0x1b3: {  	v11 =	vld [tilespmem:s20+$0x2120];
	[tilespmem:s17+$0x4160] =	vst v2  }
0x1b4: {  	v9 =	vld [tilespmem:s20+$0x30];
	[tilespmem:s17+$0x4170] =	vst v1;
	s17 =	smov.u32 s20  }
0x1b5: {  	v12 =	vld [tilespmem:s17+$0x2130]  }
0x1b6: {  	v8 =	vld [tilespmem:s17+$0x40]  }
0x1b7: {  	v10 =	vld [tilespmem:s17+$0x2140]  }
0x1b8: {  	v4 =	vld [tilespmem:s17+$0x50]  }
0x1b9: {  	v7 =	vld [tilespmem:s17+$0x2150]  }
0x1ba: {  	v2 =	vld [tilespmem:s17+$0x60]  }
0x1bb: {  	v5 =	vld [tilespmem:s17+$0x2160]  }
0x1bc: {  	v1 =	vld [tilespmem:s17+$0x70]  }
0x1bd: {  	v3 =	vld [tilespmem:s17+$0x2170]  }
.Ltmp5:
0x1be: {  	v17 =	vld [tilespmem:s17+$0x4100];
	(pc) =	sbr.rel @p0 .LBB2_12-.Ltmp5, $4  }
0x1bf: {  	v16 =	vld [tilespmem:s17+$0x4110]  }
0x1c0: {  	v15 =	vld [tilespmem:s17+$0x4120]  }
0x1c1: {  	v19 =	vadd.f32 v14, v18;
	v14 =	vld [tilespmem:s17+$0x4130]  }
0x1c2: {  	s19 =	sadd.s32 $0x200, s19;
	v18 =	vadd.f32 v20, v13;
	v13 =	vld [tilespmem:s17+$0x4140]  }
0x1c3: {  	v17 =	vmul.f32 v19, v17;
	v19 =	vld [tilespmem:s17+$0x4150];
	v6 =	vadd.f32 v11, v6  }
0x1c4: {  	v11 =	vld [tilespmem:s17+$0x4160];
	v9 =	vadd.f32 v12, v9;
	v16 =	vmul.f32 v18, v16  }
0x1c5: {  	v8 =	vadd.f32 v10, v8;
	v10 =	vld [tilespmem:s17+$0x4170];
	[tilespmem:s17+$0x4100] =	vst v17;
	v6 =	vmul.f32 v6, v15  }
0x1c6: {  	v4 =	vadd.f32 v7, v4;
	[tilespmem:s17+$0x4110] =	vst v16;
	v9 =	vmul.f32 v9, v14  }
0x1c7: {  	v2 =	vadd.f32 v5, v2;
	[tilespmem:s17+$0x4120] =	vst v6;
	v6 =	vmul.f32 v8, v13  }
0x1c8: {  	v1 =	vadd.f32 v3, v1;
	[tilespmem:s17+$0x4130] =	vst v9;
	v4 =	vmul.f32 v4, v19  }
0x1c9: {  	v2 =	vmul.f32 v2, v11;
	[tilespmem:s17+$0x4140] =	vst v6  }
0x1ca: {  	v1 =	vmul.f32 v1, v10;
	[tilespmem:s17+$0x4150] =	vst v4  }
0x1cb: {  	[tilespmem:s17+$0x4160] =	vst v2  }
0x1cc: {  	[tilespmem:s17+$0x4170] =	vst v1  }
0x1cd: {  	[spmem:s2] =	stream.indirect.scatter.add.f32 [tilespmem:s15], [sflag:$0x1], $0x80, s13, s16, $0xb8;
	[tilespmem:$0x9100] =	vst v63  }
0x1ce: {  	_ =	swait.ge [sflag:s11], $0x2000  }
0x1cf: {  	[sflag:s11] =	ssyncset.done $0x0  }
0x1d0: {  	s17 =	simm.s32 $0x0;
	s19 =	rddreg [dreg:$0x11];
	[sflag:s11] =	ssyncadd.s32 $0xFFFFE000  }
0x1d1: {  	[tilespmem:s12], [sflag:$0x1] =	stream.linear.gather [hbm4b:s19+s17], $0x40, $0x38;
	[tilespmem:$0x9100] =	vst v63  }
0x1d2: {  	_ =	swait.ge [sflag:s11], $0x40  }
0x1d3: {  	[sflag:s11] =	ssyncset.done $0x0  }
0x1d4: {  	s20 =	rddreg [dreg:$0x12];
	[sflag:s11] =	ssyncadd.s32 $0xFFFFFFC0  }
0x1d5: {  	[tilespmem:s13], [sflag:$0x1] =	stream.linear.gather [hbm4b:s20+s17], $0x40, $0x38;
	[tilespmem:$0x9100] =	vst v63  }
0x1d6: {  	_ =	swait.ge [sflag:s11], $0x40  }
0x1d7: {  	[sflag:s11] =	ssyncset.done $0x0  }
0x1d8: {  	[sflag:s11] =	ssyncadd.s32 $0xFFFFFFC0  }
0x1d9: {  	[tilespmem:s14], [sflag:$0x1] =	stream.linear.gather [hbm4b:s30+s17], $0x2000, $0x38;
	[tilespmem:$0x9100] =	vst v63  }
0x1da: {  	_ =	swait.ge [sflag:s11], $0x2000  }
0x1db: {  	[sflag:s11] =	ssyncset.done $0x0  }
0x1dc: {  	[sflag:s11] =	ssyncadd.s32 $0xFFFFE000  }
0x1dd: {  	[tilespmem:s15], [sflag:$0x1] =	stream.linear.gather [hbm4b:s31+s17], $0x2000, $0x38;
	[tilespmem:$0x9100] =	vst v63  }
0x1de: {  	_ =	swait.ge [sflag:s11], $0x2000  }
0x1df: {  	[sflag:s11] =	ssyncset.done $0x0  }
0x1e0: {  	[sflag:s11] =	ssyncadd.s32 $0xFFFFE000  }
0x1e1: {  	[tilespmem:s17], [sflag:$0x1] =	stream.indirect.gather [spmem:s4], $0x80, s12, s16, $0xb8;
	[tilespmem:$0x9100] =	vst v63  }
0x1e2: {  	_ =	swait.ge [sflag:s11], $0x2000  }
0x1e3: {  	[sflag:s11] =	ssyncset.done $0x0  }
0x1e4: {  	s17 =	simm.s32 $0x0;
	[sflag:s11] =	ssyncadd.s32 $0xFFFFE000  }
0x1e5: {  	v13 =	vld [tilespmem:s17+$0x0]  }
0x1e6: {  	v18 =	vld [tilespmem:s17+$0x2100]  }
0x1e7: {  	v20 =	vld [tilespmem:s17+$0x10]  }
0x1e8: {  	v21 =	vld [tilespmem:s17+$0x2110]  }
0x1e9: {  	v6 =	vld [tilespmem:s17+$0x20]  }
0x1ea: {  	v11 =	vld [tilespmem:s17+$0x2120]  }
0x1eb: {  	v9 =	vld [tilespmem:s17+$0x30]  }
0x1ec: {  	v12 =	vld [tilespmem:s17+$0x2130]  }
0x1ed: {  	v8 =	vld [tilespmem:s17+$0x40]  }
0x1ee: {  	v10 =	vld [tilespmem:s17+$0x2140]  }
0x1ef: {  	v4 =	vld [tilespmem:s17+$0x50]  }
0x1f0: {  	v7 =	vld [tilespmem:s17+$0x2150]  }
0x1f1: {  	v2 =	vld [tilespmem:s17+$0x60]  }
0x1f2: {  	v5 =	vld [tilespmem:s17+$0x2160]  }
0x1f3: {  	v1 =	vld [tilespmem:s17+$0x70]  }
0x1f4: {  	v3 =	vld [tilespmem:s17+$0x2170]  }
0x1f5: {  	v17 =	vld [tilespmem:s17+$0x4100]  }
0x1f6: {  	v16 =	vld [tilespmem:s17+$0x4110]  }
0x1f7: {  	v15 =	vld [tilespmem:s17+$0x4120]  }
0x1f8: {  	v14 =	vld [tilespmem:s17+$0x4130];
	v19 =	vadd.f32 v18, v13  }
0x1f9: {  	s19 =	simm.s32 $0x200;
	v18 =	vadd.f32 v21, v20;
	v13 =	vld [tilespmem:s17+$0x4140]  }
.LBB2_14:
0x1fa: {  	p0 =	sne.s32 s19, $0x7E00;
	v17 =	vmul.f32 v19, v17;
	v6 =	vadd.f32 v11, v6;
	v11 =	vld [tilespmem:s17+$0x4150]  }
0x1fb: {  	v9 =	vadd.f32 v12, v9;
	v16 =	vmul.f32 v18, v16;
	v12 =	vld [tilespmem:s17+$0x4160]  }
0x1fc: {  	s20 =	sshra.s32 s19, $0x2;
	v8 =	vadd.f32 v10, v8;
	[tilespmem:s17+$0x4100] =	vst v17;
	v6 =	vmul.f32 v6, v15;
	v10 =	vld [tilespmem:s17+$0x4170]  }
0x1fd: {  	v4 =	vadd.f32 v7, v4;
	v18 =	vld [tilespmem:s20+$0x0];
	[tilespmem:s17+$0x4110] =	vst v16;
	v9 =	vmul.f32 v9, v14  }
0x1fe: {  	v2 =	vadd.f32 v5, v2;
	v14 =	vld [tilespmem:s20+$0x2100];
	[tilespmem:s17+$0x4120] =	vst v6;
	v6 =	vmul.f32 v8, v13  }
0x1ff: {  	v1 =	vadd.f32 v3, v1;
	v13 =	vld [tilespmem:s20+$0x10];
	[tilespmem:s17+$0x4130] =	vst v9;
	v4 =	vmul.f32 v4, v11  }
0x200: {  	v20 =	vld [tilespmem:s20+$0x2110];
	[tilespmem:s17+$0x4140] =	vst v6;
	v2 =	vmul.f32 v2, v12  }
0x201: {  	v6 =	vld [tilespmem:s20+$0x20];
	[tilespmem:s17+$0x4150] =	vst v4;
	v1 =	vmul.f32 v1, v10  }
0x202: {  	v11 =	vld [tilespmem:s20+$0x2120];
	[tilespmem:s17+$0x4160] =	vst v2  }
0x203: {  	v9 =	vld [tilespmem:s20+$0x30];
	[tilespmem:s17+$0x4170] =	vst v1;
	s17 =	smov.u32 s20  }
0x204: {  	v12 =	vld [tilespmem:s17+$0x2130]  }
0x205: {  	v8 =	vld [tilespmem:s17+$0x40]  }
0x206: {  	v10 =	vld [tilespmem:s17+$0x2140]  }
0x207: {  	v4 =	vld [tilespmem:s17+$0x50]  }
0x208: {  	v7 =	vld [tilespmem:s17+$0x2150]  }
0x209: {  	v2 =	vld [tilespmem:s17+$0x60]  }
0x20a: {  	v5 =	vld [tilespmem:s17+$0x2160]  }
0x20b: {  	v1 =	vld [tilespmem:s17+$0x70]  }
0x20c: {  	v3 =	vld [tilespmem:s17+$0x2170]  }
.Ltmp6:
0x20d: {  	v17 =	vld [tilespmem:s17+$0x4100];
	(pc) =	sbr.rel @p0 .LBB2_14-.Ltmp6, $4  }
0x20e: {  	v16 =	vld [tilespmem:s17+$0x4110]  }
0x20f: {  	v15 =	vld [tilespmem:s17+$0x4120]  }
0x210: {  	v19 =	vadd.f32 v14, v18;
	v14 =	vld [tilespmem:s17+$0x4130]  }
0x211: {  	s19 =	sadd.s32 $0x200, s19;
	v18 =	vadd.f32 v20, v13;
	v13 =	vld [tilespmem:s17+$0x4140]  }
0x212: {  	v17 =	vmul.f32 v19, v17;
	v19 =	vld [tilespmem:s17+$0x4150];
	v6 =	vadd.f32 v11, v6  }
0x213: {  	v11 =	vld [tilespmem:s17+$0x4160];
	v9 =	vadd.f32 v12, v9;
	v16 =	vmul.f32 v18, v16  }
0x214: {  	v8 =	vadd.f32 v10, v8;
	v10 =	vld [tilespmem:s17+$0x4170];
	[tilespmem:s17+$0x4100] =	vst v17;
	v6 =	vmul.f32 v6, v15  }
0x215: {  	v4 =	vadd.f32 v7, v4;
	[tilespmem:s17+$0x4110] =	vst v16;
	v9 =	vmul.f32 v9, v14  }
0x216: {  	v2 =	vadd.f32 v5, v2;
	[tilespmem:s17+$0x4120] =	vst v6;
	v6 =	vmul.f32 v8, v13  }
0x217: {  	v1 =	vadd.f32 v3, v1;
	[tilespmem:s17+$0x4130] =	vst v9;
	v4 =	vmul.f32 v4, v19  }
0x218: {  	v2 =	vmul.f32 v2, v11;
	[tilespmem:s17+$0x4140] =	vst v6  }
0x219: {  	v1 =	vmul.f32 v1, v10;
	[tilespmem:s17+$0x4150] =	vst v4  }
0x21a: {  	[tilespmem:s17+$0x4160] =	vst v2  }
0x21b: {  	[tilespmem:s17+$0x4170] =	vst v1  }
0x21c: {  	[spmem:s2] =	stream.indirect.scatter.add.f32 [tilespmem:s15], [sflag:$0x1], $0x80, s13, s16, $0xb8;
	[tilespmem:$0x9100] =	vst v63  }
0x21d: {  	_ =	swait.ge [sflag:s11], $0x2000  }
0x21e: {  	[sflag:s11] =	ssyncset.done $0x0  }
0x21f: {  	s17 =	simm.s32 $0x0;
	s19 =	rddreg [dreg:$0x13];
	[sflag:s11] =	ssyncadd.s32 $0xFFFFE000  }
0x220: {  	[tilespmem:s12], [sflag:$0x1] =	stream.linear.gather [hbm4b:s19+s17], $0x40, $0x38;
	[tilespmem:$0x9100] =	vst v63  }
0x221: {  	_ =	swait.ge [sflag:s11], $0x40  }
0x222: {  	[sflag:s11] =	ssyncset.done $0x0  }
0x223: {  	s20 =	rddreg [dreg:$0x14];
	[sflag:s11] =	ssyncadd.s32 $0xFFFFFFC0  }
0x224: {  	[tilespmem:s13], [sflag:$0x1] =	stream.linear.gather [hbm4b:s20+s17], $0x40, $0x38;
	[tilespmem:$0x9100] =	vst v63  }
0x225: {  	_ =	swait.ge [sflag:s11], $0x40  }
0x226: {  	[sflag:s11] =	ssyncset.done $0x0  }
0x227: {  	[sflag:s11] =	ssyncadd.s32 $0xFFFFFFC0  }
0x228: {  	[tilespmem:s14], [sflag:$0x1] =	stream.linear.gather [hbm4b:s0+s17], $0x2000, $0x38;
	[tilespmem:$0x9100] =	vst v63  }
0x229: {  	_ =	swait.ge [sflag:s11], $0x2000  }
0x22a: {  	[sflag:s11] =	ssyncset.done $0x0  }
0x22b: {  	[sflag:s11] =	ssyncadd.s32 $0xFFFFE000  }
0x22c: {  	[tilespmem:s15], [sflag:$0x1] =	stream.linear.gather [hbm4b:s1+s17], $0x2000, $0x38;
	[tilespmem:$0x9100] =	vst v63  }
0x22d: {  	_ =	swait.ge [sflag:s11], $0x2000  }
0x22e: {  	[sflag:s11] =	ssyncset.done $0x0  }
0x22f: {  	[sflag:s11] =	ssyncadd.s32 $0xFFFFE000  }
0x230: {  	[tilespmem:s17], [sflag:$0x1] =	stream.indirect.gather [spmem:s4], $0x80, s12, s16, $0xb8;
	[tilespmem:$0x9100] =	vst v63  }
0x231: {  	_ =	swait.ge [sflag:s11], $0x2000  }
0x232: {  	[sflag:s11] =	ssyncset.done $0x0  }
0x233: {  	s17 =	simm.s32 $0x0;
	[sflag:s11] =	ssyncadd.s32 $0xFFFFE000  }
0x234: {  	v13 =	vld [tilespmem:s17+$0x0]  }
0x235: {  	v18 =	vld [tilespmem:s17+$0x2100]  }
0x236: {  	v20 =	vld [tilespmem:s17+$0x10]  }
0x237: {  	v21 =	vld [tilespmem:s17+$0x2110]  }
0x238: {  	v6 =	vld [tilespmem:s17+$0x20]  }
0x239: {  	v11 =	vld [tilespmem:s17+$0x2120]  }
0x23a: {  	v9 =	vld [tilespmem:s17+$0x30]  }
0x23b: {  	v12 =	vld [tilespmem:s17+$0x2130]  }
0x23c: {  	v8 =	vld [tilespmem:s17+$0x40]  }
0x23d: {  	v10 =	vld [tilespmem:s17+$0x2140]  }
0x23e: {  	v4 =	vld [tilespmem:s17+$0x50]  }
0x23f: {  	v7 =	vld [tilespmem:s17+$0x2150]  }
0x240: {  	v2 =	vld [tilespmem:s17+$0x60]  }
0x241: {  	v5 =	vld [tilespmem:s17+$0x2160]  }
0x242: {  	v1 =	vld [tilespmem:s17+$0x70]  }
0x243: {  	v3 =	vld [tilespmem:s17+$0x2170]  }
0x244: {  	v17 =	vld [tilespmem:s17+$0x4100]  }
0x245: {  	v16 =	vld [tilespmem:s17+$0x4110]  }
0x246: {  	v15 =	vld [tilespmem:s17+$0x4120]  }
0x247: {  	v14 =	vld [tilespmem:s17+$0x4130];
	v19 =	vadd.f32 v18, v13  }
0x248: {  	s19 =	simm.s32 $0x200;
	v18 =	vadd.f32 v21, v20;
	v13 =	vld [tilespmem:s17+$0x4140]  }
.LBB2_16:
0x249: {  	p0 =	sne.s32 s19, $0x7E00;
	v17 =	vmul.f32 v19, v17;
	v6 =	vadd.f32 v11, v6;
	v11 =	vld [tilespmem:s17+$0x4150]  }
0x24a: {  	v9 =	vadd.f32 v12, v9;
	v16 =	vmul.f32 v18, v16;
	v12 =	vld [tilespmem:s17+$0x4160]  }
0x24b: {  	s20 =	sshra.s32 s19, $0x2;
	v8 =	vadd.f32 v10, v8;
	[tilespmem:s17+$0x4100] =	vst v17;
	v6 =	vmul.f32 v6, v15;
	v10 =	vld [tilespmem:s17+$0x4170]  }
0x24c: {  	v4 =	vadd.f32 v7, v4;
	v18 =	vld [tilespmem:s20+$0x0];
	[tilespmem:s17+$0x4110] =	vst v16;
	v9 =	vmul.f32 v9, v14  }
0x24d: {  	v2 =	vadd.f32 v5, v2;
	v14 =	vld [tilespmem:s20+$0x2100];
	[tilespmem:s17+$0x4120] =	vst v6;
	v6 =	vmul.f32 v8, v13  }
0x24e: {  	v1 =	vadd.f32 v3, v1;
	v13 =	vld [tilespmem:s20+$0x10];
	[tilespmem:s17+$0x4130] =	vst v9;
	v4 =	vmul.f32 v4, v11  }
0x24f: {  	v20 =	vld [tilespmem:s20+$0x2110];
	[tilespmem:s17+$0x4140] =	vst v6;
	v2 =	vmul.f32 v2, v12  }
0x250: {  	v6 =	vld [tilespmem:s20+$0x20];
	[tilespmem:s17+$0x4150] =	vst v4;
	v1 =	vmul.f32 v1, v10  }
0x251: {  	v11 =	vld [tilespmem:s20+$0x2120];
	[tilespmem:s17+$0x4160] =	vst v2  }
0x252: {  	v9 =	vld [tilespmem:s20+$0x30];
	[tilespmem:s17+$0x4170] =	vst v1;
	s17 =	smov.u32 s20  }
0x253: {  	v12 =	vld [tilespmem:s17+$0x2130]  }
0x254: {  	v8 =	vld [tilespmem:s17+$0x40]  }
0x255: {  	v10 =	vld [tilespmem:s17+$0x2140]  }
0x256: {  	v4 =	vld [tilespmem:s17+$0x50]  }
0x257: {  	v7 =	vld [tilespmem:s17+$0x2150]  }
0x258: {  	v2 =	vld [tilespmem:s17+$0x60]  }
0x259: {  	v5 =	vld [tilespmem:s17+$0x2160]  }
0x25a: {  	v1 =	vld [tilespmem:s17+$0x70]  }
0x25b: {  	v3 =	vld [tilespmem:s17+$0x2170]  }
.Ltmp7:
0x25c: {  	v17 =	vld [tilespmem:s17+$0x4100];
	(pc) =	sbr.rel @p0 .LBB2_16-.Ltmp7, $4  }
0x25d: {  	v16 =	vld [tilespmem:s17+$0x4110]  }
0x25e: {  	v15 =	vld [tilespmem:s17+$0x4120]  }
0x25f: {  	v19 =	vadd.f32 v14, v18;
	v14 =	vld [tilespmem:s17+$0x4130]  }
0x260: {  	s19 =	sadd.s32 $0x200, s19;
	v18 =	vadd.f32 v20, v13;
	v13 =	vld [tilespmem:s17+$0x4140]  }
0x261: {  	v17 =	vmul.f32 v19, v17;
	v19 =	vld [tilespmem:s17+$0x4150];
	v6 =	vadd.f32 v11, v6  }
0x262: {  	v11 =	vld [tilespmem:s17+$0x4160];
	v9 =	vadd.f32 v12, v9;
	v16 =	vmul.f32 v18, v16  }
0x263: {  	v8 =	vadd.f32 v10, v8;
	v10 =	vld [tilespmem:s17+$0x4170];
	[tilespmem:s17+$0x4100] =	vst v17;
	v6 =	vmul.f32 v6, v15  }
0x264: {  	v4 =	vadd.f32 v7, v4;
	[tilespmem:s17+$0x4110] =	vst v16;
	v9 =	vmul.f32 v9, v14  }
0x265: {  	v2 =	vadd.f32 v5, v2;
	[tilespmem:s17+$0x4120] =	vst v6;
	v6 =	vmul.f32 v8, v13  }
0x266: {  	v1 =	vadd.f32 v3, v1;
	[tilespmem:s17+$0x4130] =	vst v9;
	v4 =	vmul.f32 v4, v19  }
0x267: {  	v2 =	vmul.f32 v2, v11;
	[tilespmem:s17+$0x4140] =	vst v6  }
0x268: {  	v1 =	vmul.f32 v1, v10;
	[tilespmem:s17+$0x4150] =	vst v4  }
0x269: {  	[tilespmem:s17+$0x4160] =	vst v2  }
0x26a: {  	[tilespmem:s17+$0x4170] =	vst v1  }
0x26b: {  	[spmem:s2] =	stream.indirect.scatter.add.f32 [tilespmem:s15], [sflag:$0x1], $0x80, s13, s16, $0xb8;
	[tilespmem:$0x9100] =	vst v63  }
0x26c: {  	_ =	swait.ge [sflag:s11], $0x2000  }
0x26d: {  	[sflag:s11] =	ssyncset.done $0x0  }
0x26e: {  	s17 =	simm.s32 $0x0;
	s19 =	rddreg [dreg:$0x15];
	[sflag:s11] =	ssyncadd.s32 $0xFFFFE000  }
0x26f: {  	[tilespmem:s12], [sflag:$0x1] =	stream.linear.gather [hbm4b:s19+s17], $0x40, $0x38;
	[tilespmem:$0x9100] =	vst v63  }
0x270: {  	_ =	swait.ge [sflag:s11], $0x40  }
0x271: {  	[sflag:s11] =	ssyncset.done $0x0  }
0x272: {  	s20 =	rddreg [dreg:$0x16];
	[sflag:s11] =	ssyncadd.s32 $0xFFFFFFC0  }
0x273: {  	[tilespmem:s13], [sflag:$0x1] =	stream.linear.gather [hbm4b:s20+s17], $0x40, $0x38;
	[tilespmem:$0x9100] =	vst v63  }
0x274: {  	_ =	swait.ge [sflag:s11], $0x40  }
0x275: {  	[sflag:s11] =	ssyncset.done $0x0  }
0x276: {  	[sflag:s11] =	ssyncadd.s32 $0xFFFFFFC0  }
0x277: {  	[tilespmem:s14], [sflag:$0x1] =	stream.linear.gather [hbm4b:s3+s17], $0x2000, $0x38;
	[tilespmem:$0x9100] =	vst v63  }
0x278: {  	_ =	swait.ge [sflag:s11], $0x2000  }
0x279: {  	[sflag:s11] =	ssyncset.done $0x0  }
0x27a: {  	[sflag:s11] =	ssyncadd.s32 $0xFFFFE000  }
0x27b: {  	[tilespmem:s15], [sflag:$0x1] =	stream.linear.gather [hbm4b:s5+s17], $0x2000, $0x38;
	[tilespmem:$0x9100] =	vst v63  }
0x27c: {  	_ =	swait.ge [sflag:s11], $0x2000  }
0x27d: {  	[sflag:s11] =	ssyncset.done $0x0  }
0x27e: {  	[sflag:s11] =	ssyncadd.s32 $0xFFFFE000  }
0x27f: {  	[tilespmem:s17], [sflag:$0x1] =	stream.indirect.gather [spmem:s4], $0x80, s12, s16, $0xb8;
	[tilespmem:$0x9100] =	vst v63  }
0x280: {  	_ =	swait.ge [sflag:s11], $0x2000  }
0x281: {  	[sflag:s11] =	ssyncset.done $0x0  }
0x282: {  	s17 =	simm.s32 $0x0;
	[sflag:s11] =	ssyncadd.s32 $0xFFFFE000  }
0x283: {  	v13 =	vld [tilespmem:s17+$0x0]  }
0x284: {  	v18 =	vld [tilespmem:s17+$0x2100]  }
0x285: {  	v20 =	vld [tilespmem:s17+$0x10]  }
0x286: {  	v21 =	vld [tilespmem:s17+$0x2110]  }
0x287: {  	v6 =	vld [tilespmem:s17+$0x20]  }
0x288: {  	v11 =	vld [tilespmem:s17+$0x2120]  }
0x289: {  	v9 =	vld [tilespmem:s17+$0x30]  }
0x28a: {  	v12 =	vld [tilespmem:s17+$0x2130]  }
0x28b: {  	v8 =	vld [tilespmem:s17+$0x40]  }
0x28c: {  	v10 =	vld [tilespmem:s17+$0x2140]  }
0x28d: {  	v4 =	vld [tilespmem:s17+$0x50]  }
0x28e: {  	v7 =	vld [tilespmem:s17+$0x2150]  }
0x28f: {  	v2 =	vld [tilespmem:s17+$0x60]  }
0x290: {  	v5 =	vld [tilespmem:s17+$0x2160]  }
0x291: {  	v1 =	vld [tilespmem:s17+$0x70]  }
0x292: {  	v3 =	vld [tilespmem:s17+$0x2170]  }
0x293: {  	v17 =	vld [tilespmem:s17+$0x4100]  }
0x294: {  	v16 =	vld [tilespmem:s17+$0x4110]  }
0x295: {  	v15 =	vld [tilespmem:s17+$0x4120]  }
0x296: {  	v14 =	vld [tilespmem:s17+$0x4130];
	v19 =	vadd.f32 v18, v13  }
0x297: {  	s19 =	simm.s32 $0x200;
	v18 =	vadd.f32 v21, v20;
	v13 =	vld [tilespmem:s17+$0x4140]  }
.LBB2_18:
0x298: {  	p0 =	sne.s32 s19, $0x7E00;
	v17 =	vmul.f32 v19, v17;
	v6 =	vadd.f32 v11, v6;
	v11 =	vld [tilespmem:s17+$0x4150]  }
0x299: {  	v9 =	vadd.f32 v12, v9;
	v16 =	vmul.f32 v18, v16;
	v12 =	vld [tilespmem:s17+$0x4160]  }
0x29a: {  	s20 =	sshra.s32 s19, $0x2;
	v8 =	vadd.f32 v10, v8;
	[tilespmem:s17+$0x4100] =	vst v17;
	v6 =	vmul.f32 v6, v15;
	v10 =	vld [tilespmem:s17+$0x4170]  }
0x29b: {  	v4 =	vadd.f32 v7, v4;
	v18 =	vld [tilespmem:s20+$0x0];
	[tilespmem:s17+$0x4110] =	vst v16;
	v9 =	vmul.f32 v9, v14  }
0x29c: {  	v2 =	vadd.f32 v5, v2;
	v14 =	vld [tilespmem:s20+$0x2100];
	[tilespmem:s17+$0x4120] =	vst v6;
	v6 =	vmul.f32 v8, v13  }
0x29d: {  	v1 =	vadd.f32 v3, v1;
	v13 =	vld [tilespmem:s20+$0x10];
	[tilespmem:s17+$0x4130] =	vst v9;
	v4 =	vmul.f32 v4, v11  }
0x29e: {  	v20 =	vld [tilespmem:s20+$0x2110];
	[tilespmem:s17+$0x4140] =	vst v6;
	v2 =	vmul.f32 v2, v12  }
0x29f: {  	v6 =	vld [tilespmem:s20+$0x20];
	[tilespmem:s17+$0x4150] =	vst v4;
	v1 =	vmul.f32 v1, v10  }
0x2a0: {  	v11 =	vld [tilespmem:s20+$0x2120];
	[tilespmem:s17+$0x4160] =	vst v2  }
0x2a1: {  	v9 =	vld [tilespmem:s20+$0x30];
	[tilespmem:s17+$0x4170] =	vst v1;
	s17 =	smov.u32 s20  }
0x2a2: {  	v12 =	vld [tilespmem:s17+$0x2130]  }
0x2a3: {  	v8 =	vld [tilespmem:s17+$0x40]  }
0x2a4: {  	v10 =	vld [tilespmem:s17+$0x2140]  }
0x2a5: {  	v4 =	vld [tilespmem:s17+$0x50]  }
0x2a6: {  	v7 =	vld [tilespmem:s17+$0x2150]  }
0x2a7: {  	v2 =	vld [tilespmem:s17+$0x60]  }
0x2a8: {  	v5 =	vld [tilespmem:s17+$0x2160]  }
0x2a9: {  	v1 =	vld [tilespmem:s17+$0x70]  }
0x2aa: {  	v3 =	vld [tilespmem:s17+$0x2170]  }
.Ltmp8:
0x2ab: {  	v17 =	vld [tilespmem:s17+$0x4100];
	(pc) =	sbr.rel @p0 .LBB2_18-.Ltmp8, $4  }
0x2ac: {  	v16 =	vld [tilespmem:s17+$0x4110]  }
0x2ad: {  	v15 =	vld [tilespmem:s17+$0x4120]  }
0x2ae: {  	v19 =	vadd.f32 v14, v18;
	v14 =	vld [tilespmem:s17+$0x4130]  }
0x2af: {  	s19 =	sadd.s32 $0x200, s19;
	v18 =	vadd.f32 v20, v13;
	v13 =	vld [tilespmem:s17+$0x4140]  }
0x2b0: {  	v17 =	vmul.f32 v19, v17;
	v60 =	vld [tilespmem:s17+$0x4150];
	v6 =	vadd.f32 v11, v6  }
0x2b1: {  	v61 =	vld [tilespmem:s17+$0x4160];
	v9 =	vadd.f32 v12, v9;
	v16 =	vmul.f32 v18, v16  }
0x2b2: {  	v8 =	vadd.f32 v10, v8;
	v62 =	vld [tilespmem:s17+$0x4170];
	[tilespmem:s17+$0x4100] =	vst v17;
	v6 =	vmul.f32 v6, v15  }
0x2b3: {  	v4 =	vadd.f32 v7, v4;
	[tilespmem:s17+$0x4110] =	vst v16;
	v9 =	vmul.f32 v9, v14  }
0x2b4: {  	v2 =	vadd.f32 v5, v2;
	[tilespmem:s17+$0x4120] =	vst v6;
	v63 =	vmul.f32 v8, v13  }
0x2b5: {  	v1 =	vadd.f32 v3, v1;
	[tilespmem:s17+$0x4130] =	vst v9;
	v4 =	vmul.f32 v4, v60  }
0x2b6: {  	v2 =	vmul.f32 v2, v61;
	[tilespmem:s17+$0x4140] =	vst v63  }
0x2b7: {  	v1 =	vmul.f32 v1, v62;
	[tilespmem:s17+$0x4150] =	vst v4  }
0x2b8: {  	[tilespmem:s17+$0x4160] =	vst v2  }
0x2b9: {  	[tilespmem:s17+$0x4170] =	vst v1  }
0x2ba: {  	[spmem:s2] =	stream.indirect.scatter.add.f32 [tilespmem:s15], [sflag:$0x1], $0x80, s13, s16, $0xb8;
	[tilespmem:$0x9100] =	vst v63  }
0x2bb: {  	s20 =	stileid.u32;
	_ =	swait.ge [sflag:s11], $0x2000  }
0x2bc: {  	s19 =	sshrl.u32 s7, $0x3;
	s18 =	sadd.s32 $0x1, s18;
	[sflag:s11] =	ssyncset.done $0x0  }
0x2bd: {  	p0 =	sne.s32 s18, s9;
	s17 =	sshll.u32 s20, $0x6;
	[sflag:s11] =	ssyncadd.s32 $0xFFFFE000  }
.Ltmp9:
0x2be: {  	s17 =	sor.u32 $0x1C01, s17;
	[bflag:$0x0] =	sbarrier.arrive $0xFFFF;
	(pc) =	sbr.rel @p0 .LBB2_1-.Ltmp9, $4  }
0x2bf: {  	[hbm:s6], [sflag:s17] =	dma.local [spmem:s19], $0x200  }
0x2c0: {  	_ =	swait.ge [sflag:s11], $0x200  }
0x2c1: {  	[sflag:s11] =	ssyncset.done $0x0  }
0x2c2: {  	[sflag:s11] =	ssyncadd.s32 $0xFFFFFE00  }
0x2c3: {  	_ =	sfence.sel $0x180000  }
0x2c4: {  	[bflag:$0x0] =	sbarrier.arrive $0xFFFF  }
0x2c5: {  	_ =	strace $0x90000047  }
0x2c6: {  	s0 =	stileid.u32;
	[bflag:$0x2] =	sbarrier.arrive $0xFFFF  }
0x2c7: {  	p0 =	sne.s32 s0, $0x0;
	s0 =	rddreg [dreg:$0x5]  }
0x2c8: {  	s0 =	sadd.s32 @!p0 $0x100000, s0  }
0x2c9: {  	[sflag:s0] =	ssyncadd.tile.s32 @!p0 $0x1;
	_ =	shalt  }
.Lfunc_end2:
_tile_overlayer_lowered:
.L_overlay_start_2:
0x2ca: {  	(tag) =	ssettag $0x2  }
0x2cb: {  	s0 =	rddreg [dreg:$0x0];
	s2 =	stileid.u32  }
0x2cc: {  	s1 =	rddreg [dreg:$0x1];
	p0 =	sne.s32 s2, $0x0  }
0x2cd: {  	s3 =	rddreg [dreg:$0x2];
	[bflag:$0x3] =	sbarrier.arrive $0xFFFF;
	s2 =	simm.s32 @!p0 $0x1C01  }
0x2ce: {  	[timem:s3], [sflag:s2] =	dma.local @!p0 [hbm:s0], s1  }
0x2cf: {  	s0 =	simm.s32 @!p0 $0x1  }
0x2d0: {  	_ =	swait.ge @!p0 [sflag:s0], s1  }
0x2d1: {  	s1 =	ssub.s32 @!p0 $0x0, s1;
	[sflag:s0] =	ssyncset.done @!p0 $0x0  }
0x2d2: {  	[sflag:s0] =	ssyncadd.s32 @!p0 s1  }
0x2d3: {  	[bflag:$0x3] =	sbarrier.arrive $0xFFFF  }
0x2d4: {  	_ =	shalt  }

</sc_bundles>
